<compile_context>
chip_gen: v7x
topology: tpu7x:2x2x1
jax: 0.10.2.dev20260603
libtpu: 0.0.44.dev20260713+nightly
codegen_flags: <defaults>
</compile_context>

<pallas_src>
import functools

import jax
import jax.numpy as jnp
from jax import lax
from jax.experimental import pallas as pl
from jax.experimental.pallas import tpu as pltpu
from jax.experimental.pallas import tpu_sc as plsc

D = 64
B = 16384
NC = 2
NS = 16
NW = NC * NS
BPW = B // NW
CHUNK = 128
NCH = BPW // CHUNK
L = 16


def _mf_body(uE, iE, uB, iB, usr, itm, out,
             idx_u, idx_i, u_rows, i_rows, ub, ib, out_v, sems):
    wid = lax.axis_index("s") * NC + lax.axis_index("c")
    base = wid * BPW

    pltpu.sync_copy(usr.at[pl.ds(base, BPW)], idx_u)
    pltpu.sync_copy(itm.at[pl.ds(base, BPW)], idx_i)

    copies = []
    for k in range(NCH):
        sl = pl.ds(k * CHUNK, CHUNK)
        s = sems.at[k]
        copies.append((
            pltpu.async_copy(uE.at[idx_u.at[sl]], u_rows.at[sl], s),
            pltpu.async_copy(iE.at[idx_i.at[sl]], i_rows.at[sl], s),
            pltpu.async_copy(uB.at[idx_u.at[sl]], ub.at[sl], s),
            pltpu.async_copy(iB.at[idx_i.at[sl]], ib.at[sl], s),
        ))

    lanes = lax.iota(jnp.int32, L)

    for k in range(NCH):
        for c in copies[k]:
            c.wait()

        def group(g, carry):
            dots = jnp.zeros((L,), jnp.float32)
            for pp in range(L):
                p = k * CHUNK + g * L + pp
                acc = u_rows[p, pl.ds(0, L)] * i_rows[p, pl.ds(0, L)]
                for c in range(1, D // L):
                    acc = acc + u_rows[p, pl.ds(c * L, L)] * i_rows[p, pl.ds(c * L, L)]
                dots = jnp.where(lanes == pp, jnp.sum(acc), dots)
            sl = pl.ds(k * CHUNK + g * L, L)
            out_v[sl] = dots + ub[sl] + ib[sl]
            return carry

        lax.fori_loop(0, CHUNK // L, group, 0)

    pltpu.sync_copy(out_v, out.at[pl.ds(base, BPW)])


def kernel(uEmbeds, iEmbeds, uBias, iBias, usr, itm):
    mesh = plsc.VectorSubcoreMesh(core_axis_name="c", subcore_axis_name="s")
    run = functools.partial(
        pl.kernel,
        mesh=mesh,
        out_type=jax.ShapeDtypeStruct((B,), jnp.float32),
        compiler_params=pltpu.CompilerParams(
            needs_layout_passes=False, use_tc_tiling_on_sc=False),
        scratch_types=[
            pltpu.VMEM((BPW,), jnp.int32),
            pltpu.VMEM((BPW,), jnp.int32),
            pltpu.VMEM((BPW, D), jnp.float32),
            pltpu.VMEM((BPW, D), jnp.float32),
            pltpu.VMEM((BPW,), jnp.float32),
            pltpu.VMEM((BPW,), jnp.float32),
            pltpu.VMEM((BPW,), jnp.float32),
            pltpu.SemaphoreType.DMA((NCH,)),
        ],
    )(_mf_body)
    return run(uEmbeds, iEmbeds, uBias, iBias, usr, itm)

# --- scband reference (transcript-rebuilt; emitter-appended) ---
"""Pipeline reference for scband-bias-mf-5763846111286 (READ-ONLY COPY).

The authoritative reference and input builder live on the scoring server;
editing this copy changes nothing except your own understanding.
"""

import jax, jax.numpy as jnp
import numpy as np

USER = 1000000
ITEM = 1000000
LATDIM = 64
BATCH = 16384


def setup_inputs(seed: int = 0) -> dict:
    key = jax.random.key(seed)
    k1, k2, k3, k4 = jax.random.split(key, 4)
    # xavier_uniform init for embedding tables
    scale_u = float(np.sqrt(6.0 / (USER + LATDIM)))
    scale_i = float(np.sqrt(6.0 / (ITEM + LATDIM)))
    uEmbeds = jax.random.uniform(k1, (USER, LATDIM), minval=-scale_u, maxval=scale_u, dtype=jnp.float32)
    iEmbeds = jax.random.uniform(k2, (ITEM, LATDIM), minval=-scale_i, maxval=scale_i, dtype=jnp.float32)
    # bias vectors zero-initialized (per zeroInit in the original module)
    uBias = jnp.zeros((USER,), dtype=jnp.float32)
    iBias = jnp.zeros((ITEM,), dtype=jnp.float32)
    usr = jax.random.randint(k3, (BATCH,), 0, USER, dtype=jnp.int32)
    itm = jax.random.randint(k4, (BATCH,), 0, ITEM, dtype=jnp.int32)
    return {"uEmbeds": uEmbeds, "iEmbeds": iEmbeds, "uBias": uBias, "iBias": iBias, "usr": usr, "itm": itm}


def reference(uEmbeds, iEmbeds, uBias, iBias, usr, itm):
    # Faithful translation of BiasMF.predPairs
    uEmbed = jnp.take(uEmbeds, usr, axis=0)
    iEmbed = jnp.take(iEmbeds, itm, axis=0)
    ub = jnp.take(uBias, usr, axis=0)
    ib = jnp.take(iBias, itm, axis=0)
    return jnp.sum(uEmbed * iEmbed, axis=-1).reshape(-1) + ub + ib

if __name__ == "__main__":
    import jax
    _d = setup_inputs()
    print(jax.jit(kernel)(*tuple(_d.values())))

</pallas_src>

<mosaic_0001>
#map = affine_map<(d0, d1) -> (0, 0)>
#map1 = affine_map<(d0, d1) -> (0)>
module attributes {stable_mosaic.version = 14 : i64} {
  func.func @_mf_body(%arg0: i32, %arg1: i32, %arg2: memref<1000000x64xf32, #tpu.memory_space<hbm>>, %arg3: memref<1000000x64xf32, #tpu.memory_space<hbm>>, %arg4: memref<1000000xf32, #tpu.memory_space<hbm>>, %arg5: memref<1000000xf32, #tpu.memory_space<hbm>>, %arg6: memref<16384xi32, #tpu.memory_space<hbm>>, %arg7: memref<16384xi32, #tpu.memory_space<hbm>>, %arg8: memref<16384xf32, #tpu.memory_space<hbm>>, %arg9: memref<512xi32, #tpu.memory_space<vmem>>, %arg10: memref<512xi32, #tpu.memory_space<vmem>>, %arg11: memref<512x64xf32, #tpu.memory_space<vmem>>, %arg12: memref<512x64xf32, #tpu.memory_space<vmem>>, %arg13: memref<512xf32, #tpu.memory_space<vmem>>, %arg14: memref<512xf32, #tpu.memory_space<vmem>>, %arg15: memref<512xf32, #tpu.memory_space<vmem>>, %arg16: memref<4x!tpu.dma_semaphore, #tpu.memory_space<semaphore_mem>>) attributes {dimension_semantics = [#tpu.dimension_semantics<core_parallel>, #tpu.dimension_semantics<subcore_parallel>], iteration_bounds = array<i64: 2, 16>, scalar_prefetch = 0 : i64, scratch_operands = 8 : i64, tpu.core_type = #tpu.core_type<sc_vector_subcore>, window_params = [{transform_indices = #map}, {transform_indices = #map}, {transform_indices = #map1}, {transform_indices = #map1}, {transform_indices = #map1}, {transform_indices = #map1}, {transform_indices = #map1}]} {
    %mul3A = arith.constant 2 : i32
    %mul3A_0 = arith.muli %arg1, %mul3A : i32
    %add3A = arith.addi %mul3A_0, %arg0 : i32
    %mul3A_1 = arith.constant 512 : i32
    %mul3A_2 = arith.muli %add3A, %mul3A_1 : i32
    "tpu.region"() ({
      %run_scoped3A = tpu.sem_alloc : memref<!tpu.dma_semaphore, #tpu.memory_space<semaphore_mem>>
      %dma_start3A_344 = tpu.memref_slice %arg6[%mul3A_2] : memref<16384xi32, #tpu.memory_space<hbm>> -> memref<512xi32, #tpu.memory_space<hbm>>
      %dma_start3A_345 = tpu.memref_slice %arg6[%mul3A_2] : memref<16384xi32, #tpu.memory_space<hbm>> -> memref<512xi32, #tpu.memory_space<hbm>>
      tpu.enqueue_dma source(%dma_start3A_345 : memref<512xi32, #tpu.memory_space<hbm>>) target(%arg9 : memref<512xi32, #tpu.memory_space<vmem>>) target_semaphore(%run_scoped3A : memref<!tpu.dma_semaphore, #tpu.memory_space<semaphore_mem>>)
      %dma_wait3A_346 = tpu.memref_slice %arg6[%mul3A_2] : memref<16384xi32, #tpu.memory_space<hbm>> -> memref<512xi32, #tpu.memory_space<hbm>>
      %dma_wait3A_347 = tpu.memref_slice %arg6[%mul3A_2] : memref<16384xi32, #tpu.memory_space<hbm>> -> memref<512xi32, #tpu.memory_space<hbm>>
      tpu.wait_dma2 semaphore(%run_scoped3A : memref<!tpu.dma_semaphore, #tpu.memory_space<semaphore_mem>>) src(%dma_wait3A_347 : memref<512xi32, #tpu.memory_space<hbm>>) dst(%arg9 : memref<512xi32, #tpu.memory_space<vmem>>)
      tpu.yield
    }) : () -> ()
    "tpu.region"() ({
      %run_scoped3A = tpu.sem_alloc : memref<!tpu.dma_semaphore, #tpu.memory_space<semaphore_mem>>
      %dma_start3A_344 = tpu.memref_slice %arg7[%mul3A_2] : memref<16384xi32, #tpu.memory_space<hbm>> -> memref<512xi32, #tpu.memory_space<hbm>>
      %dma_start3A_345 = tpu.memref_slice %arg7[%mul3A_2] : memref<16384xi32, #tpu.memory_space<hbm>> -> memref<512xi32, #tpu.memory_space<hbm>>
      tpu.enqueue_dma source(%dma_start3A_345 : memref<512xi32, #tpu.memory_space<hbm>>) target(%arg10 : memref<512xi32, #tpu.memory_space<vmem>>) target_semaphore(%run_scoped3A : memref<!tpu.dma_semaphore, #tpu.memory_space<semaphore_mem>>)
      %dma_wait3A_346 = tpu.memref_slice %arg7[%mul3A_2] : memref<16384xi32, #tpu.memory_space<hbm>> -> memref<512xi32, #tpu.memory_space<hbm>>
      %dma_wait3A_347 = tpu.memref_slice %arg7[%mul3A_2] : memref<16384xi32, #tpu.memory_space<hbm>> -> memref<512xi32, #tpu.memory_space<hbm>>
      tpu.wait_dma2 semaphore(%run_scoped3A : memref<!tpu.dma_semaphore, #tpu.memory_space<semaphore_mem>>) src(%dma_wait3A_347 : memref<512xi32, #tpu.memory_space<hbm>>) dst(%arg10 : memref<512xi32, #tpu.memory_space<vmem>>)
      tpu.yield
    }) : () -> ()
    %dma_start3A = arith.constant 0 : i32
    %dma_start3A_3 = arith.constant 0 : i32
    %dma_start3A_4 = arith.constant 0 : i32
    %dma_start3A_5 = tpu.memref_slice %arg11[%dma_start3A_3, %dma_start3A_4] : memref<512x64xf32, #tpu.memory_space<vmem>> -> memref<128x64xf32, #tpu.memory_space<vmem>>
    %dma_start3A_6 = arith.constant 0 : i32
    %dma_start3A_7 = tpu.memref_slice %arg9[%dma_start3A_6] : memref<512xi32, #tpu.memory_space<vmem>> -> memref<128xi32, #tpu.memory_space<vmem>>
    %dma_start3A_8 = arith.constant 0 : i32
    %dma_start3A_9 = arith.constant 0 : i32
    %dma_start3A_10 = tpu.memref_slice %arg2[%dma_start3A_8, %dma_start3A_9] : memref<1000000x64xf32, #tpu.memory_space<hbm>> -> memref<1000000x64xf32, #tpu.memory_space<hbm>>
    %dma_start3A_11 = tpu.memref_slice %arg16[%dma_start3A] : memref<4x!tpu.dma_semaphore, #tpu.memory_space<semaphore_mem>> -> memref<1x!tpu.dma_semaphore, #tpu.memory_space<semaphore_mem>>
    %dma_start3A_12 = tpu.memref_squeeze %dma_start3A_11 : memref<1x!tpu.dma_semaphore, #tpu.memory_space<semaphore_mem>> -> memref<!tpu.dma_semaphore, #tpu.memory_space<semaphore_mem>>
    tpu.enqueue_indirect_dma source(%dma_start3A_10 : memref<1000000x64xf32, #tpu.memory_space<hbm>>) target(%dma_start3A_5 : memref<128x64xf32, #tpu.memory_space<vmem>>) offsets(%dma_start3A_7 : memref<128xi32, #tpu.memory_space<vmem>>) semaphore(%dma_start3A_12 : memref<!tpu.dma_semaphore, #tpu.memory_space<semaphore_mem>>)
    %dma_start3A_13 = arith.constant 0 : i32
    %dma_start3A_14 = arith.constant 0 : i32
    %dma_start3A_15 = arith.constant 0 : i32
    %dma_start3A_16 = tpu.memref_slice %arg12[%dma_start3A_14, %dma_start3A_15] : memref<512x64xf32, #tpu.memory_space<vmem>> -> memref<128x64xf32, #tpu.memory_space<vmem>>
    %dma_start3A_17 = arith.constant 0 : i32
    %dma_start3A_18 = tpu.memref_slice %arg10[%dma_start3A_17] : memref<512xi32, #tpu.memory_space<vmem>> -> memref<128xi32, #tpu.memory_space<vmem>>
    %dma_start3A_19 = arith.constant 0 : i32
    %dma_start3A_20 = arith.constant 0 : i32
    %dma_start3A_21 = tpu.memref_slice %arg3[%dma_start3A_19, %dma_start3A_20] : memref<1000000x64xf32, #tpu.memory_space<hbm>> -> memref<1000000x64xf32, #tpu.memory_space<hbm>>
    %dma_start3A_22 = tpu.memref_slice %arg16[%dma_start3A_13] : memref<4x!tpu.dma_semaphore, #tpu.memory_space<semaphore_mem>> -> memref<1x!tpu.dma_semaphore, #tpu.memory_space<semaphore_mem>>
    %dma_start3A_23 = tpu.memref_squeeze %dma_start3A_22 : memref<1x!tpu.dma_semaphore, #tpu.memory_space<semaphore_mem>> -> memref<!tpu.dma_semaphore, #tpu.memory_space<semaphore_mem>>
    tpu.enqueue_indirect_dma source(%dma_start3A_21 : memref<1000000x64xf32, #tpu.memory_space<hbm>>) target(%dma_start3A_16 : memref<128x64xf32, #tpu.memory_space<vmem>>) offsets(%dma_start3A_18 : memref<128xi32, #tpu.memory_space<vmem>>) semaphore(%dma_start3A_23 : memref<!tpu.dma_semaphore, #tpu.memory_space<semaphore_mem>>)
    %dma_start3A_24 = arith.constant 0 : i32
    %dma_start3A_25 = arith.constant 0 : i32
    %dma_start3A_26 = tpu.memref_slice %arg13[%dma_start3A_25] : memref<512xf32, #tpu.memory_space<vmem>> -> memref<128xf32, #tpu.memory_space<vmem>>
    %dma_start3A_27 = arith.constant 0 : i32
    %dma_start3A_28 = tpu.memref_slice %arg9[%dma_start3A_27] : memref<512xi32, #tpu.memory_space<vmem>> -> memref<128xi32, #tpu.memory_space<vmem>>
    %dma_start3A_29 = arith.constant 0 : i32
    %dma_start3A_30 = tpu.memref_slice %arg4[%dma_start3A_29] : memref<1000000xf32, #tpu.memory_space<hbm>> -> memref<1000000xf32, #tpu.memory_space<hbm>>
    %dma_start3A_31 = tpu.memref_slice %arg16[%dma_start3A_24] : memref<4x!tpu.dma_semaphore, #tpu.memory_space<semaphore_mem>> -> memref<1x!tpu.dma_semaphore, #tpu.memory_space<semaphore_mem>>
    %dma_start3A_32 = tpu.memref_squeeze %dma_start3A_31 : memref<1x!tpu.dma_semaphore, #tpu.memory_space<semaphore_mem>> -> memref<!tpu.dma_semaphore, #tpu.memory_space<semaphore_mem>>
    tpu.enqueue_indirect_dma source(%dma_start3A_30 : memref<1000000xf32, #tpu.memory_space<hbm>>) target(%dma_start3A_26 : memref<128xf32, #tpu.memory_space<vmem>>) offsets(%dma_start3A_28 : memref<128xi32, #tpu.memory_space<vmem>>) semaphore(%dma_start3A_32 : memref<!tpu.dma_semaphore, #tpu.memory_space<semaphore_mem>>)
    %dma_start3A_33 = arith.constant 0 : i32
    %dma_start3A_34 = arith.constant 0 : i32
    %dma_start3A_35 = tpu.memref_slice %arg14[%dma_start3A_34] : memref<512xf32, #tpu.memory_space<vmem>> -> memref<128xf32, #tpu.memory_space<vmem>>
    %dma_start3A_36 = arith.constant 0 : i32
    %dma_start3A_37 = tpu.memref_slice %arg10[%dma_start3A_36] : memref<512xi32, #tpu.memory_space<vmem>> -> memref<128xi32, #tpu.memory_space<vmem>>
    %dma_start3A_38 = arith.constant 0 : i32
    %dma_start3A_39 = tpu.memref_slice %arg5[%dma_start3A_38] : memref<1000000xf32, #tpu.memory_space<hbm>> -> memref<1000000xf32, #tpu.memory_space<hbm>>
    %dma_start3A_40 = tpu.memref_slice %arg16[%dma_start3A_33] : memref<4x!tpu.dma_semaphore, #tpu.memory_space<semaphore_mem>> -> memref<1x!tpu.dma_semaphore, #tpu.memory_space<semaphore_mem>>
    %dma_start3A_41 = tpu.memref_squeeze %dma_start3A_40 : memref<1x!tpu.dma_semaphore, #tpu.memory_space<semaphore_mem>> -> memref<!tpu.dma_semaphore, #tpu.memory_space<semaphore_mem>>
    tpu.enqueue_indirect_dma source(%dma_start3A_39 : memref<1000000xf32, #tpu.memory_space<hbm>>) target(%dma_start3A_35 : memref<128xf32, #tpu.memory_space<vmem>>) offsets(%dma_start3A_37 : memref<128xi32, #tpu.memory_space<vmem>>) semaphore(%dma_start3A_41 : memref<!tpu.dma_semaphore, #tpu.memory_space<semaphore_mem>>)
    %dma_start3A_42 = arith.constant 1 : i32
    %dma_start3A_43 = arith.constant 128 : i32
    %dma_start3A_44 = arith.constant 0 : i32
    %dma_start3A_45 = tpu.memref_slice %arg11[%dma_start3A_43, %dma_start3A_44] : memref<512x64xf32, #tpu.memory_space<vmem>> -> memref<128x64xf32, #tpu.memory_space<vmem>>
    %dma_start3A_46 = arith.constant 128 : i32
    %dma_start3A_47 = tpu.memref_slice %arg9[%dma_start3A_46] : memref<512xi32, #tpu.memory_space<vmem>> -> memref<128xi32, #tpu.memory_space<vmem>>
    %dma_start3A_48 = arith.constant 0 : i32
    %dma_start3A_49 = arith.constant 0 : i32
    %dma_start3A_50 = tpu.memref_slice %arg2[%dma_start3A_48, %dma_start3A_49] : memref<1000000x64xf32, #tpu.memory_space<hbm>> -> memref<1000000x64xf32, #tpu.memory_space<hbm>>
    %dma_start3A_51 = tpu.memref_slice %arg16[%dma_start3A_42] : memref<4x!tpu.dma_semaphore, #tpu.memory_space<semaphore_mem>> -> memref<1x!tpu.dma_semaphore, #tpu.memory_space<semaphore_mem>>
    %dma_start3A_52 = tpu.memref_squeeze %dma_start3A_51 : memref<1x!tpu.dma_semaphore, #tpu.memory_space<semaphore_mem>> -> memref<!tpu.dma_semaphore, #tpu.memory_space<semaphore_mem>>
    tpu.enqueue_indirect_dma source(%dma_start3A_50 : memref<1000000x64xf32, #tpu.memory_space<hbm>>) target(%dma_start3A_45 : memref<128x64xf32, #tpu.memory_space<vmem>>) offsets(%dma_start3A_47 : memref<128xi32, #tpu.memory_space<vmem>>) semaphore(%dma_start3A_52 : memref<!tpu.dma_semaphore, #tpu.memory_space<semaphore_mem>>)
    %dma_start3A_53 = arith.constant 1 : i32
    %dma_start3A_54 = arith.constant 128 : i32
    %dma_start3A_55 = arith.constant 0 : i32
    %dma_start3A_56 = tpu.memref_slice %arg12[%dma_start3A_54, %dma_start3A_55] : memref<512x64xf32, #tpu.memory_space<vmem>> -> memref<128x64xf32, #tpu.memory_space<vmem>>
    %dma_start3A_57 = arith.constant 128 : i32
    %dma_start3A_58 = tpu.memref_slice %arg10[%dma_start3A_57] : memref<512xi32, #tpu.memory_space<vmem>> -> memref<128xi32, #tpu.memory_space<vmem>>
    %dma_start3A_59 = arith.constant 0 : i32
    %dma_start3A_60 = arith.constant 0 : i32
    %dma_start3A_61 = tpu.memref_slice %arg3[%dma_start3A_59, %dma_start3A_60] : memref<1000000x64xf32, #tpu.memory_space<hbm>> -> memref<1000000x64xf32, #tpu.memory_space<hbm>>
    %dma_start3A_62 = tpu.memref_slice %arg16[%dma_start3A_53] : memref<4x!tpu.dma_semaphore, #tpu.memory_space<semaphore_mem>> -> memref<1x!tpu.dma_semaphore, #tpu.memory_space<semaphore_mem>>
    %dma_start3A_63 = tpu.memref_squeeze %dma_start3A_62 : memref<1x!tpu.dma_semaphore, #tpu.memory_space<semaphore_mem>> -> memref<!tpu.dma_semaphore, #tpu.memory_space<semaphore_mem>>
    tpu.enqueue_indirect_dma source(%dma_start3A_61 : memref<1000000x64xf32, #tpu.memory_space<hbm>>) target(%dma_start3A_56 : memref<128x64xf32, #tpu.memory_space<vmem>>) offsets(%dma_start3A_58 : memref<128xi32, #tpu.memory_space<vmem>>) semaphore(%dma_start3A_63 : memref<!tpu.dma_semaphore, #tpu.memory_space<semaphore_mem>>)
    %dma_start3A_64 = arith.constant 1 : i32
    %dma_start3A_65 = arith.constant 128 : i32
    %dma_start3A_66 = tpu.memref_slice %arg13[%dma_start3A_65] : memref<512xf32, #tpu.memory_space<vmem>> -> memref<128xf32, #tpu.memory_space<vmem>>
    %dma_start3A_67 = arith.constant 128 : i32
    %dma_start3A_68 = tpu.memref_slice %arg9[%dma_start3A_67] : memref<512xi32, #tpu.memory_space<vmem>> -> memref<128xi32, #tpu.memory_space<vmem>>
    %dma_start3A_69 = arith.constant 0 : i32
    %dma_start3A_70 = tpu.memref_slice %arg4[%dma_start3A_69] : memref<1000000xf32, #tpu.memory_space<hbm>> -> memref<1000000xf32, #tpu.memory_space<hbm>>
    %dma_start3A_71 = tpu.memref_slice %arg16[%dma_start3A_64] : memref<4x!tpu.dma_semaphore, #tpu.memory_space<semaphore_mem>> -> memref<1x!tpu.dma_semaphore, #tpu.memory_space<semaphore_mem>>
    %dma_start3A_72 = tpu.memref_squeeze %dma_start3A_71 : memref<1x!tpu.dma_semaphore, #tpu.memory_space<semaphore_mem>> -> memref<!tpu.dma_semaphore, #tpu.memory_space<semaphore_mem>>
    tpu.enqueue_indirect_dma source(%dma_start3A_70 : memref<1000000xf32, #tpu.memory_space<hbm>>) target(%dma_start3A_66 : memref<128xf32, #tpu.memory_space<vmem>>) offsets(%dma_start3A_68 : memref<128xi32, #tpu.memory_space<vmem>>) semaphore(%dma_start3A_72 : memref<!tpu.dma_semaphore, #tpu.memory_space<semaphore_mem>>)
    %dma_start3A_73 = arith.constant 1 : i32
    %dma_start3A_74 = arith.constant 128 : i32
    %dma_start3A_75 = tpu.memref_slice %arg14[%dma_start3A_74] : memref<512xf32, #tpu.memory_space<vmem>> -> memref<128xf32, #tpu.memory_space<vmem>>
    %dma_start3A_76 = arith.constant 128 : i32
    %dma_start3A_77 = tpu.memref_slice %arg10[%dma_start3A_76] : memref<512xi32, #tpu.memory_space<vmem>> -> memref<128xi32, #tpu.memory_space<vmem>>
    %dma_start3A_78 = arith.constant 0 : i32
    %dma_start3A_79 = tpu.memref_slice %arg5[%dma_start3A_78] : memref<1000000xf32, #tpu.memory_space<hbm>> -> memref<1000000xf32, #tpu.memory_space<hbm>>
    %dma_start3A_80 = tpu.memref_slice %arg16[%dma_start3A_73] : memref<4x!tpu.dma_semaphore, #tpu.memory_space<semaphore_mem>> -> memref<1x!tpu.dma_semaphore, #tpu.memory_space<semaphore_mem>>
    %dma_start3A_81 = tpu.memref_squeeze %dma_start3A_80 : memref<1x!tpu.dma_semaphore, #tpu.memory_space<semaphore_mem>> -> memref<!tpu.dma_semaphore, #tpu.memory_space<semaphore_mem>>
    tpu.enqueue_indirect_dma source(%dma_start3A_79 : memref<1000000xf32, #tpu.memory_space<hbm>>) target(%dma_start3A_75 : memref<128xf32, #tpu.memory_space<vmem>>) offsets(%dma_start3A_77 : memref<128xi32, #tpu.memory_space<vmem>>) semaphore(%dma_start3A_81 : memref<!tpu.dma_semaphore, #tpu.memory_space<semaphore_mem>>)
    %dma_start3A_82 = arith.constant 2 : i32
    %dma_start3A_83 = arith.constant 256 : i32
    %dma_start3A_84 = arith.constant 0 : i32
    %dma_start3A_85 = tpu.memref_slice %arg11[%dma_start3A_83, %dma_start3A_84] : memref<512x64xf32, #tpu.memory_space<vmem>> -> memref<128x64xf32, #tpu.memory_space<vmem>>
    %dma_start3A_86 = arith.constant 256 : i32
    %dma_start3A_87 = tpu.memref_slice %arg9[%dma_start3A_86] : memref<512xi32, #tpu.memory_space<vmem>> -> memref<128xi32, #tpu.memory_space<vmem>>
    %dma_start3A_88 = arith.constant 0 : i32
    %dma_start3A_89 = arith.constant 0 : i32
    %dma_start3A_90 = tpu.memref_slice %arg2[%dma_start3A_88, %dma_start3A_89] : memref<1000000x64xf32, #tpu.memory_space<hbm>> -> memref<1000000x64xf32, #tpu.memory_space<hbm>>
    %dma_start3A_91 = tpu.memref_slice %arg16[%dma_start3A_82] : memref<4x!tpu.dma_semaphore, #tpu.memory_space<semaphore_mem>> -> memref<1x!tpu.dma_semaphore, #tpu.memory_space<semaphore_mem>>
    %dma_start3A_92 = tpu.memref_squeeze %dma_start3A_91 : memref<1x!tpu.dma_semaphore, #tpu.memory_space<semaphore_mem>> -> memref<!tpu.dma_semaphore, #tpu.memory_space<semaphore_mem>>
    tpu.enqueue_indirect_dma source(%dma_start3A_90 : memref<1000000x64xf32, #tpu.memory_space<hbm>>) target(%dma_start3A_85 : memref<128x64xf32, #tpu.memory_space<vmem>>) offsets(%dma_start3A_87 : memref<128xi32, #tpu.memory_space<vmem>>) semaphore(%dma_start3A_92 : memref<!tpu.dma_semaphore, #tpu.memory_space<semaphore_mem>>)
    %dma_start3A_93 = arith.constant 2 : i32
    %dma_start3A_94 = arith.constant 256 : i32
    %dma_start3A_95 = arith.constant 0 : i32
    %dma_start3A_96 = tpu.memref_slice %arg12[%dma_start3A_94, %dma_start3A_95] : memref<512x64xf32, #tpu.memory_space<vmem>> -> memref<128x64xf32, #tpu.memory_space<vmem>>
    %dma_start3A_97 = arith.constant 256 : i32
    %dma_start3A_98 = tpu.memref_slice %arg10[%dma_start3A_97] : memref<512xi32, #tpu.memory_space<vmem>> -> memref<128xi32, #tpu.memory_space<vmem>>
    %dma_start3A_99 = arith.constant 0 : i32
    %dma_start3A_100 = arith.constant 0 : i32
    %dma_start3A_101 = tpu.memref_slice %arg3[%dma_start3A_99, %dma_start3A_100] : memref<1000000x64xf32, #tpu.memory_space<hbm>> -> memref<1000000x64xf32, #tpu.memory_space<hbm>>
    %dma_start3A_102 = tpu.memref_slice %arg16[%dma_start3A_93] : memref<4x!tpu.dma_semaphore, #tpu.memory_space<semaphore_mem>> -> memref<1x!tpu.dma_semaphore, #tpu.memory_space<semaphore_mem>>
    %dma_start3A_103 = tpu.memref_squeeze %dma_start3A_102 : memref<1x!tpu.dma_semaphore, #tpu.memory_space<semaphore_mem>> -> memref<!tpu.dma_semaphore, #tpu.memory_space<semaphore_mem>>
    tpu.enqueue_indirect_dma source(%dma_start3A_101 : memref<1000000x64xf32, #tpu.memory_space<hbm>>) target(%dma_start3A_96 : memref<128x64xf32, #tpu.memory_space<vmem>>) offsets(%dma_start3A_98 : memref<128xi32, #tpu.memory_space<vmem>>) semaphore(%dma_start3A_103 : memref<!tpu.dma_semaphore, #tpu.memory_space<semaphore_mem>>)
    %dma_start3A_104 = arith.constant 2 : i32
    %dma_start3A_105 = arith.constant 256 : i32
    %dma_start3A_106 = tpu.memref_slice %arg13[%dma_start3A_105] : memref<512xf32, #tpu.memory_space<vmem>> -> memref<128xf32, #tpu.memory_space<vmem>>
    %dma_start3A_107 = arith.constant 256 : i32
    %dma_start3A_108 = tpu.memref_slice %arg9[%dma_start3A_107] : memref<512xi32, #tpu.memory_space<vmem>> -> memref<128xi32, #tpu.memory_space<vmem>>
    %dma_start3A_109 = arith.constant 0 : i32
    %dma_start3A_110 = tpu.memref_slice %arg4[%dma_start3A_109] : memref<1000000xf32, #tpu.memory_space<hbm>> -> memref<1000000xf32, #tpu.memory_space<hbm>>
    %dma_start3A_111 = tpu.memref_slice %arg16[%dma_start3A_104] : memref<4x!tpu.dma_semaphore, #tpu.memory_space<semaphore_mem>> -> memref<1x!tpu.dma_semaphore, #tpu.memory_space<semaphore_mem>>
    %dma_start3A_112 = tpu.memref_squeeze %dma_start3A_111 : memref<1x!tpu.dma_semaphore, #tpu.memory_space<semaphore_mem>> -> memref<!tpu.dma_semaphore, #tpu.memory_space<semaphore_mem>>
    tpu.enqueue_indirect_dma source(%dma_start3A_110 : memref<1000000xf32, #tpu.memory_space<hbm>>) target(%dma_start3A_106 : memref<128xf32, #tpu.memory_space<vmem>>) offsets(%dma_start3A_108 : memref<128xi32, #tpu.memory_space<vmem>>) semaphore(%dma_start3A_112 : memref<!tpu.dma_semaphore, #tpu.memory_space<semaphore_mem>>)
    %dma_start3A_113 = arith.constant 2 : i32
    %dma_start3A_114 = arith.constant 256 : i32
    %dma_start3A_115 = tpu.memref_slice %arg14[%dma_start3A_114] : memref<512xf32, #tpu.memory_space<vmem>> -> memref<128xf32, #tpu.memory_space<vmem>>
    %dma_start3A_116 = arith.constant 256 : i32
    %dma_start3A_117 = tpu.memref_slice %arg10[%dma_start3A_116] : memref<512xi32, #tpu.memory_space<vmem>> -> memref<128xi32, #tpu.memory_space<vmem>>
    %dma_start3A_118 = arith.constant 0 : i32
    %dma_start3A_119 = tpu.memref_slice %arg5[%dma_start3A_118] : memref<1000000xf32, #tpu.memory_space<hbm>> -> memref<1000000xf32, #tpu.memory_space<hbm>>
    %dma_start3A_120 = tpu.memref_slice %arg16[%dma_start3A_113] : memref<4x!tpu.dma_semaphore, #tpu.memory_space<semaphore_mem>> -> memref<1x!tpu.dma_semaphore, #tpu.memory_space<semaphore_mem>>
    %dma_start3A_121 = tpu.memref_squeeze %dma_start3A_120 : memref<1x!tpu.dma_semaphore, #tpu.memory_space<semaphore_mem>> -> memref<!tpu.dma_semaphore, #tpu.memory_space<semaphore_mem>>
    tpu.enqueue_indirect_dma source(%dma_start3A_119 : memref<1000000xf32, #tpu.memory_space<hbm>>) target(%dma_start3A_115 : memref<128xf32, #tpu.memory_space<vmem>>) offsets(%dma_start3A_117 : memref<128xi32, #tpu.memory_space<vmem>>) semaphore(%dma_start3A_121 : memref<!tpu.dma_semaphore, #tpu.memory_space<semaphore_mem>>)
    %dma_start3A_122 = arith.constant 3 : i32
    %dma_start3A_123 = arith.constant 384 : i32
    %dma_start3A_124 = arith.constant 0 : i32
    %dma_start3A_125 = tpu.memref_slice %arg11[%dma_start3A_123, %dma_start3A_124] : memref<512x64xf32, #tpu.memory_space<vmem>> -> memref<128x64xf32, #tpu.memory_space<vmem>>
    %dma_start3A_126 = arith.constant 384 : i32
    %dma_start3A_127 = tpu.memref_slice %arg9[%dma_start3A_126] : memref<512xi32, #tpu.memory_space<vmem>> -> memref<128xi32, #tpu.memory_space<vmem>>
    %dma_start3A_128 = arith.constant 0 : i32
    %dma_start3A_129 = arith.constant 0 : i32
    %dma_start3A_130 = tpu.memref_slice %arg2[%dma_start3A_128, %dma_start3A_129] : memref<1000000x64xf32, #tpu.memory_space<hbm>> -> memref<1000000x64xf32, #tpu.memory_space<hbm>>
    %dma_start3A_131 = tpu.memref_slice %arg16[%dma_start3A_122] : memref<4x!tpu.dma_semaphore, #tpu.memory_space<semaphore_mem>> -> memref<1x!tpu.dma_semaphore, #tpu.memory_space<semaphore_mem>>
    %dma_start3A_132 = tpu.memref_squeeze %dma_start3A_131 : memref<1x!tpu.dma_semaphore, #tpu.memory_space<semaphore_mem>> -> memref<!tpu.dma_semaphore, #tpu.memory_space<semaphore_mem>>
    tpu.enqueue_indirect_dma source(%dma_start3A_130 : memref<1000000x64xf32, #tpu.memory_space<hbm>>) target(%dma_start3A_125 : memref<128x64xf32, #tpu.memory_space<vmem>>) offsets(%dma_start3A_127 : memref<128xi32, #tpu.memory_space<vmem>>) semaphore(%dma_start3A_132 : memref<!tpu.dma_semaphore, #tpu.memory_space<semaphore_mem>>)
    %dma_start3A_133 = arith.constant 3 : i32
    %dma_start3A_134 = arith.constant 384 : i32
    %dma_start3A_135 = arith.constant 0 : i32
    %dma_start3A_136 = tpu.memref_slice %arg12[%dma_start3A_134, %dma_start3A_135] : memref<512x64xf32, #tpu.memory_space<vmem>> -> memref<128x64xf32, #tpu.memory_space<vmem>>
    %dma_start3A_137 = arith.constant 384 : i32
    %dma_start3A_138 = tpu.memref_slice %arg10[%dma_start3A_137] : memref<512xi32, #tpu.memory_space<vmem>> -> memref<128xi32, #tpu.memory_space<vmem>>
    %dma_start3A_139 = arith.constant 0 : i32
    %dma_start3A_140 = arith.constant 0 : i32
    %dma_start3A_141 = tpu.memref_slice %arg3[%dma_start3A_139, %dma_start3A_140] : memref<1000000x64xf32, #tpu.memory_space<hbm>> -> memref<1000000x64xf32, #tpu.memory_space<hbm>>
    %dma_start3A_142 = tpu.memref_slice %arg16[%dma_start3A_133] : memref<4x!tpu.dma_semaphore, #tpu.memory_space<semaphore_mem>> -> memref<1x!tpu.dma_semaphore, #tpu.memory_space<semaphore_mem>>
    %dma_start3A_143 = tpu.memref_squeeze %dma_start3A_142 : memref<1x!tpu.dma_semaphore, #tpu.memory_space<semaphore_mem>> -> memref<!tpu.dma_semaphore, #tpu.memory_space<semaphore_mem>>
    tpu.enqueue_indirect_dma source(%dma_start3A_141 : memref<1000000x64xf32, #tpu.memory_space<hbm>>) target(%dma_start3A_136 : memref<128x64xf32, #tpu.memory_space<vmem>>) offsets(%dma_start3A_138 : memref<128xi32, #tpu.memory_space<vmem>>) semaphore(%dma_start3A_143 : memref<!tpu.dma_semaphore, #tpu.memory_space<semaphore_mem>>)
    %dma_start3A_144 = arith.constant 3 : i32
    %dma_start3A_145 = arith.constant 384 : i32
    %dma_start3A_146 = tpu.memref_slice %arg13[%dma_start3A_145] : memref<512xf32, #tpu.memory_space<vmem>> -> memref<128xf32, #tpu.memory_space<vmem>>
    %dma_start3A_147 = arith.constant 384 : i32
    %dma_start3A_148 = tpu.memref_slice %arg9[%dma_start3A_147] : memref<512xi32, #tpu.memory_space<vmem>> -> memref<128xi32, #tpu.memory_space<vmem>>
    %dma_start3A_149 = arith.constant 0 : i32
    %dma_start3A_150 = tpu.memref_slice %arg4[%dma_start3A_149] : memref<1000000xf32, #tpu.memory_space<hbm>> -> memref<1000000xf32, #tpu.memory_space<hbm>>
    %dma_start3A_151 = tpu.memref_slice %arg16[%dma_start3A_144] : memref<4x!tpu.dma_semaphore, #tpu.memory_space<semaphore_mem>> -> memref<1x!tpu.dma_semaphore, #tpu.memory_space<semaphore_mem>>
    %dma_start3A_152 = tpu.memref_squeeze %dma_start3A_151 : memref<1x!tpu.dma_semaphore, #tpu.memory_space<semaphore_mem>> -> memref<!tpu.dma_semaphore, #tpu.memory_space<semaphore_mem>>
    tpu.enqueue_indirect_dma source(%dma_start3A_150 : memref<1000000xf32, #tpu.memory_space<hbm>>) target(%dma_start3A_146 : memref<128xf32, #tpu.memory_space<vmem>>) offsets(%dma_start3A_148 : memref<128xi32, #tpu.memory_space<vmem>>) semaphore(%dma_start3A_152 : memref<!tpu.dma_semaphore, #tpu.memory_space<semaphore_mem>>)
    %dma_start3A_153 = arith.constant 3 : i32
    %dma_start3A_154 = arith.constant 384 : i32
    %dma_start3A_155 = tpu.memref_slice %arg14[%dma_start3A_154] : memref<512xf32, #tpu.memory_space<vmem>> -> memref<128xf32, #tpu.memory_space<vmem>>
    %dma_start3A_156 = arith.constant 384 : i32
    %dma_start3A_157 = tpu.memref_slice %arg10[%dma_start3A_156] : memref<512xi32, #tpu.memory_space<vmem>> -> memref<128xi32, #tpu.memory_space<vmem>>
    %dma_start3A_158 = arith.constant 0 : i32
    %dma_start3A_159 = tpu.memref_slice %arg5[%dma_start3A_158] : memref<1000000xf32, #tpu.memory_space<hbm>> -> memref<1000000xf32, #tpu.memory_space<hbm>>
    %dma_start3A_160 = tpu.memref_slice %arg16[%dma_start3A_153] : memref<4x!tpu.dma_semaphore, #tpu.memory_space<semaphore_mem>> -> memref<1x!tpu.dma_semaphore, #tpu.memory_space<semaphore_mem>>
    %dma_start3A_161 = tpu.memref_squeeze %dma_start3A_160 : memref<1x!tpu.dma_semaphore, #tpu.memory_space<semaphore_mem>> -> memref<!tpu.dma_semaphore, #tpu.memory_space<semaphore_mem>>
    tpu.enqueue_indirect_dma source(%dma_start3A_159 : memref<1000000xf32, #tpu.memory_space<hbm>>) target(%dma_start3A_155 : memref<128xf32, #tpu.memory_space<vmem>>) offsets(%dma_start3A_157 : memref<128xi32, #tpu.memory_space<vmem>>) semaphore(%dma_start3A_161 : memref<!tpu.dma_semaphore, #tpu.memory_space<semaphore_mem>>)
    %iota3A = tpu.iota {dimensions = array<i32: 0>} : vector<16xi32>
    %dma_wait3A = arith.constant 0 : i32
    %dma_wait3A_162 = arith.constant 0 : i32
    %dma_wait3A_163 = arith.constant 0 : i32
    %dma_wait3A_164 = tpu.memref_slice %arg11[%dma_wait3A_162, %dma_wait3A_163] : memref<512x64xf32, #tpu.memory_space<vmem>> -> memref<128x64xf32, #tpu.memory_space<vmem>>
    %dma_wait3A_165 = arith.constant 0 : i32
    %dma_wait3A_166 = tpu.memref_slice %arg9[%dma_wait3A_165] : memref<512xi32, #tpu.memory_space<vmem>> -> memref<128xi32, #tpu.memory_space<vmem>>
    %dma_wait3A_167 = arith.constant 0 : i32
    %dma_wait3A_168 = arith.constant 0 : i32
    %dma_wait3A_169 = tpu.memref_slice %arg2[%dma_wait3A_167, %dma_wait3A_168] : memref<1000000x64xf32, #tpu.memory_space<hbm>> -> memref<1000000x64xf32, #tpu.memory_space<hbm>>
    %dma_wait3A_170 = tpu.memref_slice %arg16[%dma_wait3A] : memref<4x!tpu.dma_semaphore, #tpu.memory_space<semaphore_mem>> -> memref<1x!tpu.dma_semaphore, #tpu.memory_space<semaphore_mem>>
    %dma_wait3A_171 = tpu.memref_squeeze %dma_wait3A_170 : memref<1x!tpu.dma_semaphore, #tpu.memory_space<semaphore_mem>> -> memref<!tpu.dma_semaphore, #tpu.memory_space<semaphore_mem>>
    tpu.wait_indirect_dma semaphore(%dma_wait3A_171 : memref<!tpu.dma_semaphore, #tpu.memory_space<semaphore_mem>>) src(%dma_wait3A_169 : memref<1000000x64xf32, #tpu.memory_space<hbm>>) dst(%dma_wait3A_164 : memref<128x64xf32, #tpu.memory_space<vmem>>)
    %dma_wait3A_172 = arith.constant 0 : i32
    %dma_wait3A_173 = arith.constant 0 : i32
    %dma_wait3A_174 = arith.constant 0 : i32
    %dma_wait3A_175 = tpu.memref_slice %arg12[%dma_wait3A_173, %dma_wait3A_174] : memref<512x64xf32, #tpu.memory_space<vmem>> -> memref<128x64xf32, #tpu.memory_space<vmem>>
    %dma_wait3A_176 = arith.constant 0 : i32
    %dma_wait3A_177 = tpu.memref_slice %arg10[%dma_wait3A_176] : memref<512xi32, #tpu.memory_space<vmem>> -> memref<128xi32, #tpu.memory_space<vmem>>
    %dma_wait3A_178 = arith.constant 0 : i32
    %dma_wait3A_179 = arith.constant 0 : i32
    %dma_wait3A_180 = tpu.memref_slice %arg3[%dma_wait3A_178, %dma_wait3A_179] : memref<1000000x64xf32, #tpu.memory_space<hbm>> -> memref<1000000x64xf32, #tpu.memory_space<hbm>>
    %dma_wait3A_181 = tpu.memref_slice %arg16[%dma_wait3A_172] : memref<4x!tpu.dma_semaphore, #tpu.memory_space<semaphore_mem>> -> memref<1x!tpu.dma_semaphore, #tpu.memory_space<semaphore_mem>>
    %dma_wait3A_182 = tpu.memref_squeeze %dma_wait3A_181 : memref<1x!tpu.dma_semaphore, #tpu.memory_space<semaphore_mem>> -> memref<!tpu.dma_semaphore, #tpu.memory_space<semaphore_mem>>
    tpu.wait_indirect_dma semaphore(%dma_wait3A_182 : memref<!tpu.dma_semaphore, #tpu.memory_space<semaphore_mem>>) src(%dma_wait3A_180 : memref<1000000x64xf32, #tpu.memory_space<hbm>>) dst(%dma_wait3A_175 : memref<128x64xf32, #tpu.memory_space<vmem>>)
    %dma_wait3A_183 = arith.constant 0 : i32
    %dma_wait3A_184 = arith.constant 0 : i32
    %dma_wait3A_185 = tpu.memref_slice %arg13[%dma_wait3A_184] : memref<512xf32, #tpu.memory_space<vmem>> -> memref<128xf32, #tpu.memory_space<vmem>>
    %dma_wait3A_186 = arith.constant 0 : i32
    %dma_wait3A_187 = tpu.memref_slice %arg9[%dma_wait3A_186] : memref<512xi32, #tpu.memory_space<vmem>> -> memref<128xi32, #tpu.memory_space<vmem>>
    %dma_wait3A_188 = arith.constant 0 : i32
    %dma_wait3A_189 = tpu.memref_slice %arg4[%dma_wait3A_188] : memref<1000000xf32, #tpu.memory_space<hbm>> -> memref<1000000xf32, #tpu.memory_space<hbm>>
    %dma_wait3A_190 = tpu.memref_slice %arg16[%dma_wait3A_183] : memref<4x!tpu.dma_semaphore, #tpu.memory_space<semaphore_mem>> -> memref<1x!tpu.dma_semaphore, #tpu.memory_space<semaphore_mem>>
    %dma_wait3A_191 = tpu.memref_squeeze %dma_wait3A_190 : memref<1x!tpu.dma_semaphore, #tpu.memory_space<semaphore_mem>> -> memref<!tpu.dma_semaphore, #tpu.memory_space<semaphore_mem>>
    tpu.wait_indirect_dma semaphore(%dma_wait3A_191 : memref<!tpu.dma_semaphore, #tpu.memory_space<semaphore_mem>>) src(%dma_wait3A_189 : memref<1000000xf32, #tpu.memory_space<hbm>>) dst(%dma_wait3A_185 : memref<128xf32, #tpu.memory_space<vmem>>)
    %dma_wait3A_192 = arith.constant 0 : i32
    %dma_wait3A_193 = arith.constant 0 : i32
    %dma_wait3A_194 = tpu.memref_slice %arg14[%dma_wait3A_193] : memref<512xf32, #tpu.memory_space<vmem>> -> memref<128xf32, #tpu.memory_space<vmem>>
    %dma_wait3A_195 = arith.constant 0 : i32
    %dma_wait3A_196 = tpu.memref_slice %arg10[%dma_wait3A_195] : memref<512xi32, #tpu.memory_space<vmem>> -> memref<128xi32, #tpu.memory_space<vmem>>
    %dma_wait3A_197 = arith.constant 0 : i32
    %dma_wait3A_198 = tpu.memref_slice %arg5[%dma_wait3A_197] : memref<1000000xf32, #tpu.memory_space<hbm>> -> memref<1000000xf32, #tpu.memory_space<hbm>>
    %dma_wait3A_199 = tpu.memref_slice %arg16[%dma_wait3A_192] : memref<4x!tpu.dma_semaphore, #tpu.memory_space<semaphore_mem>> -> memref<1x!tpu.dma_semaphore, #tpu.memory_space<semaphore_mem>>
    %dma_wait3A_200 = tpu.memref_squeeze %dma_wait3A_199 : memref<1x!tpu.dma_semaphore, #tpu.memory_space<semaphore_mem>> -> memref<!tpu.dma_semaphore, #tpu.memory_space<semaphore_mem>>
    tpu.wait_indirect_dma semaphore(%dma_wait3A_200 : memref<!tpu.dma_semaphore, #tpu.memory_space<semaphore_mem>>) src(%dma_wait3A_198 : memref<1000000xf32, #tpu.memory_space<hbm>>) dst(%dma_wait3A_194 : memref<128xf32, #tpu.memory_space<vmem>>)
    %scan3A = arith.constant 0 : i32
    %scan3A_201 = arith.constant 0 : i32
    %scan3A_202 = arith.constant 8 : i32
    %scan3A_203 = arith.addi %scan3A_201, %scan3A_202 : i32
    %scan3A_204 = arith.constant 1 : i32
    scf.for %scan3A_344 = %scan3A_201 to %scan3A_203 step %scan3A_204  : i32 {
      %broadcast_in_dim3A = arith.constant 0.000000e+00 : f32
      %broadcast_in_dim3A_345 = vector.broadcast %broadcast_in_dim3A : f32 to vector<16xf32>
      %mul3A_346 = arith.constant 16 : i32
      %mul3A_347 = arith.muli %scan3A_344, %mul3A_346 : i32
      %add3A_348 = arith.constant 0 : i32
      %add3A_349 = arith.addi %add3A_348, %mul3A_347 : i32
      %add3A_350 = arith.constant 0 : i32
      %add3A_351 = arith.addi %add3A_349, %add3A_350 : i32
      %get3A = arith.index_cast %add3A_351 : i32 to index
      %get3A_352 = arith.constant 0 : index
      %get3A_353 = tpu.vector_load %arg11[%get3A, %get3A_352] {strides = array<i32>} : memref<512x64xf32, #tpu.memory_space<vmem>>, vector<16xf32>,
      %get3A_354 = arith.index_cast %add3A_351 : i32 to index
      %get3A_355 = arith.constant 0 : index
      %get3A_356 = tpu.vector_load %arg12[%get3A_354, %get3A_355] {strides = array<i32>} : memref<512x64xf32, #tpu.memory_space<vmem>>, vector<16xf32>,
      %mul3A_357 = arith.mulf %get3A_353, %get3A_356 : vector<16xf32>
      %get3A_358 = arith.index_cast %add3A_351 : i32 to index
      %get3A_359 = arith.constant 16 : index
      %get3A_360 = tpu.vector_load %arg11[%get3A_358, %get3A_359] {strides = array<i32>} : memref<512x64xf32, #tpu.memory_space<vmem>>, vector<16xf32>,
      %get3A_361 = arith.index_cast %add3A_351 : i32 to index
      %get3A_362 = arith.constant 16 : index
      %get3A_363 = tpu.vector_load %arg12[%get3A_361, %get3A_362] {strides = array<i32>} : memref<512x64xf32, #tpu.memory_space<vmem>>, vector<16xf32>,
      %mul3A_364 = arith.mulf %get3A_360, %get3A_363 : vector<16xf32>
      %add3A_365 = arith.addf %mul3A_357, %mul3A_364 : vector<16xf32>
      %get3A_366 = arith.index_cast %add3A_351 : i32 to index
      %get3A_367 = arith.constant 32 : index
      %get3A_368 = tpu.vector_load %arg11[%get3A_366, %get3A_367] {strides = array<i32>} : memref<512x64xf32, #tpu.memory_space<vmem>>, vector<16xf32>,
      %get3A_369 = arith.index_cast %add3A_351 : i32 to index
      %get3A_370 = arith.constant 32 : index
      %get3A_371 = tpu.vector_load %arg12[%get3A_369, %get3A_370] {strides = array<i32>} : memref<512x64xf32, #tpu.memory_space<vmem>>, vector<16xf32>,
      %mul3A_372 = arith.mulf %get3A_368, %get3A_371 : vector<16xf32>
      %add3A_373 = arith.addf %add3A_365, %mul3A_372 : vector<16xf32>
      %get3A_374 = arith.index_cast %add3A_351 : i32 to index
      %get3A_375 = arith.constant 48 : index
      %get3A_376 = tpu.vector_load %arg11[%get3A_374, %get3A_375] {strides = array<i32>} : memref<512x64xf32, #tpu.memory_space<vmem>>, vector<16xf32>,
      %get3A_377 = arith.index_cast %add3A_351 : i32 to index
      %get3A_378 = arith.constant 48 : index
      %get3A_379 = tpu.vector_load %arg12[%get3A_377, %get3A_378] {strides = array<i32>} : memref<512x64xf32, #tpu.memory_space<vmem>>, vector<16xf32>,
      %mul3A_380 = arith.mulf %get3A_376, %get3A_379 : vector<16xf32>
      %add3A_381 = arith.addf %add3A_373, %mul3A_380 : vector<16xf32>
      %eq3A = arith.constant 0 : i32
      %eq3A_382 = vector.broadcast %eq3A : i32 to vector<16xi32>
      %eq3A_383 = arith.cmpi eq, %iota3A, %eq3A_382 : vector<16xi32>
      %reduce_sum3A = arith.constant true
      %reduce_sum3A_384 = vector.broadcast %reduce_sum3A : i1 to vector<16xi1>
      %reduce_sum3A_385 = tpu.scan <sum>, %add3A_381 masked %reduce_sum3A_384 : vector<16xf32>, vector<16xi1> -> vector<16xf32>
      %reduce_sum3A_386 = vector.extract %reduce_sum3A_385[15] : f32 from vector<16xf32>
      %broadcast_in_dim3A_387 = vector.broadcast %reduce_sum3A_386 : f32 to vector<16xf32>
      %select_n3A = arith.select %eq3A_383, %broadcast_in_dim3A_387, %broadcast_in_dim3A_345 : vector<16xi1>, vector<16xf32>
      %mul3A_388 = arith.constant 16 : i32
      %mul3A_389 = arith.muli %scan3A_344, %mul3A_388 : i32
      %add3A_390 = arith.constant 0 : i32
      %add3A_391 = arith.addi %add3A_390, %mul3A_389 : i32
      %add3A_392 = arith.constant 1 : i32
      %add3A_393 = arith.addi %add3A_391, %add3A_392 : i32
      %get3A_394 = arith.index_cast %add3A_393 : i32 to index
      %get3A_395 = arith.constant 0 : index
      %get3A_396 = tpu.vector_load %arg11[%get3A_394, %get3A_395] {strides = array<i32>} : memref<512x64xf32, #tpu.memory_space<vmem>>, vector<16xf32>,
      %get3A_397 = arith.index_cast %add3A_393 : i32 to index
      %get3A_398 = arith.constant 0 : index
      %get3A_399 = tpu.vector_load %arg12[%get3A_397, %get3A_398] {strides = array<i32>} : memref<512x64xf32, #tpu.memory_space<vmem>>, vector<16xf32>,
      %mul3A_400 = arith.mulf %get3A_396, %get3A_399 : vector<16xf32>
      %get3A_401 = arith.index_cast %add3A_393 : i32 to index
      %get3A_402 = arith.constant 16 : index
      %get3A_403 = tpu.vector_load %arg11[%get3A_401, %get3A_402] {strides = array<i32>} : memref<512x64xf32, #tpu.memory_space<vmem>>, vector<16xf32>,
      %get3A_404 = arith.index_cast %add3A_393 : i32 to index
      %get3A_405 = arith.constant 16 : index
      %get3A_406 = tpu.vector_load %arg12[%get3A_404, %get3A_405] {strides = array<i32>} : memref<512x64xf32, #tpu.memory_space<vmem>>, vector<16xf32>,
      %mul3A_407 = arith.mulf %get3A_403, %get3A_406 : vector<16xf32>
      %add3A_408 = arith.addf %mul3A_400, %mul3A_407 : vector<16xf32>
      %get3A_409 = arith.index_cast %add3A_393 : i32 to index
      %get3A_410 = arith.constant 32 : index
      %get3A_411 = tpu.vector_load %arg11[%get3A_409, %get3A_410] {strides = array<i32>} : memref<512x64xf32, #tpu.memory_space<vmem>>, vector<16xf32>,
      %get3A_412 = arith.index_cast %add3A_393 : i32 to index
      %get3A_413 = arith.constant 32 : index
      %get3A_414 = tpu.vector_load %arg12[%get3A_412, %get3A_413] {strides = array<i32>} : memref<512x64xf32, #tpu.memory_space<vmem>>, vector<16xf32>,
      %mul3A_415 = arith.mulf %get3A_411, %get3A_414 : vector<16xf32>
      %add3A_416 = arith.addf %add3A_408, %mul3A_415 : vector<16xf32>
      %get3A_417 = arith.index_cast %add3A_393 : i32 to index
      %get3A_418 = arith.constant 48 : index
      %get3A_419 = tpu.vector_load %arg11[%get3A_417, %get3A_418] {strides = array<i32>} : memref<512x64xf32, #tpu.memory_space<vmem>>, vector<16xf32>,
      %get3A_420 = arith.index_cast %add3A_393 : i32 to index
      %get3A_421 = arith.constant 48 : index
      %get3A_422 = tpu.vector_load %arg12[%get3A_420, %get3A_421] {strides = array<i32>} : memref<512x64xf32, #tpu.memory_space<vmem>>, vector<16xf32>,
      %mul3A_423 = arith.mulf %get3A_419, %get3A_422 : vector<16xf32>
      %add3A_424 = arith.addf %add3A_416, %mul3A_423 : vector<16xf32>
      %eq3A_425 = arith.constant 1 : i32
      %eq3A_426 = vector.broadcast %eq3A_425 : i32 to vector<16xi32>
      %eq3A_427 = arith.cmpi eq, %iota3A, %eq3A_426 : vector<16xi32>
      %reduce_sum3A_428 = arith.constant true
      %reduce_sum3A_429 = vector.broadcast %reduce_sum3A_428 : i1 to vector<16xi1>
      %reduce_sum3A_430 = tpu.scan <sum>, %add3A_424 masked %reduce_sum3A_429 : vector<16xf32>, vector<16xi1> -> vector<16xf32>
      %reduce_sum3A_431 = vector.extract %reduce_sum3A_430[15] : f32 from vector<16xf32>
      %broadcast_in_dim3A_432 = vector.broadcast %reduce_sum3A_431 : f32 to vector<16xf32>
      %select_n3A_433 = arith.select %eq3A_427, %broadcast_in_dim3A_432, %select_n3A : vector<16xi1>, vector<16xf32>
      %mul3A_434 = arith.constant 16 : i32
      %mul3A_435 = arith.muli %scan3A_344, %mul3A_434 : i32
      %add3A_436 = arith.constant 0 : i32
      %add3A_437 = arith.addi %add3A_436, %mul3A_435 : i32
      %add3A_438 = arith.constant 2 : i32
      %add3A_439 = arith.addi %add3A_437, %add3A_438 : i32
      %get3A_440 = arith.index_cast %add3A_439 : i32 to index
      %get3A_441 = arith.constant 0 : index
      %get3A_442 = tpu.vector_load %arg11[%get3A_440, %get3A_441] {strides = array<i32>} : memref<512x64xf32, #tpu.memory_space<vmem>>, vector<16xf32>,
      %get3A_443 = arith.index_cast %add3A_439 : i32 to index
      %get3A_444 = arith.constant 0 : index
      %get3A_445 = tpu.vector_load %arg12[%get3A_443, %get3A_444] {strides = array<i32>} : memref<512x64xf32, #tpu.memory_space<vmem>>, vector<16xf32>,
      %mul3A_446 = arith.mulf %get3A_442, %get3A_445 : vector<16xf32>
      %get3A_447 = arith.index_cast %add3A_439 : i32 to index
      %get3A_448 = arith.constant 16 : index
      %get3A_449 = tpu.vector_load %arg11[%get3A_447, %get3A_448] {strides = array<i32>} : memref<512x64xf32, #tpu.memory_space<vmem>>, vector<16xf32>,
      %get3A_450 = arith.index_cast %add3A_439 : i32 to index
      %get3A_451 = arith.constant 16 : index
      %get3A_452 = tpu.vector_load %arg12[%get3A_450, %get3A_451] {strides = array<i32>} : memref<512x64xf32, #tpu.memory_space<vmem>>, vector<16xf32>,
      %mul3A_453 = arith.mulf %get3A_449, %get3A_452 : vector<16xf32>
      %add3A_454 = arith.addf %mul3A_446, %mul3A_453 : vector<16xf32>
      %get3A_455 = arith.index_cast %add3A_439 : i32 to index
      %get3A_456 = arith.constant 32 : index
      %get3A_457 = tpu.vector_load %arg11[%get3A_455, %get3A_456] {strides = array<i32>} : memref<512x64xf32, #tpu.memory_space<vmem>>, vector<16xf32>,
      %get3A_458 = arith.index_cast %add3A_439 : i32 to index
      %get3A_459 = arith.constant 32 : index
      %get3A_460 = tpu.vector_load %arg12[%get3A_458, %get3A_459] {strides = array<i32>} : memref<512x64xf32, #tpu.memory_space<vmem>>, vector<16xf32>,
      %mul3A_461 = arith.mulf %get3A_457, %get3A_460 : vector<16xf32>
      %add3A_462 = arith.addf %add3A_454, %mul3A_461 : vector<16xf32>
      %get3A_463 = arith.index_cast %add3A_439 : i32 to index
      %get3A_464 = arith.constant 48 : index
      %get3A_465 = tpu.vector_load %arg11[%get3A_463, %get3A_464] {strides = array<i32>} : memref<512x64xf32, #tpu.memory_space<vmem>>, vector<16xf32>,
      %get3A_466 = arith.index_cast %add3A_439 : i32 to index
      %get3A_467 = arith.constant 48 : index
      %get3A_468 = tpu.vector_load %arg12[%get3A_466, %get3A_467] {strides = array<i32>} : memref<512x64xf32, #tpu.memory_space<vmem>>, vector<16xf32>,
      %mul3A_469 = arith.mulf %get3A_465, %get3A_468 : vector<16xf32>
      %add3A_470 = arith.addf %add3A_462, %mul3A_469 : vector<16xf32>
      %eq3A_471 = arith.constant 2 : i32
      %eq3A_472 = vector.broadcast %eq3A_471 : i32 to vector<16xi32>
      %eq3A_473 = arith.cmpi eq, %iota3A, %eq3A_472 : vector<16xi32>
      %reduce_sum3A_474 = arith.constant true
      %reduce_sum3A_475 = vector.broadcast %reduce_sum3A_474 : i1 to vector<16xi1>
      %reduce_sum3A_476 = tpu.scan <sum>, %add3A_470 masked %reduce_sum3A_475 : vector<16xf32>, vector<16xi1> -> vector<16xf32>
      %reduce_sum3A_477 = vector.extract %reduce_sum3A_476[15] : f32 from vector<16xf32>
      %broadcast_in_dim3A_478 = vector.broadcast %reduce_sum3A_477 : f32 to vector<16xf32>
      %select_n3A_479 = arith.select %eq3A_473, %broadcast_in_dim3A_478, %select_n3A_433 : vector<16xi1>, vector<16xf32>
      %mul3A_480 = arith.constant 16 : i32
      %mul3A_481 = arith.muli %scan3A_344, %mul3A_480 : i32
      %add3A_482 = arith.constant 0 : i32
      %add3A_483 = arith.addi %add3A_482, %mul3A_481 : i32
      %add3A_484 = arith.constant 3 : i32
      %add3A_485 = arith.addi %add3A_483, %add3A_484 : i32
      %get3A_486 = arith.index_cast %add3A_485 : i32 to index
      %get3A_487 = arith.constant 0 : index
      %get3A_488 = tpu.vector_load %arg11[%get3A_486, %get3A_487] {strides = array<i32>} : memref<512x64xf32, #tpu.memory_space<vmem>>, vector<16xf32>,
      %get3A_489 = arith.index_cast %add3A_485 : i32 to index
      %get3A_490 = arith.constant 0 : index
      %get3A_491 = tpu.vector_load %arg12[%get3A_489, %get3A_490] {strides = array<i32>} : memref<512x64xf32, #tpu.memory_space<vmem>>, vector<16xf32>,
      %mul3A_492 = arith.mulf %get3A_488, %get3A_491 : vector<16xf32>
      %get3A_493 = arith.index_cast %add3A_485 : i32 to index
      %get3A_494 = arith.constant 16 : index
      %get3A_495 = tpu.vector_load %arg11[%get3A_493, %get3A_494] {strides = array<i32>} : memref<512x64xf32, #tpu.memory_space<vmem>>, vector<16xf32>,
      %get3A_496 = arith.index_cast %add3A_485 : i32 to index
      %get3A_497 = arith.constant 16 : index
      %get3A_498 = tpu.vector_load %arg12[%get3A_496, %get3A_497] {strides = array<i32>} : memref<512x64xf32, #tpu.memory_space<vmem>>, vector<16xf32>,
      %mul3A_499 = arith.mulf %get3A_495, %get3A_498 : vector<16xf32>
      %add3A_500 = arith.addf %mul3A_492, %mul3A_499 : vector<16xf32>
      %get3A_501 = arith.index_cast %add3A_485 : i32 to index
      %get3A_502 = arith.constant 32 : index
      %get3A_503 = tpu.vector_load %arg11[%get3A_501, %get3A_502] {strides = array<i32>} : memref<512x64xf32, #tpu.memory_space<vmem>>, vector<16xf32>,
      %get3A_504 = arith.index_cast %add3A_485 : i32 to index
      %get3A_505 = arith.constant 32 : index
      %get3A_506 = tpu.vector_load %arg12[%get3A_504, %get3A_505] {strides = array<i32>} : memref<512x64xf32, #tpu.memory_space<vmem>>, vector<16xf32>,
      %mul3A_507 = arith.mulf %get3A_503, %get3A_506 : vector<16xf32>
      %add3A_508 = arith.addf %add3A_500, %mul3A_507 : vector<16xf32>
      %get3A_509 = arith.index_cast %add3A_485 : i32 to index
      %get3A_510 = arith.constant 48 : index
      %get3A_511 = tpu.vector_load %arg11[%get3A_509, %get3A_510] {strides = array<i32>} : memref<512x64xf32, #tpu.memory_space<vmem>>, vector<16xf32>,
      %get3A_512 = arith.index_cast %add3A_485 : i32 to index
      %get3A_513 = arith.constant 48 : index
      %get3A_514 = tpu.vector_load %arg12[%get3A_512, %get3A_513] {strides = array<i32>} : memref<512x64xf32, #tpu.memory_space<vmem>>, vector<16xf32>,
      %mul3A_515 = arith.mulf %get3A_511, %get3A_514 : vector<16xf32>
      %add3A_516 = arith.addf %add3A_508, %mul3A_515 : vector<16xf32>
      %eq3A_517 = arith.constant 3 : i32
      %eq3A_518 = vector.broadcast %eq3A_517 : i32 to vector<16xi32>
      %eq3A_519 = arith.cmpi eq, %iota3A, %eq3A_518 : vector<16xi32>
      %reduce_sum3A_520 = arith.constant true
      %reduce_sum3A_521 = vector.broadcast %reduce_sum3A_520 : i1 to vector<16xi1>
      %reduce_sum3A_522 = tpu.scan <sum>, %add3A_516 masked %reduce_sum3A_521 : vector<16xf32>, vector<16xi1> -> vector<16xf32>
      %reduce_sum3A_523 = vector.extract %reduce_sum3A_522[15] : f32 from vector<16xf32>
      %broadcast_in_dim3A_524 = vector.broadcast %reduce_sum3A_523 : f32 to vector<16xf32>
      %select_n3A_525 = arith.select %eq3A_519, %broadcast_in_dim3A_524, %select_n3A_479 : vector<16xi1>, vector<16xf32>
      %mul3A_526 = arith.constant 16 : i32
      %mul3A_527 = arith.muli %scan3A_344, %mul3A_526 : i32
      %add3A_528 = arith.constant 0 : i32
      %add3A_529 = arith.addi %add3A_528, %mul3A_527 : i32
      %add3A_530 = arith.constant 4 : i32
      %add3A_531 = arith.addi %add3A_529, %add3A_530 : i32
      %get3A_532 = arith.index_cast %add3A_531 : i32 to index
      %get3A_533 = arith.constant 0 : index
      %get3A_534 = tpu.vector_load %arg11[%get3A_532, %get3A_533] {strides = array<i32>} : memref<512x64xf32, #tpu.memory_space<vmem>>, vector<16xf32>,
      %get3A_535 = arith.index_cast %add3A_531 : i32 to index
      %get3A_536 = arith.constant 0 : index
      %get3A_537 = tpu.vector_load %arg12[%get3A_535, %get3A_536] {strides = array<i32>} : memref<512x64xf32, #tpu.memory_space<vmem>>, vector<16xf32>,
      %mul3A_538 = arith.mulf %get3A_534, %get3A_537 : vector<16xf32>
      %get3A_539 = arith.index_cast %add3A_531 : i32 to index
      %get3A_540 = arith.constant 16 : index
      %get3A_541 = tpu.vector_load %arg11[%get3A_539, %get3A_540] {strides = array<i32>} : memref<512x64xf32, #tpu.memory_space<vmem>>, vector<16xf32>,
      %get3A_542 = arith.index_cast %add3A_531 : i32 to index
      %get3A_543 = arith.constant 16 : index
      %get3A_544 = tpu.vector_load %arg12[%get3A_542, %get3A_543] {strides = array<i32>} : memref<512x64xf32, #tpu.memory_space<vmem>>, vector<16xf32>,
      %mul3A_545 = arith.mulf %get3A_541, %get3A_544 : vector<16xf32>
      %add3A_546 = arith.addf %mul3A_538, %mul3A_545 : vector<16xf32>
      %get3A_547 = arith.index_cast %add3A_531 : i32 to index
      %get3A_548 = arith.constant 32 : index
      %get3A_549 = tpu.vector_load %arg11[%get3A_547, %get3A_548] {strides = array<i32>} : memref<512x64xf32, #tpu.memory_space<vmem>>, vector<16xf32>,
      %get3A_550 = arith.index_cast %add3A_531 : i32 to index
      %get3A_551 = arith.constant 32 : index
      %get3A_552 = tpu.vector_load %arg12[%get3A_550, %get3A_551] {strides = array<i32>} : memref<512x64xf32, #tpu.memory_space<vmem>>, vector<16xf32>,
      %mul3A_553 = arith.mulf %get3A_549, %get3A_552 : vector<16xf32>
      %add3A_554 = arith.addf %add3A_546, %mul3A_553 : vector<16xf32>
      %get3A_555 = arith.index_cast %add3A_531 : i32 to index
      %get3A_556 = arith.constant 48 : index
      %get3A_557 = tpu.vector_load %arg11[%get3A_555, %get3A_556] {strides = array<i32>} : memref<512x64xf32, #tpu.memory_space<vmem>>, vector<16xf32>,
      %get3A_558 = arith.index_cast %add3A_531 : i32 to index
      %get3A_559 = arith.constant 48 : index
      %get3A_560 = tpu.vector_load %arg12[%get3A_558, %get3A_559] {strides = array<i32>} : memref<512x64xf32, #tpu.memory_space<vmem>>, vector<16xf32>,
      %mul3A_561 = arith.mulf %get3A_557, %get3A_560 : vector<16xf32>
      %add3A_562 = arith.addf %add3A_554, %mul3A_561 : vector<16xf32>
      %eq3A_563 = arith.constant 4 : i32
      %eq3A_564 = vector.broadcast %eq3A_563 : i32 to vector<16xi32>
      %eq3A_565 = arith.cmpi eq, %iota3A, %eq3A_564 : vector<16xi32>
      %reduce_sum3A_566 = arith.constant true
      %reduce_sum3A_567 = vector.broadcast %reduce_sum3A_566 : i1 to vector<16xi1>
      %reduce_sum3A_568 = tpu.scan <sum>, %add3A_562 masked %reduce_sum3A_567 : vector<16xf32>, vector<16xi1> -> vector<16xf32>
      %reduce_sum3A_569 = vector.extract %reduce_sum3A_568[15] : f32 from vector<16xf32>
      %broadcast_in_dim3A_570 = vector.broadcast %reduce_sum3A_569 : f32 to vector<16xf32>
      %select_n3A_571 = arith.select %eq3A_565, %broadcast_in_dim3A_570, %select_n3A_525 : vector<16xi1>, vector<16xf32>
      %mul3A_572 = arith.constant 16 : i32
      %mul3A_573 = arith.muli %scan3A_344, %mul3A_572 : i32
      %add3A_574 = arith.constant 0 : i32
      %add3A_575 = arith.addi %add3A_574, %mul3A_573 : i32
      %add3A_576 = arith.constant 5 : i32
      %add3A_577 = arith.addi %add3A_575, %add3A_576 : i32
      %get3A_578 = arith.index_cast %add3A_577 : i32 to index
      %get3A_579 = arith.constant 0 : index
      %get3A_580 = tpu.vector_load %arg11[%get3A_578, %get3A_579] {strides = array<i32>} : memref<512x64xf32, #tpu.memory_space<vmem>>, vector<16xf32>,
      %get3A_581 = arith.index_cast %add3A_577 : i32 to index
      %get3A_582 = arith.constant 0 : index
      %get3A_583 = tpu.vector_load %arg12[%get3A_581, %get3A_582] {strides = array<i32>} : memref<512x64xf32, #tpu.memory_space<vmem>>, vector<16xf32>,
      %mul3A_584 = arith.mulf %get3A_580, %get3A_583 : vector<16xf32>
      %get3A_585 = arith.index_cast %add3A_577 : i32 to index
      %get3A_586 = arith.constant 16 : index
      %get3A_587 = tpu.vector_load %arg11[%get3A_585, %get3A_586] {strides = array<i32>} : memref<512x64xf32, #tpu.memory_space<vmem>>, vector<16xf32>,
      %get3A_588 = arith.index_cast %add3A_577 : i32 to index
      %get3A_589 = arith.constant 16 : index
      %get3A_590 = tpu.vector_load %arg12[%get3A_588, %get3A_589] {strides = array<i32>} : memref<512x64xf32, #tpu.memory_space<vmem>>, vector<16xf32>,
      %mul3A_591 = arith.mulf %get3A_587, %get3A_590 : vector<16xf32>
      %add3A_592 = arith.addf %mul3A_584, %mul3A_591 : vector<16xf32>
      %get3A_593 = arith.index_cast %add3A_577 : i32 to index
      %get3A_594 = arith.constant 32 : index
      %get3A_595 = tpu.vector_load %arg11[%get3A_593, %get3A_594] {strides = array<i32>} : memref<512x64xf32, #tpu.memory_space<vmem>>, vector<16xf32>,
      %get3A_596 = arith.index_cast %add3A_577 : i32 to index
      %get3A_597 = arith.constant 32 : index
      %get3A_598 = tpu.vector_load %arg12[%get3A_596, %get3A_597] {strides = array<i32>} : memref<512x64xf32, #tpu.memory_space<vmem>>, vector<16xf32>,
      %mul3A_599 = arith.mulf %get3A_595, %get3A_598 : vector<16xf32>
      %add3A_600 = arith.addf %add3A_592, %mul3A_599 : vector<16xf32>
      %get3A_601 = arith.index_cast %add3A_577 : i32 to index
      %get3A_602 = arith.constant 48 : index
      %get3A_603 = tpu.vector_load %arg11[%get3A_601, %get3A_602] {strides = array<i32>} : memref<512x64xf32, #tpu.memory_space<vmem>>, vector<16xf32>,
      %get3A_604 = arith.index_cast %add3A_577 : i32 to index
      %get3A_605 = arith.constant 48 : index
      %get3A_606 = tpu.vector_load %arg12[%get3A_604, %get3A_605] {strides = array<i32>} : memref<512x64xf32, #tpu.memory_space<vmem>>, vector<16xf32>,
      %mul3A_607 = arith.mulf %get3A_603, %get3A_606 : vector<16xf32>
      %add3A_608 = arith.addf %add3A_600, %mul3A_607 : vector<16xf32>
      %eq3A_609 = arith.constant 5 : i32
      %eq3A_610 = vector.broadcast %eq3A_609 : i32 to vector<16xi32>
      %eq3A_611 = arith.cmpi eq, %iota3A, %eq3A_610 : vector<16xi32>
      %reduce_sum3A_612 = arith.constant true
      %reduce_sum3A_613 = vector.broadcast %reduce_sum3A_612 : i1 to vector<16xi1>
      %reduce_sum3A_614 = tpu.scan <sum>, %add3A_608 masked %reduce_sum3A_613 : vector<16xf32>, vector<16xi1> -> vector<16xf32>
      %reduce_sum3A_615 = vector.extract %reduce_sum3A_614[15] : f32 from vector<16xf32>
      %broadcast_in_dim3A_616 = vector.broadcast %reduce_sum3A_615 : f32 to vector<16xf32>
      %select_n3A_617 = arith.select %eq3A_611, %broadcast_in_dim3A_616, %select_n3A_571 : vector<16xi1>, vector<16xf32>
      %mul3A_618 = arith.constant 16 : i32
      %mul3A_619 = arith.muli %scan3A_344, %mul3A_618 : i32
      %add3A_620 = arith.constant 0 : i32
      %add3A_621 = arith.addi %add3A_620, %mul3A_619 : i32
      %add3A_622 = arith.constant 6 : i32
      %add3A_623 = arith.addi %add3A_621, %add3A_622 : i32
      %get3A_624 = arith.index_cast %add3A_623 : i32 to index
      %get3A_625 = arith.constant 0 : index
      %get3A_626 = tpu.vector_load %arg11[%get3A_624, %get3A_625] {strides = array<i32>} : memref<512x64xf32, #tpu.memory_space<vmem>>, vector<16xf32>,
      %get3A_627 = arith.index_cast %add3A_623 : i32 to index
      %get3A_628 = arith.constant 0 : index
      %get3A_629 = tpu.vector_load %arg12[%get3A_627, %get3A_628] {strides = array<i32>} : memref<512x64xf32, #tpu.memory_space<vmem>>, vector<16xf32>,
      %mul3A_630 = arith.mulf %get3A_626, %get3A_629 : vector<16xf32>
      %get3A_631 = arith.index_cast %add3A_623 : i32 to index
      %get3A_632 = arith.constant 16 : index
      %get3A_633 = tpu.vector_load %arg11[%get3A_631, %get3A_632] {strides = array<i32>} : memref<512x64xf32, #tpu.memory_space<vmem>>, vector<16xf32>,
      %get3A_634 = arith.index_cast %add3A_623 : i32 to index
      %get3A_635 = arith.constant 16 : index
      %get3A_636 = tpu.vector_load %arg12[%get3A_634, %get3A_635] {strides = array<i32>} : memref<512x64xf32, #tpu.memory_space<vmem>>, vector<16xf32>,
      %mul3A_637 = arith.mulf %get3A_633, %get3A_636 : vector<16xf32>
      %add3A_638 = arith.addf %mul3A_630, %mul3A_637 : vector<16xf32>
      %get3A_639 = arith.index_cast %add3A_623 : i32 to index
      %get3A_640 = arith.constant 32 : index
      %get3A_641 = tpu.vector_load %arg11[%get3A_639, %get3A_640] {strides = array<i32>} : memref<512x64xf32, #tpu.memory_space<vmem>>, vector<16xf32>,
      %get3A_642 = arith.index_cast %add3A_623 : i32 to index
      %get3A_643 = arith.constant 32 : index
      %get3A_644 = tpu.vector_load %arg12[%get3A_642, %get3A_643] {strides = array<i32>} : memref<512x64xf32, #tpu.memory_space<vmem>>, vector<16xf32>,
      %mul3A_645 = arith.mulf %get3A_641, %get3A_644 : vector<16xf32>
      %add3A_646 = arith.addf %add3A_638, %mul3A_645 : vector<16xf32>
      %get3A_647 = arith.index_cast %add3A_623 : i32 to index
      %get3A_648 = arith.constant 48 : index
      %get3A_649 = tpu.vector_load %arg11[%get3A_647, %get3A_648] {strides = array<i32>} : memref<512x64xf32, #tpu.memory_space<vmem>>, vector<16xf32>,
      %get3A_650 = arith.index_cast %add3A_623 : i32 to index
      %get3A_651 = arith.constant 48 : index
      %get3A_652 = tpu.vector_load %arg12[%get3A_650, %get3A_651] {strides = array<i32>} : memref<512x64xf32, #tpu.memory_space<vmem>>, vector<16xf32>,
      %mul3A_653 = arith.mulf %get3A_649, %get3A_652 : vector<16xf32>
      %add3A_654 = arith.addf %add3A_646, %mul3A_653 : vector<16xf32>
      %eq3A_655 = arith.constant 6 : i32
      %eq3A_656 = vector.broadcast %eq3A_655 : i32 to vector<16xi32>
      %eq3A_657 = arith.cmpi eq, %iota3A, %eq3A_656 : vector<16xi32>
      %reduce_sum3A_658 = arith.constant true
      %reduce_sum3A_659 = vector.broadcast %reduce_sum3A_658 : i1 to vector<16xi1>
      %reduce_sum3A_660 = tpu.scan <sum>, %add3A_654 masked %reduce_sum3A_659 : vector<16xf32>, vector<16xi1> -> vector<16xf32>
      %reduce_sum3A_661 = vector.extract %reduce_sum3A_660[15] : f32 from vector<16xf32>
      %broadcast_in_dim3A_662 = vector.broadcast %reduce_sum3A_661 : f32 to vector<16xf32>
      %select_n3A_663 = arith.select %eq3A_657, %broadcast_in_dim3A_662, %select_n3A_617 : vector<16xi1>, vector<16xf32>
      %mul3A_664 = arith.constant 16 : i32
      %mul3A_665 = arith.muli %scan3A_344, %mul3A_664 : i32
      %add3A_666 = arith.constant 0 : i32
      %add3A_667 = arith.addi %add3A_666, %mul3A_665 : i32
      %add3A_668 = arith.constant 7 : i32
      %add3A_669 = arith.addi %add3A_667, %add3A_668 : i32
      %get3A_670 = arith.index_cast %add3A_669 : i32 to index
      %get3A_671 = arith.constant 0 : index
      %get3A_672 = tpu.vector_load %arg11[%get3A_670, %get3A_671] {strides = array<i32>} : memref<512x64xf32, #tpu.memory_space<vmem>>, vector<16xf32>,
      %get3A_673 = arith.index_cast %add3A_669 : i32 to index
      %get3A_674 = arith.constant 0 : index
      %get3A_675 = tpu.vector_load %arg12[%get3A_673, %get3A_674] {strides = array<i32>} : memref<512x64xf32, #tpu.memory_space<vmem>>, vector<16xf32>,
      %mul3A_676 = arith.mulf %get3A_672, %get3A_675 : vector<16xf32>
      %get3A_677 = arith.index_cast %add3A_669 : i32 to index
      %get3A_678 = arith.constant 16 : index
      %get3A_679 = tpu.vector_load %arg11[%get3A_677, %get3A_678] {strides = array<i32>} : memref<512x64xf32, #tpu.memory_space<vmem>>, vector<16xf32>,
      %get3A_680 = arith.index_cast %add3A_669 : i32 to index
      %get3A_681 = arith.constant 16 : index
      %get3A_682 = tpu.vector_load %arg12[%get3A_680, %get3A_681] {strides = array<i32>} : memref<512x64xf32, #tpu.memory_space<vmem>>, vector<16xf32>,
      %mul3A_683 = arith.mulf %get3A_679, %get3A_682 : vector<16xf32>
      %add3A_684 = arith.addf %mul3A_676, %mul3A_683 : vector<16xf32>
      %get3A_685 = arith.index_cast %add3A_669 : i32 to index
      %get3A_686 = arith.constant 32 : index
      %get3A_687 = tpu.vector_load %arg11[%get3A_685, %get3A_686] {strides = array<i32>} : memref<512x64xf32, #tpu.memory_space<vmem>>, vector<16xf32>,
      %get3A_688 = arith.index_cast %add3A_669 : i32 to index
      %get3A_689 = arith.constant 32 : index
      %get3A_690 = tpu.vector_load %arg12[%get3A_688, %get3A_689] {strides = array<i32>} : memref<512x64xf32, #tpu.memory_space<vmem>>, vector<16xf32>,
      %mul3A_691 = arith.mulf %get3A_687, %get3A_690 : vector<16xf32>
      %add3A_692 = arith.addf %add3A_684, %mul3A_691 : vector<16xf32>
      %get3A_693 = arith.index_cast %add3A_669 : i32 to index
      %get3A_694 = arith.constant 48 : index
      %get3A_695 = tpu.vector_load %arg11[%get3A_693, %get3A_694] {strides = array<i32>} : memref<512x64xf32, #tpu.memory_space<vmem>>, vector<16xf32>,
      %get3A_696 = arith.index_cast %add3A_669 : i32 to index
      %get3A_697 = arith.constant 48 : index
      %get3A_698 = tpu.vector_load %arg12[%get3A_696, %get3A_697] {strides = array<i32>} : memref<512x64xf32, #tpu.memory_space<vmem>>, vector<16xf32>,
      %mul3A_699 = arith.mulf %get3A_695, %get3A_698 : vector<16xf32>
      %add3A_700 = arith.addf %add3A_692, %mul3A_699 : vector<16xf32>
      %eq3A_701 = arith.constant 7 : i32
      %eq3A_702 = vector.broadcast %eq3A_701 : i32 to vector<16xi32>
      %eq3A_703 = arith.cmpi eq, %iota3A, %eq3A_702 : vector<16xi32>
      %reduce_sum3A_704 = arith.constant true
      %reduce_sum3A_705 = vector.broadcast %reduce_sum3A_704 : i1 to vector<16xi1>
      %reduce_sum3A_706 = tpu.scan <sum>, %add3A_700 masked %reduce_sum3A_705 : vector<16xf32>, vector<16xi1> -> vector<16xf32>
      %reduce_sum3A_707 = vector.extract %reduce_sum3A_706[15] : f32 from vector<16xf32>
      %broadcast_in_dim3A_708 = vector.broadcast %reduce_sum3A_707 : f32 to vector<16xf32>
      %select_n3A_709 = arith.select %eq3A_703, %broadcast_in_dim3A_708, %select_n3A_663 : vector<16xi1>, vector<16xf32>
      %mul3A_710 = arith.constant 16 : i32
      %mul3A_711 = arith.muli %scan3A_344, %mul3A_710 : i32
      %add3A_712 = arith.constant 0 : i32
      %add3A_713 = arith.addi %add3A_712, %mul3A_711 : i32
      %add3A_714 = arith.constant 8 : i32
      %add3A_715 = arith.addi %add3A_713, %add3A_714 : i32
      %get3A_716 = arith.index_cast %add3A_715 : i32 to index
      %get3A_717 = arith.constant 0 : index
      %get3A_718 = tpu.vector_load %arg11[%get3A_716, %get3A_717] {strides = array<i32>} : memref<512x64xf32, #tpu.memory_space<vmem>>, vector<16xf32>,
      %get3A_719 = arith.index_cast %add3A_715 : i32 to index
      %get3A_720 = arith.constant 0 : index
      %get3A_721 = tpu.vector_load %arg12[%get3A_719, %get3A_720] {strides = array<i32>} : memref<512x64xf32, #tpu.memory_space<vmem>>, vector<16xf32>,
      %mul3A_722 = arith.mulf %get3A_718, %get3A_721 : vector<16xf32>
      %get3A_723 = arith.index_cast %add3A_715 : i32 to index
      %get3A_724 = arith.constant 16 : index
      %get3A_725 = tpu.vector_load %arg11[%get3A_723, %get3A_724] {strides = array<i32>} : memref<512x64xf32, #tpu.memory_space<vmem>>, vector<16xf32>,
      %get3A_726 = arith.index_cast %add3A_715 : i32 to index
      %get3A_727 = arith.constant 16 : index
      %get3A_728 = tpu.vector_load %arg12[%get3A_726, %get3A_727] {strides = array<i32>} : memref<512x64xf32, #tpu.memory_space<vmem>>, vector<16xf32>,
      %mul3A_729 = arith.mulf %get3A_725, %get3A_728 : vector<16xf32>
      %add3A_730 = arith.addf %mul3A_722, %mul3A_729 : vector<16xf32>
      %get3A_731 = arith.index_cast %add3A_715 : i32 to index
      %get3A_732 = arith.constant 32 : index
      %get3A_733 = tpu.vector_load %arg11[%get3A_731, %get3A_732] {strides = array<i32>} : memref<512x64xf32, #tpu.memory_space<vmem>>, vector<16xf32>,
      %get3A_734 = arith.index_cast %add3A_715 : i32 to index
      %get3A_735 = arith.constant 32 : index
      %get3A_736 = tpu.vector_load %arg12[%get3A_734, %get3A_735] {strides = array<i32>} : memref<512x64xf32, #tpu.memory_space<vmem>>, vector<16xf32>,
      %mul3A_737 = arith.mulf %get3A_733, %get3A_736 : vector<16xf32>
      %add3A_738 = arith.addf %add3A_730, %mul3A_737 : vector<16xf32>
      %get3A_739 = arith.index_cast %add3A_715 : i32 to index
      %get3A_740 = arith.constant 48 : index
      %get3A_741 = tpu.vector_load %arg11[%get3A_739, %get3A_740] {strides = array<i32>} : memref<512x64xf32, #tpu.memory_space<vmem>>, vector<16xf32>,
      %get3A_742 = arith.index_cast %add3A_715 : i32 to index
      %get3A_743 = arith.constant 48 : index
      %get3A_744 = tpu.vector_load %arg12[%get3A_742, %get3A_743] {strides = array<i32>} : memref<512x64xf32, #tpu.memory_space<vmem>>, vector<16xf32>,
      %mul3A_745 = arith.mulf %get3A_741, %get3A_744 : vector<16xf32>
      %add3A_746 = arith.addf %add3A_738, %mul3A_745 : vector<16xf32>
      %eq3A_747 = arith.constant 8 : i32
      %eq3A_748 = vector.broadcast %eq3A_747 : i32 to vector<16xi32>
      %eq3A_749 = arith.cmpi eq, %iota3A, %eq3A_748 : vector<16xi32>
      %reduce_sum3A_750 = arith.constant true
      %reduce_sum3A_751 = vector.broadcast %reduce_sum3A_750 : i1 to vector<16xi1>
      %reduce_sum3A_752 = tpu.scan <sum>, %add3A_746 masked %reduce_sum3A_751 : vector<16xf32>, vector<16xi1> -> vector<16xf32>
      %reduce_sum3A_753 = vector.extract %reduce_sum3A_752[15] : f32 from vector<16xf32>
      %broadcast_in_dim3A_754 = vector.broadcast %reduce_sum3A_753 : f32 to vector<16xf32>
      %select_n3A_755 = arith.select %eq3A_749, %broadcast_in_dim3A_754, %select_n3A_709 : vector<16xi1>, vector<16xf32>
      %mul3A_756 = arith.constant 16 : i32
      %mul3A_757 = arith.muli %scan3A_344, %mul3A_756 : i32
      %add3A_758 = arith.constant 0 : i32
      %add3A_759 = arith.addi %add3A_758, %mul3A_757 : i32
      %add3A_760 = arith.constant 9 : i32
      %add3A_761 = arith.addi %add3A_759, %add3A_760 : i32
      %get3A_762 = arith.index_cast %add3A_761 : i32 to index
      %get3A_763 = arith.constant 0 : index
      %get3A_764 = tpu.vector_load %arg11[%get3A_762, %get3A_763] {strides = array<i32>} : memref<512x64xf32, #tpu.memory_space<vmem>>, vector<16xf32>,
      %get3A_765 = arith.index_cast %add3A_761 : i32 to index
      %get3A_766 = arith.constant 0 : index
      %get3A_767 = tpu.vector_load %arg12[%get3A_765, %get3A_766] {strides = array<i32>} : memref<512x64xf32, #tpu.memory_space<vmem>>, vector<16xf32>,
      %mul3A_768 = arith.mulf %get3A_764, %get3A_767 : vector<16xf32>
      %get3A_769 = arith.index_cast %add3A_761 : i32 to index
      %get3A_770 = arith.constant 16 : index
      %get3A_771 = tpu.vector_load %arg11[%get3A_769, %get3A_770] {strides = array<i32>} : memref<512x64xf32, #tpu.memory_space<vmem>>, vector<16xf32>,
      %get3A_772 = arith.index_cast %add3A_761 : i32 to index
      %get3A_773 = arith.constant 16 : index
      %get3A_774 = tpu.vector_load %arg12[%get3A_772, %get3A_773] {strides = array<i32>} : memref<512x64xf32, #tpu.memory_space<vmem>>, vector<16xf32>,
      %mul3A_775 = arith.mulf %get3A_771, %get3A_774 : vector<16xf32>
      %add3A_776 = arith.addf %mul3A_768, %mul3A_775 : vector<16xf32>
      %get3A_777 = arith.index_cast %add3A_761 : i32 to index
      %get3A_778 = arith.constant 32 : index
      %get3A_779 = tpu.vector_load %arg11[%get3A_777, %get3A_778] {strides = array<i32>} : memref<512x64xf32, #tpu.memory_space<vmem>>, vector<16xf32>,
      %get3A_780 = arith.index_cast %add3A_761 : i32 to index
      %get3A_781 = arith.constant 32 : index
      %get3A_782 = tpu.vector_load %arg12[%get3A_780, %get3A_781] {strides = array<i32>} : memref<512x64xf32, #tpu.memory_space<vmem>>, vector<16xf32>,
      %mul3A_783 = arith.mulf %get3A_779, %get3A_782 : vector<16xf32>
      %add3A_784 = arith.addf %add3A_776, %mul3A_783 : vector<16xf32>
      %get3A_785 = arith.index_cast %add3A_761 : i32 to index
      %get3A_786 = arith.constant 48 : index
      %get3A_787 = tpu.vector_load %arg11[%get3A_785, %get3A_786] {strides = array<i32>} : memref<512x64xf32, #tpu.memory_space<vmem>>, vector<16xf32>,
      %get3A_788 = arith.index_cast %add3A_761 : i32 to index
      %get3A_789 = arith.constant 48 : index
      %get3A_790 = tpu.vector_load %arg12[%get3A_788, %get3A_789] {strides = array<i32>} : memref<512x64xf32, #tpu.memory_space<vmem>>, vector<16xf32>,
      %mul3A_791 = arith.mulf %get3A_787, %get3A_790 : vector<16xf32>
      %add3A_792 = arith.addf %add3A_784, %mul3A_791 : vector<16xf32>
      %eq3A_793 = arith.constant 9 : i32
      %eq3A_794 = vector.broadcast %eq3A_793 : i32 to vector<16xi32>
      %eq3A_795 = arith.cmpi eq, %iota3A, %eq3A_794 : vector<16xi32>
      %reduce_sum3A_796 = arith.constant true
      %reduce_sum3A_797 = vector.broadcast %reduce_sum3A_796 : i1 to vector<16xi1>
      %reduce_sum3A_798 = tpu.scan <sum>, %add3A_792 masked %reduce_sum3A_797 : vector<16xf32>, vector<16xi1> -> vector<16xf32>
      %reduce_sum3A_799 = vector.extract %reduce_sum3A_798[15] : f32 from vector<16xf32>
      %broadcast_in_dim3A_800 = vector.broadcast %reduce_sum3A_799 : f32 to vector<16xf32>
      %select_n3A_801 = arith.select %eq3A_795, %broadcast_in_dim3A_800, %select_n3A_755 : vector<16xi1>, vector<16xf32>
      %mul3A_802 = arith.constant 16 : i32
      %mul3A_803 = arith.muli %scan3A_344, %mul3A_802 : i32
      %add3A_804 = arith.constant 0 : i32
      %add3A_805 = arith.addi %add3A_804, %mul3A_803 : i32
      %add3A_806 = arith.constant 10 : i32
      %add3A_807 = arith.addi %add3A_805, %add3A_806 : i32
      %get3A_808 = arith.index_cast %add3A_807 : i32 to index
      %get3A_809 = arith.constant 0 : index
      %get3A_810 = tpu.vector_load %arg11[%get3A_808, %get3A_809] {strides = array<i32>} : memref<512x64xf32, #tpu.memory_space<vmem>>, vector<16xf32>,
      %get3A_811 = arith.index_cast %add3A_807 : i32 to index
      %get3A_812 = arith.constant 0 : index
      %get3A_813 = tpu.vector_load %arg12[%get3A_811, %get3A_812] {strides = array<i32>} : memref<512x64xf32, #tpu.memory_space<vmem>>, vector<16xf32>,
      %mul3A_814 = arith.mulf %get3A_810, %get3A_813 : vector<16xf32>
      %get3A_815 = arith.index_cast %add3A_807 : i32 to index
      %get3A_816 = arith.constant 16 : index
      %get3A_817 = tpu.vector_load %arg11[%get3A_815, %get3A_816] {strides = array<i32>} : memref<512x64xf32, #tpu.memory_space<vmem>>, vector<16xf32>,
      %get3A_818 = arith.index_cast %add3A_807 : i32 to index
      %get3A_819 = arith.constant 16 : index
      %get3A_820 = tpu.vector_load %arg12[%get3A_818, %get3A_819] {strides = array<i32>} : memref<512x64xf32, #tpu.memory_space<vmem>>, vector<16xf32>,
      %mul3A_821 = arith.mulf %get3A_817, %get3A_820 : vector<16xf32>
      %add3A_822 = arith.addf %mul3A_814, %mul3A_821 : vector<16xf32>
      %get3A_823 = arith.index_cast %add3A_807 : i32 to index
      %get3A_824 = arith.constant 32 : index
      %get3A_825 = tpu.vector_load %arg11[%get3A_823, %get3A_824] {strides = array<i32>} : memref<512x64xf32, #tpu.memory_space<vmem>>, vector<16xf32>,
      %get3A_826 = arith.index_cast %add3A_807 : i32 to index
      %get3A_827 = arith.constant 32 : index
      %get3A_828 = tpu.vector_load %arg12[%get3A_826, %get3A_827] {strides = array<i32>} : memref<512x64xf32, #tpu.memory_space<vmem>>, vector<16xf32>,
      %mul3A_829 = arith.mulf %get3A_825, %get3A_828 : vector<16xf32>
      %add3A_830 = arith.addf %add3A_822, %mul3A_829 : vector<16xf32>
      %get3A_831 = arith.index_cast %add3A_807 : i32 to index
      %get3A_832 = arith.constant 48 : index
      %get3A_833 = tpu.vector_load %arg11[%get3A_831, %get3A_832] {strides = array<i32>} : memref<512x64xf32, #tpu.memory_space<vmem>>, vector<16xf32>,
      %get3A_834 = arith.index_cast %add3A_807 : i32 to index
      %get3A_835 = arith.constant 48 : index
      %get3A_836 = tpu.vector_load %arg12[%get3A_834, %get3A_835] {strides = array<i32>} : memref<512x64xf32, #tpu.memory_space<vmem>>, vector<16xf32>,
      %mul3A_837 = arith.mulf %get3A_833, %get3A_836 : vector<16xf32>
      %add3A_838 = arith.addf %add3A_830, %mul3A_837 : vector<16xf32>
      %eq3A_839 = arith.constant 10 : i32
      %eq3A_840 = vector.broadcast %eq3A_839 : i32 to vector<16xi32>
      %eq3A_841 = arith.cmpi eq, %iota3A, %eq3A_840 : vector<16xi32>
      %reduce_sum3A_842 = arith.constant true
      %reduce_sum3A_843 = vector.broadcast %reduce_sum3A_842 : i1 to vector<16xi1>
      %reduce_sum3A_844 = tpu.scan <sum>, %add3A_838 masked %reduce_sum3A_843 : vector<16xf32>, vector<16xi1> -> vector<16xf32>
      %reduce_sum3A_845 = vector.extract %reduce_sum3A_844[15] : f32 from vector<16xf32>
      %broadcast_in_dim3A_846 = vector.broadcast %reduce_sum3A_845 : f32 to vector<16xf32>
      %select_n3A_847 = arith.select %eq3A_841, %broadcast_in_dim3A_846, %select_n3A_801 : vector<16xi1>, vector<16xf32>
      %mul3A_848 = arith.constant 16 : i32
      %mul3A_849 = arith.muli %scan3A_344, %mul3A_848 : i32
      %add3A_850 = arith.constant 0 : i32
      %add3A_851 = arith.addi %add3A_850, %mul3A_849 : i32
      %add3A_852 = arith.constant 11 : i32
      %add3A_853 = arith.addi %add3A_851, %add3A_852 : i32
      %get3A_854 = arith.index_cast %add3A_853 : i32 to index
      %get3A_855 = arith.constant 0 : index
      %get3A_856 = tpu.vector_load %arg11[%get3A_854, %get3A_855] {strides = array<i32>} : memref<512x64xf32, #tpu.memory_space<vmem>>, vector<16xf32>,
      %get3A_857 = arith.index_cast %add3A_853 : i32 to index
      %get3A_858 = arith.constant 0 : index
      %get3A_859 = tpu.vector_load %arg12[%get3A_857, %get3A_858] {strides = array<i32>} : memref<512x64xf32, #tpu.memory_space<vmem>>, vector<16xf32>,
      %mul3A_860 = arith.mulf %get3A_856, %get3A_859 : vector<16xf32>
      %get3A_861 = arith.index_cast %add3A_853 : i32 to index
      %get3A_862 = arith.constant 16 : index
      %get3A_863 = tpu.vector_load %arg11[%get3A_861, %get3A_862] {strides = array<i32>} : memref<512x64xf32, #tpu.memory_space<vmem>>, vector<16xf32>,
      %get3A_864 = arith.index_cast %add3A_853 : i32 to index
      %get3A_865 = arith.constant 16 : index
      %get3A_866 = tpu.vector_load %arg12[%get3A_864, %get3A_865] {strides = array<i32>} : memref<512x64xf32, #tpu.memory_space<vmem>>, vector<16xf32>,
      %mul3A_867 = arith.mulf %get3A_863, %get3A_866 : vector<16xf32>
      %add3A_868 = arith.addf %mul3A_860, %mul3A_867 : vector<16xf32>
      %get3A_869 = arith.index_cast %add3A_853 : i32 to index
      %get3A_870 = arith.constant 32 : index
      %get3A_871 = tpu.vector_load %arg11[%get3A_869, %get3A_870] {strides = array<i32>} : memref<512x64xf32, #tpu.memory_space<vmem>>, vector<16xf32>,
      %get3A_872 = arith.index_cast %add3A_853 : i32 to index
      %get3A_873 = arith.constant 32 : index
      %get3A_874 = tpu.vector_load %arg12[%get3A_872, %get3A_873] {strides = array<i32>} : memref<512x64xf32, #tpu.memory_space<vmem>>, vector<16xf32>,
      %mul3A_875 = arith.mulf %get3A_871, %get3A_874 : vector<16xf32>
      %add3A_876 = arith.addf %add3A_868, %mul3A_875 : vector<16xf32>
      %get3A_877 = arith.index_cast %add3A_853 : i32 to index
      %get3A_878 = arith.constant 48 : index
      %get3A_879 = tpu.vector_load %arg11[%get3A_877, %get3A_878] {strides = array<i32>} : memref<512x64xf32, #tpu.memory_space<vmem>>, vector<16xf32>,
      %get3A_880 = arith.index_cast %add3A_853 : i32 to index
      %get3A_881 = arith.constant 48 : index
      %get3A_882 = tpu.vector_load %arg12[%get3A_880, %get3A_881] {strides = array<i32>} : memref<512x64xf32, #tpu.memory_space<vmem>>, vector<16xf32>,
      %mul3A_883 = arith.mulf %get3A_879, %get3A_882 : vector<16xf32>
      %add3A_884 = arith.addf %add3A_876, %mul3A_883 : vector<16xf32>
      %eq3A_885 = arith.constant 11 : i32
      %eq3A_886 = vector.broadcast %eq3A_885 : i32 to vector<16xi32>
      %eq3A_887 = arith.cmpi eq, %iota3A, %eq3A_886 : vector<16xi32>
      %reduce_sum3A_888 = arith.constant true
      %reduce_sum3A_889 = vector.broadcast %reduce_sum3A_888 : i1 to vector<16xi1>
      %reduce_sum3A_890 = tpu.scan <sum>, %add3A_884 masked %reduce_sum3A_889 : vector<16xf32>, vector<16xi1> -> vector<16xf32>
      %reduce_sum3A_891 = vector.extract %reduce_sum3A_890[15] : f32 from vector<16xf32>
      %broadcast_in_dim3A_892 = vector.broadcast %reduce_sum3A_891 : f32 to vector<16xf32>
      %select_n3A_893 = arith.select %eq3A_887, %broadcast_in_dim3A_892, %select_n3A_847 : vector<16xi1>, vector<16xf32>
      %mul3A_894 = arith.constant 16 : i32
      %mul3A_895 = arith.muli %scan3A_344, %mul3A_894 : i32
      %add3A_896 = arith.constant 0 : i32
      %add3A_897 = arith.addi %add3A_896, %mul3A_895 : i32
      %add3A_898 = arith.constant 12 : i32
      %add3A_899 = arith.addi %add3A_897, %add3A_898 : i32
      %get3A_900 = arith.index_cast %add3A_899 : i32 to index
      %get3A_901 = arith.constant 0 : index
      %get3A_902 = tpu.vector_load %arg11[%get3A_900, %get3A_901] {strides = array<i32>} : memref<512x64xf32, #tpu.memory_space<vmem>>, vector<16xf32>,
      %get3A_903 = arith.index_cast %add3A_899 : i32 to index
      %get3A_904 = arith.constant 0 : index
      %get3A_905 = tpu.vector_load %arg12[%get3A_903, %get3A_904] {strides = array<i32>} : memref<512x64xf32, #tpu.memory_space<vmem>>, vector<16xf32>,
      %mul3A_906 = arith.mulf %get3A_902, %get3A_905 : vector<16xf32>
      %get3A_907 = arith.index_cast %add3A_899 : i32 to index
      %get3A_908 = arith.constant 16 : index
      %get3A_909 = tpu.vector_load %arg11[%get3A_907, %get3A_908] {strides = array<i32>} : memref<512x64xf32, #tpu.memory_space<vmem>>, vector<16xf32>,
      %get3A_910 = arith.index_cast %add3A_899 : i32 to index
      %get3A_911 = arith.constant 16 : index
      %get3A_912 = tpu.vector_load %arg12[%get3A_910, %get3A_911] {strides = array<i32>} : memref<512x64xf32, #tpu.memory_space<vmem>>, vector<16xf32>,
      %mul3A_913 = arith.mulf %get3A_909, %get3A_912 : vector<16xf32>
      %add3A_914 = arith.addf %mul3A_906, %mul3A_913 : vector<16xf32>
      %get3A_915 = arith.index_cast %add3A_899 : i32 to index
      %get3A_916 = arith.constant 32 : index
      %get3A_917 = tpu.vector_load %arg11[%get3A_915, %get3A_916] {strides = array<i32>} : memref<512x64xf32, #tpu.memory_space<vmem>>, vector<16xf32>,
      %get3A_918 = arith.index_cast %add3A_899 : i32 to index
      %get3A_919 = arith.constant 32 : index
      %get3A_920 = tpu.vector_load %arg12[%get3A_918, %get3A_919] {strides = array<i32>} : memref<512x64xf32, #tpu.memory_space<vmem>>, vector<16xf32>,
      %mul3A_921 = arith.mulf %get3A_917, %get3A_920 : vector<16xf32>
      %add3A_922 = arith.addf %add3A_914, %mul3A_921 : vector<16xf32>
      %get3A_923 = arith.index_cast %add3A_899 : i32 to index
      %get3A_924 = arith.constant 48 : index
      %get3A_925 = tpu.vector_load %arg11[%get3A_923, %get3A_924] {strides = array<i32>} : memref<512x64xf32, #tpu.memory_space<vmem>>, vector<16xf32>,
      %get3A_926 = arith.index_cast %add3A_899 : i32 to index
      %get3A_927 = arith.constant 48 : index
      %get3A_928 = tpu.vector_load %arg12[%get3A_926, %get3A_927] {strides = array<i32>} : memref<512x64xf32, #tpu.memory_space<vmem>>, vector<16xf32>,
      %mul3A_929 = arith.mulf %get3A_925, %get3A_928 : vector<16xf32>
      %add3A_930 = arith.addf %add3A_922, %mul3A_929 : vector<16xf32>
      %eq3A_931 = arith.constant 12 : i32
      %eq3A_932 = vector.broadcast %eq3A_931 : i32 to vector<16xi32>
      %eq3A_933 = arith.cmpi eq, %iota3A, %eq3A_932 : vector<16xi32>
      %reduce_sum3A_934 = arith.constant true
      %reduce_sum3A_935 = vector.broadcast %reduce_sum3A_934 : i1 to vector<16xi1>
      %reduce_sum3A_936 = tpu.scan <sum>, %add3A_930 masked %reduce_sum3A_935 : vector<16xf32>, vector<16xi1> -> vector<16xf32>
      %reduce_sum3A_937 = vector.extract %reduce_sum3A_936[15] : f32 from vector<16xf32>
      %broadcast_in_dim3A_938 = vector.broadcast %reduce_sum3A_937 : f32 to vector<16xf32>
      %select_n3A_939 = arith.select %eq3A_933, %broadcast_in_dim3A_938, %select_n3A_893 : vector<16xi1>, vector<16xf32>
      %mul3A_940 = arith.constant 16 : i32
      %mul3A_941 = arith.muli %scan3A_344, %mul3A_940 : i32
      %add3A_942 = arith.constant 0 : i32
      %add3A_943 = arith.addi %add3A_942, %mul3A_941 : i32
      %add3A_944 = arith.constant 13 : i32
      %add3A_945 = arith.addi %add3A_943, %add3A_944 : i32
      %get3A_946 = arith.index_cast %add3A_945 : i32 to index
      %get3A_947 = arith.constant 0 : index
      %get3A_948 = tpu.vector_load %arg11[%get3A_946, %get3A_947] {strides = array<i32>} : memref<512x64xf32, #tpu.memory_space<vmem>>, vector<16xf32>,
      %get3A_949 = arith.index_cast %add3A_945 : i32 to index
      %get3A_950 = arith.constant 0 : index
      %get3A_951 = tpu.vector_load %arg12[%get3A_949, %get3A_950] {strides = array<i32>} : memref<512x64xf32, #tpu.memory_space<vmem>>, vector<16xf32>,
      %mul3A_952 = arith.mulf %get3A_948, %get3A_951 : vector<16xf32>
      %get3A_953 = arith.index_cast %add3A_945 : i32 to index
      %get3A_954 = arith.constant 16 : index
      %get3A_955 = tpu.vector_load %arg11[%get3A_953, %get3A_954] {strides = array<i32>} : memref<512x64xf32, #tpu.memory_space<vmem>>, vector<16xf32>,
      %get3A_956 = arith.index_cast %add3A_945 : i32 to index
      %get3A_957 = arith.constant 16 : index
      %get3A_958 = tpu.vector_load %arg12[%get3A_956, %get3A_957] {strides = array<i32>} : memref<512x64xf32, #tpu.memory_space<vmem>>, vector<16xf32>,
      %mul3A_959 = arith.mulf %get3A_955, %get3A_958 : vector<16xf32>
      %add3A_960 = arith.addf %mul3A_952, %mul3A_959 : vector<16xf32>
      %get3A_961 = arith.index_cast %add3A_945 : i32 to index
      %get3A_962 = arith.constant 32 : index
      %get3A_963 = tpu.vector_load %arg11[%get3A_961, %get3A_962] {strides = array<i32>} : memref<512x64xf32, #tpu.memory_space<vmem>>, vector<16xf32>,
      %get3A_964 = arith.index_cast %add3A_945 : i32 to index
      %get3A_965 = arith.constant 32 : index
      %get3A_966 = tpu.vector_load %arg12[%get3A_964, %get3A_965] {strides = array<i32>} : memref<512x64xf32, #tpu.memory_space<vmem>>, vector<16xf32>,
      %mul3A_967 = arith.mulf %get3A_963, %get3A_966 : vector<16xf32>
      %add3A_968 = arith.addf %add3A_960, %mul3A_967 : vector<16xf32>
      %get3A_969 = arith.index_cast %add3A_945 : i32 to index
      %get3A_970 = arith.constant 48 : index
      %get3A_971 = tpu.vector_load %arg11[%get3A_969, %get3A_970] {strides = array<i32>} : memref<512x64xf32, #tpu.memory_space<vmem>>, vector<16xf32>,
      %get3A_972 = arith.index_cast %add3A_945 : i32 to index
      %get3A_973 = arith.constant 48 : index
      %get3A_974 = tpu.vector_load %arg12[%get3A_972, %get3A_973] {strides = array<i32>} : memref<512x64xf32, #tpu.memory_space<vmem>>, vector<16xf32>,
      %mul3A_975 = arith.mulf %get3A_971, %get3A_974 : vector<16xf32>
      %add3A_976 = arith.addf %add3A_968, %mul3A_975 : vector<16xf32>
      %eq3A_977 = arith.constant 13 : i32
      %eq3A_978 = vector.broadcast %eq3A_977 : i32 to vector<16xi32>
      %eq3A_979 = arith.cmpi eq, %iota3A, %eq3A_978 : vector<16xi32>
      %reduce_sum3A_980 = arith.constant true
      %reduce_sum3A_981 = vector.broadcast %reduce_sum3A_980 : i1 to vector<16xi1>
      %reduce_sum3A_982 = tpu.scan <sum>, %add3A_976 masked %reduce_sum3A_981 : vector<16xf32>, vector<16xi1> -> vector<16xf32>
      %reduce_sum3A_983 = vector.extract %reduce_sum3A_982[15] : f32 from vector<16xf32>
      %broadcast_in_dim3A_984 = vector.broadcast %reduce_sum3A_983 : f32 to vector<16xf32>
      %select_n3A_985 = arith.select %eq3A_979, %broadcast_in_dim3A_984, %select_n3A_939 : vector<16xi1>, vector<16xf32>
      %mul3A_986 = arith.constant 16 : i32
      %mul3A_987 = arith.muli %scan3A_344, %mul3A_986 : i32
      %add3A_988 = arith.constant 0 : i32
      %add3A_989 = arith.addi %add3A_988, %mul3A_987 : i32
      %add3A_990 = arith.constant 14 : i32
      %add3A_991 = arith.addi %add3A_989, %add3A_990 : i32
      %get3A_992 = arith.index_cast %add3A_991 : i32 to index
      %get3A_993 = arith.constant 0 : index
      %get3A_994 = tpu.vector_load %arg11[%get3A_992, %get3A_993] {strides = array<i32>} : memref<512x64xf32, #tpu.memory_space<vmem>>, vector<16xf32>,
      %get3A_995 = arith.index_cast %add3A_991 : i32 to index
      %get3A_996 = arith.constant 0 : index
      %get3A_997 = tpu.vector_load %arg12[%get3A_995, %get3A_996] {strides = array<i32>} : memref<512x64xf32, #tpu.memory_space<vmem>>, vector<16xf32>,
      %mul3A_998 = arith.mulf %get3A_994, %get3A_997 : vector<16xf32>
      %get3A_999 = arith.index_cast %add3A_991 : i32 to index
      %get3A_1000 = arith.constant 16 : index
      %get3A_1001 = tpu.vector_load %arg11[%get3A_999, %get3A_1000] {strides = array<i32>} : memref<512x64xf32, #tpu.memory_space<vmem>>, vector<16xf32>,
      %get3A_1002 = arith.index_cast %add3A_991 : i32 to index
      %get3A_1003 = arith.constant 16 : index
      %get3A_1004 = tpu.vector_load %arg12[%get3A_1002, %get3A_1003] {strides = array<i32>} : memref<512x64xf32, #tpu.memory_space<vmem>>, vector<16xf32>,
      %mul3A_1005 = arith.mulf %get3A_1001, %get3A_1004 : vector<16xf32>
      %add3A_1006 = arith.addf %mul3A_998, %mul3A_1005 : vector<16xf32>
      %get3A_1007 = arith.index_cast %add3A_991 : i32 to index
      %get3A_1008 = arith.constant 32 : index
      %get3A_1009 = tpu.vector_load %arg11[%get3A_1007, %get3A_1008] {strides = array<i32>} : memref<512x64xf32, #tpu.memory_space<vmem>>, vector<16xf32>,
      %get3A_1010 = arith.index_cast %add3A_991 : i32 to index
      %get3A_1011 = arith.constant 32 : index
      %get3A_1012 = tpu.vector_load %arg12[%get3A_1010, %get3A_1011] {strides = array<i32>} : memref<512x64xf32, #tpu.memory_space<vmem>>, vector<16xf32>,
      %mul3A_1013 = arith.mulf %get3A_1009, %get3A_1012 : vector<16xf32>
      %add3A_1014 = arith.addf %add3A_1006, %mul3A_1013 : vector<16xf32>
      %get3A_1015 = arith.index_cast %add3A_991 : i32 to index
      %get3A_1016 = arith.constant 48 : index
      %get3A_1017 = tpu.vector_load %arg11[%get3A_1015, %get3A_1016] {strides = array<i32>} : memref<512x64xf32, #tpu.memory_space<vmem>>, vector<16xf32>,
      %get3A_1018 = arith.index_cast %add3A_991 : i32 to index
      %get3A_1019 = arith.constant 48 : index
      %get3A_1020 = tpu.vector_load %arg12[%get3A_1018, %get3A_1019] {strides = array<i32>} : memref<512x64xf32, #tpu.memory_space<vmem>>, vector<16xf32>,
      %mul3A_1021 = arith.mulf %get3A_1017, %get3A_1020 : vector<16xf32>
      %add3A_1022 = arith.addf %add3A_1014, %mul3A_1021 : vector<16xf32>
      %eq3A_1023 = arith.constant 14 : i32
      %eq3A_1024 = vector.broadcast %eq3A_1023 : i32 to vector<16xi32>
      %eq3A_1025 = arith.cmpi eq, %iota3A, %eq3A_1024 : vector<16xi32>
      %reduce_sum3A_1026 = arith.constant true
      %reduce_sum3A_1027 = vector.broadcast %reduce_sum3A_1026 : i1 to vector<16xi1>
      %reduce_sum3A_1028 = tpu.scan <sum>, %add3A_1022 masked %reduce_sum3A_1027 : vector<16xf32>, vector<16xi1> -> vector<16xf32>
      %reduce_sum3A_1029 = vector.extract %reduce_sum3A_1028[15] : f32 from vector<16xf32>
      %broadcast_in_dim3A_1030 = vector.broadcast %reduce_sum3A_1029 : f32 to vector<16xf32>
      %select_n3A_1031 = arith.select %eq3A_1025, %broadcast_in_dim3A_1030, %select_n3A_985 : vector<16xi1>, vector<16xf32>
      %mul3A_1032 = arith.constant 16 : i32
      %mul3A_1033 = arith.muli %scan3A_344, %mul3A_1032 : i32
      %add3A_1034 = arith.constant 0 : i32
      %add3A_1035 = arith.addi %add3A_1034, %mul3A_1033 : i32
      %add3A_1036 = arith.constant 15 : i32
      %add3A_1037 = arith.addi %add3A_1035, %add3A_1036 : i32
      %get3A_1038 = arith.index_cast %add3A_1037 : i32 to index
      %get3A_1039 = arith.constant 0 : index
      %get3A_1040 = tpu.vector_load %arg11[%get3A_1038, %get3A_1039] {strides = array<i32>} : memref<512x64xf32, #tpu.memory_space<vmem>>, vector<16xf32>,
      %get3A_1041 = arith.index_cast %add3A_1037 : i32 to index
      %get3A_1042 = arith.constant 0 : index
      %get3A_1043 = tpu.vector_load %arg12[%get3A_1041, %get3A_1042] {strides = array<i32>} : memref<512x64xf32, #tpu.memory_space<vmem>>, vector<16xf32>,
      %mul3A_1044 = arith.mulf %get3A_1040, %get3A_1043 : vector<16xf32>
      %get3A_1045 = arith.index_cast %add3A_1037 : i32 to index
      %get3A_1046 = arith.constant 16 : index
      %get3A_1047 = tpu.vector_load %arg11[%get3A_1045, %get3A_1046] {strides = array<i32>} : memref<512x64xf32, #tpu.memory_space<vmem>>, vector<16xf32>,
      %get3A_1048 = arith.index_cast %add3A_1037 : i32 to index
      %get3A_1049 = arith.constant 16 : index
      %get3A_1050 = tpu.vector_load %arg12[%get3A_1048, %get3A_1049] {strides = array<i32>} : memref<512x64xf32, #tpu.memory_space<vmem>>, vector<16xf32>,
      %mul3A_1051 = arith.mulf %get3A_1047, %get3A_1050 : vector<16xf32>
      %add3A_1052 = arith.addf %mul3A_1044, %mul3A_1051 : vector<16xf32>
      %get3A_1053 = arith.index_cast %add3A_1037 : i32 to index
      %get3A_1054 = arith.constant 32 : index
      %get3A_1055 = tpu.vector_load %arg11[%get3A_1053, %get3A_1054] {strides = array<i32>} : memref<512x64xf32, #tpu.memory_space<vmem>>, vector<16xf32>,
      %get3A_1056 = arith.index_cast %add3A_1037 : i32 to index
      %get3A_1057 = arith.constant 32 : index
      %get3A_1058 = tpu.vector_load %arg12[%get3A_1056, %get3A_1057] {strides = array<i32>} : memref<512x64xf32, #tpu.memory_space<vmem>>, vector<16xf32>,
      %mul3A_1059 = arith.mulf %get3A_1055, %get3A_1058 : vector<16xf32>
      %add3A_1060 = arith.addf %add3A_1052, %mul3A_1059 : vector<16xf32>
      %get3A_1061 = arith.index_cast %add3A_1037 : i32 to index
      %get3A_1062 = arith.constant 48 : index
      %get3A_1063 = tpu.vector_load %arg11[%get3A_1061, %get3A_1062] {strides = array<i32>} : memref<512x64xf32, #tpu.memory_space<vmem>>, vector<16xf32>,
      %get3A_1064 = arith.index_cast %add3A_1037 : i32 to index
      %get3A_1065 = arith.constant 48 : index
      %get3A_1066 = tpu.vector_load %arg12[%get3A_1064, %get3A_1065] {strides = array<i32>} : memref<512x64xf32, #tpu.memory_space<vmem>>, vector<16xf32>,
      %mul3A_1067 = arith.mulf %get3A_1063, %get3A_1066 : vector<16xf32>
      %add3A_1068 = arith.addf %add3A_1060, %mul3A_1067 : vector<16xf32>
      %eq3A_1069 = arith.constant 15 : i32
      %eq3A_1070 = vector.broadcast %eq3A_1069 : i32 to vector<16xi32>
      %eq3A_1071 = arith.cmpi eq, %iota3A, %eq3A_1070 : vector<16xi32>
      %reduce_sum3A_1072 = arith.constant true
      %reduce_sum3A_1073 = vector.broadcast %reduce_sum3A_1072 : i1 to vector<16xi1>
      %reduce_sum3A_1074 = tpu.scan <sum>, %add3A_1068 masked %reduce_sum3A_1073 : vector<16xf32>, vector<16xi1> -> vector<16xf32>
      %reduce_sum3A_1075 = vector.extract %reduce_sum3A_1074[15] : f32 from vector<16xf32>
      %broadcast_in_dim3A_1076 = vector.broadcast %reduce_sum3A_1075 : f32 to vector<16xf32>
      %select_n3A_1077 = arith.select %eq3A_1071, %broadcast_in_dim3A_1076, %select_n3A_1031 : vector<16xi1>, vector<16xf32>
      %mul3A_1078 = arith.constant 16 : i32
      %mul3A_1079 = arith.muli %scan3A_344, %mul3A_1078 : i32
      %add3A_1080 = arith.constant 0 : i32
      %add3A_1081 = arith.addi %add3A_1080, %mul3A_1079 : i32
      %get3A_1082 = arith.index_cast %add3A_1081 : i32 to index
      %get3A_1083 = tpu.vector_load %arg13[%get3A_1082] {strides = array<i32>} : memref<512xf32, #tpu.memory_space<vmem>>, vector<16xf32>,
      %add3A_1084 = arith.addf %select_n3A_1077, %get3A_1083 : vector<16xf32>
      %get3A_1085 = arith.index_cast %add3A_1081 : i32 to index
      %get3A_1086 = tpu.vector_load %arg14[%get3A_1085] {strides = array<i32>} : memref<512xf32, #tpu.memory_space<vmem>>, vector<16xf32>,
      %add3A_1087 = arith.addf %add3A_1084, %get3A_1086 : vector<16xf32>
      %swap3A = arith.index_cast %add3A_1081 : i32 to index
      %swap3A_1088 = tpu.vector_load %arg15[%swap3A] {strides = array<i32>} : memref<512xf32, #tpu.memory_space<vmem>>, vector<16xf32>,
      tpu.vector_store %arg15[%swap3A], %add3A_1087 {strides = array<i32>} : memref<512xf32, #tpu.memory_space<vmem>>, vector<16xf32>,
    }
    %scan3A_205 = arith.constant 8 : i32
    %dma_wait3A_206 = arith.constant 1 : i32
    %dma_wait3A_207 = arith.constant 128 : i32
    %dma_wait3A_208 = arith.constant 0 : i32
    %dma_wait3A_209 = tpu.memref_slice %arg11[%dma_wait3A_207, %dma_wait3A_208] : memref<512x64xf32, #tpu.memory_space<vmem>> -> memref<128x64xf32, #tpu.memory_space<vmem>>
    %dma_wait3A_210 = arith.constant 128 : i32
    %dma_wait3A_211 = tpu.memref_slice %arg9[%dma_wait3A_210] : memref<512xi32, #tpu.memory_space<vmem>> -> memref<128xi32, #tpu.memory_space<vmem>>
    %dma_wait3A_212 = arith.constant 0 : i32
    %dma_wait3A_213 = arith.constant 0 : i32
    %dma_wait3A_214 = tpu.memref_slice %arg2[%dma_wait3A_212, %dma_wait3A_213] : memref<1000000x64xf32, #tpu.memory_space<hbm>> -> memref<1000000x64xf32, #tpu.memory_space<hbm>>
    %dma_wait3A_215 = tpu.memref_slice %arg16[%dma_wait3A_206] : memref<4x!tpu.dma_semaphore, #tpu.memory_space<semaphore_mem>> -> memref<1x!tpu.dma_semaphore, #tpu.memory_space<semaphore_mem>>
    %dma_wait3A_216 = tpu.memref_squeeze %dma_wait3A_215 : memref<1x!tpu.dma_semaphore, #tpu.memory_space<semaphore_mem>> -> memref<!tpu.dma_semaphore, #tpu.memory_space<semaphore_mem>>
    tpu.wait_indirect_dma semaphore(%dma_wait3A_216 : memref<!tpu.dma_semaphore, #tpu.memory_space<semaphore_mem>>) src(%dma_wait3A_214 : memref<1000000x64xf32, #tpu.memory_space<hbm>>) dst(%dma_wait3A_209 : memref<128x64xf32, #tpu.memory_space<vmem>>)
    %dma_wait3A_217 = arith.constant 1 : i32
    %dma_wait3A_218 = arith.constant 128 : i32
    %dma_wait3A_219 = arith.constant 0 : i32
    %dma_wait3A_220 = tpu.memref_slice %arg12[%dma_wait3A_218, %dma_wait3A_219] : memref<512x64xf32, #tpu.memory_space<vmem>> -> memref<128x64xf32, #tpu.memory_space<vmem>>
    %dma_wait3A_221 = arith.constant 128 : i32
    %dma_wait3A_222 = tpu.memref_slice %arg10[%dma_wait3A_221] : memref<512xi32, #tpu.memory_space<vmem>> -> memref<128xi32, #tpu.memory_space<vmem>>
    %dma_wait3A_223 = arith.constant 0 : i32
    %dma_wait3A_224 = arith.constant 0 : i32
    %dma_wait3A_225 = tpu.memref_slice %arg3[%dma_wait3A_223, %dma_wait3A_224] : memref<1000000x64xf32, #tpu.memory_space<hbm>> -> memref<1000000x64xf32, #tpu.memory_space<hbm>>
    %dma_wait3A_226 = tpu.memref_slice %arg16[%dma_wait3A_217] : memref<4x!tpu.dma_semaphore, #tpu.memory_space<semaphore_mem>> -> memref<1x!tpu.dma_semaphore, #tpu.memory_space<semaphore_mem>>
    %dma_wait3A_227 = tpu.memref_squeeze %dma_wait3A_226 : memref<1x!tpu.dma_semaphore, #tpu.memory_space<semaphore_mem>> -> memref<!tpu.dma_semaphore, #tpu.memory_space<semaphore_mem>>
    tpu.wait_indirect_dma semaphore(%dma_wait3A_227 : memref<!tpu.dma_semaphore, #tpu.memory_space<semaphore_mem>>) src(%dma_wait3A_225 : memref<1000000x64xf32, #tpu.memory_space<hbm>>) dst(%dma_wait3A_220 : memref<128x64xf32, #tpu.memory_space<vmem>>)
    %dma_wait3A_228 = arith.constant 1 : i32
    %dma_wait3A_229 = arith.constant 128 : i32
    %dma_wait3A_230 = tpu.memref_slice %arg13[%dma_wait3A_229] : memref<512xf32, #tpu.memory_space<vmem>> -> memref<128xf32, #tpu.memory_space<vmem>>
    %dma_wait3A_231 = arith.constant 128 : i32
    %dma_wait3A_232 = tpu.memref_slice %arg9[%dma_wait3A_231] : memref<512xi32, #tpu.memory_space<vmem>> -> memref<128xi32, #tpu.memory_space<vmem>>
    %dma_wait3A_233 = arith.constant 0 : i32
    %dma_wait3A_234 = tpu.memref_slice %arg4[%dma_wait3A_233] : memref<1000000xf32, #tpu.memory_space<hbm>> -> memref<1000000xf32, #tpu.memory_space<hbm>>
    %dma_wait3A_235 = tpu.memref_slice %arg16[%dma_wait3A_228] : memref<4x!tpu.dma_semaphore, #tpu.memory_space<semaphore_mem>> -> memref<1x!tpu.dma_semaphore, #tpu.memory_space<semaphore_mem>>
    %dma_wait3A_236 = tpu.memref_squeeze %dma_wait3A_235 : memref<1x!tpu.dma_semaphore, #tpu.memory_space<semaphore_mem>> -> memref<!tpu.dma_semaphore, #tpu.memory_space<semaphore_mem>>
    tpu.wait_indirect_dma semaphore(%dma_wait3A_236 : memref<!tpu.dma_semaphore, #tpu.memory_space<semaphore_mem>>) src(%dma_wait3A_234 : memref<1000000xf32, #tpu.memory_space<hbm>>) dst(%dma_wait3A_230 : memref<128xf32, #tpu.memory_space<vmem>>)
    %dma_wait3A_237 = arith.constant 1 : i32
    %dma_wait3A_238 = arith.constant 128 : i32
    %dma_wait3A_239 = tpu.memref_slice %arg14[%dma_wait3A_238] : memref<512xf32, #tpu.memory_space<vmem>> -> memref<128xf32, #tpu.memory_space<vmem>>
    %dma_wait3A_240 = arith.constant 128 : i32
    %dma_wait3A_241 = tpu.memref_slice %arg10[%dma_wait3A_240] : memref<512xi32, #tpu.memory_space<vmem>> -> memref<128xi32, #tpu.memory_space<vmem>>
    %dma_wait3A_242 = arith.constant 0 : i32
    %dma_wait3A_243 = tpu.memref_slice %arg5[%dma_wait3A_242] : memref<1000000xf32, #tpu.memory_space<hbm>> -> memref<1000000xf32, #tpu.memory_space<hbm>>
    %dma_wait3A_244 = tpu.memref_slice %arg16[%dma_wait3A_237] : memref<4x!tpu.dma_semaphore, #tpu.memory_space<semaphore_mem>> -> memref<1x!tpu.dma_semaphore, #tpu.memory_space<semaphore_mem>>
    %dma_wait3A_245 = tpu.memref_squeeze %dma_wait3A_244 : memref<1x!tpu.dma_semaphore, #tpu.memory_space<semaphore_mem>> -> memref<!tpu.dma_semaphore, #tpu.memory_space<semaphore_mem>>
    tpu.wait_indirect_dma semaphore(%dma_wait3A_245 : memref<!tpu.dma_semaphore, #tpu.memory_space<semaphore_mem>>) src(%dma_wait3A_243 : memref<1000000xf32, #tpu.memory_space<hbm>>) dst(%dma_wait3A_239 : memref<128xf32, #tpu.memory_space<vmem>>)
    %scan3A_246 = arith.constant 0 : i32
    %scan3A_247 = arith.constant 0 : i32
    %scan3A_248 = arith.constant 8 : i32
    %scan3A_249 = arith.addi %scan3A_247, %scan3A_248 : i32
    %scan3A_250 = arith.constant 1 : i32
    scf.for %scan3A_344 = %scan3A_247 to %scan3A_249 step %scan3A_250  : i32 {
      %broadcast_in_dim3A = arith.constant 0.000000e+00 : f32
      %broadcast_in_dim3A_345 = vector.broadcast %broadcast_in_dim3A : f32 to vector<16xf32>
      %mul3A_346 = arith.constant 16 : i32
      %mul3A_347 = arith.muli %scan3A_344, %mul3A_346 : i32
      %add3A_348 = arith.constant 128 : i32
      %add3A_349 = arith.addi %add3A_348, %mul3A_347 : i32
      %add3A_350 = arith.constant 0 : i32
      %add3A_351 = arith.addi %add3A_349, %add3A_350 : i32
      %get3A = arith.index_cast %add3A_351 : i32 to index
      %get3A_352 = arith.constant 0 : index
      %get3A_353 = tpu.vector_load %arg11[%get3A, %get3A_352] {strides = array<i32>} : memref<512x64xf32, #tpu.memory_space<vmem>>, vector<16xf32>,
      %get3A_354 = arith.index_cast %add3A_351 : i32 to index
      %get3A_355 = arith.constant 0 : index
      %get3A_356 = tpu.vector_load %arg12[%get3A_354, %get3A_355] {strides = array<i32>} : memref<512x64xf32, #tpu.memory_space<vmem>>, vector<16xf32>,
      %mul3A_357 = arith.mulf %get3A_353, %get3A_356 : vector<16xf32>
      %get3A_358 = arith.index_cast %add3A_351 : i32 to index
      %get3A_359 = arith.constant 16 : index
      %get3A_360 = tpu.vector_load %arg11[%get3A_358, %get3A_359] {strides = array<i32>} : memref<512x64xf32, #tpu.memory_space<vmem>>, vector<16xf32>,
      %get3A_361 = arith.index_cast %add3A_351 : i32 to index
      %get3A_362 = arith.constant 16 : index
      %get3A_363 = tpu.vector_load %arg12[%get3A_361, %get3A_362] {strides = array<i32>} : memref<512x64xf32, #tpu.memory_space<vmem>>, vector<16xf32>,
      %mul3A_364 = arith.mulf %get3A_360, %get3A_363 : vector<16xf32>
      %add3A_365 = arith.addf %mul3A_357, %mul3A_364 : vector<16xf32>
      %get3A_366 = arith.index_cast %add3A_351 : i32 to index
      %get3A_367 = arith.constant 32 : index
      %get3A_368 = tpu.vector_load %arg11[%get3A_366, %get3A_367] {strides = array<i32>} : memref<512x64xf32, #tpu.memory_space<vmem>>, vector<16xf32>,
      %get3A_369 = arith.index_cast %add3A_351 : i32 to index
      %get3A_370 = arith.constant 32 : index
      %get3A_371 = tpu.vector_load %arg12[%get3A_369, %get3A_370] {strides = array<i32>} : memref<512x64xf32, #tpu.memory_space<vmem>>, vector<16xf32>,
      %mul3A_372 = arith.mulf %get3A_368, %get3A_371 : vector<16xf32>
      %add3A_373 = arith.addf %add3A_365, %mul3A_372 : vector<16xf32>
      %get3A_374 = arith.index_cast %add3A_351 : i32 to index
      %get3A_375 = arith.constant 48 : index
      %get3A_376 = tpu.vector_load %arg11[%get3A_374, %get3A_375] {strides = array<i32>} : memref<512x64xf32, #tpu.memory_space<vmem>>, vector<16xf32>,
      %get3A_377 = arith.index_cast %add3A_351 : i32 to index
      %get3A_378 = arith.constant 48 : index
      %get3A_379 = tpu.vector_load %arg12[%get3A_377, %get3A_378] {strides = array<i32>} : memref<512x64xf32, #tpu.memory_space<vmem>>, vector<16xf32>,
      %mul3A_380 = arith.mulf %get3A_376, %get3A_379 : vector<16xf32>
      %add3A_381 = arith.addf %add3A_373, %mul3A_380 : vector<16xf32>
      %eq3A = arith.constant 0 : i32
      %eq3A_382 = vector.broadcast %eq3A : i32 to vector<16xi32>
      %eq3A_383 = arith.cmpi eq, %iota3A, %eq3A_382 : vector<16xi32>
      %reduce_sum3A = arith.constant true
      %reduce_sum3A_384 = vector.broadcast %reduce_sum3A : i1 to vector<16xi1>
      %reduce_sum3A_385 = tpu.scan <sum>, %add3A_381 masked %reduce_sum3A_384 : vector<16xf32>, vector<16xi1> -> vector<16xf32>
      %reduce_sum3A_386 = vector.extract %reduce_sum3A_385[15] : f32 from vector<16xf32>
      %broadcast_in_dim3A_387 = vector.broadcast %reduce_sum3A_386 : f32 to vector<16xf32>
      %select_n3A = arith.select %eq3A_383, %broadcast_in_dim3A_387, %broadcast_in_dim3A_345 : vector<16xi1>, vector<16xf32>
      %mul3A_388 = arith.constant 16 : i32
      %mul3A_389 = arith.muli %scan3A_344, %mul3A_388 : i32
      %add3A_390 = arith.constant 128 : i32
      %add3A_391 = arith.addi %add3A_390, %mul3A_389 : i32
      %add3A_392 = arith.constant 1 : i32
      %add3A_393 = arith.addi %add3A_391, %add3A_392 : i32
      %get3A_394 = arith.index_cast %add3A_393 : i32 to index
      %get3A_395 = arith.constant 0 : index
      %get3A_396 = tpu.vector_load %arg11[%get3A_394, %get3A_395] {strides = array<i32>} : memref<512x64xf32, #tpu.memory_space<vmem>>, vector<16xf32>,
      %get3A_397 = arith.index_cast %add3A_393 : i32 to index
      %get3A_398 = arith.constant 0 : index
      %get3A_399 = tpu.vector_load %arg12[%get3A_397, %get3A_398] {strides = array<i32>} : memref<512x64xf32, #tpu.memory_space<vmem>>, vector<16xf32>,
      %mul3A_400 = arith.mulf %get3A_396, %get3A_399 : vector<16xf32>
      %get3A_401 = arith.index_cast %add3A_393 : i32 to index
      %get3A_402 = arith.constant 16 : index
      %get3A_403 = tpu.vector_load %arg11[%get3A_401, %get3A_402] {strides = array<i32>} : memref<512x64xf32, #tpu.memory_space<vmem>>, vector<16xf32>,
      %get3A_404 = arith.index_cast %add3A_393 : i32 to index
      %get3A_405 = arith.constant 16 : index
      %get3A_406 = tpu.vector_load %arg12[%get3A_404, %get3A_405] {strides = array<i32>} : memref<512x64xf32, #tpu.memory_space<vmem>>, vector<16xf32>,
      %mul3A_407 = arith.mulf %get3A_403, %get3A_406 : vector<16xf32>
      %add3A_408 = arith.addf %mul3A_400, %mul3A_407 : vector<16xf32>
      %get3A_409 = arith.index_cast %add3A_393 : i32 to index
      %get3A_410 = arith.constant 32 : index
      %get3A_411 = tpu.vector_load %arg11[%get3A_409, %get3A_410] {strides = array<i32>} : memref<512x64xf32, #tpu.memory_space<vmem>>, vector<16xf32>,
      %get3A_412 = arith.index_cast %add3A_393 : i32 to index
      %get3A_413 = arith.constant 32 : index
      %get3A_414 = tpu.vector_load %arg12[%get3A_412, %get3A_413] {strides = array<i32>} : memref<512x64xf32, #tpu.memory_space<vmem>>, vector<16xf32>,
      %mul3A_415 = arith.mulf %get3A_411, %get3A_414 : vector<16xf32>
      %add3A_416 = arith.addf %add3A_408, %mul3A_415 : vector<16xf32>
      %get3A_417 = arith.index_cast %add3A_393 : i32 to index
      %get3A_418 = arith.constant 48 : index
      %get3A_419 = tpu.vector_load %arg11[%get3A_417, %get3A_418] {strides = array<i32>} : memref<512x64xf32, #tpu.memory_space<vmem>>, vector<16xf32>,
      %get3A_420 = arith.index_cast %add3A_393 : i32 to index
      %get3A_421 = arith.constant 48 : index
      %get3A_422 = tpu.vector_load %arg12[%get3A_420, %get3A_421] {strides = array<i32>} : memref<512x64xf32, #tpu.memory_space<vmem>>, vector<16xf32>,
      %mul3A_423 = arith.mulf %get3A_419, %get3A_422 : vector<16xf32>
      %add3A_424 = arith.addf %add3A_416, %mul3A_423 : vector<16xf32>
      %eq3A_425 = arith.constant 1 : i32
      %eq3A_426 = vector.broadcast %eq3A_425 : i32 to vector<16xi32>
      %eq3A_427 = arith.cmpi eq, %iota3A, %eq3A_426 : vector<16xi32>
      %reduce_sum3A_428 = arith.constant true
      %reduce_sum3A_429 = vector.broadcast %reduce_sum3A_428 : i1 to vector<16xi1>
      %reduce_sum3A_430 = tpu.scan <sum>, %add3A_424 masked %reduce_sum3A_429 : vector<16xf32>, vector<16xi1> -> vector<16xf32>
      %reduce_sum3A_431 = vector.extract %reduce_sum3A_430[15] : f32 from vector<16xf32>
      %broadcast_in_dim3A_432 = vector.broadcast %reduce_sum3A_431 : f32 to vector<16xf32>
      %select_n3A_433 = arith.select %eq3A_427, %broadcast_in_dim3A_432, %select_n3A : vector<16xi1>, vector<16xf32>
      %mul3A_434 = arith.constant 16 : i32
      %mul3A_435 = arith.muli %scan3A_344, %mul3A_434 : i32
      %add3A_436 = arith.constant 128 : i32
      %add3A_437 = arith.addi %add3A_436, %mul3A_435 : i32
      %add3A_438 = arith.constant 2 : i32
      %add3A_439 = arith.addi %add3A_437, %add3A_438 : i32
      %get3A_440 = arith.index_cast %add3A_439 : i32 to index
      %get3A_441 = arith.constant 0 : index
      %get3A_442 = tpu.vector_load %arg11[%get3A_440, %get3A_441] {strides = array<i32>} : memref<512x64xf32, #tpu.memory_space<vmem>>, vector<16xf32>,
      %get3A_443 = arith.index_cast %add3A_439 : i32 to index
      %get3A_444 = arith.constant 0 : index
      %get3A_445 = tpu.vector_load %arg12[%get3A_443, %get3A_444] {strides = array<i32>} : memref<512x64xf32, #tpu.memory_space<vmem>>, vector<16xf32>,
      %mul3A_446 = arith.mulf %get3A_442, %get3A_445 : vector<16xf32>
      %get3A_447 = arith.index_cast %add3A_439 : i32 to index
      %get3A_448 = arith.constant 16 : index
      %get3A_449 = tpu.vector_load %arg11[%get3A_447, %get3A_448] {strides = array<i32>} : memref<512x64xf32, #tpu.memory_space<vmem>>, vector<16xf32>,
      %get3A_450 = arith.index_cast %add3A_439 : i32 to index
      %get3A_451 = arith.constant 16 : index
      %get3A_452 = tpu.vector_load %arg12[%get3A_450, %get3A_451] {strides = array<i32>} : memref<512x64xf32, #tpu.memory_space<vmem>>, vector<16xf32>,
      %mul3A_453 = arith.mulf %get3A_449, %get3A_452 : vector<16xf32>
      %add3A_454 = arith.addf %mul3A_446, %mul3A_453 : vector<16xf32>
      %get3A_455 = arith.index_cast %add3A_439 : i32 to index
      %get3A_456 = arith.constant 32 : index
      %get3A_457 = tpu.vector_load %arg11[%get3A_455, %get3A_456] {strides = array<i32>} : memref<512x64xf32, #tpu.memory_space<vmem>>, vector<16xf32>,
      %get3A_458 = arith.index_cast %add3A_439 : i32 to index
      %get3A_459 = arith.constant 32 : index
      %get3A_460 = tpu.vector_load %arg12[%get3A_458, %get3A_459] {strides = array<i32>} : memref<512x64xf32, #tpu.memory_space<vmem>>, vector<16xf32>,
      %mul3A_461 = arith.mulf %get3A_457, %get3A_460 : vector<16xf32>
      %add3A_462 = arith.addf %add3A_454, %mul3A_461 : vector<16xf32>
      %get3A_463 = arith.index_cast %add3A_439 : i32 to index
      %get3A_464 = arith.constant 48 : index
      %get3A_465 = tpu.vector_load %arg11[%get3A_463, %get3A_464] {strides = array<i32>} : memref<512x64xf32, #tpu.memory_space<vmem>>, vector<16xf32>,
      %get3A_466 = arith.index_cast %add3A_439 : i32 to index
      %get3A_467 = arith.constant 48 : index
      %get3A_468 = tpu.vector_load %arg12[%get3A_466, %get3A_467] {strides = array<i32>} : memref<512x64xf32, #tpu.memory_space<vmem>>, vector<16xf32>,
      %mul3A_469 = arith.mulf %get3A_465, %get3A_468 : vector<16xf32>
      %add3A_470 = arith.addf %add3A_462, %mul3A_469 : vector<16xf32>
      %eq3A_471 = arith.constant 2 : i32
      %eq3A_472 = vector.broadcast %eq3A_471 : i32 to vector<16xi32>
      %eq3A_473 = arith.cmpi eq, %iota3A, %eq3A_472 : vector<16xi32>
      %reduce_sum3A_474 = arith.constant true
      %reduce_sum3A_475 = vector.broadcast %reduce_sum3A_474 : i1 to vector<16xi1>
      %reduce_sum3A_476 = tpu.scan <sum>, %add3A_470 masked %reduce_sum3A_475 : vector<16xf32>, vector<16xi1> -> vector<16xf32>
      %reduce_sum3A_477 = vector.extract %reduce_sum3A_476[15] : f32 from vector<16xf32>
      %broadcast_in_dim3A_478 = vector.broadcast %reduce_sum3A_477 : f32 to vector<16xf32>
      %select_n3A_479 = arith.select %eq3A_473, %broadcast_in_dim3A_478, %select_n3A_433 : vector<16xi1>, vector<16xf32>
      %mul3A_480 = arith.constant 16 : i32
      %mul3A_481 = arith.muli %scan3A_344, %mul3A_480 : i32
      %add3A_482 = arith.constant 128 : i32
      %add3A_483 = arith.addi %add3A_482, %mul3A_481 : i32
      %add3A_484 = arith.constant 3 : i32
      %add3A_485 = arith.addi %add3A_483, %add3A_484 : i32
      %get3A_486 = arith.index_cast %add3A_485 : i32 to index
      %get3A_487 = arith.constant 0 : index
      %get3A_488 = tpu.vector_load %arg11[%get3A_486, %get3A_487] {strides = array<i32>} : memref<512x64xf32, #tpu.memory_space<vmem>>, vector<16xf32>,
      %get3A_489 = arith.index_cast %add3A_485 : i32 to index
      %get3A_490 = arith.constant 0 : index
      %get3A_491 = tpu.vector_load %arg12[%get3A_489, %get3A_490] {strides = array<i32>} : memref<512x64xf32, #tpu.memory_space<vmem>>, vector<16xf32>,
      %mul3A_492 = arith.mulf %get3A_488, %get3A_491 : vector<16xf32>
      %get3A_493 = arith.index_cast %add3A_485 : i32 to index
      %get3A_494 = arith.constant 16 : index
      %get3A_495 = tpu.vector_load %arg11[%get3A_493, %get3A_494] {strides = array<i32>} : memref<512x64xf32, #tpu.memory_space<vmem>>, vector<16xf32>,
      %get3A_496 = arith.index_cast %add3A_485 : i32 to index
      %get3A_497 = arith.constant 16 : index
      %get3A_498 = tpu.vector_load %arg12[%get3A_496, %get3A_497] {strides = array<i32>} : memref<512x64xf32, #tpu.memory_space<vmem>>, vector<16xf32>,
      %mul3A_499 = arith.mulf %get3A_495, %get3A_498 : vector<16xf32>
      %add3A_500 = arith.addf %mul3A_492, %mul3A_499 : vector<16xf32>
      %get3A_501 = arith.index_cast %add3A_485 : i32 to index
      %get3A_502 = arith.constant 32 : index
      %get3A_503 = tpu.vector_load %arg11[%get3A_501, %get3A_502] {strides = array<i32>} : memref<512x64xf32, #tpu.memory_space<vmem>>, vector<16xf32>,
      %get3A_504 = arith.index_cast %add3A_485 : i32 to index
      %get3A_505 = arith.constant 32 : index
      %get3A_506 = tpu.vector_load %arg12[%get3A_504, %get3A_505] {strides = array<i32>} : memref<512x64xf32, #tpu.memory_space<vmem>>, vector<16xf32>,
      %mul3A_507 = arith.mulf %get3A_503, %get3A_506 : vector<16xf32>
      %add3A_508 = arith.addf %add3A_500, %mul3A_507 : vector<16xf32>
      %get3A_509 = arith.index_cast %add3A_485 : i32 to index
      %get3A_510 = arith.constant 48 : index
      %get3A_511 = tpu.vector_load %arg11[%get3A_509, %get3A_510] {strides = array<i32>} : memref<512x64xf32, #tpu.memory_space<vmem>>, vector<16xf32>,
      %get3A_512 = arith.index_cast %add3A_485 : i32 to index
      %get3A_513 = arith.constant 48 : index
      %get3A_514 = tpu.vector_load %arg12[%get3A_512, %get3A_513] {strides = array<i32>} : memref<512x64xf32, #tpu.memory_space<vmem>>, vector<16xf32>,
      %mul3A_515 = arith.mulf %get3A_511, %get3A_514 : vector<16xf32>
      %add3A_516 = arith.addf %add3A_508, %mul3A_515 : vector<16xf32>
      %eq3A_517 = arith.constant 3 : i32
      %eq3A_518 = vector.broadcast %eq3A_517 : i32 to vector<16xi32>
      %eq3A_519 = arith.cmpi eq, %iota3A, %eq3A_518 : vector<16xi32>
      %reduce_sum3A_520 = arith.constant true
      %reduce_sum3A_521 = vector.broadcast %reduce_sum3A_520 : i1 to vector<16xi1>
      %reduce_sum3A_522 = tpu.scan <sum>, %add3A_516 masked %reduce_sum3A_521 : vector<16xf32>, vector<16xi1> -> vector<16xf32>
      %reduce_sum3A_523 = vector.extract %reduce_sum3A_522[15] : f32 from vector<16xf32>
      %broadcast_in_dim3A_524 = vector.broadcast %reduce_sum3A_523 : f32 to vector<16xf32>
      %select_n3A_525 = arith.select %eq3A_519, %broadcast_in_dim3A_524, %select_n3A_479 : vector<16xi1>, vector<16xf32>
      %mul3A_526 = arith.constant 16 : i32
      %mul3A_527 = arith.muli %scan3A_344, %mul3A_526 : i32
      %add3A_528 = arith.constant 128 : i32
      %add3A_529 = arith.addi %add3A_528, %mul3A_527 : i32
      %add3A_530 = arith.constant 4 : i32
      %add3A_531 = arith.addi %add3A_529, %add3A_530 : i32
      %get3A_532 = arith.index_cast %add3A_531 : i32 to index
      %get3A_533 = arith.constant 0 : index
      %get3A_534 = tpu.vector_load %arg11[%get3A_532, %get3A_533] {strides = array<i32>} : memref<512x64xf32, #tpu.memory_space<vmem>>, vector<16xf32>,
      %get3A_535 = arith.index_cast %add3A_531 : i32 to index
      %get3A_536 = arith.constant 0 : index
      %get3A_537 = tpu.vector_load %arg12[%get3A_535, %get3A_536] {strides = array<i32>} : memref<512x64xf32, #tpu.memory_space<vmem>>, vector<16xf32>,
      %mul3A_538 = arith.mulf %get3A_534, %get3A_537 : vector<16xf32>
      %get3A_539 = arith.index_cast %add3A_531 : i32 to index
      %get3A_540 = arith.constant 16 : index
      %get3A_541 = tpu.vector_load %arg11[%get3A_539, %get3A_540] {strides = array<i32>} : memref<512x64xf32, #tpu.memory_space<vmem>>, vector<16xf32>,
      %get3A_542 = arith.index_cast %add3A_531 : i32 to index
      %get3A_543 = arith.constant 16 : index
      %get3A_544 = tpu.vector_load %arg12[%get3A_542, %get3A_543] {strides = array<i32>} : memref<512x64xf32, #tpu.memory_space<vmem>>, vector<16xf32>,
      %mul3A_545 = arith.mulf %get3A_541, %get3A_544 : vector<16xf32>
      %add3A_546 = arith.addf %mul3A_538, %mul3A_545 : vector<16xf32>
      %get3A_547 = arith.index_cast %add3A_531 : i32 to index
      %get3A_548 = arith.constant 32 : index
      %get3A_549 = tpu.vector_load %arg11[%get3A_547, %get3A_548] {strides = array<i32>} : memref<512x64xf32, #tpu.memory_space<vmem>>, vector<16xf32>,
      %get3A_550 = arith.index_cast %add3A_531 : i32 to index
      %get3A_551 = arith.constant 32 : index
      %get3A_552 = tpu.vector_load %arg12[%get3A_550, %get3A_551] {strides = array<i32>} : memref<512x64xf32, #tpu.memory_space<vmem>>, vector<16xf32>,
      %mul3A_553 = arith.mulf %get3A_549, %get3A_552 : vector<16xf32>
      %add3A_554 = arith.addf %add3A_546, %mul3A_553 : vector<16xf32>
      %get3A_555 = arith.index_cast %add3A_531 : i32 to index
      %get3A_556 = arith.constant 48 : index
      %get3A_557 = tpu.vector_load %arg11[%get3A_555, %get3A_556] {strides = array<i32>} : memref<512x64xf32, #tpu.memory_space<vmem>>, vector<16xf32>,
      %get3A_558 = arith.index_cast %add3A_531 : i32 to index
      %get3A_559 = arith.constant 48 : index
      %get3A_560 = tpu.vector_load %arg12[%get3A_558, %get3A_559] {strides = array<i32>} : memref<512x64xf32, #tpu.memory_space<vmem>>, vector<16xf32>,
      %mul3A_561 = arith.mulf %get3A_557, %get3A_560 : vector<16xf32>
      %add3A_562 = arith.addf %add3A_554, %mul3A_561 : vector<16xf32>
      %eq3A_563 = arith.constant 4 : i32
      %eq3A_564 = vector.broadcast %eq3A_563 : i32 to vector<16xi32>
      %eq3A_565 = arith.cmpi eq, %iota3A, %eq3A_564 : vector<16xi32>
      %reduce_sum3A_566 = arith.constant true
      %reduce_sum3A_567 = vector.broadcast %reduce_sum3A_566 : i1 to vector<16xi1>
      %reduce_sum3A_568 = tpu.scan <sum>, %add3A_562 masked %reduce_sum3A_567 : vector<16xf32>, vector<16xi1> -> vector<16xf32>
      %reduce_sum3A_569 = vector.extract %reduce_sum3A_568[15] : f32 from vector<16xf32>
      %broadcast_in_dim3A_570 = vector.broadcast %reduce_sum3A_569 : f32 to vector<16xf32>
      %select_n3A_571 = arith.select %eq3A_565, %broadcast_in_dim3A_570, %select_n3A_525 : vector<16xi1>, vector<16xf32>
      %mul3A_572 = arith.constant 16 : i32
      %mul3A_573 = arith.muli %scan3A_344, %mul3A_572 : i32
      %add3A_574 = arith.constant 128 : i32
      %add3A_575 = arith.addi %add3A_574, %mul3A_573 : i32
      %add3A_576 = arith.constant 5 : i32
      %add3A_577 = arith.addi %add3A_575, %add3A_576 : i32
      %get3A_578 = arith.index_cast %add3A_577 : i32 to index
      %get3A_579 = arith.constant 0 : index
      %get3A_580 = tpu.vector_load %arg11[%get3A_578, %get3A_579] {strides = array<i32>} : memref<512x64xf32, #tpu.memory_space<vmem>>, vector<16xf32>,
      %get3A_581 = arith.index_cast %add3A_577 : i32 to index
      %get3A_582 = arith.constant 0 : index
      %get3A_583 = tpu.vector_load %arg12[%get3A_581, %get3A_582] {strides = array<i32>} : memref<512x64xf32, #tpu.memory_space<vmem>>, vector<16xf32>,
      %mul3A_584 = arith.mulf %get3A_580, %get3A_583 : vector<16xf32>
      %get3A_585 = arith.index_cast %add3A_577 : i32 to index
      %get3A_586 = arith.constant 16 : index
      %get3A_587 = tpu.vector_load %arg11[%get3A_585, %get3A_586] {strides = array<i32>} : memref<512x64xf32, #tpu.memory_space<vmem>>, vector<16xf32>,
      %get3A_588 = arith.index_cast %add3A_577 : i32 to index
      %get3A_589 = arith.constant 16 : index
      %get3A_590 = tpu.vector_load %arg12[%get3A_588, %get3A_589] {strides = array<i32>} : memref<512x64xf32, #tpu.memory_space<vmem>>, vector<16xf32>,
      %mul3A_591 = arith.mulf %get3A_587, %get3A_590 : vector<16xf32>
      %add3A_592 = arith.addf %mul3A_584, %mul3A_591 : vector<16xf32>
      %get3A_593 = arith.index_cast %add3A_577 : i32 to index
      %get3A_594 = arith.constant 32 : index
      %get3A_595 = tpu.vector_load %arg11[%get3A_593, %get3A_594] {strides = array<i32>} : memref<512x64xf32, #tpu.memory_space<vmem>>, vector<16xf32>,
      %get3A_596 = arith.index_cast %add3A_577 : i32 to index
      %get3A_597 = arith.constant 32 : index
      %get3A_598 = tpu.vector_load %arg12[%get3A_596, %get3A_597] {strides = array<i32>} : memref<512x64xf32, #tpu.memory_space<vmem>>, vector<16xf32>,
      %mul3A_599 = arith.mulf %get3A_595, %get3A_598 : vector<16xf32>
      %add3A_600 = arith.addf %add3A_592, %mul3A_599 : vector<16xf32>
      %get3A_601 = arith.index_cast %add3A_577 : i32 to index
      %get3A_602 = arith.constant 48 : index
      %get3A_603 = tpu.vector_load %arg11[%get3A_601, %get3A_602] {strides = array<i32>} : memref<512x64xf32, #tpu.memory_space<vmem>>, vector<16xf32>,
      %get3A_604 = arith.index_cast %add3A_577 : i32 to index
      %get3A_605 = arith.constant 48 : index
      %get3A_606 = tpu.vector_load %arg12[%get3A_604, %get3A_605] {strides = array<i32>} : memref<512x64xf32, #tpu.memory_space<vmem>>, vector<16xf32>,
      %mul3A_607 = arith.mulf %get3A_603, %get3A_606 : vector<16xf32>
      %add3A_608 = arith.addf %add3A_600, %mul3A_607 : vector<16xf32>
      %eq3A_609 = arith.constant 5 : i32
      %eq3A_610 = vector.broadcast %eq3A_609 : i32 to vector<16xi32>
      %eq3A_611 = arith.cmpi eq, %iota3A, %eq3A_610 : vector<16xi32>
      %reduce_sum3A_612 = arith.constant true
      %reduce_sum3A_613 = vector.broadcast %reduce_sum3A_612 : i1 to vector<16xi1>
      %reduce_sum3A_614 = tpu.scan <sum>, %add3A_608 masked %reduce_sum3A_613 : vector<16xf32>, vector<16xi1> -> vector<16xf32>
      %reduce_sum3A_615 = vector.extract %reduce_sum3A_614[15] : f32 from vector<16xf32>
      %broadcast_in_dim3A_616 = vector.broadcast %reduce_sum3A_615 : f32 to vector<16xf32>
      %select_n3A_617 = arith.select %eq3A_611, %broadcast_in_dim3A_616, %select_n3A_571 : vector<16xi1>, vector<16xf32>
      %mul3A_618 = arith.constant 16 : i32
      %mul3A_619 = arith.muli %scan3A_344, %mul3A_618 : i32
      %add3A_620 = arith.constant 128 : i32
      %add3A_621 = arith.addi %add3A_620, %mul3A_619 : i32
      %add3A_622 = arith.constant 6 : i32
      %add3A_623 = arith.addi %add3A_621, %add3A_622 : i32
      %get3A_624 = arith.index_cast %add3A_623 : i32 to index
      %get3A_625 = arith.constant 0 : index
      %get3A_626 = tpu.vector_load %arg11[%get3A_624, %get3A_625] {strides = array<i32>} : memref<512x64xf32, #tpu.memory_space<vmem>>, vector<16xf32>,
      %get3A_627 = arith.index_cast %add3A_623 : i32 to index
      %get3A_628 = arith.constant 0 : index
      %get3A_629 = tpu.vector_load %arg12[%get3A_627, %get3A_628] {strides = array<i32>} : memref<512x64xf32, #tpu.memory_space<vmem>>, vector<16xf32>,
      %mul3A_630 = arith.mulf %get3A_626, %get3A_629 : vector<16xf32>
      %get3A_631 = arith.index_cast %add3A_623 : i32 to index
      %get3A_632 = arith.constant 16 : index
      %get3A_633 = tpu.vector_load %arg11[%get3A_631, %get3A_632] {strides = array<i32>} : memref<512x64xf32, #tpu.memory_space<vmem>>, vector<16xf32>,
      %get3A_634 = arith.index_cast %add3A_623 : i32 to index
      %get3A_635 = arith.constant 16 : index
      %get3A_636 = tpu.vector_load %arg12[%get3A_634, %get3A_635] {strides = array<i32>} : memref<512x64xf32, #tpu.memory_space<vmem>>, vector<16xf32>,
      %mul3A_637 = arith.mulf %get3A_633, %get3A_636 : vector<16xf32>
      %add3A_638 = arith.addf %mul3A_630, %mul3A_637 : vector<16xf32>
      %get3A_639 = arith.index_cast %add3A_623 : i32 to index
      %get3A_640 = arith.constant 32 : index
      %get3A_641 = tpu.vector_load %arg11[%get3A_639, %get3A_640] {strides = array<i32>} : memref<512x64xf32, #tpu.memory_space<vmem>>, vector<16xf32>,
      %get3A_642 = arith.index_cast %add3A_623 : i32 to index
      %get3A_643 = arith.constant 32 : index
      %get3A_644 = tpu.vector_load %arg12[%get3A_642, %get3A_643] {strides = array<i32>} : memref<512x64xf32, #tpu.memory_space<vmem>>, vector<16xf32>,
      %mul3A_645 = arith.mulf %get3A_641, %get3A_644 : vector<16xf32>
      %add3A_646 = arith.addf %add3A_638, %mul3A_645 : vector<16xf32>
      %get3A_647 = arith.index_cast %add3A_623 : i32 to index
      %get3A_648 = arith.constant 48 : index
      %get3A_649 = tpu.vector_load %arg11[%get3A_647, %get3A_648] {strides = array<i32>} : memref<512x64xf32, #tpu.memory_space<vmem>>, vector<16xf32>,
      %get3A_650 = arith.index_cast %add3A_623 : i32 to index
      %get3A_651 = arith.constant 48 : index
      %get3A_652 = tpu.vector_load %arg12[%get3A_650, %get3A_651] {strides = array<i32>} : memref<512x64xf32, #tpu.memory_space<vmem>>, vector<16xf32>,
      %mul3A_653 = arith.mulf %get3A_649, %get3A_652 : vector<16xf32>
      %add3A_654 = arith.addf %add3A_646, %mul3A_653 : vector<16xf32>
      %eq3A_655 = arith.constant 6 : i32
      %eq3A_656 = vector.broadcast %eq3A_655 : i32 to vector<16xi32>
      %eq3A_657 = arith.cmpi eq, %iota3A, %eq3A_656 : vector<16xi32>
      %reduce_sum3A_658 = arith.constant true
      %reduce_sum3A_659 = vector.broadcast %reduce_sum3A_658 : i1 to vector<16xi1>
      %reduce_sum3A_660 = tpu.scan <sum>, %add3A_654 masked %reduce_sum3A_659 : vector<16xf32>, vector<16xi1> -> vector<16xf32>
      %reduce_sum3A_661 = vector.extract %reduce_sum3A_660[15] : f32 from vector<16xf32>
      %broadcast_in_dim3A_662 = vector.broadcast %reduce_sum3A_661 : f32 to vector<16xf32>
      %select_n3A_663 = arith.select %eq3A_657, %broadcast_in_dim3A_662, %select_n3A_617 : vector<16xi1>, vector<16xf32>
      %mul3A_664 = arith.constant 16 : i32
      %mul3A_665 = arith.muli %scan3A_344, %mul3A_664 : i32
      %add3A_666 = arith.constant 128 : i32
      %add3A_667 = arith.addi %add3A_666, %mul3A_665 : i32
      %add3A_668 = arith.constant 7 : i32
      %add3A_669 = arith.addi %add3A_667, %add3A_668 : i32
      %get3A_670 = arith.index_cast %add3A_669 : i32 to index
      %get3A_671 = arith.constant 0 : index
      %get3A_672 = tpu.vector_load %arg11[%get3A_670, %get3A_671] {strides = array<i32>} : memref<512x64xf32, #tpu.memory_space<vmem>>, vector<16xf32>,
      %get3A_673 = arith.index_cast %add3A_669 : i32 to index
      %get3A_674 = arith.constant 0 : index
      %get3A_675 = tpu.vector_load %arg12[%get3A_673, %get3A_674] {strides = array<i32>} : memref<512x64xf32, #tpu.memory_space<vmem>>, vector<16xf32>,
      %mul3A_676 = arith.mulf %get3A_672, %get3A_675 : vector<16xf32>
      %get3A_677 = arith.index_cast %add3A_669 : i32 to index
      %get3A_678 = arith.constant 16 : index
      %get3A_679 = tpu.vector_load %arg11[%get3A_677, %get3A_678] {strides = array<i32>} : memref<512x64xf32, #tpu.memory_space<vmem>>, vector<16xf32>,
      %get3A_680 = arith.index_cast %add3A_669 : i32 to index
      %get3A_681 = arith.constant 16 : index
      %get3A_682 = tpu.vector_load %arg12[%get3A_680, %get3A_681] {strides = array<i32>} : memref<512x64xf32, #tpu.memory_space<vmem>>, vector<16xf32>,
      %mul3A_683 = arith.mulf %get3A_679, %get3A_682 : vector<16xf32>
      %add3A_684 = arith.addf %mul3A_676, %mul3A_683 : vector<16xf32>
      %get3A_685 = arith.index_cast %add3A_669 : i32 to index
      %get3A_686 = arith.constant 32 : index
      %get3A_687 = tpu.vector_load %arg11[%get3A_685, %get3A_686] {strides = array<i32>} : memref<512x64xf32, #tpu.memory_space<vmem>>, vector<16xf32>,
      %get3A_688 = arith.index_cast %add3A_669 : i32 to index
      %get3A_689 = arith.constant 32 : index
      %get3A_690 = tpu.vector_load %arg12[%get3A_688, %get3A_689] {strides = array<i32>} : memref<512x64xf32, #tpu.memory_space<vmem>>, vector<16xf32>,
      %mul3A_691 = arith.mulf %get3A_687, %get3A_690 : vector<16xf32>
      %add3A_692 = arith.addf %add3A_684, %mul3A_691 : vector<16xf32>
      %get3A_693 = arith.index_cast %add3A_669 : i32 to index
      %get3A_694 = arith.constant 48 : index
      %get3A_695 = tpu.vector_load %arg11[%get3A_693, %get3A_694] {strides = array<i32>} : memref<512x64xf32, #tpu.memory_space<vmem>>, vector<16xf32>,
      %get3A_696 = arith.index_cast %add3A_669 : i32 to index
      %get3A_697 = arith.constant 48 : index
      %get3A_698 = tpu.vector_load %arg12[%get3A_696, %get3A_697] {strides = array<i32>} : memref<512x64xf32, #tpu.memory_space<vmem>>, vector<16xf32>,
      %mul3A_699 = arith.mulf %get3A_695, %get3A_698 : vector<16xf32>
      %add3A_700 = arith.addf %add3A_692, %mul3A_699 : vector<16xf32>
      %eq3A_701 = arith.constant 7 : i32
      %eq3A_702 = vector.broadcast %eq3A_701 : i32 to vector<16xi32>
      %eq3A_703 = arith.cmpi eq, %iota3A, %eq3A_702 : vector<16xi32>
      %reduce_sum3A_704 = arith.constant true
      %reduce_sum3A_705 = vector.broadcast %reduce_sum3A_704 : i1 to vector<16xi1>
      %reduce_sum3A_706 = tpu.scan <sum>, %add3A_700 masked %reduce_sum3A_705 : vector<16xf32>, vector<16xi1> -> vector<16xf32>
      %reduce_sum3A_707 = vector.extract %reduce_sum3A_706[15] : f32 from vector<16xf32>
      %broadcast_in_dim3A_708 = vector.broadcast %reduce_sum3A_707 : f32 to vector<16xf32>
      %select_n3A_709 = arith.select %eq3A_703, %broadcast_in_dim3A_708, %select_n3A_663 : vector<16xi1>, vector<16xf32>
      %mul3A_710 = arith.constant 16 : i32
      %mul3A_711 = arith.muli %scan3A_344, %mul3A_710 : i32
      %add3A_712 = arith.constant 128 : i32
      %add3A_713 = arith.addi %add3A_712, %mul3A_711 : i32
      %add3A_714 = arith.constant 8 : i32
      %add3A_715 = arith.addi %add3A_713, %add3A_714 : i32
      %get3A_716 = arith.index_cast %add3A_715 : i32 to index
      %get3A_717 = arith.constant 0 : index
      %get3A_718 = tpu.vector_load %arg11[%get3A_716, %get3A_717] {strides = array<i32>} : memref<512x64xf32, #tpu.memory_space<vmem>>, vector<16xf32>,
      %get3A_719 = arith.index_cast %add3A_715 : i32 to index
      %get3A_720 = arith.constant 0 : index
      %get3A_721 = tpu.vector_load %arg12[%get3A_719, %get3A_720] {strides = array<i32>} : memref<512x64xf32, #tpu.memory_space<vmem>>, vector<16xf32>,
      %mul3A_722 = arith.mulf %get3A_718, %get3A_721 : vector<16xf32>
      %get3A_723 = arith.index_cast %add3A_715 : i32 to index
      %get3A_724 = arith.constant 16 : index
      %get3A_725 = tpu.vector_load %arg11[%get3A_723, %get3A_724] {strides = array<i32>} : memref<512x64xf32, #tpu.memory_space<vmem>>, vector<16xf32>,
      %get3A_726 = arith.index_cast %add3A_715 : i32 to index
      %get3A_727 = arith.constant 16 : index
      %get3A_728 = tpu.vector_load %arg12[%get3A_726, %get3A_727] {strides = array<i32>} : memref<512x64xf32, #tpu.memory_space<vmem>>, vector<16xf32>,
      %mul3A_729 = arith.mulf %get3A_725, %get3A_728 : vector<16xf32>
      %add3A_730 = arith.addf %mul3A_722, %mul3A_729 : vector<16xf32>
      %get3A_731 = arith.index_cast %add3A_715 : i32 to index
      %get3A_732 = arith.constant 32 : index
      %get3A_733 = tpu.vector_load %arg11[%get3A_731, %get3A_732] {strides = array<i32>} : memref<512x64xf32, #tpu.memory_space<vmem>>, vector<16xf32>,
      %get3A_734 = arith.index_cast %add3A_715 : i32 to index
      %get3A_735 = arith.constant 32 : index
      %get3A_736 = tpu.vector_load %arg12[%get3A_734, %get3A_735] {strides = array<i32>} : memref<512x64xf32, #tpu.memory_space<vmem>>, vector<16xf32>,
      %mul3A_737 = arith.mulf %get3A_733, %get3A_736 : vector<16xf32>
      %add3A_738 = arith.addf %add3A_730, %mul3A_737 : vector<16xf32>
      %get3A_739 = arith.index_cast %add3A_715 : i32 to index
      %get3A_740 = arith.constant 48 : index
      %get3A_741 = tpu.vector_load %arg11[%get3A_739, %get3A_740] {strides = array<i32>} : memref<512x64xf32, #tpu.memory_space<vmem>>, vector<16xf32>,
      %get3A_742 = arith.index_cast %add3A_715 : i32 to index
      %get3A_743 = arith.constant 48 : index
      %get3A_744 = tpu.vector_load %arg12[%get3A_742, %get3A_743] {strides = array<i32>} : memref<512x64xf32, #tpu.memory_space<vmem>>, vector<16xf32>,
      %mul3A_745 = arith.mulf %get3A_741, %get3A_744 : vector<16xf32>
      %add3A_746 = arith.addf %add3A_738, %mul3A_745 : vector<16xf32>
      %eq3A_747 = arith.constant 8 : i32
      %eq3A_748 = vector.broadcast %eq3A_747 : i32 to vector<16xi32>
      %eq3A_749 = arith.cmpi eq, %iota3A, %eq3A_748 : vector<16xi32>
      %reduce_sum3A_750 = arith.constant true
      %reduce_sum3A_751 = vector.broadcast %reduce_sum3A_750 : i1 to vector<16xi1>
      %reduce_sum3A_752 = tpu.scan <sum>, %add3A_746 masked %reduce_sum3A_751 : vector<16xf32>, vector<16xi1> -> vector<16xf32>
      %reduce_sum3A_753 = vector.extract %reduce_sum3A_752[15] : f32 from vector<16xf32>
      %broadcast_in_dim3A_754 = vector.broadcast %reduce_sum3A_753 : f32 to vector<16xf32>
      %select_n3A_755 = arith.select %eq3A_749, %broadcast_in_dim3A_754, %select_n3A_709 : vector<16xi1>, vector<16xf32>
      %mul3A_756 = arith.constant 16 : i32
      %mul3A_757 = arith.muli %scan3A_344, %mul3A_756 : i32
      %add3A_758 = arith.constant 128 : i32
      %add3A_759 = arith.addi %add3A_758, %mul3A_757 : i32
      %add3A_760 = arith.constant 9 : i32
      %add3A_761 = arith.addi %add3A_759, %add3A_760 : i32
      %get3A_762 = arith.index_cast %add3A_761 : i32 to index
      %get3A_763 = arith.constant 0 : index
      %get3A_764 = tpu.vector_load %arg11[%get3A_762, %get3A_763] {strides = array<i32>} : memref<512x64xf32, #tpu.memory_space<vmem>>, vector<16xf32>,
      %get3A_765 = arith.index_cast %add3A_761 : i32 to index
      %get3A_766 = arith.constant 0 : index
      %get3A_767 = tpu.vector_load %arg12[%get3A_765, %get3A_766] {strides = array<i32>} : memref<512x64xf32, #tpu.memory_space<vmem>>, vector<16xf32>,
      %mul3A_768 = arith.mulf %get3A_764, %get3A_767 : vector<16xf32>
      %get3A_769 = arith.index_cast %add3A_761 : i32 to index
      %get3A_770 = arith.constant 16 : index
      %get3A_771 = tpu.vector_load %arg11[%get3A_769, %get3A_770] {strides = array<i32>} : memref<512x64xf32, #tpu.memory_space<vmem>>, vector<16xf32>,
      %get3A_772 = arith.index_cast %add3A_761 : i32 to index
      %get3A_773 = arith.constant 16 : index
      %get3A_774 = tpu.vector_load %arg12[%get3A_772, %get3A_773] {strides = array<i32>} : memref<512x64xf32, #tpu.memory_space<vmem>>, vector<16xf32>,
      %mul3A_775 = arith.mulf %get3A_771, %get3A_774 : vector<16xf32>
      %add3A_776 = arith.addf %mul3A_768, %mul3A_775 : vector<16xf32>
      %get3A_777 = arith.index_cast %add3A_761 : i32 to index
      %get3A_778 = arith.constant 32 : index
      %get3A_779 = tpu.vector_load %arg11[%get3A_777, %get3A_778] {strides = array<i32>} : memref<512x64xf32, #tpu.memory_space<vmem>>, vector<16xf32>,
      %get3A_780 = arith.index_cast %add3A_761 : i32 to index
      %get3A_781 = arith.constant 32 : index
      %get3A_782 = tpu.vector_load %arg12[%get3A_780, %get3A_781] {strides = array<i32>} : memref<512x64xf32, #tpu.memory_space<vmem>>, vector<16xf32>,
      %mul3A_783 = arith.mulf %get3A_779, %get3A_782 : vector<16xf32>
      %add3A_784 = arith.addf %add3A_776, %mul3A_783 : vector<16xf32>
      %get3A_785 = arith.index_cast %add3A_761 : i32 to index
      %get3A_786 = arith.constant 48 : index
      %get3A_787 = tpu.vector_load %arg11[%get3A_785, %get3A_786] {strides = array<i32>} : memref<512x64xf32, #tpu.memory_space<vmem>>, vector<16xf32>,
      %get3A_788 = arith.index_cast %add3A_761 : i32 to index
      %get3A_789 = arith.constant 48 : index
      %get3A_790 = tpu.vector_load %arg12[%get3A_788, %get3A_789] {strides = array<i32>} : memref<512x64xf32, #tpu.memory_space<vmem>>, vector<16xf32>,
      %mul3A_791 = arith.mulf %get3A_787, %get3A_790 : vector<16xf32>
      %add3A_792 = arith.addf %add3A_784, %mul3A_791 : vector<16xf32>
      %eq3A_793 = arith.constant 9 : i32
      %eq3A_794 = vector.broadcast %eq3A_793 : i32 to vector<16xi32>
      %eq3A_795 = arith.cmpi eq, %iota3A, %eq3A_794 : vector<16xi32>
      %reduce_sum3A_796 = arith.constant true
      %reduce_sum3A_797 = vector.broadcast %reduce_sum3A_796 : i1 to vector<16xi1>
      %reduce_sum3A_798 = tpu.scan <sum>, %add3A_792 masked %reduce_sum3A_797 : vector<16xf32>, vector<16xi1> -> vector<16xf32>
      %reduce_sum3A_799 = vector.extract %reduce_sum3A_798[15] : f32 from vector<16xf32>
      %broadcast_in_dim3A_800 = vector.broadcast %reduce_sum3A_799 : f32 to vector<16xf32>
      %select_n3A_801 = arith.select %eq3A_795, %broadcast_in_dim3A_800, %select_n3A_755 : vector<16xi1>, vector<16xf32>
      %mul3A_802 = arith.constant 16 : i32
      %mul3A_803 = arith.muli %scan3A_344, %mul3A_802 : i32
      %add3A_804 = arith.constant 128 : i32
      %add3A_805 = arith.addi %add3A_804, %mul3A_803 : i32
      %add3A_806 = arith.constant 10 : i32
      %add3A_807 = arith.addi %add3A_805, %add3A_806 : i32
      %get3A_808 = arith.index_cast %add3A_807 : i32 to index
      %get3A_809 = arith.constant 0 : index
      %get3A_810 = tpu.vector_load %arg11[%get3A_808, %get3A_809] {strides = array<i32>} : memref<512x64xf32, #tpu.memory_space<vmem>>, vector<16xf32>,
      %get3A_811 = arith.index_cast %add3A_807 : i32 to index
      %get3A_812 = arith.constant 0 : index
      %get3A_813 = tpu.vector_load %arg12[%get3A_811, %get3A_812] {strides = array<i32>} : memref<512x64xf32, #tpu.memory_space<vmem>>, vector<16xf32>,
      %mul3A_814 = arith.mulf %get3A_810, %get3A_813 : vector<16xf32>
      %get3A_815 = arith.index_cast %add3A_807 : i32 to index
      %get3A_816 = arith.constant 16 : index
      %get3A_817 = tpu.vector_load %arg11[%get3A_815, %get3A_816] {strides = array<i32>} : memref<512x64xf32, #tpu.memory_space<vmem>>, vector<16xf32>,
      %get3A_818 = arith.index_cast %add3A_807 : i32 to index
      %get3A_819 = arith.constant 16 : index
      %get3A_820 = tpu.vector_load %arg12[%get3A_818, %get3A_819] {strides = array<i32>} : memref<512x64xf32, #tpu.memory_space<vmem>>, vector<16xf32>,
      %mul3A_821 = arith.mulf %get3A_817, %get3A_820 : vector<16xf32>
      %add3A_822 = arith.addf %mul3A_814, %mul3A_821 : vector<16xf32>
      %get3A_823 = arith.index_cast %add3A_807 : i32 to index
      %get3A_824 = arith.constant 32 : index
      %get3A_825 = tpu.vector_load %arg11[%get3A_823, %get3A_824] {strides = array<i32>} : memref<512x64xf32, #tpu.memory_space<vmem>>, vector<16xf32>,
      %get3A_826 = arith.index_cast %add3A_807 : i32 to index
      %get3A_827 = arith.constant 32 : index
      %get3A_828 = tpu.vector_load %arg12[%get3A_826, %get3A_827] {strides = array<i32>} : memref<512x64xf32, #tpu.memory_space<vmem>>, vector<16xf32>,
      %mul3A_829 = arith.mulf %get3A_825, %get3A_828 : vector<16xf32>
      %add3A_830 = arith.addf %add3A_822, %mul3A_829 : vector<16xf32>
      %get3A_831 = arith.index_cast %add3A_807 : i32 to index
      %get3A_832 = arith.constant 48 : index
      %get3A_833 = tpu.vector_load %arg11[%get3A_831, %get3A_832] {strides = array<i32>} : memref<512x64xf32, #tpu.memory_space<vmem>>, vector<16xf32>,
      %get3A_834 = arith.index_cast %add3A_807 : i32 to index
      %get3A_835 = arith.constant 48 : index
      %get3A_836 = tpu.vector_load %arg12[%get3A_834, %get3A_835] {strides = array<i32>} : memref<512x64xf32, #tpu.memory_space<vmem>>, vector<16xf32>,
      %mul3A_837 = arith.mulf %get3A_833, %get3A_836 : vector<16xf32>
      %add3A_838 = arith.addf %add3A_830, %mul3A_837 : vector<16xf32>
      %eq3A_839 = arith.constant 10 : i32
      %eq3A_840 = vector.broadcast %eq3A_839 : i32 to vector<16xi32>
      %eq3A_841 = arith.cmpi eq, %iota3A, %eq3A_840 : vector<16xi32>
      %reduce_sum3A_842 = arith.constant true
      %reduce_sum3A_843 = vector.broadcast %reduce_sum3A_842 : i1 to vector<16xi1>
      %reduce_sum3A_844 = tpu.scan <sum>, %add3A_838 masked %reduce_sum3A_843 : vector<16xf32>, vector<16xi1> -> vector<16xf32>
      %reduce_sum3A_845 = vector.extract %reduce_sum3A_844[15] : f32 from vector<16xf32>
      %broadcast_in_dim3A_846 = vector.broadcast %reduce_sum3A_845 : f32 to vector<16xf32>
      %select_n3A_847 = arith.select %eq3A_841, %broadcast_in_dim3A_846, %select_n3A_801 : vector<16xi1>, vector<16xf32>
      %mul3A_848 = arith.constant 16 : i32
      %mul3A_849 = arith.muli %scan3A_344, %mul3A_848 : i32
      %add3A_850 = arith.constant 128 : i32
      %add3A_851 = arith.addi %add3A_850, %mul3A_849 : i32
      %add3A_852 = arith.constant 11 : i32
      %add3A_853 = arith.addi %add3A_851, %add3A_852 : i32
      %get3A_854 = arith.index_cast %add3A_853 : i32 to index
      %get3A_855 = arith.constant 0 : index
      %get3A_856 = tpu.vector_load %arg11[%get3A_854, %get3A_855] {strides = array<i32>} : memref<512x64xf32, #tpu.memory_space<vmem>>, vector<16xf32>,
      %get3A_857 = arith.index_cast %add3A_853 : i32 to index
      %get3A_858 = arith.constant 0 : index
      %get3A_859 = tpu.vector_load %arg12[%get3A_857, %get3A_858] {strides = array<i32>} : memref<512x64xf32, #tpu.memory_space<vmem>>, vector<16xf32>,
      %mul3A_860 = arith.mulf %get3A_856, %get3A_859 : vector<16xf32>
      %get3A_861 = arith.index_cast %add3A_853 : i32 to index
      %get3A_862 = arith.constant 16 : index
      %get3A_863 = tpu.vector_load %arg11[%get3A_861, %get3A_862] {strides = array<i32>} : memref<512x64xf32, #tpu.memory_space<vmem>>, vector<16xf32>,
      %get3A_864 = arith.index_cast %add3A_853 : i32 to index
      %get3A_865 = arith.constant 16 : index
      %get3A_866 = tpu.vector_load %arg12[%get3A_864, %get3A_865] {strides = array<i32>} : memref<512x64xf32, #tpu.memory_space<vmem>>, vector<16xf32>,
      %mul3A_867 = arith.mulf %get3A_863, %get3A_866 : vector<16xf32>
      %add3A_868 = arith.addf %mul3A_860, %mul3A_867 : vector<16xf32>
      %get3A_869 = arith.index_cast %add3A_853 : i32 to index
      %get3A_870 = arith.constant 32 : index
      %get3A_871 = tpu.vector_load %arg11[%get3A_869, %get3A_870] {strides = array<i32>} : memref<512x64xf32, #tpu.memory_space<vmem>>, vector<16xf32>,
      %get3A_872 = arith.index_cast %add3A_853 : i32 to index
      %get3A_873 = arith.constant 32 : index
      %get3A_874 = tpu.vector_load %arg12[%get3A_872, %get3A_873] {strides = array<i32>} : memref<512x64xf32, #tpu.memory_space<vmem>>, vector<16xf32>,
      %mul3A_875 = arith.mulf %get3A_871, %get3A_874 : vector<16xf32>
      %add3A_876 = arith.addf %add3A_868, %mul3A_875 : vector<16xf32>
      %get3A_877 = arith.index_cast %add3A_853 : i32 to index
      %get3A_878 = arith.constant 48 : index
      %get3A_879 = tpu.vector_load %arg11[%get3A_877, %get3A_878] {strides = array<i32>} : memref<512x64xf32, #tpu.memory_space<vmem>>, vector<16xf32>,
      %get3A_880 = arith.index_cast %add3A_853 : i32 to index
      %get3A_881 = arith.constant 48 : index
      %get3A_882 = tpu.vector_load %arg12[%get3A_880, %get3A_881] {strides = array<i32>} : memref<512x64xf32, #tpu.memory_space<vmem>>, vector<16xf32>,
      %mul3A_883 = arith.mulf %get3A_879, %get3A_882 : vector<16xf32>
      %add3A_884 = arith.addf %add3A_876, %mul3A_883 : vector<16xf32>
      %eq3A_885 = arith.constant 11 : i32
      %eq3A_886 = vector.broadcast %eq3A_885 : i32 to vector<16xi32>
      %eq3A_887 = arith.cmpi eq, %iota3A, %eq3A_886 : vector<16xi32>
      %reduce_sum3A_888 = arith.constant true
      %reduce_sum3A_889 = vector.broadcast %reduce_sum3A_888 : i1 to vector<16xi1>
      %reduce_sum3A_890 = tpu.scan <sum>, %add3A_884 masked %reduce_sum3A_889 : vector<16xf32>, vector<16xi1> -> vector<16xf32>
      %reduce_sum3A_891 = vector.extract %reduce_sum3A_890[15] : f32 from vector<16xf32>
      %broadcast_in_dim3A_892 = vector.broadcast %reduce_sum3A_891 : f32 to vector<16xf32>
      %select_n3A_893 = arith.select %eq3A_887, %broadcast_in_dim3A_892, %select_n3A_847 : vector<16xi1>, vector<16xf32>
      %mul3A_894 = arith.constant 16 : i32
      %mul3A_895 = arith.muli %scan3A_344, %mul3A_894 : i32
      %add3A_896 = arith.constant 128 : i32
      %add3A_897 = arith.addi %add3A_896, %mul3A_895 : i32
      %add3A_898 = arith.constant 12 : i32
      %add3A_899 = arith.addi %add3A_897, %add3A_898 : i32
      %get3A_900 = arith.index_cast %add3A_899 : i32 to index
      %get3A_901 = arith.constant 0 : index
      %get3A_902 = tpu.vector_load %arg11[%get3A_900, %get3A_901] {strides = array<i32>} : memref<512x64xf32, #tpu.memory_space<vmem>>, vector<16xf32>,
      %get3A_903 = arith.index_cast %add3A_899 : i32 to index
      %get3A_904 = arith.constant 0 : index
      %get3A_905 = tpu.vector_load %arg12[%get3A_903, %get3A_904] {strides = array<i32>} : memref<512x64xf32, #tpu.memory_space<vmem>>, vector<16xf32>,
      %mul3A_906 = arith.mulf %get3A_902, %get3A_905 : vector<16xf32>
      %get3A_907 = arith.index_cast %add3A_899 : i32 to index
      %get3A_908 = arith.constant 16 : index
      %get3A_909 = tpu.vector_load %arg11[%get3A_907, %get3A_908] {strides = array<i32>} : memref<512x64xf32, #tpu.memory_space<vmem>>, vector<16xf32>,
      %get3A_910 = arith.index_cast %add3A_899 : i32 to index
      %get3A_911 = arith.constant 16 : index
      %get3A_912 = tpu.vector_load %arg12[%get3A_910, %get3A_911] {strides = array<i32>} : memref<512x64xf32, #tpu.memory_space<vmem>>, vector<16xf32>,
      %mul3A_913 = arith.mulf %get3A_909, %get3A_912 : vector<16xf32>
      %add3A_914 = arith.addf %mul3A_906, %mul3A_913 : vector<16xf32>
      %get3A_915 = arith.index_cast %add3A_899 : i32 to index
      %get3A_916 = arith.constant 32 : index
      %get3A_917 = tpu.vector_load %arg11[%get3A_915, %get3A_916] {strides = array<i32>} : memref<512x64xf32, #tpu.memory_space<vmem>>, vector<16xf32>,
      %get3A_918 = arith.index_cast %add3A_899 : i32 to index
      %get3A_919 = arith.constant 32 : index
      %get3A_920 = tpu.vector_load %arg12[%get3A_918, %get3A_919] {strides = array<i32>} : memref<512x64xf32, #tpu.memory_space<vmem>>, vector<16xf32>,
      %mul3A_921 = arith.mulf %get3A_917, %get3A_920 : vector<16xf32>
      %add3A_922 = arith.addf %add3A_914, %mul3A_921 : vector<16xf32>
      %get3A_923 = arith.index_cast %add3A_899 : i32 to index
      %get3A_924 = arith.constant 48 : index
      %get3A_925 = tpu.vector_load %arg11[%get3A_923, %get3A_924] {strides = array<i32>} : memref<512x64xf32, #tpu.memory_space<vmem>>, vector<16xf32>,
      %get3A_926 = arith.index_cast %add3A_899 : i32 to index
      %get3A_927 = arith.constant 48 : index
      %get3A_928 = tpu.vector_load %arg12[%get3A_926, %get3A_927] {strides = array<i32>} : memref<512x64xf32, #tpu.memory_space<vmem>>, vector<16xf32>,
      %mul3A_929 = arith.mulf %get3A_925, %get3A_928 : vector<16xf32>
      %add3A_930 = arith.addf %add3A_922, %mul3A_929 : vector<16xf32>
      %eq3A_931 = arith.constant 12 : i32
      %eq3A_932 = vector.broadcast %eq3A_931 : i32 to vector<16xi32>
      %eq3A_933 = arith.cmpi eq, %iota3A, %eq3A_932 : vector<16xi32>
      %reduce_sum3A_934 = arith.constant true
      %reduce_sum3A_935 = vector.broadcast %reduce_sum3A_934 : i1 to vector<16xi1>
      %reduce_sum3A_936 = tpu.scan <sum>, %add3A_930 masked %reduce_sum3A_935 : vector<16xf32>, vector<16xi1> -> vector<16xf32>
      %reduce_sum3A_937 = vector.extract %reduce_sum3A_936[15] : f32 from vector<16xf32>
      %broadcast_in_dim3A_938 = vector.broadcast %reduce_sum3A_937 : f32 to vector<16xf32>
      %select_n3A_939 = arith.select %eq3A_933, %broadcast_in_dim3A_938, %select_n3A_893 : vector<16xi1>, vector<16xf32>
      %mul3A_940 = arith.constant 16 : i32
      %mul3A_941 = arith.muli %scan3A_344, %mul3A_940 : i32
      %add3A_942 = arith.constant 128 : i32
      %add3A_943 = arith.addi %add3A_942, %mul3A_941 : i32
      %add3A_944 = arith.constant 13 : i32
      %add3A_945 = arith.addi %add3A_943, %add3A_944 : i32
      %get3A_946 = arith.index_cast %add3A_945 : i32 to index
      %get3A_947 = arith.constant 0 : index
      %get3A_948 = tpu.vector_load %arg11[%get3A_946, %get3A_947] {strides = array<i32>} : memref<512x64xf32, #tpu.memory_space<vmem>>, vector<16xf32>,
      %get3A_949 = arith.index_cast %add3A_945 : i32 to index
      %get3A_950 = arith.constant 0 : index
      %get3A_951 = tpu.vector_load %arg12[%get3A_949, %get3A_950] {strides = array<i32>} : memref<512x64xf32, #tpu.memory_space<vmem>>, vector<16xf32>,
      %mul3A_952 = arith.mulf %get3A_948, %get3A_951 : vector<16xf32>
      %get3A_953 = arith.index_cast %add3A_945 : i32 to index
      %get3A_954 = arith.constant 16 : index
      %get3A_955 = tpu.vector_load %arg11[%get3A_953, %get3A_954] {strides = array<i32>} : memref<512x64xf32, #tpu.memory_space<vmem>>, vector<16xf32>,
      %get3A_956 = arith.index_cast %add3A_945 : i32 to index
      %get3A_957 = arith.constant 16 : index
      %get3A_958 = tpu.vector_load %arg12[%get3A_956, %get3A_957] {strides = array<i32>} : memref<512x64xf32, #tpu.memory_space<vmem>>, vector<16xf32>,
      %mul3A_959 = arith.mulf %get3A_955, %get3A_958 : vector<16xf32>
      %add3A_960 = arith.addf %mul3A_952, %mul3A_959 : vector<16xf32>
      %get3A_961 = arith.index_cast %add3A_945 : i32 to index
      %get3A_962 = arith.constant 32 : index
      %get3A_963 = tpu.vector_load %arg11[%get3A_961, %get3A_962] {strides = array<i32>} : memref<512x64xf32, #tpu.memory_space<vmem>>, vector<16xf32>,
      %get3A_964 = arith.index_cast %add3A_945 : i32 to index
      %get3A_965 = arith.constant 32 : index
      %get3A_966 = tpu.vector_load %arg12[%get3A_964, %get3A_965] {strides = array<i32>} : memref<512x64xf32, #tpu.memory_space<vmem>>, vector<16xf32>,
      %mul3A_967 = arith.mulf %get3A_963, %get3A_966 : vector<16xf32>
      %add3A_968 = arith.addf %add3A_960, %mul3A_967 : vector<16xf32>
      %get3A_969 = arith.index_cast %add3A_945 : i32 to index
      %get3A_970 = arith.constant 48 : index
      %get3A_971 = tpu.vector_load %arg11[%get3A_969, %get3A_970] {strides = array<i32>} : memref<512x64xf32, #tpu.memory_space<vmem>>, vector<16xf32>,
      %get3A_972 = arith.index_cast %add3A_945 : i32 to index
      %get3A_973 = arith.constant 48 : index
      %get3A_974 = tpu.vector_load %arg12[%get3A_972, %get3A_973] {strides = array<i32>} : memref<512x64xf32, #tpu.memory_space<vmem>>, vector<16xf32>,
      %mul3A_975 = arith.mulf %get3A_971, %get3A_974 : vector<16xf32>
      %add3A_976 = arith.addf %add3A_968, %mul3A_975 : vector<16xf32>
      %eq3A_977 = arith.constant 13 : i32
      %eq3A_978 = vector.broadcast %eq3A_977 : i32 to vector<16xi32>
      %eq3A_979 = arith.cmpi eq, %iota3A, %eq3A_978 : vector<16xi32>
      %reduce_sum3A_980 = arith.constant true
      %reduce_sum3A_981 = vector.broadcast %reduce_sum3A_980 : i1 to vector<16xi1>
      %reduce_sum3A_982 = tpu.scan <sum>, %add3A_976 masked %reduce_sum3A_981 : vector<16xf32>, vector<16xi1> -> vector<16xf32>
      %reduce_sum3A_983 = vector.extract %reduce_sum3A_982[15] : f32 from vector<16xf32>
      %broadcast_in_dim3A_984 = vector.broadcast %reduce_sum3A_983 : f32 to vector<16xf32>
      %select_n3A_985 = arith.select %eq3A_979, %broadcast_in_dim3A_984, %select_n3A_939 : vector<16xi1>, vector<16xf32>
      %mul3A_986 = arith.constant 16 : i32
      %mul3A_987 = arith.muli %scan3A_344, %mul3A_986 : i32
      %add3A_988 = arith.constant 128 : i32
      %add3A_989 = arith.addi %add3A_988, %mul3A_987 : i32
      %add3A_990 = arith.constant 14 : i32
      %add3A_991 = arith.addi %add3A_989, %add3A_990 : i32
      %get3A_992 = arith.index_cast %add3A_991 : i32 to index
      %get3A_993 = arith.constant 0 : index
      %get3A_994 = tpu.vector_load %arg11[%get3A_992, %get3A_993] {strides = array<i32>} : memref<512x64xf32, #tpu.memory_space<vmem>>, vector<16xf32>,
      %get3A_995 = arith.index_cast %add3A_991 : i32 to index
      %get3A_996 = arith.constant 0 : index
      %get3A_997 = tpu.vector_load %arg12[%get3A_995, %get3A_996] {strides = array<i32>} : memref<512x64xf32, #tpu.memory_space<vmem>>, vector<16xf32>,
      %mul3A_998 = arith.mulf %get3A_994, %get3A_997 : vector<16xf32>
      %get3A_999 = arith.index_cast %add3A_991 : i32 to index
      %get3A_1000 = arith.constant 16 : index
      %get3A_1001 = tpu.vector_load %arg11[%get3A_999, %get3A_1000] {strides = array<i32>} : memref<512x64xf32, #tpu.memory_space<vmem>>, vector<16xf32>,
      %get3A_1002 = arith.index_cast %add3A_991 : i32 to index
      %get3A_1003 = arith.constant 16 : index
      %get3A_1004 = tpu.vector_load %arg12[%get3A_1002, %get3A_1003] {strides = array<i32>} : memref<512x64xf32, #tpu.memory_space<vmem>>, vector<16xf32>,
      %mul3A_1005 = arith.mulf %get3A_1001, %get3A_1004 : vector<16xf32>
      %add3A_1006 = arith.addf %mul3A_998, %mul3A_1005 : vector<16xf32>
      %get3A_1007 = arith.index_cast %add3A_991 : i32 to index
      %get3A_1008 = arith.constant 32 : index
      %get3A_1009 = tpu.vector_load %arg11[%get3A_1007, %get3A_1008] {strides = array<i32>} : memref<512x64xf32, #tpu.memory_space<vmem>>, vector<16xf32>,
      %get3A_1010 = arith.index_cast %add3A_991 : i32 to index
      %get3A_1011 = arith.constant 32 : index
      %get3A_1012 = tpu.vector_load %arg12[%get3A_1010, %get3A_1011] {strides = array<i32>} : memref<512x64xf32, #tpu.memory_space<vmem>>, vector<16xf32>,
      %mul3A_1013 = arith.mulf %get3A_1009, %get3A_1012 : vector<16xf32>
      %add3A_1014 = arith.addf %add3A_1006, %mul3A_1013 : vector<16xf32>
      %get3A_1015 = arith.index_cast %add3A_991 : i32 to index
      %get3A_1016 = arith.constant 48 : index
      %get3A_1017 = tpu.vector_load %arg11[%get3A_1015, %get3A_1016] {strides = array<i32>} : memref<512x64xf32, #tpu.memory_space<vmem>>, vector<16xf32>,
      %get3A_1018 = arith.index_cast %add3A_991 : i32 to index
      %get3A_1019 = arith.constant 48 : index
      %get3A_1020 = tpu.vector_load %arg12[%get3A_1018, %get3A_1019] {strides = array<i32>} : memref<512x64xf32, #tpu.memory_space<vmem>>, vector<16xf32>,
      %mul3A_1021 = arith.mulf %get3A_1017, %get3A_1020 : vector<16xf32>
      %add3A_1022 = arith.addf %add3A_1014, %mul3A_1021 : vector<16xf32>
      %eq3A_1023 = arith.constant 14 : i32
      %eq3A_1024 = vector.broadcast %eq3A_1023 : i32 to vector<16xi32>
      %eq3A_1025 = arith.cmpi eq, %iota3A, %eq3A_1024 : vector<16xi32>
      %reduce_sum3A_1026 = arith.constant true
      %reduce_sum3A_1027 = vector.broadcast %reduce_sum3A_1026 : i1 to vector<16xi1>
      %reduce_sum3A_1028 = tpu.scan <sum>, %add3A_1022 masked %reduce_sum3A_1027 : vector<16xf32>, vector<16xi1> -> vector<16xf32>
      %reduce_sum3A_1029 = vector.extract %reduce_sum3A_1028[15] : f32 from vector<16xf32>
      %broadcast_in_dim3A_1030 = vector.broadcast %reduce_sum3A_1029 : f32 to vector<16xf32>
      %select_n3A_1031 = arith.select %eq3A_1025, %broadcast_in_dim3A_1030, %select_n3A_985 : vector<16xi1>, vector<16xf32>
      %mul3A_1032 = arith.constant 16 : i32
      %mul3A_1033 = arith.muli %scan3A_344, %mul3A_1032 : i32
      %add3A_1034 = arith.constant 128 : i32
      %add3A_1035 = arith.addi %add3A_1034, %mul3A_1033 : i32
      %add3A_1036 = arith.constant 15 : i32
      %add3A_1037 = arith.addi %add3A_1035, %add3A_1036 : i32
      %get3A_1038 = arith.index_cast %add3A_1037 : i32 to index
      %get3A_1039 = arith.constant 0 : index
      %get3A_1040 = tpu.vector_load %arg11[%get3A_1038, %get3A_1039] {strides = array<i32>} : memref<512x64xf32, #tpu.memory_space<vmem>>, vector<16xf32>,
      %get3A_1041 = arith.index_cast %add3A_1037 : i32 to index
      %get3A_1042 = arith.constant 0 : index
      %get3A_1043 = tpu.vector_load %arg12[%get3A_1041, %get3A_1042] {strides = array<i32>} : memref<512x64xf32, #tpu.memory_space<vmem>>, vector<16xf32>,
      %mul3A_1044 = arith.mulf %get3A_1040, %get3A_1043 : vector<16xf32>
      %get3A_1045 = arith.index_cast %add3A_1037 : i32 to index
      %get3A_1046 = arith.constant 16 : index
      %get3A_1047 = tpu.vector_load %arg11[%get3A_1045, %get3A_1046] {strides = array<i32>} : memref<512x64xf32, #tpu.memory_space<vmem>>, vector<16xf32>,
      %get3A_1048 = arith.index_cast %add3A_1037 : i32 to index
      %get3A_1049 = arith.constant 16 : index
      %get3A_1050 = tpu.vector_load %arg12[%get3A_1048, %get3A_1049] {strides = array<i32>} : memref<512x64xf32, #tpu.memory_space<vmem>>, vector<16xf32>,
      %mul3A_1051 = arith.mulf %get3A_1047, %get3A_1050 : vector<16xf32>
      %add3A_1052 = arith.addf %mul3A_1044, %mul3A_1051 : vector<16xf32>
      %get3A_1053 = arith.index_cast %add3A_1037 : i32 to index
      %get3A_1054 = arith.constant 32 : index
      %get3A_1055 = tpu.vector_load %arg11[%get3A_1053, %get3A_1054] {strides = array<i32>} : memref<512x64xf32, #tpu.memory_space<vmem>>, vector<16xf32>,
      %get3A_1056 = arith.index_cast %add3A_1037 : i32 to index
      %get3A_1057 = arith.constant 32 : index
      %get3A_1058 = tpu.vector_load %arg12[%get3A_1056, %get3A_1057] {strides = array<i32>} : memref<512x64xf32, #tpu.memory_space<vmem>>, vector<16xf32>,
      %mul3A_1059 = arith.mulf %get3A_1055, %get3A_1058 : vector<16xf32>
      %add3A_1060 = arith.addf %add3A_1052, %mul3A_1059 : vector<16xf32>
      %get3A_1061 = arith.index_cast %add3A_1037 : i32 to index
      %get3A_1062 = arith.constant 48 : index
      %get3A_1063 = tpu.vector_load %arg11[%get3A_1061, %get3A_1062] {strides = array<i32>} : memref<512x64xf32, #tpu.memory_space<vmem>>, vector<16xf32>,
      %get3A_1064 = arith.index_cast %add3A_1037 : i32 to index
      %get3A_1065 = arith.constant 48 : index
      %get3A_1066 = tpu.vector_load %arg12[%get3A_1064, %get3A_1065] {strides = array<i32>} : memref<512x64xf32, #tpu.memory_space<vmem>>, vector<16xf32>,
      %mul3A_1067 = arith.mulf %get3A_1063, %get3A_1066 : vector<16xf32>
      %add3A_1068 = arith.addf %add3A_1060, %mul3A_1067 : vector<16xf32>
      %eq3A_1069 = arith.constant 15 : i32
      %eq3A_1070 = vector.broadcast %eq3A_1069 : i32 to vector<16xi32>
      %eq3A_1071 = arith.cmpi eq, %iota3A, %eq3A_1070 : vector<16xi32>
      %reduce_sum3A_1072 = arith.constant true
      %reduce_sum3A_1073 = vector.broadcast %reduce_sum3A_1072 : i1 to vector<16xi1>
      %reduce_sum3A_1074 = tpu.scan <sum>, %add3A_1068 masked %reduce_sum3A_1073 : vector<16xf32>, vector<16xi1> -> vector<16xf32>
      %reduce_sum3A_1075 = vector.extract %reduce_sum3A_1074[15] : f32 from vector<16xf32>
      %broadcast_in_dim3A_1076 = vector.broadcast %reduce_sum3A_1075 : f32 to vector<16xf32>
      %select_n3A_1077 = arith.select %eq3A_1071, %broadcast_in_dim3A_1076, %select_n3A_1031 : vector<16xi1>, vector<16xf32>
      %mul3A_1078 = arith.constant 16 : i32
      %mul3A_1079 = arith.muli %scan3A_344, %mul3A_1078 : i32
      %add3A_1080 = arith.constant 128 : i32
      %add3A_1081 = arith.addi %add3A_1080, %mul3A_1079 : i32
      %get3A_1082 = arith.index_cast %add3A_1081 : i32 to index
      %get3A_1083 = tpu.vector_load %arg13[%get3A_1082] {strides = array<i32>} : memref<512xf32, #tpu.memory_space<vmem>>, vector<16xf32>,
      %add3A_1084 = arith.addf %select_n3A_1077, %get3A_1083 : vector<16xf32>
      %get3A_1085 = arith.index_cast %add3A_1081 : i32 to index
      %get3A_1086 = tpu.vector_load %arg14[%get3A_1085] {strides = array<i32>} : memref<512xf32, #tpu.memory_space<vmem>>, vector<16xf32>,
      %add3A_1087 = arith.addf %add3A_1084, %get3A_1086 : vector<16xf32>
      %swap3A = arith.index_cast %add3A_1081 : i32 to index
      %swap3A_1088 = tpu.vector_load %arg15[%swap3A] {strides = array<i32>} : memref<512xf32, #tpu.memory_space<vmem>>, vector<16xf32>,
      tpu.vector_store %arg15[%swap3A], %add3A_1087 {strides = array<i32>} : memref<512xf32, #tpu.memory_space<vmem>>, vector<16xf32>,
    }
    %scan3A_251 = arith.constant 8 : i32
    %dma_wait3A_252 = arith.constant 2 : i32
    %dma_wait3A_253 = arith.constant 256 : i32
    %dma_wait3A_254 = arith.constant 0 : i32
    %dma_wait3A_255 = tpu.memref_slice %arg11[%dma_wait3A_253, %dma_wait3A_254] : memref<512x64xf32, #tpu.memory_space<vmem>> -> memref<128x64xf32, #tpu.memory_space<vmem>>
    %dma_wait3A_256 = arith.constant 256 : i32
    %dma_wait3A_257 = tpu.memref_slice %arg9[%dma_wait3A_256] : memref<512xi32, #tpu.memory_space<vmem>> -> memref<128xi32, #tpu.memory_space<vmem>>
    %dma_wait3A_258 = arith.constant 0 : i32
    %dma_wait3A_259 = arith.constant 0 : i32
    %dma_wait3A_260 = tpu.memref_slice %arg2[%dma_wait3A_258, %dma_wait3A_259] : memref<1000000x64xf32, #tpu.memory_space<hbm>> -> memref<1000000x64xf32, #tpu.memory_space<hbm>>
    %dma_wait3A_261 = tpu.memref_slice %arg16[%dma_wait3A_252] : memref<4x!tpu.dma_semaphore, #tpu.memory_space<semaphore_mem>> -> memref<1x!tpu.dma_semaphore, #tpu.memory_space<semaphore_mem>>
    %dma_wait3A_262 = tpu.memref_squeeze %dma_wait3A_261 : memref<1x!tpu.dma_semaphore, #tpu.memory_space<semaphore_mem>> -> memref<!tpu.dma_semaphore, #tpu.memory_space<semaphore_mem>>
    tpu.wait_indirect_dma semaphore(%dma_wait3A_262 : memref<!tpu.dma_semaphore, #tpu.memory_space<semaphore_mem>>) src(%dma_wait3A_260 : memref<1000000x64xf32, #tpu.memory_space<hbm>>) dst(%dma_wait3A_255 : memref<128x64xf32, #tpu.memory_space<vmem>>)
    %dma_wait3A_263 = arith.constant 2 : i32
    %dma_wait3A_264 = arith.constant 256 : i32
    %dma_wait3A_265 = arith.constant 0 : i32
    %dma_wait3A_266 = tpu.memref_slice %arg12[%dma_wait3A_264, %dma_wait3A_265] : memref<512x64xf32, #tpu.memory_space<vmem>> -> memref<128x64xf32, #tpu.memory_space<vmem>>
    %dma_wait3A_267 = arith.constant 256 : i32
    %dma_wait3A_268 = tpu.memref_slice %arg10[%dma_wait3A_267] : memref<512xi32, #tpu.memory_space<vmem>> -> memref<128xi32, #tpu.memory_space<vmem>>
    %dma_wait3A_269 = arith.constant 0 : i32
    %dma_wait3A_270 = arith.constant 0 : i32
    %dma_wait3A_271 = tpu.memref_slice %arg3[%dma_wait3A_269, %dma_wait3A_270] : memref<1000000x64xf32, #tpu.memory_space<hbm>> -> memref<1000000x64xf32, #tpu.memory_space<hbm>>
    %dma_wait3A_272 = tpu.memref_slice %arg16[%dma_wait3A_263] : memref<4x!tpu.dma_semaphore, #tpu.memory_space<semaphore_mem>> -> memref<1x!tpu.dma_semaphore, #tpu.memory_space<semaphore_mem>>
    %dma_wait3A_273 = tpu.memref_squeeze %dma_wait3A_272 : memref<1x!tpu.dma_semaphore, #tpu.memory_space<semaphore_mem>> -> memref<!tpu.dma_semaphore, #tpu.memory_space<semaphore_mem>>
    tpu.wait_indirect_dma semaphore(%dma_wait3A_273 : memref<!tpu.dma_semaphore, #tpu.memory_space<semaphore_mem>>) src(%dma_wait3A_271 : memref<1000000x64xf32, #tpu.memory_space<hbm>>) dst(%dma_wait3A_266 : memref<128x64xf32, #tpu.memory_space<vmem>>)
    %dma_wait3A_274 = arith.constant 2 : i32
    %dma_wait3A_275 = arith.constant 256 : i32
    %dma_wait3A_276 = tpu.memref_slice %arg13[%dma_wait3A_275] : memref<512xf32, #tpu.memory_space<vmem>> -> memref<128xf32, #tpu.memory_space<vmem>>
    %dma_wait3A_277 = arith.constant 256 : i32
    %dma_wait3A_278 = tpu.memref_slice %arg9[%dma_wait3A_277] : memref<512xi32, #tpu.memory_space<vmem>> -> memref<128xi32, #tpu.memory_space<vmem>>
    %dma_wait3A_279 = arith.constant 0 : i32
    %dma_wait3A_280 = tpu.memref_slice %arg4[%dma_wait3A_279] : memref<1000000xf32, #tpu.memory_space<hbm>> -> memref<1000000xf32, #tpu.memory_space<hbm>>
    %dma_wait3A_281 = tpu.memref_slice %arg16[%dma_wait3A_274] : memref<4x!tpu.dma_semaphore, #tpu.memory_space<semaphore_mem>> -> memref<1x!tpu.dma_semaphore, #tpu.memory_space<semaphore_mem>>
    %dma_wait3A_282 = tpu.memref_squeeze %dma_wait3A_281 : memref<1x!tpu.dma_semaphore, #tpu.memory_space<semaphore_mem>> -> memref<!tpu.dma_semaphore, #tpu.memory_space<semaphore_mem>>
    tpu.wait_indirect_dma semaphore(%dma_wait3A_282 : memref<!tpu.dma_semaphore, #tpu.memory_space<semaphore_mem>>) src(%dma_wait3A_280 : memref<1000000xf32, #tpu.memory_space<hbm>>) dst(%dma_wait3A_276 : memref<128xf32, #tpu.memory_space<vmem>>)
    %dma_wait3A_283 = arith.constant 2 : i32
    %dma_wait3A_284 = arith.constant 256 : i32
    %dma_wait3A_285 = tpu.memref_slice %arg14[%dma_wait3A_284] : memref<512xf32, #tpu.memory_space<vmem>> -> memref<128xf32, #tpu.memory_space<vmem>>
    %dma_wait3A_286 = arith.constant 256 : i32
    %dma_wait3A_287 = tpu.memref_slice %arg10[%dma_wait3A_286] : memref<512xi32, #tpu.memory_space<vmem>> -> memref<128xi32, #tpu.memory_space<vmem>>
    %dma_wait3A_288 = arith.constant 0 : i32
    %dma_wait3A_289 = tpu.memref_slice %arg5[%dma_wait3A_288] : memref<1000000xf32, #tpu.memory_space<hbm>> -> memref<1000000xf32, #tpu.memory_space<hbm>>
    %dma_wait3A_290 = tpu.memref_slice %arg16[%dma_wait3A_283] : memref<4x!tpu.dma_semaphore, #tpu.memory_space<semaphore_mem>> -> memref<1x!tpu.dma_semaphore, #tpu.memory_space<semaphore_mem>>
    %dma_wait3A_291 = tpu.memref_squeeze %dma_wait3A_290 : memref<1x!tpu.dma_semaphore, #tpu.memory_space<semaphore_mem>> -> memref<!tpu.dma_semaphore, #tpu.memory_space<semaphore_mem>>
    tpu.wait_indirect_dma semaphore(%dma_wait3A_291 : memref<!tpu.dma_semaphore, #tpu.memory_space<semaphore_mem>>) src(%dma_wait3A_289 : memref<1000000xf32, #tpu.memory_space<hbm>>) dst(%dma_wait3A_285 : memref<128xf32, #tpu.memory_space<vmem>>)
    %scan3A_292 = arith.constant 0 : i32
    %scan3A_293 = arith.constant 0 : i32
    %scan3A_294 = arith.constant 8 : i32
    %scan3A_295 = arith.addi %scan3A_293, %scan3A_294 : i32
    %scan3A_296 = arith.constant 1 : i32
    scf.for %scan3A_344 = %scan3A_293 to %scan3A_295 step %scan3A_296  : i32 {
      %broadcast_in_dim3A = arith.constant 0.000000e+00 : f32
      %broadcast_in_dim3A_345 = vector.broadcast %broadcast_in_dim3A : f32 to vector<16xf32>
      %mul3A_346 = arith.constant 16 : i32
      %mul3A_347 = arith.muli %scan3A_344, %mul3A_346 : i32
      %add3A_348 = arith.constant 256 : i32
      %add3A_349 = arith.addi %add3A_348, %mul3A_347 : i32
      %add3A_350 = arith.constant 0 : i32
      %add3A_351 = arith.addi %add3A_349, %add3A_350 : i32
      %get3A = arith.index_cast %add3A_351 : i32 to index
      %get3A_352 = arith.constant 0 : index
      %get3A_353 = tpu.vector_load %arg11[%get3A, %get3A_352] {strides = array<i32>} : memref<512x64xf32, #tpu.memory_space<vmem>>, vector<16xf32>,
      %get3A_354 = arith.index_cast %add3A_351 : i32 to index
      %get3A_355 = arith.constant 0 : index
      %get3A_356 = tpu.vector_load %arg12[%get3A_354, %get3A_355] {strides = array<i32>} : memref<512x64xf32, #tpu.memory_space<vmem>>, vector<16xf32>,
      %mul3A_357 = arith.mulf %get3A_353, %get3A_356 : vector<16xf32>
      %get3A_358 = arith.index_cast %add3A_351 : i32 to index
      %get3A_359 = arith.constant 16 : index
      %get3A_360 = tpu.vector_load %arg11[%get3A_358, %get3A_359] {strides = array<i32>} : memref<512x64xf32, #tpu.memory_space<vmem>>, vector<16xf32>,
      %get3A_361 = arith.index_cast %add3A_351 : i32 to index
      %get3A_362 = arith.constant 16 : index
      %get3A_363 = tpu.vector_load %arg12[%get3A_361, %get3A_362] {strides = array<i32>} : memref<512x64xf32, #tpu.memory_space<vmem>>, vector<16xf32>,
      %mul3A_364 = arith.mulf %get3A_360, %get3A_363 : vector<16xf32>
      %add3A_365 = arith.addf %mul3A_357, %mul3A_364 : vector<16xf32>
      %get3A_366 = arith.index_cast %add3A_351 : i32 to index
      %get3A_367 = arith.constant 32 : index
      %get3A_368 = tpu.vector_load %arg11[%get3A_366, %get3A_367] {strides = array<i32>} : memref<512x64xf32, #tpu.memory_space<vmem>>, vector<16xf32>,
      %get3A_369 = arith.index_cast %add3A_351 : i32 to index
      %get3A_370 = arith.constant 32 : index
      %get3A_371 = tpu.vector_load %arg12[%get3A_369, %get3A_370] {strides = array<i32>} : memref<512x64xf32, #tpu.memory_space<vmem>>, vector<16xf32>,
      %mul3A_372 = arith.mulf %get3A_368, %get3A_371 : vector<16xf32>
      %add3A_373 = arith.addf %add3A_365, %mul3A_372 : vector<16xf32>
      %get3A_374 = arith.index_cast %add3A_351 : i32 to index
      %get3A_375 = arith.constant 48 : index
      %get3A_376 = tpu.vector_load %arg11[%get3A_374, %get3A_375] {strides = array<i32>} : memref<512x64xf32, #tpu.memory_space<vmem>>, vector<16xf32>,
      %get3A_377 = arith.index_cast %add3A_351 : i32 to index
      %get3A_378 = arith.constant 48 : index
      %get3A_379 = tpu.vector_load %arg12[%get3A_377, %get3A_378] {strides = array<i32>} : memref<512x64xf32, #tpu.memory_space<vmem>>, vector<16xf32>,
      %mul3A_380 = arith.mulf %get3A_376, %get3A_379 : vector<16xf32>
      %add3A_381 = arith.addf %add3A_373, %mul3A_380 : vector<16xf32>
      %eq3A = arith.constant 0 : i32
      %eq3A_382 = vector.broadcast %eq3A : i32 to vector<16xi32>
      %eq3A_383 = arith.cmpi eq, %iota3A, %eq3A_382 : vector<16xi32>
      %reduce_sum3A = arith.constant true
      %reduce_sum3A_384 = vector.broadcast %reduce_sum3A : i1 to vector<16xi1>
      %reduce_sum3A_385 = tpu.scan <sum>, %add3A_381 masked %reduce_sum3A_384 : vector<16xf32>, vector<16xi1> -> vector<16xf32>
      %reduce_sum3A_386 = vector.extract %reduce_sum3A_385[15] : f32 from vector<16xf32>
      %broadcast_in_dim3A_387 = vector.broadcast %reduce_sum3A_386 : f32 to vector<16xf32>
      %select_n3A = arith.select %eq3A_383, %broadcast_in_dim3A_387, %broadcast_in_dim3A_345 : vector<16xi1>, vector<16xf32>
      %mul3A_388 = arith.constant 16 : i32
      %mul3A_389 = arith.muli %scan3A_344, %mul3A_388 : i32
      %add3A_390 = arith.constant 256 : i32
      %add3A_391 = arith.addi %add3A_390, %mul3A_389 : i32
      %add3A_392 = arith.constant 1 : i32
      %add3A_393 = arith.addi %add3A_391, %add3A_392 : i32
      %get3A_394 = arith.index_cast %add3A_393 : i32 to index
      %get3A_395 = arith.constant 0 : index
      %get3A_396 = tpu.vector_load %arg11[%get3A_394, %get3A_395] {strides = array<i32>} : memref<512x64xf32, #tpu.memory_space<vmem>>, vector<16xf32>,
      %get3A_397 = arith.index_cast %add3A_393 : i32 to index
      %get3A_398 = arith.constant 0 : index
      %get3A_399 = tpu.vector_load %arg12[%get3A_397, %get3A_398] {strides = array<i32>} : memref<512x64xf32, #tpu.memory_space<vmem>>, vector<16xf32>,
      %mul3A_400 = arith.mulf %get3A_396, %get3A_399 : vector<16xf32>
      %get3A_401 = arith.index_cast %add3A_393 : i32 to index
      %get3A_402 = arith.constant 16 : index
      %get3A_403 = tpu.vector_load %arg11[%get3A_401, %get3A_402] {strides = array<i32>} : memref<512x64xf32, #tpu.memory_space<vmem>>, vector<16xf32>,
      %get3A_404 = arith.index_cast %add3A_393 : i32 to index
      %get3A_405 = arith.constant 16 : index
      %get3A_406 = tpu.vector_load %arg12[%get3A_404, %get3A_405] {strides = array<i32>} : memref<512x64xf32, #tpu.memory_space<vmem>>, vector<16xf32>,
      %mul3A_407 = arith.mulf %get3A_403, %get3A_406 : vector<16xf32>
      %add3A_408 = arith.addf %mul3A_400, %mul3A_407 : vector<16xf32>
      %get3A_409 = arith.index_cast %add3A_393 : i32 to index
      %get3A_410 = arith.constant 32 : index
      %get3A_411 = tpu.vector_load %arg11[%get3A_409, %get3A_410] {strides = array<i32>} : memref<512x64xf32, #tpu.memory_space<vmem>>, vector<16xf32>,
      %get3A_412 = arith.index_cast %add3A_393 : i32 to index
      %get3A_413 = arith.constant 32 : index
      %get3A_414 = tpu.vector_load %arg12[%get3A_412, %get3A_413] {strides = array<i32>} : memref<512x64xf32, #tpu.memory_space<vmem>>, vector<16xf32>,
      %mul3A_415 = arith.mulf %get3A_411, %get3A_414 : vector<16xf32>
      %add3A_416 = arith.addf %add3A_408, %mul3A_415 : vector<16xf32>
      %get3A_417 = arith.index_cast %add3A_393 : i32 to index
      %get3A_418 = arith.constant 48 : index
      %get3A_419 = tpu.vector_load %arg11[%get3A_417, %get3A_418] {strides = array<i32>} : memref<512x64xf32, #tpu.memory_space<vmem>>, vector<16xf32>,
      %get3A_420 = arith.index_cast %add3A_393 : i32 to index
      %get3A_421 = arith.constant 48 : index
      %get3A_422 = tpu.vector_load %arg12[%get3A_420, %get3A_421] {strides = array<i32>} : memref<512x64xf32, #tpu.memory_space<vmem>>, vector<16xf32>,
      %mul3A_423 = arith.mulf %get3A_419, %get3A_422 : vector<16xf32>
      %add3A_424 = arith.addf %add3A_416, %mul3A_423 : vector<16xf32>
      %eq3A_425 = arith.constant 1 : i32
      %eq3A_426 = vector.broadcast %eq3A_425 : i32 to vector<16xi32>
      %eq3A_427 = arith.cmpi eq, %iota3A, %eq3A_426 : vector<16xi32>
      %reduce_sum3A_428 = arith.constant true
      %reduce_sum3A_429 = vector.broadcast %reduce_sum3A_428 : i1 to vector<16xi1>
      %reduce_sum3A_430 = tpu.scan <sum>, %add3A_424 masked %reduce_sum3A_429 : vector<16xf32>, vector<16xi1> -> vector<16xf32>
      %reduce_sum3A_431 = vector.extract %reduce_sum3A_430[15] : f32 from vector<16xf32>
      %broadcast_in_dim3A_432 = vector.broadcast %reduce_sum3A_431 : f32 to vector<16xf32>
      %select_n3A_433 = arith.select %eq3A_427, %broadcast_in_dim3A_432, %select_n3A : vector<16xi1>, vector<16xf32>
      %mul3A_434 = arith.constant 16 : i32
      %mul3A_435 = arith.muli %scan3A_344, %mul3A_434 : i32
      %add3A_436 = arith.constant 256 : i32
      %add3A_437 = arith.addi %add3A_436, %mul3A_435 : i32
      %add3A_438 = arith.constant 2 : i32
      %add3A_439 = arith.addi %add3A_437, %add3A_438 : i32
      %get3A_440 = arith.index_cast %add3A_439 : i32 to index
      %get3A_441 = arith.constant 0 : index
      %get3A_442 = tpu.vector_load %arg11[%get3A_440, %get3A_441] {strides = array<i32>} : memref<512x64xf32, #tpu.memory_space<vmem>>, vector<16xf32>,
      %get3A_443 = arith.index_cast %add3A_439 : i32 to index
      %get3A_444 = arith.constant 0 : index
      %get3A_445 = tpu.vector_load %arg12[%get3A_443, %get3A_444] {strides = array<i32>} : memref<512x64xf32, #tpu.memory_space<vmem>>, vector<16xf32>,
      %mul3A_446 = arith.mulf %get3A_442, %get3A_445 : vector<16xf32>
      %get3A_447 = arith.index_cast %add3A_439 : i32 to index
      %get3A_448 = arith.constant 16 : index
      %get3A_449 = tpu.vector_load %arg11[%get3A_447, %get3A_448] {strides = array<i32>} : memref<512x64xf32, #tpu.memory_space<vmem>>, vector<16xf32>,
      %get3A_450 = arith.index_cast %add3A_439 : i32 to index
      %get3A_451 = arith.constant 16 : index
      %get3A_452 = tpu.vector_load %arg12[%get3A_450, %get3A_451] {strides = array<i32>} : memref<512x64xf32, #tpu.memory_space<vmem>>, vector<16xf32>,
      %mul3A_453 = arith.mulf %get3A_449, %get3A_452 : vector<16xf32>
      %add3A_454 = arith.addf %mul3A_446, %mul3A_453 : vector<16xf32>
      %get3A_455 = arith.index_cast %add3A_439 : i32 to index
      %get3A_456 = arith.constant 32 : index
      %get3A_457 = tpu.vector_load %arg11[%get3A_455, %get3A_456] {strides = array<i32>} : memref<512x64xf32, #tpu.memory_space<vmem>>, vector<16xf32>,
      %get3A_458 = arith.index_cast %add3A_439 : i32 to index
      %get3A_459 = arith.constant 32 : index
      %get3A_460 = tpu.vector_load %arg12[%get3A_458, %get3A_459] {strides = array<i32>} : memref<512x64xf32, #tpu.memory_space<vmem>>, vector<16xf32>,
      %mul3A_461 = arith.mulf %get3A_457, %get3A_460 : vector<16xf32>
      %add3A_462 = arith.addf %add3A_454, %mul3A_461 : vector<16xf32>
      %get3A_463 = arith.index_cast %add3A_439 : i32 to index
      %get3A_464 = arith.constant 48 : index
      %get3A_465 = tpu.vector_load %arg11[%get3A_463, %get3A_464] {strides = array<i32>} : memref<512x64xf32, #tpu.memory_space<vmem>>, vector<16xf32>,
      %get3A_466 = arith.index_cast %add3A_439 : i32 to index
      %get3A_467 = arith.constant 48 : index
      %get3A_468 = tpu.vector_load %arg12[%get3A_466, %get3A_467] {strides = array<i32>} : memref<512x64xf32, #tpu.memory_space<vmem>>, vector<16xf32>,
      %mul3A_469 = arith.mulf %get3A_465, %get3A_468 : vector<16xf32>
      %add3A_470 = arith.addf %add3A_462, %mul3A_469 : vector<16xf32>
      %eq3A_471 = arith.constant 2 : i32
      %eq3A_472 = vector.broadcast %eq3A_471 : i32 to vector<16xi32>
      %eq3A_473 = arith.cmpi eq, %iota3A, %eq3A_472 : vector<16xi32>
      %reduce_sum3A_474 = arith.constant true
      %reduce_sum3A_475 = vector.broadcast %reduce_sum3A_474 : i1 to vector<16xi1>
      %reduce_sum3A_476 = tpu.scan <sum>, %add3A_470 masked %reduce_sum3A_475 : vector<16xf32>, vector<16xi1> -> vector<16xf32>
      %reduce_sum3A_477 = vector.extract %reduce_sum3A_476[15] : f32 from vector<16xf32>
      %broadcast_in_dim3A_478 = vector.broadcast %reduce_sum3A_477 : f32 to vector<16xf32>
      %select_n3A_479 = arith.select %eq3A_473, %broadcast_in_dim3A_478, %select_n3A_433 : vector<16xi1>, vector<16xf32>
      %mul3A_480 = arith.constant 16 : i32
      %mul3A_481 = arith.muli %scan3A_344, %mul3A_480 : i32
      %add3A_482 = arith.constant 256 : i32
      %add3A_483 = arith.addi %add3A_482, %mul3A_481 : i32
      %add3A_484 = arith.constant 3 : i32
      %add3A_485 = arith.addi %add3A_483, %add3A_484 : i32
      %get3A_486 = arith.index_cast %add3A_485 : i32 to index
      %get3A_487 = arith.constant 0 : index
      %get3A_488 = tpu.vector_load %arg11[%get3A_486, %get3A_487] {strides = array<i32>} : memref<512x64xf32, #tpu.memory_space<vmem>>, vector<16xf32>,
      %get3A_489 = arith.index_cast %add3A_485 : i32 to index
      %get3A_490 = arith.constant 0 : index
      %get3A_491 = tpu.vector_load %arg12[%get3A_489, %get3A_490] {strides = array<i32>} : memref<512x64xf32, #tpu.memory_space<vmem>>, vector<16xf32>,
      %mul3A_492 = arith.mulf %get3A_488, %get3A_491 : vector<16xf32>
      %get3A_493 = arith.index_cast %add3A_485 : i32 to index
      %get3A_494 = arith.constant 16 : index
      %get3A_495 = tpu.vector_load %arg11[%get3A_493, %get3A_494] {strides = array<i32>} : memref<512x64xf32, #tpu.memory_space<vmem>>, vector<16xf32>,
      %get3A_496 = arith.index_cast %add3A_485 : i32 to index
      %get3A_497 = arith.constant 16 : index
      %get3A_498 = tpu.vector_load %arg12[%get3A_496, %get3A_497] {strides = array<i32>} : memref<512x64xf32, #tpu.memory_space<vmem>>, vector<16xf32>,
      %mul3A_499 = arith.mulf %get3A_495, %get3A_498 : vector<16xf32>
      %add3A_500 = arith.addf %mul3A_492, %mul3A_499 : vector<16xf32>
      %get3A_501 = arith.index_cast %add3A_485 : i32 to index
      %get3A_502 = arith.constant 32 : index
      %get3A_503 = tpu.vector_load %arg11[%get3A_501, %get3A_502] {strides = array<i32>} : memref<512x64xf32, #tpu.memory_space<vmem>>, vector<16xf32>,
      %get3A_504 = arith.index_cast %add3A_485 : i32 to index
      %get3A_505 = arith.constant 32 : index
      %get3A_506 = tpu.vector_load %arg12[%get3A_504, %get3A_505] {strides = array<i32>} : memref<512x64xf32, #tpu.memory_space<vmem>>, vector<16xf32>,
      %mul3A_507 = arith.mulf %get3A_503, %get3A_506 : vector<16xf32>
      %add3A_508 = arith.addf %add3A_500, %mul3A_507 : vector<16xf32>
      %get3A_509 = arith.index_cast %add3A_485 : i32 to index
      %get3A_510 = arith.constant 48 : index
      %get3A_511 = tpu.vector_load %arg11[%get3A_509, %get3A_510] {strides = array<i32>} : memref<512x64xf32, #tpu.memory_space<vmem>>, vector<16xf32>,
      %get3A_512 = arith.index_cast %add3A_485 : i32 to index
      %get3A_513 = arith.constant 48 : index
      %get3A_514 = tpu.vector_load %arg12[%get3A_512, %get3A_513] {strides = array<i32>} : memref<512x64xf32, #tpu.memory_space<vmem>>, vector<16xf32>,
      %mul3A_515 = arith.mulf %get3A_511, %get3A_514 : vector<16xf32>
      %add3A_516 = arith.addf %add3A_508, %mul3A_515 : vector<16xf32>
      %eq3A_517 = arith.constant 3 : i32
      %eq3A_518 = vector.broadcast %eq3A_517 : i32 to vector<16xi32>
      %eq3A_519 = arith.cmpi eq, %iota3A, %eq3A_518 : vector<16xi32>
      %reduce_sum3A_520 = arith.constant true
      %reduce_sum3A_521 = vector.broadcast %reduce_sum3A_520 : i1 to vector<16xi1>
      %reduce_sum3A_522 = tpu.scan <sum>, %add3A_516 masked %reduce_sum3A_521 : vector<16xf32>, vector<16xi1> -> vector<16xf32>
      %reduce_sum3A_523 = vector.extract %reduce_sum3A_522[15] : f32 from vector<16xf32>
      %broadcast_in_dim3A_524 = vector.broadcast %reduce_sum3A_523 : f32 to vector<16xf32>
      %select_n3A_525 = arith.select %eq3A_519, %broadcast_in_dim3A_524, %select_n3A_479 : vector<16xi1>, vector<16xf32>
      %mul3A_526 = arith.constant 16 : i32
      %mul3A_527 = arith.muli %scan3A_344, %mul3A_526 : i32
      %add3A_528 = arith.constant 256 : i32
      %add3A_529 = arith.addi %add3A_528, %mul3A_527 : i32
      %add3A_530 = arith.constant 4 : i32
      %add3A_531 = arith.addi %add3A_529, %add3A_530 : i32
      %get3A_532 = arith.index_cast %add3A_531 : i32 to index
      %get3A_533 = arith.constant 0 : index
      %get3A_534 = tpu.vector_load %arg11[%get3A_532, %get3A_533] {strides = array<i32>} : memref<512x64xf32, #tpu.memory_space<vmem>>, vector<16xf32>,
      %get3A_535 = arith.index_cast %add3A_531 : i32 to index
      %get3A_536 = arith.constant 0 : index
      %get3A_537 = tpu.vector_load %arg12[%get3A_535, %get3A_536] {strides = array<i32>} : memref<512x64xf32, #tpu.memory_space<vmem>>, vector<16xf32>,
      %mul3A_538 = arith.mulf %get3A_534, %get3A_537 : vector<16xf32>
      %get3A_539 = arith.index_cast %add3A_531 : i32 to index
      %get3A_540 = arith.constant 16 : index
      %get3A_541 = tpu.vector_load %arg11[%get3A_539, %get3A_540] {strides = array<i32>} : memref<512x64xf32, #tpu.memory_space<vmem>>, vector<16xf32>,
      %get3A_542 = arith.index_cast %add3A_531 : i32 to index
      %get3A_543 = arith.constant 16 : index
      %get3A_544 = tpu.vector_load %arg12[%get3A_542, %get3A_543] {strides = array<i32>} : memref<512x64xf32, #tpu.memory_space<vmem>>, vector<16xf32>,
      %mul3A_545 = arith.mulf %get3A_541, %get3A_544 : vector<16xf32>
      %add3A_546 = arith.addf %mul3A_538, %mul3A_545 : vector<16xf32>
      %get3A_547 = arith.index_cast %add3A_531 : i32 to index
      %get3A_548 = arith.constant 32 : index
      %get3A_549 = tpu.vector_load %arg11[%get3A_547, %get3A_548] {strides = array<i32>} : memref<512x64xf32, #tpu.memory_space<vmem>>, vector<16xf32>,
      %get3A_550 = arith.index_cast %add3A_531 : i32 to index
      %get3A_551 = arith.constant 32 : index
      %get3A_552 = tpu.vector_load %arg12[%get3A_550, %get3A_551] {strides = array<i32>} : memref<512x64xf32, #tpu.memory_space<vmem>>, vector<16xf32>,
      %mul3A_553 = arith.mulf %get3A_549, %get3A_552 : vector<16xf32>
      %add3A_554 = arith.addf %add3A_546, %mul3A_553 : vector<16xf32>
      %get3A_555 = arith.index_cast %add3A_531 : i32 to index
      %get3A_556 = arith.constant 48 : index
      %get3A_557 = tpu.vector_load %arg11[%get3A_555, %get3A_556] {strides = array<i32>} : memref<512x64xf32, #tpu.memory_space<vmem>>, vector<16xf32>,
      %get3A_558 = arith.index_cast %add3A_531 : i32 to index
      %get3A_559 = arith.constant 48 : index
      %get3A_560 = tpu.vector_load %arg12[%get3A_558, %get3A_559] {strides = array<i32>} : memref<512x64xf32, #tpu.memory_space<vmem>>, vector<16xf32>,
      %mul3A_561 = arith.mulf %get3A_557, %get3A_560 : vector<16xf32>
      %add3A_562 = arith.addf %add3A_554, %mul3A_561 : vector<16xf32>
      %eq3A_563 = arith.constant 4 : i32
      %eq3A_564 = vector.broadcast %eq3A_563 : i32 to vector<16xi32>
      %eq3A_565 = arith.cmpi eq, %iota3A, %eq3A_564 : vector<16xi32>
      %reduce_sum3A_566 = arith.constant true
      %reduce_sum3A_567 = vector.broadcast %reduce_sum3A_566 : i1 to vector<16xi1>
      %reduce_sum3A_568 = tpu.scan <sum>, %add3A_562 masked %reduce_sum3A_567 : vector<16xf32>, vector<16xi1> -> vector<16xf32>
      %reduce_sum3A_569 = vector.extract %reduce_sum3A_568[15] : f32 from vector<16xf32>
      %broadcast_in_dim3A_570 = vector.broadcast %reduce_sum3A_569 : f32 to vector<16xf32>
      %select_n3A_571 = arith.select %eq3A_565, %broadcast_in_dim3A_570, %select_n3A_525 : vector<16xi1>, vector<16xf32>
      %mul3A_572 = arith.constant 16 : i32
      %mul3A_573 = arith.muli %scan3A_344, %mul3A_572 : i32
      %add3A_574 = arith.constant 256 : i32
      %add3A_575 = arith.addi %add3A_574, %mul3A_573 : i32
      %add3A_576 = arith.constant 5 : i32
      %add3A_577 = arith.addi %add3A_575, %add3A_576 : i32
      %get3A_578 = arith.index_cast %add3A_577 : i32 to index
      %get3A_579 = arith.constant 0 : index
      %get3A_580 = tpu.vector_load %arg11[%get3A_578, %get3A_579] {strides = array<i32>} : memref<512x64xf32, #tpu.memory_space<vmem>>, vector<16xf32>,
      %get3A_581 = arith.index_cast %add3A_577 : i32 to index
      %get3A_582 = arith.constant 0 : index
      %get3A_583 = tpu.vector_load %arg12[%get3A_581, %get3A_582] {strides = array<i32>} : memref<512x64xf32, #tpu.memory_space<vmem>>, vector<16xf32>,
      %mul3A_584 = arith.mulf %get3A_580, %get3A_583 : vector<16xf32>
      %get3A_585 = arith.index_cast %add3A_577 : i32 to index
      %get3A_586 = arith.constant 16 : index
      %get3A_587 = tpu.vector_load %arg11[%get3A_585, %get3A_586] {strides = array<i32>} : memref<512x64xf32, #tpu.memory_space<vmem>>, vector<16xf32>,
      %get3A_588 = arith.index_cast %add3A_577 : i32 to index
      %get3A_589 = arith.constant 16 : index
      %get3A_590 = tpu.vector_load %arg12[%get3A_588, %get3A_589] {strides = array<i32>} : memref<512x64xf32, #tpu.memory_space<vmem>>, vector<16xf32>,
      %mul3A_591 = arith.mulf %get3A_587, %get3A_590 : vector<16xf32>
      %add3A_592 = arith.addf %mul3A_584, %mul3A_591 : vector<16xf32>
      %get3A_593 = arith.index_cast %add3A_577 : i32 to index
      %get3A_594 = arith.constant 32 : index
      %get3A_595 = tpu.vector_load %arg11[%get3A_593, %get3A_594] {strides = array<i32>} : memref<512x64xf32, #tpu.memory_space<vmem>>, vector<16xf32>,
      %get3A_596 = arith.index_cast %add3A_577 : i32 to index
      %get3A_597 = arith.constant 32 : index
      %get3A_598 = tpu.vector_load %arg12[%get3A_596, %get3A_597] {strides = array<i32>} : memref<512x64xf32, #tpu.memory_space<vmem>>, vector<16xf32>,
      %mul3A_599 = arith.mulf %get3A_595, %get3A_598 : vector<16xf32>
      %add3A_600 = arith.addf %add3A_592, %mul3A_599 : vector<16xf32>
      %get3A_601 = arith.index_cast %add3A_577 : i32 to index
      %get3A_602 = arith.constant 48 : index
      %get3A_603 = tpu.vector_load %arg11[%get3A_601, %get3A_602] {strides = array<i32>} : memref<512x64xf32, #tpu.memory_space<vmem>>, vector<16xf32>,
      %get3A_604 = arith.index_cast %add3A_577 : i32 to index
      %get3A_605 = arith.constant 48 : index
      %get3A_606 = tpu.vector_load %arg12[%get3A_604, %get3A_605] {strides = array<i32>} : memref<512x64xf32, #tpu.memory_space<vmem>>, vector<16xf32>,
      %mul3A_607 = arith.mulf %get3A_603, %get3A_606 : vector<16xf32>
      %add3A_608 = arith.addf %add3A_600, %mul3A_607 : vector<16xf32>
      %eq3A_609 = arith.constant 5 : i32
      %eq3A_610 = vector.broadcast %eq3A_609 : i32 to vector<16xi32>
      %eq3A_611 = arith.cmpi eq, %iota3A, %eq3A_610 : vector<16xi32>
      %reduce_sum3A_612 = arith.constant true
      %reduce_sum3A_613 = vector.broadcast %reduce_sum3A_612 : i1 to vector<16xi1>
      %reduce_sum3A_614 = tpu.scan <sum>, %add3A_608 masked %reduce_sum3A_613 : vector<16xf32>, vector<16xi1> -> vector<16xf32>
      %reduce_sum3A_615 = vector.extract %reduce_sum3A_614[15] : f32 from vector<16xf32>
      %broadcast_in_dim3A_616 = vector.broadcast %reduce_sum3A_615 : f32 to vector<16xf32>
      %select_n3A_617 = arith.select %eq3A_611, %broadcast_in_dim3A_616, %select_n3A_571 : vector<16xi1>, vector<16xf32>
      %mul3A_618 = arith.constant 16 : i32
      %mul3A_619 = arith.muli %scan3A_344, %mul3A_618 : i32
      %add3A_620 = arith.constant 256 : i32
      %add3A_621 = arith.addi %add3A_620, %mul3A_619 : i32
      %add3A_622 = arith.constant 6 : i32
      %add3A_623 = arith.addi %add3A_621, %add3A_622 : i32
      %get3A_624 = arith.index_cast %add3A_623 : i32 to index
      %get3A_625 = arith.constant 0 : index
      %get3A_626 = tpu.vector_load %arg11[%get3A_624, %get3A_625] {strides = array<i32>} : memref<512x64xf32, #tpu.memory_space<vmem>>, vector<16xf32>,
      %get3A_627 = arith.index_cast %add3A_623 : i32 to index
      %get3A_628 = arith.constant 0 : index
      %get3A_629 = tpu.vector_load %arg12[%get3A_627, %get3A_628] {strides = array<i32>} : memref<512x64xf32, #tpu.memory_space<vmem>>, vector<16xf32>,
      %mul3A_630 = arith.mulf %get3A_626, %get3A_629 : vector<16xf32>
      %get3A_631 = arith.index_cast %add3A_623 : i32 to index
      %get3A_632 = arith.constant 16 : index
      %get3A_633 = tpu.vector_load %arg11[%get3A_631, %get3A_632] {strides = array<i32>} : memref<512x64xf32, #tpu.memory_space<vmem>>, vector<16xf32>,
      %get3A_634 = arith.index_cast %add3A_623 : i32 to index
      %get3A_635 = arith.constant 16 : index
      %get3A_636 = tpu.vector_load %arg12[%get3A_634, %get3A_635] {strides = array<i32>} : memref<512x64xf32, #tpu.memory_space<vmem>>, vector<16xf32>,
      %mul3A_637 = arith.mulf %get3A_633, %get3A_636 : vector<16xf32>
      %add3A_638 = arith.addf %mul3A_630, %mul3A_637 : vector<16xf32>
      %get3A_639 = arith.index_cast %add3A_623 : i32 to index
      %get3A_640 = arith.constant 32 : index
      %get3A_641 = tpu.vector_load %arg11[%get3A_639, %get3A_640] {strides = array<i32>} : memref<512x64xf32, #tpu.memory_space<vmem>>, vector<16xf32>,
      %get3A_642 = arith.index_cast %add3A_623 : i32 to index
      %get3A_643 = arith.constant 32 : index
      %get3A_644 = tpu.vector_load %arg12[%get3A_642, %get3A_643] {strides = array<i32>} : memref<512x64xf32, #tpu.memory_space<vmem>>, vector<16xf32>,
      %mul3A_645 = arith.mulf %get3A_641, %get3A_644 : vector<16xf32>
      %add3A_646 = arith.addf %add3A_638, %mul3A_645 : vector<16xf32>
      %get3A_647 = arith.index_cast %add3A_623 : i32 to index
      %get3A_648 = arith.constant 48 : index
      %get3A_649 = tpu.vector_load %arg11[%get3A_647, %get3A_648] {strides = array<i32>} : memref<512x64xf32, #tpu.memory_space<vmem>>, vector<16xf32>,
      %get3A_650 = arith.index_cast %add3A_623 : i32 to index
      %get3A_651 = arith.constant 48 : index
      %get3A_652 = tpu.vector_load %arg12[%get3A_650, %get3A_651] {strides = array<i32>} : memref<512x64xf32, #tpu.memory_space<vmem>>, vector<16xf32>,
      %mul3A_653 = arith.mulf %get3A_649, %get3A_652 : vector<16xf32>
      %add3A_654 = arith.addf %add3A_646, %mul3A_653 : vector<16xf32>
      %eq3A_655 = arith.constant 6 : i32
      %eq3A_656 = vector.broadcast %eq3A_655 : i32 to vector<16xi32>
      %eq3A_657 = arith.cmpi eq, %iota3A, %eq3A_656 : vector<16xi32>
      %reduce_sum3A_658 = arith.constant true
      %reduce_sum3A_659 = vector.broadcast %reduce_sum3A_658 : i1 to vector<16xi1>
      %reduce_sum3A_660 = tpu.scan <sum>, %add3A_654 masked %reduce_sum3A_659 : vector<16xf32>, vector<16xi1> -> vector<16xf32>
      %reduce_sum3A_661 = vector.extract %reduce_sum3A_660[15] : f32 from vector<16xf32>
      %broadcast_in_dim3A_662 = vector.broadcast %reduce_sum3A_661 : f32 to vector<16xf32>
      %select_n3A_663 = arith.select %eq3A_657, %broadcast_in_dim3A_662, %select_n3A_617 : vector<16xi1>, vector<16xf32>
      %mul3A_664 = arith.constant 16 : i32
      %mul3A_665 = arith.muli %scan3A_344, %mul3A_664 : i32
      %add3A_666 = arith.constant 256 : i32
      %add3A_667 = arith.addi %add3A_666, %mul3A_665 : i32
      %add3A_668 = arith.constant 7 : i32
      %add3A_669 = arith.addi %add3A_667, %add3A_668 : i32
      %get3A_670 = arith.index_cast %add3A_669 : i32 to index
      %get3A_671 = arith.constant 0 : index
      %get3A_672 = tpu.vector_load %arg11[%get3A_670, %get3A_671] {strides = array<i32>} : memref<512x64xf32, #tpu.memory_space<vmem>>, vector<16xf32>,
      %get3A_673 = arith.index_cast %add3A_669 : i32 to index
      %get3A_674 = arith.constant 0 : index
      %get3A_675 = tpu.vector_load %arg12[%get3A_673, %get3A_674] {strides = array<i32>} : memref<512x64xf32, #tpu.memory_space<vmem>>, vector<16xf32>,
      %mul3A_676 = arith.mulf %get3A_672, %get3A_675 : vector<16xf32>
      %get3A_677 = arith.index_cast %add3A_669 : i32 to index
      %get3A_678 = arith.constant 16 : index
      %get3A_679 = tpu.vector_load %arg11[%get3A_677, %get3A_678] {strides = array<i32>} : memref<512x64xf32, #tpu.memory_space<vmem>>, vector<16xf32>,
      %get3A_680 = arith.index_cast %add3A_669 : i32 to index
      %get3A_681 = arith.constant 16 : index
      %get3A_682 = tpu.vector_load %arg12[%get3A_680, %get3A_681] {strides = array<i32>} : memref<512x64xf32, #tpu.memory_space<vmem>>, vector<16xf32>,
      %mul3A_683 = arith.mulf %get3A_679, %get3A_682 : vector<16xf32>
      %add3A_684 = arith.addf %mul3A_676, %mul3A_683 : vector<16xf32>
      %get3A_685 = arith.index_cast %add3A_669 : i32 to index
      %get3A_686 = arith.constant 32 : index
      %get3A_687 = tpu.vector_load %arg11[%get3A_685, %get3A_686] {strides = array<i32>} : memref<512x64xf32, #tpu.memory_space<vmem>>, vector<16xf32>,
      %get3A_688 = arith.index_cast %add3A_669 : i32 to index
      %get3A_689 = arith.constant 32 : index
      %get3A_690 = tpu.vector_load %arg12[%get3A_688, %get3A_689] {strides = array<i32>} : memref<512x64xf32, #tpu.memory_space<vmem>>, vector<16xf32>,
      %mul3A_691 = arith.mulf %get3A_687, %get3A_690 : vector<16xf32>
      %add3A_692 = arith.addf %add3A_684, %mul3A_691 : vector<16xf32>
      %get3A_693 = arith.index_cast %add3A_669 : i32 to index
      %get3A_694 = arith.constant 48 : index
      %get3A_695 = tpu.vector_load %arg11[%get3A_693, %get3A_694] {strides = array<i32>} : memref<512x64xf32, #tpu.memory_space<vmem>>, vector<16xf32>,
      %get3A_696 = arith.index_cast %add3A_669 : i32 to index
      %get3A_697 = arith.constant 48 : index
      %get3A_698 = tpu.vector_load %arg12[%get3A_696, %get3A_697] {strides = array<i32>} : memref<512x64xf32, #tpu.memory_space<vmem>>, vector<16xf32>,
      %mul3A_699 = arith.mulf %get3A_695, %get3A_698 : vector<16xf32>
      %add3A_700 = arith.addf %add3A_692, %mul3A_699 : vector<16xf32>
      %eq3A_701 = arith.constant 7 : i32
      %eq3A_702 = vector.broadcast %eq3A_701 : i32 to vector<16xi32>
      %eq3A_703 = arith.cmpi eq, %iota3A, %eq3A_702 : vector<16xi32>
      %reduce_sum3A_704 = arith.constant true
      %reduce_sum3A_705 = vector.broadcast %reduce_sum3A_704 : i1 to vector<16xi1>
      %reduce_sum3A_706 = tpu.scan <sum>, %add3A_700 masked %reduce_sum3A_705 : vector<16xf32>, vector<16xi1> -> vector<16xf32>
      %reduce_sum3A_707 = vector.extract %reduce_sum3A_706[15] : f32 from vector<16xf32>
      %broadcast_in_dim3A_708 = vector.broadcast %reduce_sum3A_707 : f32 to vector<16xf32>
      %select_n3A_709 = arith.select %eq3A_703, %broadcast_in_dim3A_708, %select_n3A_663 : vector<16xi1>, vector<16xf32>
      %mul3A_710 = arith.constant 16 : i32
      %mul3A_711 = arith.muli %scan3A_344, %mul3A_710 : i32
      %add3A_712 = arith.constant 256 : i32
      %add3A_713 = arith.addi %add3A_712, %mul3A_711 : i32
      %add3A_714 = arith.constant 8 : i32
      %add3A_715 = arith.addi %add3A_713, %add3A_714 : i32
      %get3A_716 = arith.index_cast %add3A_715 : i32 to index
      %get3A_717 = arith.constant 0 : index
      %get3A_718 = tpu.vector_load %arg11[%get3A_716, %get3A_717] {strides = array<i32>} : memref<512x64xf32, #tpu.memory_space<vmem>>, vector<16xf32>,
      %get3A_719 = arith.index_cast %add3A_715 : i32 to index
      %get3A_720 = arith.constant 0 : index
      %get3A_721 = tpu.vector_load %arg12[%get3A_719, %get3A_720] {strides = array<i32>} : memref<512x64xf32, #tpu.memory_space<vmem>>, vector<16xf32>,
      %mul3A_722 = arith.mulf %get3A_718, %get3A_721 : vector<16xf32>
      %get3A_723 = arith.index_cast %add3A_715 : i32 to index
      %get3A_724 = arith.constant 16 : index
      %get3A_725 = tpu.vector_load %arg11[%get3A_723, %get3A_724] {strides = array<i32>} : memref<512x64xf32, #tpu.memory_space<vmem>>, vector<16xf32>,
      %get3A_726 = arith.index_cast %add3A_715 : i32 to index
      %get3A_727 = arith.constant 16 : index
      %get3A_728 = tpu.vector_load %arg12[%get3A_726, %get3A_727] {strides = array<i32>} : memref<512x64xf32, #tpu.memory_space<vmem>>, vector<16xf32>,
      %mul3A_729 = arith.mulf %get3A_725, %get3A_728 : vector<16xf32>
      %add3A_730 = arith.addf %mul3A_722, %mul3A_729 : vector<16xf32>
      %get3A_731 = arith.index_cast %add3A_715 : i32 to index
      %get3A_732 = arith.constant 32 : index
      %get3A_733 = tpu.vector_load %arg11[%get3A_731, %get3A_732] {strides = array<i32>} : memref<512x64xf32, #tpu.memory_space<vmem>>, vector<16xf32>,
      %get3A_734 = arith.index_cast %add3A_715 : i32 to index
      %get3A_735 = arith.constant 32 : index
      %get3A_736 = tpu.vector_load %arg12[%get3A_734, %get3A_735] {strides = array<i32>} : memref<512x64xf32, #tpu.memory_space<vmem>>, vector<16xf32>,
      %mul3A_737 = arith.mulf %get3A_733, %get3A_736 : vector<16xf32>
      %add3A_738 = arith.addf %add3A_730, %mul3A_737 : vector<16xf32>
      %get3A_739 = arith.index_cast %add3A_715 : i32 to index
      %get3A_740 = arith.constant 48 : index
      %get3A_741 = tpu.vector_load %arg11[%get3A_739, %get3A_740] {strides = array<i32>} : memref<512x64xf32, #tpu.memory_space<vmem>>, vector<16xf32>,
      %get3A_742 = arith.index_cast %add3A_715 : i32 to index
      %get3A_743 = arith.constant 48 : index
      %get3A_744 = tpu.vector_load %arg12[%get3A_742, %get3A_743] {strides = array<i32>} : memref<512x64xf32, #tpu.memory_space<vmem>>, vector<16xf32>,
      %mul3A_745 = arith.mulf %get3A_741, %get3A_744 : vector<16xf32>
      %add3A_746 = arith.addf %add3A_738, %mul3A_745 : vector<16xf32>
      %eq3A_747 = arith.constant 8 : i32
      %eq3A_748 = vector.broadcast %eq3A_747 : i32 to vector<16xi32>
      %eq3A_749 = arith.cmpi eq, %iota3A, %eq3A_748 : vector<16xi32>
      %reduce_sum3A_750 = arith.constant true
      %reduce_sum3A_751 = vector.broadcast %reduce_sum3A_750 : i1 to vector<16xi1>
      %reduce_sum3A_752 = tpu.scan <sum>, %add3A_746 masked %reduce_sum3A_751 : vector<16xf32>, vector<16xi1> -> vector<16xf32>
      %reduce_sum3A_753 = vector.extract %reduce_sum3A_752[15] : f32 from vector<16xf32>
      %broadcast_in_dim3A_754 = vector.broadcast %reduce_sum3A_753 : f32 to vector<16xf32>
      %select_n3A_755 = arith.select %eq3A_749, %broadcast_in_dim3A_754, %select_n3A_709 : vector<16xi1>, vector<16xf32>
      %mul3A_756 = arith.constant 16 : i32
      %mul3A_757 = arith.muli %scan3A_344, %mul3A_756 : i32
      %add3A_758 = arith.constant 256 : i32
      %add3A_759 = arith.addi %add3A_758, %mul3A_757 : i32
      %add3A_760 = arith.constant 9 : i32
      %add3A_761 = arith.addi %add3A_759, %add3A_760 : i32
      %get3A_762 = arith.index_cast %add3A_761 : i32 to index
      %get3A_763 = arith.constant 0 : index
      %get3A_764 = tpu.vector_load %arg11[%get3A_762, %get3A_763] {strides = array<i32>} : memref<512x64xf32, #tpu.memory_space<vmem>>, vector<16xf32>,
      %get3A_765 = arith.index_cast %add3A_761 : i32 to index
      %get3A_766 = arith.constant 0 : index
      %get3A_767 = tpu.vector_load %arg12[%get3A_765, %get3A_766] {strides = array<i32>} : memref<512x64xf32, #tpu.memory_space<vmem>>, vector<16xf32>,
      %mul3A_768 = arith.mulf %get3A_764, %get3A_767 : vector<16xf32>
      %get3A_769 = arith.index_cast %add3A_761 : i32 to index
      %get3A_770 = arith.constant 16 : index
      %get3A_771 = tpu.vector_load %arg11[%get3A_769, %get3A_770] {strides = array<i32>} : memref<512x64xf32, #tpu.memory_space<vmem>>, vector<16xf32>,
      %get3A_772 = arith.index_cast %add3A_761 : i32 to index
      %get3A_773 = arith.constant 16 : index
      %get3A_774 = tpu.vector_load %arg12[%get3A_772, %get3A_773] {strides = array<i32>} : memref<512x64xf32, #tpu.memory_space<vmem>>, vector<16xf32>,
      %mul3A_775 = arith.mulf %get3A_771, %get3A_774 : vector<16xf32>
      %add3A_776 = arith.addf %mul3A_768, %mul3A_775 : vector<16xf32>
      %get3A_777 = arith.index_cast %add3A_761 : i32 to index
      %get3A_778 = arith.constant 32 : index
      %get3A_779 = tpu.vector_load %arg11[%get3A_777, %get3A_778] {strides = array<i32>} : memref<512x64xf32, #tpu.memory_space<vmem>>, vector<16xf32>,
      %get3A_780 = arith.index_cast %add3A_761 : i32 to index
      %get3A_781 = arith.constant 32 : index
      %get3A_782 = tpu.vector_load %arg12[%get3A_780, %get3A_781] {strides = array<i32>} : memref<512x64xf32, #tpu.memory_space<vmem>>, vector<16xf32>,
      %mul3A_783 = arith.mulf %get3A_779, %get3A_782 : vector<16xf32>
      %add3A_784 = arith.addf %add3A_776, %mul3A_783 : vector<16xf32>
      %get3A_785 = arith.index_cast %add3A_761 : i32 to index
      %get3A_786 = arith.constant 48 : index
      %get3A_787 = tpu.vector_load %arg11[%get3A_785, %get3A_786] {strides = array<i32>} : memref<512x64xf32, #tpu.memory_space<vmem>>, vector<16xf32>,
      %get3A_788 = arith.index_cast %add3A_761 : i32 to index
      %get3A_789 = arith.constant 48 : index
      %get3A_790 = tpu.vector_load %arg12[%get3A_788, %get3A_789] {strides = array<i32>} : memref<512x64xf32, #tpu.memory_space<vmem>>, vector<16xf32>,
      %mul3A_791 = arith.mulf %get3A_787, %get3A_790 : vector<16xf32>
      %add3A_792 = arith.addf %add3A_784, %mul3A_791 : vector<16xf32>
      %eq3A_793 = arith.constant 9 : i32
      %eq3A_794 = vector.broadcast %eq3A_793 : i32 to vector<16xi32>
      %eq3A_795 = arith.cmpi eq, %iota3A, %eq3A_794 : vector<16xi32>
      %reduce_sum3A_796 = arith.constant true
      %reduce_sum3A_797 = vector.broadcast %reduce_sum3A_796 : i1 to vector<16xi1>
      %reduce_sum3A_798 = tpu.scan <sum>, %add3A_792 masked %reduce_sum3A_797 : vector<16xf32>, vector<16xi1> -> vector<16xf32>
      %reduce_sum3A_799 = vector.extract %reduce_sum3A_798[15] : f32 from vector<16xf32>
      %broadcast_in_dim3A_800 = vector.broadcast %reduce_sum3A_799 : f32 to vector<16xf32>
      %select_n3A_801 = arith.select %eq3A_795, %broadcast_in_dim3A_800, %select_n3A_755 : vector<16xi1>, vector<16xf32>
      %mul3A_802 = arith.constant 16 : i32
      %mul3A_803 = arith.muli %scan3A_344, %mul3A_802 : i32
      %add3A_804 = arith.constant 256 : i32
      %add3A_805 = arith.addi %add3A_804, %mul3A_803 : i32
      %add3A_806 = arith.constant 10 : i32
      %add3A_807 = arith.addi %add3A_805, %add3A_806 : i32
      %get3A_808 = arith.index_cast %add3A_807 : i32 to index
      %get3A_809 = arith.constant 0 : index
      %get3A_810 = tpu.vector_load %arg11[%get3A_808, %get3A_809] {strides = array<i32>} : memref<512x64xf32, #tpu.memory_space<vmem>>, vector<16xf32>,
      %get3A_811 = arith.index_cast %add3A_807 : i32 to index
      %get3A_812 = arith.constant 0 : index
      %get3A_813 = tpu.vector_load %arg12[%get3A_811, %get3A_812] {strides = array<i32>} : memref<512x64xf32, #tpu.memory_space<vmem>>, vector<16xf32>,
      %mul3A_814 = arith.mulf %get3A_810, %get3A_813 : vector<16xf32>
      %get3A_815 = arith.index_cast %add3A_807 : i32 to index
      %get3A_816 = arith.constant 16 : index
      %get3A_817 = tpu.vector_load %arg11[%get3A_815, %get3A_816] {strides = array<i32>} : memref<512x64xf32, #tpu.memory_space<vmem>>, vector<16xf32>,
      %get3A_818 = arith.index_cast %add3A_807 : i32 to index
      %get3A_819 = arith.constant 16 : index
      %get3A_820 = tpu.vector_load %arg12[%get3A_818, %get3A_819] {strides = array<i32>} : memref<512x64xf32, #tpu.memory_space<vmem>>, vector<16xf32>,
      %mul3A_821 = arith.mulf %get3A_817, %get3A_820 : vector<16xf32>
      %add3A_822 = arith.addf %mul3A_814, %mul3A_821 : vector<16xf32>
      %get3A_823 = arith.index_cast %add3A_807 : i32 to index
      %get3A_824 = arith.constant 32 : index
      %get3A_825 = tpu.vector_load %arg11[%get3A_823, %get3A_824] {strides = array<i32>} : memref<512x64xf32, #tpu.memory_space<vmem>>, vector<16xf32>,
      %get3A_826 = arith.index_cast %add3A_807 : i32 to index
      %get3A_827 = arith.constant 32 : index
      %get3A_828 = tpu.vector_load %arg12[%get3A_826, %get3A_827] {strides = array<i32>} : memref<512x64xf32, #tpu.memory_space<vmem>>, vector<16xf32>,
      %mul3A_829 = arith.mulf %get3A_825, %get3A_828 : vector<16xf32>
      %add3A_830 = arith.addf %add3A_822, %mul3A_829 : vector<16xf32>
      %get3A_831 = arith.index_cast %add3A_807 : i32 to index
      %get3A_832 = arith.constant 48 : index
      %get3A_833 = tpu.vector_load %arg11[%get3A_831, %get3A_832] {strides = array<i32>} : memref<512x64xf32, #tpu.memory_space<vmem>>, vector<16xf32>,
      %get3A_834 = arith.index_cast %add3A_807 : i32 to index
      %get3A_835 = arith.constant 48 : index
      %get3A_836 = tpu.vector_load %arg12[%get3A_834, %get3A_835] {strides = array<i32>} : memref<512x64xf32, #tpu.memory_space<vmem>>, vector<16xf32>,
      %mul3A_837 = arith.mulf %get3A_833, %get3A_836 : vector<16xf32>
      %add3A_838 = arith.addf %add3A_830, %mul3A_837 : vector<16xf32>
      %eq3A_839 = arith.constant 10 : i32
      %eq3A_840 = vector.broadcast %eq3A_839 : i32 to vector<16xi32>
      %eq3A_841 = arith.cmpi eq, %iota3A, %eq3A_840 : vector<16xi32>
      %reduce_sum3A_842 = arith.constant true
      %reduce_sum3A_843 = vector.broadcast %reduce_sum3A_842 : i1 to vector<16xi1>
      %reduce_sum3A_844 = tpu.scan <sum>, %add3A_838 masked %reduce_sum3A_843 : vector<16xf32>, vector<16xi1> -> vector<16xf32>
      %reduce_sum3A_845 = vector.extract %reduce_sum3A_844[15] : f32 from vector<16xf32>
      %broadcast_in_dim3A_846 = vector.broadcast %reduce_sum3A_845 : f32 to vector<16xf32>
      %select_n3A_847 = arith.select %eq3A_841, %broadcast_in_dim3A_846, %select_n3A_801 : vector<16xi1>, vector<16xf32>
      %mul3A_848 = arith.constant 16 : i32
      %mul3A_849 = arith.muli %scan3A_344, %mul3A_848 : i32
      %add3A_850 = arith.constant 256 : i32
      %add3A_851 = arith.addi %add3A_850, %mul3A_849 : i32
      %add3A_852 = arith.constant 11 : i32
      %add3A_853 = arith.addi %add3A_851, %add3A_852 : i32
      %get3A_854 = arith.index_cast %add3A_853 : i32 to index
      %get3A_855 = arith.constant 0 : index
      %get3A_856 = tpu.vector_load %arg11[%get3A_854, %get3A_855] {strides = array<i32>} : memref<512x64xf32, #tpu.memory_space<vmem>>, vector<16xf32>,
      %get3A_857 = arith.index_cast %add3A_853 : i32 to index
      %get3A_858 = arith.constant 0 : index
      %get3A_859 = tpu.vector_load %arg12[%get3A_857, %get3A_858] {strides = array<i32>} : memref<512x64xf32, #tpu.memory_space<vmem>>, vector<16xf32>,
      %mul3A_860 = arith.mulf %get3A_856, %get3A_859 : vector<16xf32>
      %get3A_861 = arith.index_cast %add3A_853 : i32 to index
      %get3A_862 = arith.constant 16 : index
      %get3A_863 = tpu.vector_load %arg11[%get3A_861, %get3A_862] {strides = array<i32>} : memref<512x64xf32, #tpu.memory_space<vmem>>, vector<16xf32>,
      %get3A_864 = arith.index_cast %add3A_853 : i32 to index
      %get3A_865 = arith.constant 16 : index
      %get3A_866 = tpu.vector_load %arg12[%get3A_864, %get3A_865] {strides = array<i32>} : memref<512x64xf32, #tpu.memory_space<vmem>>, vector<16xf32>,
      %mul3A_867 = arith.mulf %get3A_863, %get3A_866 : vector<16xf32>
      %add3A_868 = arith.addf %mul3A_860, %mul3A_867 : vector<16xf32>
      %get3A_869 = arith.index_cast %add3A_853 : i32 to index
      %get3A_870 = arith.constant 32 : index
      %get3A_871 = tpu.vector_load %arg11[%get3A_869, %get3A_870] {strides = array<i32>} : memref<512x64xf32, #tpu.memory_space<vmem>>, vector<16xf32>,
      %get3A_872 = arith.index_cast %add3A_853 : i32 to index
      %get3A_873 = arith.constant 32 : index
      %get3A_874 = tpu.vector_load %arg12[%get3A_872, %get3A_873] {strides = array<i32>} : memref<512x64xf32, #tpu.memory_space<vmem>>, vector<16xf32>,
      %mul3A_875 = arith.mulf %get3A_871, %get3A_874 : vector<16xf32>
      %add3A_876 = arith.addf %add3A_868, %mul3A_875 : vector<16xf32>
      %get3A_877 = arith.index_cast %add3A_853 : i32 to index
      %get3A_878 = arith.constant 48 : index
      %get3A_879 = tpu.vector_load %arg11[%get3A_877, %get3A_878] {strides = array<i32>} : memref<512x64xf32, #tpu.memory_space<vmem>>, vector<16xf32>,
      %get3A_880 = arith.index_cast %add3A_853 : i32 to index
      %get3A_881 = arith.constant 48 : index
      %get3A_882 = tpu.vector_load %arg12[%get3A_880, %get3A_881] {strides = array<i32>} : memref<512x64xf32, #tpu.memory_space<vmem>>, vector<16xf32>,
      %mul3A_883 = arith.mulf %get3A_879, %get3A_882 : vector<16xf32>
      %add3A_884 = arith.addf %add3A_876, %mul3A_883 : vector<16xf32>
      %eq3A_885 = arith.constant 11 : i32
      %eq3A_886 = vector.broadcast %eq3A_885 : i32 to vector<16xi32>
      %eq3A_887 = arith.cmpi eq, %iota3A, %eq3A_886 : vector<16xi32>
      %reduce_sum3A_888 = arith.constant true
      %reduce_sum3A_889 = vector.broadcast %reduce_sum3A_888 : i1 to vector<16xi1>
      %reduce_sum3A_890 = tpu.scan <sum>, %add3A_884 masked %reduce_sum3A_889 : vector<16xf32>, vector<16xi1> -> vector<16xf32>
      %reduce_sum3A_891 = vector.extract %reduce_sum3A_890[15] : f32 from vector<16xf32>
      %broadcast_in_dim3A_892 = vector.broadcast %reduce_sum3A_891 : f32 to vector<16xf32>
      %select_n3A_893 = arith.select %eq3A_887, %broadcast_in_dim3A_892, %select_n3A_847 : vector<16xi1>, vector<16xf32>
      %mul3A_894 = arith.constant 16 : i32
      %mul3A_895 = arith.muli %scan3A_344, %mul3A_894 : i32
      %add3A_896 = arith.constant 256 : i32
      %add3A_897 = arith.addi %add3A_896, %mul3A_895 : i32
      %add3A_898 = arith.constant 12 : i32
      %add3A_899 = arith.addi %add3A_897, %add3A_898 : i32
      %get3A_900 = arith.index_cast %add3A_899 : i32 to index
      %get3A_901 = arith.constant 0 : index
      %get3A_902 = tpu.vector_load %arg11[%get3A_900, %get3A_901] {strides = array<i32>} : memref<512x64xf32, #tpu.memory_space<vmem>>, vector<16xf32>,
      %get3A_903 = arith.index_cast %add3A_899 : i32 to index
      %get3A_904 = arith.constant 0 : index
      %get3A_905 = tpu.vector_load %arg12[%get3A_903, %get3A_904] {strides = array<i32>} : memref<512x64xf32, #tpu.memory_space<vmem>>, vector<16xf32>,
      %mul3A_906 = arith.mulf %get3A_902, %get3A_905 : vector<16xf32>
      %get3A_907 = arith.index_cast %add3A_899 : i32 to index
      %get3A_908 = arith.constant 16 : index
      %get3A_909 = tpu.vector_load %arg11[%get3A_907, %get3A_908] {strides = array<i32>} : memref<512x64xf32, #tpu.memory_space<vmem>>, vector<16xf32>,
      %get3A_910 = arith.index_cast %add3A_899 : i32 to index
      %get3A_911 = arith.constant 16 : index
      %get3A_912 = tpu.vector_load %arg12[%get3A_910, %get3A_911] {strides = array<i32>} : memref<512x64xf32, #tpu.memory_space<vmem>>, vector<16xf32>,
      %mul3A_913 = arith.mulf %get3A_909, %get3A_912 : vector<16xf32>
      %add3A_914 = arith.addf %mul3A_906, %mul3A_913 : vector<16xf32>
      %get3A_915 = arith.index_cast %add3A_899 : i32 to index
      %get3A_916 = arith.constant 32 : index
      %get3A_917 = tpu.vector_load %arg11[%get3A_915, %get3A_916] {strides = array<i32>} : memref<512x64xf32, #tpu.memory_space<vmem>>, vector<16xf32>,
      %get3A_918 = arith.index_cast %add3A_899 : i32 to index
      %get3A_919 = arith.constant 32 : index
      %get3A_920 = tpu.vector_load %arg12[%get3A_918, %get3A_919] {strides = array<i32>} : memref<512x64xf32, #tpu.memory_space<vmem>>, vector<16xf32>,
      %mul3A_921 = arith.mulf %get3A_917, %get3A_920 : vector<16xf32>
      %add3A_922 = arith.addf %add3A_914, %mul3A_921 : vector<16xf32>
      %get3A_923 = arith.index_cast %add3A_899 : i32 to index
      %get3A_924 = arith.constant 48 : index
      %get3A_925 = tpu.vector_load %arg11[%get3A_923, %get3A_924] {strides = array<i32>} : memref<512x64xf32, #tpu.memory_space<vmem>>, vector<16xf32>,
      %get3A_926 = arith.index_cast %add3A_899 : i32 to index
      %get3A_927 = arith.constant 48 : index
      %get3A_928 = tpu.vector_load %arg12[%get3A_926, %get3A_927] {strides = array<i32>} : memref<512x64xf32, #tpu.memory_space<vmem>>, vector<16xf32>,
      %mul3A_929 = arith.mulf %get3A_925, %get3A_928 : vector<16xf32>
      %add3A_930 = arith.addf %add3A_922, %mul3A_929 : vector<16xf32>
      %eq3A_931 = arith.constant 12 : i32
      %eq3A_932 = vector.broadcast %eq3A_931 : i32 to vector<16xi32>
      %eq3A_933 = arith.cmpi eq, %iota3A, %eq3A_932 : vector<16xi32>
      %reduce_sum3A_934 = arith.constant true
      %reduce_sum3A_935 = vector.broadcast %reduce_sum3A_934 : i1 to vector<16xi1>
      %reduce_sum3A_936 = tpu.scan <sum>, %add3A_930 masked %reduce_sum3A_935 : vector<16xf32>, vector<16xi1> -> vector<16xf32>
      %reduce_sum3A_937 = vector.extract %reduce_sum3A_936[15] : f32 from vector<16xf32>
      %broadcast_in_dim3A_938 = vector.broadcast %reduce_sum3A_937 : f32 to vector<16xf32>
      %select_n3A_939 = arith.select %eq3A_933, %broadcast_in_dim3A_938, %select_n3A_893 : vector<16xi1>, vector<16xf32>
      %mul3A_940 = arith.constant 16 : i32
      %mul3A_941 = arith.muli %scan3A_344, %mul3A_940 : i32
      %add3A_942 = arith.constant 256 : i32
      %add3A_943 = arith.addi %add3A_942, %mul3A_941 : i32
      %add3A_944 = arith.constant 13 : i32
      %add3A_945 = arith.addi %add3A_943, %add3A_944 : i32
      %get3A_946 = arith.index_cast %add3A_945 : i32 to index
      %get3A_947 = arith.constant 0 : index
      %get3A_948 = tpu.vector_load %arg11[%get3A_946, %get3A_947] {strides = array<i32>} : memref<512x64xf32, #tpu.memory_space<vmem>>, vector<16xf32>,
      %get3A_949 = arith.index_cast %add3A_945 : i32 to index
      %get3A_950 = arith.constant 0 : index
      %get3A_951 = tpu.vector_load %arg12[%get3A_949, %get3A_950] {strides = array<i32>} : memref<512x64xf32, #tpu.memory_space<vmem>>, vector<16xf32>,
      %mul3A_952 = arith.mulf %get3A_948, %get3A_951 : vector<16xf32>
      %get3A_953 = arith.index_cast %add3A_945 : i32 to index
      %get3A_954 = arith.constant 16 : index
      %get3A_955 = tpu.vector_load %arg11[%get3A_953, %get3A_954] {strides = array<i32>} : memref<512x64xf32, #tpu.memory_space<vmem>>, vector<16xf32>,
      %get3A_956 = arith.index_cast %add3A_945 : i32 to index
      %get3A_957 = arith.constant 16 : index
      %get3A_958 = tpu.vector_load %arg12[%get3A_956, %get3A_957] {strides = array<i32>} : memref<512x64xf32, #tpu.memory_space<vmem>>, vector<16xf32>,
      %mul3A_959 = arith.mulf %get3A_955, %get3A_958 : vector<16xf32>
      %add3A_960 = arith.addf %mul3A_952, %mul3A_959 : vector<16xf32>
      %get3A_961 = arith.index_cast %add3A_945 : i32 to index
      %get3A_962 = arith.constant 32 : index
      %get3A_963 = tpu.vector_load %arg11[%get3A_961, %get3A_962] {strides = array<i32>} : memref<512x64xf32, #tpu.memory_space<vmem>>, vector<16xf32>,
      %get3A_964 = arith.index_cast %add3A_945 : i32 to index
      %get3A_965 = arith.constant 32 : index
      %get3A_966 = tpu.vector_load %arg12[%get3A_964, %get3A_965] {strides = array<i32>} : memref<512x64xf32, #tpu.memory_space<vmem>>, vector<16xf32>,
      %mul3A_967 = arith.mulf %get3A_963, %get3A_966 : vector<16xf32>
      %add3A_968 = arith.addf %add3A_960, %mul3A_967 : vector<16xf32>
      %get3A_969 = arith.index_cast %add3A_945 : i32 to index
      %get3A_970 = arith.constant 48 : index
      %get3A_971 = tpu.vector_load %arg11[%get3A_969, %get3A_970] {strides = array<i32>} : memref<512x64xf32, #tpu.memory_space<vmem>>, vector<16xf32>,
      %get3A_972 = arith.index_cast %add3A_945 : i32 to index
      %get3A_973 = arith.constant 48 : index
      %get3A_974 = tpu.vector_load %arg12[%get3A_972, %get3A_973] {strides = array<i32>} : memref<512x64xf32, #tpu.memory_space<vmem>>, vector<16xf32>,
      %mul3A_975 = arith.mulf %get3A_971, %get3A_974 : vector<16xf32>
      %add3A_976 = arith.addf %add3A_968, %mul3A_975 : vector<16xf32>
      %eq3A_977 = arith.constant 13 : i32
      %eq3A_978 = vector.broadcast %eq3A_977 : i32 to vector<16xi32>
      %eq3A_979 = arith.cmpi eq, %iota3A, %eq3A_978 : vector<16xi32>
      %reduce_sum3A_980 = arith.constant true
      %reduce_sum3A_981 = vector.broadcast %reduce_sum3A_980 : i1 to vector<16xi1>
      %reduce_sum3A_982 = tpu.scan <sum>, %add3A_976 masked %reduce_sum3A_981 : vector<16xf32>, vector<16xi1> -> vector<16xf32>
      %reduce_sum3A_983 = vector.extract %reduce_sum3A_982[15] : f32 from vector<16xf32>
      %broadcast_in_dim3A_984 = vector.broadcast %reduce_sum3A_983 : f32 to vector<16xf32>
      %select_n3A_985 = arith.select %eq3A_979, %broadcast_in_dim3A_984, %select_n3A_939 : vector<16xi1>, vector<16xf32>
      %mul3A_986 = arith.constant 16 : i32
      %mul3A_987 = arith.muli %scan3A_344, %mul3A_986 : i32
      %add3A_988 = arith.constant 256 : i32
      %add3A_989 = arith.addi %add3A_988, %mul3A_987 : i32
      %add3A_990 = arith.constant 14 : i32
      %add3A_991 = arith.addi %add3A_989, %add3A_990 : i32
      %get3A_992 = arith.index_cast %add3A_991 : i32 to index
      %get3A_993 = arith.constant 0 : index
      %get3A_994 = tpu.vector_load %arg11[%get3A_992, %get3A_993] {strides = array<i32>} : memref<512x64xf32, #tpu.memory_space<vmem>>, vector<16xf32>,
      %get3A_995 = arith.index_cast %add3A_991 : i32 to index
      %get3A_996 = arith.constant 0 : index
      %get3A_997 = tpu.vector_load %arg12[%get3A_995, %get3A_996] {strides = array<i32>} : memref<512x64xf32, #tpu.memory_space<vmem>>, vector<16xf32>,
      %mul3A_998 = arith.mulf %get3A_994, %get3A_997 : vector<16xf32>
      %get3A_999 = arith.index_cast %add3A_991 : i32 to index
      %get3A_1000 = arith.constant 16 : index
      %get3A_1001 = tpu.vector_load %arg11[%get3A_999, %get3A_1000] {strides = array<i32>} : memref<512x64xf32, #tpu.memory_space<vmem>>, vector<16xf32>,
      %get3A_1002 = arith.index_cast %add3A_991 : i32 to index
      %get3A_1003 = arith.constant 16 : index
      %get3A_1004 = tpu.vector_load %arg12[%get3A_1002, %get3A_1003] {strides = array<i32>} : memref<512x64xf32, #tpu.memory_space<vmem>>, vector<16xf32>,
      %mul3A_1005 = arith.mulf %get3A_1001, %get3A_1004 : vector<16xf32>
      %add3A_1006 = arith.addf %mul3A_998, %mul3A_1005 : vector<16xf32>
      %get3A_1007 = arith.index_cast %add3A_991 : i32 to index
      %get3A_1008 = arith.constant 32 : index
      %get3A_1009 = tpu.vector_load %arg11[%get3A_1007, %get3A_1008] {strides = array<i32>} : memref<512x64xf32, #tpu.memory_space<vmem>>, vector<16xf32>,
      %get3A_1010 = arith.index_cast %add3A_991 : i32 to index
      %get3A_1011 = arith.constant 32 : index
      %get3A_1012 = tpu.vector_load %arg12[%get3A_1010, %get3A_1011] {strides = array<i32>} : memref<512x64xf32, #tpu.memory_space<vmem>>, vector<16xf32>,
      %mul3A_1013 = arith.mulf %get3A_1009, %get3A_1012 : vector<16xf32>
      %add3A_1014 = arith.addf %add3A_1006, %mul3A_1013 : vector<16xf32>
      %get3A_1015 = arith.index_cast %add3A_991 : i32 to index
      %get3A_1016 = arith.constant 48 : index
      %get3A_1017 = tpu.vector_load %arg11[%get3A_1015, %get3A_1016] {strides = array<i32>} : memref<512x64xf32, #tpu.memory_space<vmem>>, vector<16xf32>,
      %get3A_1018 = arith.index_cast %add3A_991 : i32 to index
      %get3A_1019 = arith.constant 48 : index
      %get3A_1020 = tpu.vector_load %arg12[%get3A_1018, %get3A_1019] {strides = array<i32>} : memref<512x64xf32, #tpu.memory_space<vmem>>, vector<16xf32>,
      %mul3A_1021 = arith.mulf %get3A_1017, %get3A_1020 : vector<16xf32>
      %add3A_1022 = arith.addf %add3A_1014, %mul3A_1021 : vector<16xf32>
      %eq3A_1023 = arith.constant 14 : i32
      %eq3A_1024 = vector.broadcast %eq3A_1023 : i32 to vector<16xi32>
      %eq3A_1025 = arith.cmpi eq, %iota3A, %eq3A_1024 : vector<16xi32>
      %reduce_sum3A_1026 = arith.constant true
      %reduce_sum3A_1027 = vector.broadcast %reduce_sum3A_1026 : i1 to vector<16xi1>
      %reduce_sum3A_1028 = tpu.scan <sum>, %add3A_1022 masked %reduce_sum3A_1027 : vector<16xf32>, vector<16xi1> -> vector<16xf32>
      %reduce_sum3A_1029 = vector.extract %reduce_sum3A_1028[15] : f32 from vector<16xf32>
      %broadcast_in_dim3A_1030 = vector.broadcast %reduce_sum3A_1029 : f32 to vector<16xf32>
      %select_n3A_1031 = arith.select %eq3A_1025, %broadcast_in_dim3A_1030, %select_n3A_985 : vector<16xi1>, vector<16xf32>
      %mul3A_1032 = arith.constant 16 : i32
      %mul3A_1033 = arith.muli %scan3A_344, %mul3A_1032 : i32
      %add3A_1034 = arith.constant 256 : i32
      %add3A_1035 = arith.addi %add3A_1034, %mul3A_1033 : i32
      %add3A_1036 = arith.constant 15 : i32
      %add3A_1037 = arith.addi %add3A_1035, %add3A_1036 : i32
      %get3A_1038 = arith.index_cast %add3A_1037 : i32 to index
      %get3A_1039 = arith.constant 0 : index
      %get3A_1040 = tpu.vector_load %arg11[%get3A_1038, %get3A_1039] {strides = array<i32>} : memref<512x64xf32, #tpu.memory_space<vmem>>, vector<16xf32>,
      %get3A_1041 = arith.index_cast %add3A_1037 : i32 to index
      %get3A_1042 = arith.constant 0 : index
      %get3A_1043 = tpu.vector_load %arg12[%get3A_1041, %get3A_1042] {strides = array<i32>} : memref<512x64xf32, #tpu.memory_space<vmem>>, vector<16xf32>,
      %mul3A_1044 = arith.mulf %get3A_1040, %get3A_1043 : vector<16xf32>
      %get3A_1045 = arith.index_cast %add3A_1037 : i32 to index
      %get3A_1046 = arith.constant 16 : index
      %get3A_1047 = tpu.vector_load %arg11[%get3A_1045, %get3A_1046] {strides = array<i32>} : memref<512x64xf32, #tpu.memory_space<vmem>>, vector<16xf32>,
      %get3A_1048 = arith.index_cast %add3A_1037 : i32 to index
      %get3A_1049 = arith.constant 16 : index
      %get3A_1050 = tpu.vector_load %arg12[%get3A_1048, %get3A_1049] {strides = array<i32>} : memref<512x64xf32, #tpu.memory_space<vmem>>, vector<16xf32>,
      %mul3A_1051 = arith.mulf %get3A_1047, %get3A_1050 : vector<16xf32>
      %add3A_1052 = arith.addf %mul3A_1044, %mul3A_1051 : vector<16xf32>
      %get3A_1053 = arith.index_cast %add3A_1037 : i32 to index
      %get3A_1054 = arith.constant 32 : index
      %get3A_1055 = tpu.vector_load %arg11[%get3A_1053, %get3A_1054] {strides = array<i32>} : memref<512x64xf32, #tpu.memory_space<vmem>>, vector<16xf32>,
      %get3A_1056 = arith.index_cast %add3A_1037 : i32 to index
      %get3A_1057 = arith.constant 32 : index
      %get3A_1058 = tpu.vector_load %arg12[%get3A_1056, %get3A_1057] {strides = array<i32>} : memref<512x64xf32, #tpu.memory_space<vmem>>, vector<16xf32>,
      %mul3A_1059 = arith.mulf %get3A_1055, %get3A_1058 : vector<16xf32>
      %add3A_1060 = arith.addf %add3A_1052, %mul3A_1059 : vector<16xf32>
      %get3A_1061 = arith.index_cast %add3A_1037 : i32 to index
      %get3A_1062 = arith.constant 48 : index
      %get3A_1063 = tpu.vector_load %arg11[%get3A_1061, %get3A_1062] {strides = array<i32>} : memref<512x64xf32, #tpu.memory_space<vmem>>, vector<16xf32>,
      %get3A_1064 = arith.index_cast %add3A_1037 : i32 to index
      %get3A_1065 = arith.constant 48 : index
      %get3A_1066 = tpu.vector_load %arg12[%get3A_1064, %get3A_1065] {strides = array<i32>} : memref<512x64xf32, #tpu.memory_space<vmem>>, vector<16xf32>,
      %mul3A_1067 = arith.mulf %get3A_1063, %get3A_1066 : vector<16xf32>
      %add3A_1068 = arith.addf %add3A_1060, %mul3A_1067 : vector<16xf32>
      %eq3A_1069 = arith.constant 15 : i32
      %eq3A_1070 = vector.broadcast %eq3A_1069 : i32 to vector<16xi32>
      %eq3A_1071 = arith.cmpi eq, %iota3A, %eq3A_1070 : vector<16xi32>
      %reduce_sum3A_1072 = arith.constant true
      %reduce_sum3A_1073 = vector.broadcast %reduce_sum3A_1072 : i1 to vector<16xi1>
      %reduce_sum3A_1074 = tpu.scan <sum>, %add3A_1068 masked %reduce_sum3A_1073 : vector<16xf32>, vector<16xi1> -> vector<16xf32>
      %reduce_sum3A_1075 = vector.extract %reduce_sum3A_1074[15] : f32 from vector<16xf32>
      %broadcast_in_dim3A_1076 = vector.broadcast %reduce_sum3A_1075 : f32 to vector<16xf32>
      %select_n3A_1077 = arith.select %eq3A_1071, %broadcast_in_dim3A_1076, %select_n3A_1031 : vector<16xi1>, vector<16xf32>
      %mul3A_1078 = arith.constant 16 : i32
      %mul3A_1079 = arith.muli %scan3A_344, %mul3A_1078 : i32
      %add3A_1080 = arith.constant 256 : i32
      %add3A_1081 = arith.addi %add3A_1080, %mul3A_1079 : i32
      %get3A_1082 = arith.index_cast %add3A_1081 : i32 to index
      %get3A_1083 = tpu.vector_load %arg13[%get3A_1082] {strides = array<i32>} : memref<512xf32, #tpu.memory_space<vmem>>, vector<16xf32>,
      %add3A_1084 = arith.addf %select_n3A_1077, %get3A_1083 : vector<16xf32>
      %get3A_1085 = arith.index_cast %add3A_1081 : i32 to index
      %get3A_1086 = tpu.vector_load %arg14[%get3A_1085] {strides = array<i32>} : memref<512xf32, #tpu.memory_space<vmem>>, vector<16xf32>,
      %add3A_1087 = arith.addf %add3A_1084, %get3A_1086 : vector<16xf32>
      %swap3A = arith.index_cast %add3A_1081 : i32 to index
      %swap3A_1088 = tpu.vector_load %arg15[%swap3A] {strides = array<i32>} : memref<512xf32, #tpu.memory_space<vmem>>, vector<16xf32>,
      tpu.vector_store %arg15[%swap3A], %add3A_1087 {strides = array<i32>} : memref<512xf32, #tpu.memory_space<vmem>>, vector<16xf32>,
    }
    %scan3A_297 = arith.constant 8 : i32
    %dma_wait3A_298 = arith.constant 3 : i32
    %dma_wait3A_299 = arith.constant 384 : i32
    %dma_wait3A_300 = arith.constant 0 : i32
    %dma_wait3A_301 = tpu.memref_slice %arg11[%dma_wait3A_299, %dma_wait3A_300] : memref<512x64xf32, #tpu.memory_space<vmem>> -> memref<128x64xf32, #tpu.memory_space<vmem>>
    %dma_wait3A_302 = arith.constant 384 : i32
    %dma_wait3A_303 = tpu.memref_slice %arg9[%dma_wait3A_302] : memref<512xi32, #tpu.memory_space<vmem>> -> memref<128xi32, #tpu.memory_space<vmem>>
    %dma_wait3A_304 = arith.constant 0 : i32
    %dma_wait3A_305 = arith.constant 0 : i32
    %dma_wait3A_306 = tpu.memref_slice %arg2[%dma_wait3A_304, %dma_wait3A_305] : memref<1000000x64xf32, #tpu.memory_space<hbm>> -> memref<1000000x64xf32, #tpu.memory_space<hbm>>
    %dma_wait3A_307 = tpu.memref_slice %arg16[%dma_wait3A_298] : memref<4x!tpu.dma_semaphore, #tpu.memory_space<semaphore_mem>> -> memref<1x!tpu.dma_semaphore, #tpu.memory_space<semaphore_mem>>
    %dma_wait3A_308 = tpu.memref_squeeze %dma_wait3A_307 : memref<1x!tpu.dma_semaphore, #tpu.memory_space<semaphore_mem>> -> memref<!tpu.dma_semaphore, #tpu.memory_space<semaphore_mem>>
    tpu.wait_indirect_dma semaphore(%dma_wait3A_308 : memref<!tpu.dma_semaphore, #tpu.memory_space<semaphore_mem>>) src(%dma_wait3A_306 : memref<1000000x64xf32, #tpu.memory_space<hbm>>) dst(%dma_wait3A_301 : memref<128x64xf32, #tpu.memory_space<vmem>>)
    %dma_wait3A_309 = arith.constant 3 : i32
    %dma_wait3A_310 = arith.constant 384 : i32
    %dma_wait3A_311 = arith.constant 0 : i32
    %dma_wait3A_312 = tpu.memref_slice %arg12[%dma_wait3A_310, %dma_wait3A_311] : memref<512x64xf32, #tpu.memory_space<vmem>> -> memref<128x64xf32, #tpu.memory_space<vmem>>
    %dma_wait3A_313 = arith.constant 384 : i32
    %dma_wait3A_314 = tpu.memref_slice %arg10[%dma_wait3A_313] : memref<512xi32, #tpu.memory_space<vmem>> -> memref<128xi32, #tpu.memory_space<vmem>>
    %dma_wait3A_315 = arith.constant 0 : i32
    %dma_wait3A_316 = arith.constant 0 : i32
    %dma_wait3A_317 = tpu.memref_slice %arg3[%dma_wait3A_315, %dma_wait3A_316] : memref<1000000x64xf32, #tpu.memory_space<hbm>> -> memref<1000000x64xf32, #tpu.memory_space<hbm>>
    %dma_wait3A_318 = tpu.memref_slice %arg16[%dma_wait3A_309] : memref<4x!tpu.dma_semaphore, #tpu.memory_space<semaphore_mem>> -> memref<1x!tpu.dma_semaphore, #tpu.memory_space<semaphore_mem>>
    %dma_wait3A_319 = tpu.memref_squeeze %dma_wait3A_318 : memref<1x!tpu.dma_semaphore, #tpu.memory_space<semaphore_mem>> -> memref<!tpu.dma_semaphore, #tpu.memory_space<semaphore_mem>>
    tpu.wait_indirect_dma semaphore(%dma_wait3A_319 : memref<!tpu.dma_semaphore, #tpu.memory_space<semaphore_mem>>) src(%dma_wait3A_317 : memref<1000000x64xf32, #tpu.memory_space<hbm>>) dst(%dma_wait3A_312 : memref<128x64xf32, #tpu.memory_space<vmem>>)
    %dma_wait3A_320 = arith.constant 3 : i32
    %dma_wait3A_321 = arith.constant 384 : i32
    %dma_wait3A_322 = tpu.memref_slice %arg13[%dma_wait3A_321] : memref<512xf32, #tpu.memory_space<vmem>> -> memref<128xf32, #tpu.memory_space<vmem>>
    %dma_wait3A_323 = arith.constant 384 : i32
    %dma_wait3A_324 = tpu.memref_slice %arg9[%dma_wait3A_323] : memref<512xi32, #tpu.memory_space<vmem>> -> memref<128xi32, #tpu.memory_space<vmem>>
    %dma_wait3A_325 = arith.constant 0 : i32
    %dma_wait3A_326 = tpu.memref_slice %arg4[%dma_wait3A_325] : memref<1000000xf32, #tpu.memory_space<hbm>> -> memref<1000000xf32, #tpu.memory_space<hbm>>
    %dma_wait3A_327 = tpu.memref_slice %arg16[%dma_wait3A_320] : memref<4x!tpu.dma_semaphore, #tpu.memory_space<semaphore_mem>> -> memref<1x!tpu.dma_semaphore, #tpu.memory_space<semaphore_mem>>
    %dma_wait3A_328 = tpu.memref_squeeze %dma_wait3A_327 : memref<1x!tpu.dma_semaphore, #tpu.memory_space<semaphore_mem>> -> memref<!tpu.dma_semaphore, #tpu.memory_space<semaphore_mem>>
    tpu.wait_indirect_dma semaphore(%dma_wait3A_328 : memref<!tpu.dma_semaphore, #tpu.memory_space<semaphore_mem>>) src(%dma_wait3A_326 : memref<1000000xf32, #tpu.memory_space<hbm>>) dst(%dma_wait3A_322 : memref<128xf32, #tpu.memory_space<vmem>>)
    %dma_wait3A_329 = arith.constant 3 : i32
    %dma_wait3A_330 = arith.constant 384 : i32
    %dma_wait3A_331 = tpu.memref_slice %arg14[%dma_wait3A_330] : memref<512xf32, #tpu.memory_space<vmem>> -> memref<128xf32, #tpu.memory_space<vmem>>
    %dma_wait3A_332 = arith.constant 384 : i32
    %dma_wait3A_333 = tpu.memref_slice %arg10[%dma_wait3A_332] : memref<512xi32, #tpu.memory_space<vmem>> -> memref<128xi32, #tpu.memory_space<vmem>>
    %dma_wait3A_334 = arith.constant 0 : i32
    %dma_wait3A_335 = tpu.memref_slice %arg5[%dma_wait3A_334] : memref<1000000xf32, #tpu.memory_space<hbm>> -> memref<1000000xf32, #tpu.memory_space<hbm>>
    %dma_wait3A_336 = tpu.memref_slice %arg16[%dma_wait3A_329] : memref<4x!tpu.dma_semaphore, #tpu.memory_space<semaphore_mem>> -> memref<1x!tpu.dma_semaphore, #tpu.memory_space<semaphore_mem>>
    %dma_wait3A_337 = tpu.memref_squeeze %dma_wait3A_336 : memref<1x!tpu.dma_semaphore, #tpu.memory_space<semaphore_mem>> -> memref<!tpu.dma_semaphore, #tpu.memory_space<semaphore_mem>>
    tpu.wait_indirect_dma semaphore(%dma_wait3A_337 : memref<!tpu.dma_semaphore, #tpu.memory_space<semaphore_mem>>) src(%dma_wait3A_335 : memref<1000000xf32, #tpu.memory_space<hbm>>) dst(%dma_wait3A_331 : memref<128xf32, #tpu.memory_space<vmem>>)
    %scan3A_338 = arith.constant 0 : i32
    %scan3A_339 = arith.constant 0 : i32
    %scan3A_340 = arith.constant 8 : i32
    %scan3A_341 = arith.addi %scan3A_339, %scan3A_340 : i32
    %scan3A_342 = arith.constant 1 : i32
    scf.for %scan3A_344 = %scan3A_339 to %scan3A_341 step %scan3A_342  : i32 {
      %broadcast_in_dim3A = arith.constant 0.000000e+00 : f32
      %broadcast_in_dim3A_345 = vector.broadcast %broadcast_in_dim3A : f32 to vector<16xf32>
      %mul3A_346 = arith.constant 16 : i32
      %mul3A_347 = arith.muli %scan3A_344, %mul3A_346 : i32
      %add3A_348 = arith.constant 384 : i32
      %add3A_349 = arith.addi %add3A_348, %mul3A_347 : i32
      %add3A_350 = arith.constant 0 : i32
      %add3A_351 = arith.addi %add3A_349, %add3A_350 : i32
      %get3A = arith.index_cast %add3A_351 : i32 to index
      %get3A_352 = arith.constant 0 : index
      %get3A_353 = tpu.vector_load %arg11[%get3A, %get3A_352] {strides = array<i32>} : memref<512x64xf32, #tpu.memory_space<vmem>>, vector<16xf32>,
      %get3A_354 = arith.index_cast %add3A_351 : i32 to index
      %get3A_355 = arith.constant 0 : index
      %get3A_356 = tpu.vector_load %arg12[%get3A_354, %get3A_355] {strides = array<i32>} : memref<512x64xf32, #tpu.memory_space<vmem>>, vector<16xf32>,
      %mul3A_357 = arith.mulf %get3A_353, %get3A_356 : vector<16xf32>
      %get3A_358 = arith.index_cast %add3A_351 : i32 to index
      %get3A_359 = arith.constant 16 : index
      %get3A_360 = tpu.vector_load %arg11[%get3A_358, %get3A_359] {strides = array<i32>} : memref<512x64xf32, #tpu.memory_space<vmem>>, vector<16xf32>,
      %get3A_361 = arith.index_cast %add3A_351 : i32 to index
      %get3A_362 = arith.constant 16 : index
      %get3A_363 = tpu.vector_load %arg12[%get3A_361, %get3A_362] {strides = array<i32>} : memref<512x64xf32, #tpu.memory_space<vmem>>, vector<16xf32>,
      %mul3A_364 = arith.mulf %get3A_360, %get3A_363 : vector<16xf32>
      %add3A_365 = arith.addf %mul3A_357, %mul3A_364 : vector<16xf32>
      %get3A_366 = arith.index_cast %add3A_351 : i32 to index
      %get3A_367 = arith.constant 32 : index
      %get3A_368 = tpu.vector_load %arg11[%get3A_366, %get3A_367] {strides = array<i32>} : memref<512x64xf32, #tpu.memory_space<vmem>>, vector<16xf32>,
      %get3A_369 = arith.index_cast %add3A_351 : i32 to index
      %get3A_370 = arith.constant 32 : index
      %get3A_371 = tpu.vector_load %arg12[%get3A_369, %get3A_370] {strides = array<i32>} : memref<512x64xf32, #tpu.memory_space<vmem>>, vector<16xf32>,
      %mul3A_372 = arith.mulf %get3A_368, %get3A_371 : vector<16xf32>
      %add3A_373 = arith.addf %add3A_365, %mul3A_372 : vector<16xf32>
      %get3A_374 = arith.index_cast %add3A_351 : i32 to index
      %get3A_375 = arith.constant 48 : index
      %get3A_376 = tpu.vector_load %arg11[%get3A_374, %get3A_375] {strides = array<i32>} : memref<512x64xf32, #tpu.memory_space<vmem>>, vector<16xf32>,
      %get3A_377 = arith.index_cast %add3A_351 : i32 to index
      %get3A_378 = arith.constant 48 : index
      %get3A_379 = tpu.vector_load %arg12[%get3A_377, %get3A_378] {strides = array<i32>} : memref<512x64xf32, #tpu.memory_space<vmem>>, vector<16xf32>,
      %mul3A_380 = arith.mulf %get3A_376, %get3A_379 : vector<16xf32>
      %add3A_381 = arith.addf %add3A_373, %mul3A_380 : vector<16xf32>
      %eq3A = arith.constant 0 : i32
      %eq3A_382 = vector.broadcast %eq3A : i32 to vector<16xi32>
      %eq3A_383 = arith.cmpi eq, %iota3A, %eq3A_382 : vector<16xi32>
      %reduce_sum3A = arith.constant true
      %reduce_sum3A_384 = vector.broadcast %reduce_sum3A : i1 to vector<16xi1>
      %reduce_sum3A_385 = tpu.scan <sum>, %add3A_381 masked %reduce_sum3A_384 : vector<16xf32>, vector<16xi1> -> vector<16xf32>
      %reduce_sum3A_386 = vector.extract %reduce_sum3A_385[15] : f32 from vector<16xf32>
      %broadcast_in_dim3A_387 = vector.broadcast %reduce_sum3A_386 : f32 to vector<16xf32>
      %select_n3A = arith.select %eq3A_383, %broadcast_in_dim3A_387, %broadcast_in_dim3A_345 : vector<16xi1>, vector<16xf32>
      %mul3A_388 = arith.constant 16 : i32
      %mul3A_389 = arith.muli %scan3A_344, %mul3A_388 : i32
      %add3A_390 = arith.constant 384 : i32
      %add3A_391 = arith.addi %add3A_390, %mul3A_389 : i32
      %add3A_392 = arith.constant 1 : i32
      %add3A_393 = arith.addi %add3A_391, %add3A_392 : i32
      %get3A_394 = arith.index_cast %add3A_393 : i32 to index
      %get3A_395 = arith.constant 0 : index
      %get3A_396 = tpu.vector_load %arg11[%get3A_394, %get3A_395] {strides = array<i32>} : memref<512x64xf32, #tpu.memory_space<vmem>>, vector<16xf32>,
      %get3A_397 = arith.index_cast %add3A_393 : i32 to index
      %get3A_398 = arith.constant 0 : index
      %get3A_399 = tpu.vector_load %arg12[%get3A_397, %get3A_398] {strides = array<i32>} : memref<512x64xf32, #tpu.memory_space<vmem>>, vector<16xf32>,
      %mul3A_400 = arith.mulf %get3A_396, %get3A_399 : vector<16xf32>
      %get3A_401 = arith.index_cast %add3A_393 : i32 to index
      %get3A_402 = arith.constant 16 : index
      %get3A_403 = tpu.vector_load %arg11[%get3A_401, %get3A_402] {strides = array<i32>} : memref<512x64xf32, #tpu.memory_space<vmem>>, vector<16xf32>,
      %get3A_404 = arith.index_cast %add3A_393 : i32 to index
      %get3A_405 = arith.constant 16 : index
      %get3A_406 = tpu.vector_load %arg12[%get3A_404, %get3A_405] {strides = array<i32>} : memref<512x64xf32, #tpu.memory_space<vmem>>, vector<16xf32>,
      %mul3A_407 = arith.mulf %get3A_403, %get3A_406 : vector<16xf32>
      %add3A_408 = arith.addf %mul3A_400, %mul3A_407 : vector<16xf32>
      %get3A_409 = arith.index_cast %add3A_393 : i32 to index
      %get3A_410 = arith.constant 32 : index
      %get3A_411 = tpu.vector_load %arg11[%get3A_409, %get3A_410] {strides = array<i32>} : memref<512x64xf32, #tpu.memory_space<vmem>>, vector<16xf32>,
      %get3A_412 = arith.index_cast %add3A_393 : i32 to index
      %get3A_413 = arith.constant 32 : index
      %get3A_414 = tpu.vector_load %arg12[%get3A_412, %get3A_413] {strides = array<i32>} : memref<512x64xf32, #tpu.memory_space<vmem>>, vector<16xf32>,
      %mul3A_415 = arith.mulf %get3A_411, %get3A_414 : vector<16xf32>
      %add3A_416 = arith.addf %add3A_408, %mul3A_415 : vector<16xf32>
      %get3A_417 = arith.index_cast %add3A_393 : i32 to index
      %get3A_418 = arith.constant 48 : index
      %get3A_419 = tpu.vector_load %arg11[%get3A_417, %get3A_418] {strides = array<i32>} : memref<512x64xf32, #tpu.memory_space<vmem>>, vector<16xf32>,
      %get3A_420 = arith.index_cast %add3A_393 : i32 to index
      %get3A_421 = arith.constant 48 : index
      %get3A_422 = tpu.vector_load %arg12[%get3A_420, %get3A_421] {strides = array<i32>} : memref<512x64xf32, #tpu.memory_space<vmem>>, vector<16xf32>,
      %mul3A_423 = arith.mulf %get3A_419, %get3A_422 : vector<16xf32>
      %add3A_424 = arith.addf %add3A_416, %mul3A_423 : vector<16xf32>
      %eq3A_425 = arith.constant 1 : i32
      %eq3A_426 = vector.broadcast %eq3A_425 : i32 to vector<16xi32>
      %eq3A_427 = arith.cmpi eq, %iota3A, %eq3A_426 : vector<16xi32>
      %reduce_sum3A_428 = arith.constant true
      %reduce_sum3A_429 = vector.broadcast %reduce_sum3A_428 : i1 to vector<16xi1>
      %reduce_sum3A_430 = tpu.scan <sum>, %add3A_424 masked %reduce_sum3A_429 : vector<16xf32>, vector<16xi1> -> vector<16xf32>
      %reduce_sum3A_431 = vector.extract %reduce_sum3A_430[15] : f32 from vector<16xf32>
      %broadcast_in_dim3A_432 = vector.broadcast %reduce_sum3A_431 : f32 to vector<16xf32>
      %select_n3A_433 = arith.select %eq3A_427, %broadcast_in_dim3A_432, %select_n3A : vector<16xi1>, vector<16xf32>
      %mul3A_434 = arith.constant 16 : i32
      %mul3A_435 = arith.muli %scan3A_344, %mul3A_434 : i32
      %add3A_436 = arith.constant 384 : i32
      %add3A_437 = arith.addi %add3A_436, %mul3A_435 : i32
      %add3A_438 = arith.constant 2 : i32
      %add3A_439 = arith.addi %add3A_437, %add3A_438 : i32
      %get3A_440 = arith.index_cast %add3A_439 : i32 to index
      %get3A_441 = arith.constant 0 : index
      %get3A_442 = tpu.vector_load %arg11[%get3A_440, %get3A_441] {strides = array<i32>} : memref<512x64xf32, #tpu.memory_space<vmem>>, vector<16xf32>,
      %get3A_443 = arith.index_cast %add3A_439 : i32 to index
      %get3A_444 = arith.constant 0 : index
      %get3A_445 = tpu.vector_load %arg12[%get3A_443, %get3A_444] {strides = array<i32>} : memref<512x64xf32, #tpu.memory_space<vmem>>, vector<16xf32>,
      %mul3A_446 = arith.mulf %get3A_442, %get3A_445 : vector<16xf32>
      %get3A_447 = arith.index_cast %add3A_439 : i32 to index
      %get3A_448 = arith.constant 16 : index
      %get3A_449 = tpu.vector_load %arg11[%get3A_447, %get3A_448] {strides = array<i32>} : memref<512x64xf32, #tpu.memory_space<vmem>>, vector<16xf32>,
      %get3A_450 = arith.index_cast %add3A_439 : i32 to index
      %get3A_451 = arith.constant 16 : index
      %get3A_452 = tpu.vector_load %arg12[%get3A_450, %get3A_451] {strides = array<i32>} : memref<512x64xf32, #tpu.memory_space<vmem>>, vector<16xf32>,
      %mul3A_453 = arith.mulf %get3A_449, %get3A_452 : vector<16xf32>
      %add3A_454 = arith.addf %mul3A_446, %mul3A_453 : vector<16xf32>
      %get3A_455 = arith.index_cast %add3A_439 : i32 to index
      %get3A_456 = arith.constant 32 : index
      %get3A_457 = tpu.vector_load %arg11[%get3A_455, %get3A_456] {strides = array<i32>} : memref<512x64xf32, #tpu.memory_space<vmem>>, vector<16xf32>,
      %get3A_458 = arith.index_cast %add3A_439 : i32 to index
      %get3A_459 = arith.constant 32 : index
      %get3A_460 = tpu.vector_load %arg12[%get3A_458, %get3A_459] {strides = array<i32>} : memref<512x64xf32, #tpu.memory_space<vmem>>, vector<16xf32>,
      %mul3A_461 = arith.mulf %get3A_457, %get3A_460 : vector<16xf32>
      %add3A_462 = arith.addf %add3A_454, %mul3A_461 : vector<16xf32>
      %get3A_463 = arith.index_cast %add3A_439 : i32 to index
      %get3A_464 = arith.constant 48 : index
      %get3A_465 = tpu.vector_load %arg11[%get3A_463, %get3A_464] {strides = array<i32>} : memref<512x64xf32, #tpu.memory_space<vmem>>, vector<16xf32>,
      %get3A_466 = arith.index_cast %add3A_439 : i32 to index
      %get3A_467 = arith.constant 48 : index
      %get3A_468 = tpu.vector_load %arg12[%get3A_466, %get3A_467] {strides = array<i32>} : memref<512x64xf32, #tpu.memory_space<vmem>>, vector<16xf32>,
      %mul3A_469 = arith.mulf %get3A_465, %get3A_468 : vector<16xf32>
      %add3A_470 = arith.addf %add3A_462, %mul3A_469 : vector<16xf32>
      %eq3A_471 = arith.constant 2 : i32
      %eq3A_472 = vector.broadcast %eq3A_471 : i32 to vector<16xi32>
      %eq3A_473 = arith.cmpi eq, %iota3A, %eq3A_472 : vector<16xi32>
      %reduce_sum3A_474 = arith.constant true
      %reduce_sum3A_475 = vector.broadcast %reduce_sum3A_474 : i1 to vector<16xi1>
      %reduce_sum3A_476 = tpu.scan <sum>, %add3A_470 masked %reduce_sum3A_475 : vector<16xf32>, vector<16xi1> -> vector<16xf32>
      %reduce_sum3A_477 = vector.extract %reduce_sum3A_476[15] : f32 from vector<16xf32>
      %broadcast_in_dim3A_478 = vector.broadcast %reduce_sum3A_477 : f32 to vector<16xf32>
      %select_n3A_479 = arith.select %eq3A_473, %broadcast_in_dim3A_478, %select_n3A_433 : vector<16xi1>, vector<16xf32>
      %mul3A_480 = arith.constant 16 : i32
      %mul3A_481 = arith.muli %scan3A_344, %mul3A_480 : i32
      %add3A_482 = arith.constant 384 : i32
      %add3A_483 = arith.addi %add3A_482, %mul3A_481 : i32
      %add3A_484 = arith.constant 3 : i32
      %add3A_485 = arith.addi %add3A_483, %add3A_484 : i32
      %get3A_486 = arith.index_cast %add3A_485 : i32 to index
      %get3A_487 = arith.constant 0 : index
      %get3A_488 = tpu.vector_load %arg11[%get3A_486, %get3A_487] {strides = array<i32>} : memref<512x64xf32, #tpu.memory_space<vmem>>, vector<16xf32>,
      %get3A_489 = arith.index_cast %add3A_485 : i32 to index
      %get3A_490 = arith.constant 0 : index
      %get3A_491 = tpu.vector_load %arg12[%get3A_489, %get3A_490] {strides = array<i32>} : memref<512x64xf32, #tpu.memory_space<vmem>>, vector<16xf32>,
      %mul3A_492 = arith.mulf %get3A_488, %get3A_491 : vector<16xf32>
      %get3A_493 = arith.index_cast %add3A_485 : i32 to index
      %get3A_494 = arith.constant 16 : index
      %get3A_495 = tpu.vector_load %arg11[%get3A_493, %get3A_494] {strides = array<i32>} : memref<512x64xf32, #tpu.memory_space<vmem>>, vector<16xf32>,
      %get3A_496 = arith.index_cast %add3A_485 : i32 to index
      %get3A_497 = arith.constant 16 : index
      %get3A_498 = tpu.vector_load %arg12[%get3A_496, %get3A_497] {strides = array<i32>} : memref<512x64xf32, #tpu.memory_space<vmem>>, vector<16xf32>,
      %mul3A_499 = arith.mulf %get3A_495, %get3A_498 : vector<16xf32>
      %add3A_500 = arith.addf %mul3A_492, %mul3A_499 : vector<16xf32>
      %get3A_501 = arith.index_cast %add3A_485 : i32 to index
      %get3A_502 = arith.constant 32 : index
      %get3A_503 = tpu.vector_load %arg11[%get3A_501, %get3A_502] {strides = array<i32>} : memref<512x64xf32, #tpu.memory_space<vmem>>, vector<16xf32>,
      %get3A_504 = arith.index_cast %add3A_485 : i32 to index
      %get3A_505 = arith.constant 32 : index
      %get3A_506 = tpu.vector_load %arg12[%get3A_504, %get3A_505] {strides = array<i32>} : memref<512x64xf32, #tpu.memory_space<vmem>>, vector<16xf32>,
      %mul3A_507 = arith.mulf %get3A_503, %get3A_506 : vector<16xf32>
      %add3A_508 = arith.addf %add3A_500, %mul3A_507 : vector<16xf32>
      %get3A_509 = arith.index_cast %add3A_485 : i32 to index
      %get3A_510 = arith.constant 48 : index
      %get3A_511 = tpu.vector_load %arg11[%get3A_509, %get3A_510] {strides = array<i32>} : memref<512x64xf32, #tpu.memory_space<vmem>>, vector<16xf32>,
      %get3A_512 = arith.index_cast %add3A_485 : i32 to index
      %get3A_513 = arith.constant 48 : index
      %get3A_514 = tpu.vector_load %arg12[%get3A_512, %get3A_513] {strides = array<i32>} : memref<512x64xf32, #tpu.memory_space<vmem>>, vector<16xf32>,
      %mul3A_515 = arith.mulf %get3A_511, %get3A_514 : vector<16xf32>
      %add3A_516 = arith.addf %add3A_508, %mul3A_515 : vector<16xf32>
      %eq3A_517 = arith.constant 3 : i32
      %eq3A_518 = vector.broadcast %eq3A_517 : i32 to vector<16xi32>
      %eq3A_519 = arith.cmpi eq, %iota3A, %eq3A_518 : vector<16xi32>
      %reduce_sum3A_520 = arith.constant true
      %reduce_sum3A_521 = vector.broadcast %reduce_sum3A_520 : i1 to vector<16xi1>
      %reduce_sum3A_522 = tpu.scan <sum>, %add3A_516 masked %reduce_sum3A_521 : vector<16xf32>, vector<16xi1> -> vector<16xf32>
      %reduce_sum3A_523 = vector.extract %reduce_sum3A_522[15] : f32 from vector<16xf32>
      %broadcast_in_dim3A_524 = vector.broadcast %reduce_sum3A_523 : f32 to vector<16xf32>
      %select_n3A_525 = arith.select %eq3A_519, %broadcast_in_dim3A_524, %select_n3A_479 : vector<16xi1>, vector<16xf32>
      %mul3A_526 = arith.constant 16 : i32
      %mul3A_527 = arith.muli %scan3A_344, %mul3A_526 : i32
      %add3A_528 = arith.constant 384 : i32
      %add3A_529 = arith.addi %add3A_528, %mul3A_527 : i32
      %add3A_530 = arith.constant 4 : i32
      %add3A_531 = arith.addi %add3A_529, %add3A_530 : i32
      %get3A_532 = arith.index_cast %add3A_531 : i32 to index
      %get3A_533 = arith.constant 0 : index
      %get3A_534 = tpu.vector_load %arg11[%get3A_532, %get3A_533] {strides = array<i32>} : memref<512x64xf32, #tpu.memory_space<vmem>>, vector<16xf32>,
      %get3A_535 = arith.index_cast %add3A_531 : i32 to index
      %get3A_536 = arith.constant 0 : index
      %get3A_537 = tpu.vector_load %arg12[%get3A_535, %get3A_536] {strides = array<i32>} : memref<512x64xf32, #tpu.memory_space<vmem>>, vector<16xf32>,
      %mul3A_538 = arith.mulf %get3A_534, %get3A_537 : vector<16xf32>
      %get3A_539 = arith.index_cast %add3A_531 : i32 to index
      %get3A_540 = arith.constant 16 : index
      %get3A_541 = tpu.vector_load %arg11[%get3A_539, %get3A_540] {strides = array<i32>} : memref<512x64xf32, #tpu.memory_space<vmem>>, vector<16xf32>,
      %get3A_542 = arith.index_cast %add3A_531 : i32 to index
      %get3A_543 = arith.constant 16 : index
      %get3A_544 = tpu.vector_load %arg12[%get3A_542, %get3A_543] {strides = array<i32>} : memref<512x64xf32, #tpu.memory_space<vmem>>, vector<16xf32>,
      %mul3A_545 = arith.mulf %get3A_541, %get3A_544 : vector<16xf32>
      %add3A_546 = arith.addf %mul3A_538, %mul3A_545 : vector<16xf32>
      %get3A_547 = arith.index_cast %add3A_531 : i32 to index
      %get3A_548 = arith.constant 32 : index
      %get3A_549 = tpu.vector_load %arg11[%get3A_547, %get3A_548] {strides = array<i32>} : memref<512x64xf32, #tpu.memory_space<vmem>>, vector<16xf32>,
      %get3A_550 = arith.index_cast %add3A_531 : i32 to index
      %get3A_551 = arith.constant 32 : index
      %get3A_552 = tpu.vector_load %arg12[%get3A_550, %get3A_551] {strides = array<i32>} : memref<512x64xf32, #tpu.memory_space<vmem>>, vector<16xf32>,
      %mul3A_553 = arith.mulf %get3A_549, %get3A_552 : vector<16xf32>
      %add3A_554 = arith.addf %add3A_546, %mul3A_553 : vector<16xf32>
      %get3A_555 = arith.index_cast %add3A_531 : i32 to index
      %get3A_556 = arith.constant 48 : index
      %get3A_557 = tpu.vector_load %arg11[%get3A_555, %get3A_556] {strides = array<i32>} : memref<512x64xf32, #tpu.memory_space<vmem>>, vector<16xf32>,
      %get3A_558 = arith.index_cast %add3A_531 : i32 to index
      %get3A_559 = arith.constant 48 : index
      %get3A_560 = tpu.vector_load %arg12[%get3A_558, %get3A_559] {strides = array<i32>} : memref<512x64xf32, #tpu.memory_space<vmem>>, vector<16xf32>,
      %mul3A_561 = arith.mulf %get3A_557, %get3A_560 : vector<16xf32>
      %add3A_562 = arith.addf %add3A_554, %mul3A_561 : vector<16xf32>
      %eq3A_563 = arith.constant 4 : i32
      %eq3A_564 = vector.broadcast %eq3A_563 : i32 to vector<16xi32>
      %eq3A_565 = arith.cmpi eq, %iota3A, %eq3A_564 : vector<16xi32>
      %reduce_sum3A_566 = arith.constant true
      %reduce_sum3A_567 = vector.broadcast %reduce_sum3A_566 : i1 to vector<16xi1>
      %reduce_sum3A_568 = tpu.scan <sum>, %add3A_562 masked %reduce_sum3A_567 : vector<16xf32>, vector<16xi1> -> vector<16xf32>
      %reduce_sum3A_569 = vector.extract %reduce_sum3A_568[15] : f32 from vector<16xf32>
      %broadcast_in_dim3A_570 = vector.broadcast %reduce_sum3A_569 : f32 to vector<16xf32>
      %select_n3A_571 = arith.select %eq3A_565, %broadcast_in_dim3A_570, %select_n3A_525 : vector<16xi1>, vector<16xf32>
      %mul3A_572 = arith.constant 16 : i32
      %mul3A_573 = arith.muli %scan3A_344, %mul3A_572 : i32
      %add3A_574 = arith.constant 384 : i32
      %add3A_575 = arith.addi %add3A_574, %mul3A_573 : i32
      %add3A_576 = arith.constant 5 : i32
      %add3A_577 = arith.addi %add3A_575, %add3A_576 : i32
      %get3A_578 = arith.index_cast %add3A_577 : i32 to index
      %get3A_579 = arith.constant 0 : index
      %get3A_580 = tpu.vector_load %arg11[%get3A_578, %get3A_579] {strides = array<i32>} : memref<512x64xf32, #tpu.memory_space<vmem>>, vector<16xf32>,
      %get3A_581 = arith.index_cast %add3A_577 : i32 to index
      %get3A_582 = arith.constant 0 : index
      %get3A_583 = tpu.vector_load %arg12[%get3A_581, %get3A_582] {strides = array<i32>} : memref<512x64xf32, #tpu.memory_space<vmem>>, vector<16xf32>,
      %mul3A_584 = arith.mulf %get3A_580, %get3A_583 : vector<16xf32>
      %get3A_585 = arith.index_cast %add3A_577 : i32 to index
      %get3A_586 = arith.constant 16 : index
      %get3A_587 = tpu.vector_load %arg11[%get3A_585, %get3A_586] {strides = array<i32>} : memref<512x64xf32, #tpu.memory_space<vmem>>, vector<16xf32>,
      %get3A_588 = arith.index_cast %add3A_577 : i32 to index
      %get3A_589 = arith.constant 16 : index
      %get3A_590 = tpu.vector_load %arg12[%get3A_588, %get3A_589] {strides = array<i32>} : memref<512x64xf32, #tpu.memory_space<vmem>>, vector<16xf32>,
      %mul3A_591 = arith.mulf %get3A_587, %get3A_590 : vector<16xf32>
      %add3A_592 = arith.addf %mul3A_584, %mul3A_591 : vector<16xf32>
      %get3A_593 = arith.index_cast %add3A_577 : i32 to index
      %get3A_594 = arith.constant 32 : index
      %get3A_595 = tpu.vector_load %arg11[%get3A_593, %get3A_594] {strides = array<i32>} : memref<512x64xf32, #tpu.memory_space<vmem>>, vector<16xf32>,
      %get3A_596 = arith.index_cast %add3A_577 : i32 to index
      %get3A_597 = arith.constant 32 : index
      %get3A_598 = tpu.vector_load %arg12[%get3A_596, %get3A_597] {strides = array<i32>} : memref<512x64xf32, #tpu.memory_space<vmem>>, vector<16xf32>,
      %mul3A_599 = arith.mulf %get3A_595, %get3A_598 : vector<16xf32>
      %add3A_600 = arith.addf %add3A_592, %mul3A_599 : vector<16xf32>
      %get3A_601 = arith.index_cast %add3A_577 : i32 to index
      %get3A_602 = arith.constant 48 : index
      %get3A_603 = tpu.vector_load %arg11[%get3A_601, %get3A_602] {strides = array<i32>} : memref<512x64xf32, #tpu.memory_space<vmem>>, vector<16xf32>,
      %get3A_604 = arith.index_cast %add3A_577 : i32 to index
      %get3A_605 = arith.constant 48 : index
      %get3A_606 = tpu.vector_load %arg12[%get3A_604, %get3A_605] {strides = array<i32>} : memref<512x64xf32, #tpu.memory_space<vmem>>, vector<16xf32>,
      %mul3A_607 = arith.mulf %get3A_603, %get3A_606 : vector<16xf32>
      %add3A_608 = arith.addf %add3A_600, %mul3A_607 : vector<16xf32>
      %eq3A_609 = arith.constant 5 : i32
      %eq3A_610 = vector.broadcast %eq3A_609 : i32 to vector<16xi32>
      %eq3A_611 = arith.cmpi eq, %iota3A, %eq3A_610 : vector<16xi32>
      %reduce_sum3A_612 = arith.constant true
      %reduce_sum3A_613 = vector.broadcast %reduce_sum3A_612 : i1 to vector<16xi1>
      %reduce_sum3A_614 = tpu.scan <sum>, %add3A_608 masked %reduce_sum3A_613 : vector<16xf32>, vector<16xi1> -> vector<16xf32>
      %reduce_sum3A_615 = vector.extract %reduce_sum3A_614[15] : f32 from vector<16xf32>
      %broadcast_in_dim3A_616 = vector.broadcast %reduce_sum3A_615 : f32 to vector<16xf32>
      %select_n3A_617 = arith.select %eq3A_611, %broadcast_in_dim3A_616, %select_n3A_571 : vector<16xi1>, vector<16xf32>
      %mul3A_618 = arith.constant 16 : i32
      %mul3A_619 = arith.muli %scan3A_344, %mul3A_618 : i32
      %add3A_620 = arith.constant 384 : i32
      %add3A_621 = arith.addi %add3A_620, %mul3A_619 : i32
      %add3A_622 = arith.constant 6 : i32
      %add3A_623 = arith.addi %add3A_621, %add3A_622 : i32
      %get3A_624 = arith.index_cast %add3A_623 : i32 to index
      %get3A_625 = arith.constant 0 : index
      %get3A_626 = tpu.vector_load %arg11[%get3A_624, %get3A_625] {strides = array<i32>} : memref<512x64xf32, #tpu.memory_space<vmem>>, vector<16xf32>,
      %get3A_627 = arith.index_cast %add3A_623 : i32 to index
      %get3A_628 = arith.constant 0 : index
      %get3A_629 = tpu.vector_load %arg12[%get3A_627, %get3A_628] {strides = array<i32>} : memref<512x64xf32, #tpu.memory_space<vmem>>, vector<16xf32>,
      %mul3A_630 = arith.mulf %get3A_626, %get3A_629 : vector<16xf32>
      %get3A_631 = arith.index_cast %add3A_623 : i32 to index
      %get3A_632 = arith.constant 16 : index
      %get3A_633 = tpu.vector_load %arg11[%get3A_631, %get3A_632] {strides = array<i32>} : memref<512x64xf32, #tpu.memory_space<vmem>>, vector<16xf32>,
      %get3A_634 = arith.index_cast %add3A_623 : i32 to index
      %get3A_635 = arith.constant 16 : index
      %get3A_636 = tpu.vector_load %arg12[%get3A_634, %get3A_635] {strides = array<i32>} : memref<512x64xf32, #tpu.memory_space<vmem>>, vector<16xf32>,
      %mul3A_637 = arith.mulf %get3A_633, %get3A_636 : vector<16xf32>
      %add3A_638 = arith.addf %mul3A_630, %mul3A_637 : vector<16xf32>
      %get3A_639 = arith.index_cast %add3A_623 : i32 to index
      %get3A_640 = arith.constant 32 : index
      %get3A_641 = tpu.vector_load %arg11[%get3A_639, %get3A_640] {strides = array<i32>} : memref<512x64xf32, #tpu.memory_space<vmem>>, vector<16xf32>,
      %get3A_642 = arith.index_cast %add3A_623 : i32 to index
      %get3A_643 = arith.constant 32 : index
      %get3A_644 = tpu.vector_load %arg12[%get3A_642, %get3A_643] {strides = array<i32>} : memref<512x64xf32, #tpu.memory_space<vmem>>, vector<16xf32>,
      %mul3A_645 = arith.mulf %get3A_641, %get3A_644 : vector<16xf32>
      %add3A_646 = arith.addf %add3A_638, %mul3A_645 : vector<16xf32>
      %get3A_647 = arith.index_cast %add3A_623 : i32 to index
      %get3A_648 = arith.constant 48 : index
      %get3A_649 = tpu.vector_load %arg11[%get3A_647, %get3A_648] {strides = array<i32>} : memref<512x64xf32, #tpu.memory_space<vmem>>, vector<16xf32>,
      %get3A_650 = arith.index_cast %add3A_623 : i32 to index
      %get3A_651 = arith.constant 48 : index
      %get3A_652 = tpu.vector_load %arg12[%get3A_650, %get3A_651] {strides = array<i32>} : memref<512x64xf32, #tpu.memory_space<vmem>>, vector<16xf32>,
      %mul3A_653 = arith.mulf %get3A_649, %get3A_652 : vector<16xf32>
      %add3A_654 = arith.addf %add3A_646, %mul3A_653 : vector<16xf32>
      %eq3A_655 = arith.constant 6 : i32
      %eq3A_656 = vector.broadcast %eq3A_655 : i32 to vector<16xi32>
      %eq3A_657 = arith.cmpi eq, %iota3A, %eq3A_656 : vector<16xi32>
      %reduce_sum3A_658 = arith.constant true
      %reduce_sum3A_659 = vector.broadcast %reduce_sum3A_658 : i1 to vector<16xi1>
      %reduce_sum3A_660 = tpu.scan <sum>, %add3A_654 masked %reduce_sum3A_659 : vector<16xf32>, vector<16xi1> -> vector<16xf32>
      %reduce_sum3A_661 = vector.extract %reduce_sum3A_660[15] : f32 from vector<16xf32>
      %broadcast_in_dim3A_662 = vector.broadcast %reduce_sum3A_661 : f32 to vector<16xf32>
      %select_n3A_663 = arith.select %eq3A_657, %broadcast_in_dim3A_662, %select_n3A_617 : vector<16xi1>, vector<16xf32>
      %mul3A_664 = arith.constant 16 : i32
      %mul3A_665 = arith.muli %scan3A_344, %mul3A_664 : i32
      %add3A_666 = arith.constant 384 : i32
      %add3A_667 = arith.addi %add3A_666, %mul3A_665 : i32
      %add3A_668 = arith.constant 7 : i32
      %add3A_669 = arith.addi %add3A_667, %add3A_668 : i32
      %get3A_670 = arith.index_cast %add3A_669 : i32 to index
      %get3A_671 = arith.constant 0 : index
      %get3A_672 = tpu.vector_load %arg11[%get3A_670, %get3A_671] {strides = array<i32>} : memref<512x64xf32, #tpu.memory_space<vmem>>, vector<16xf32>,
      %get3A_673 = arith.index_cast %add3A_669 : i32 to index
      %get3A_674 = arith.constant 0 : index
      %get3A_675 = tpu.vector_load %arg12[%get3A_673, %get3A_674] {strides = array<i32>} : memref<512x64xf32, #tpu.memory_space<vmem>>, vector<16xf32>,
      %mul3A_676 = arith.mulf %get3A_672, %get3A_675 : vector<16xf32>
      %get3A_677 = arith.index_cast %add3A_669 : i32 to index
      %get3A_678 = arith.constant 16 : index
      %get3A_679 = tpu.vector_load %arg11[%get3A_677, %get3A_678] {strides = array<i32>} : memref<512x64xf32, #tpu.memory_space<vmem>>, vector<16xf32>,
      %get3A_680 = arith.index_cast %add3A_669 : i32 to index
      %get3A_681 = arith.constant 16 : index
      %get3A_682 = tpu.vector_load %arg12[%get3A_680, %get3A_681] {strides = array<i32>} : memref<512x64xf32, #tpu.memory_space<vmem>>, vector<16xf32>,
      %mul3A_683 = arith.mulf %get3A_679, %get3A_682 : vector<16xf32>
      %add3A_684 = arith.addf %mul3A_676, %mul3A_683 : vector<16xf32>
      %get3A_685 = arith.index_cast %add3A_669 : i32 to index
      %get3A_686 = arith.constant 32 : index
      %get3A_687 = tpu.vector_load %arg11[%get3A_685, %get3A_686] {strides = array<i32>} : memref<512x64xf32, #tpu.memory_space<vmem>>, vector<16xf32>,
      %get3A_688 = arith.index_cast %add3A_669 : i32 to index
      %get3A_689 = arith.constant 32 : index
      %get3A_690 = tpu.vector_load %arg12[%get3A_688, %get3A_689] {strides = array<i32>} : memref<512x64xf32, #tpu.memory_space<vmem>>, vector<16xf32>,
      %mul3A_691 = arith.mulf %get3A_687, %get3A_690 : vector<16xf32>
      %add3A_692 = arith.addf %add3A_684, %mul3A_691 : vector<16xf32>
      %get3A_693 = arith.index_cast %add3A_669 : i32 to index
      %get3A_694 = arith.constant 48 : index
      %get3A_695 = tpu.vector_load %arg11[%get3A_693, %get3A_694] {strides = array<i32>} : memref<512x64xf32, #tpu.memory_space<vmem>>, vector<16xf32>,
      %get3A_696 = arith.index_cast %add3A_669 : i32 to index
      %get3A_697 = arith.constant 48 : index
      %get3A_698 = tpu.vector_load %arg12[%get3A_696, %get3A_697] {strides = array<i32>} : memref<512x64xf32, #tpu.memory_space<vmem>>, vector<16xf32>,
      %mul3A_699 = arith.mulf %get3A_695, %get3A_698 : vector<16xf32>
      %add3A_700 = arith.addf %add3A_692, %mul3A_699 : vector<16xf32>
      %eq3A_701 = arith.constant 7 : i32
      %eq3A_702 = vector.broadcast %eq3A_701 : i32 to vector<16xi32>
      %eq3A_703 = arith.cmpi eq, %iota3A, %eq3A_702 : vector<16xi32>
      %reduce_sum3A_704 = arith.constant true
      %reduce_sum3A_705 = vector.broadcast %reduce_sum3A_704 : i1 to vector<16xi1>
      %reduce_sum3A_706 = tpu.scan <sum>, %add3A_700 masked %reduce_sum3A_705 : vector<16xf32>, vector<16xi1> -> vector<16xf32>
      %reduce_sum3A_707 = vector.extract %reduce_sum3A_706[15] : f32 from vector<16xf32>
      %broadcast_in_dim3A_708 = vector.broadcast %reduce_sum3A_707 : f32 to vector<16xf32>
      %select_n3A_709 = arith.select %eq3A_703, %broadcast_in_dim3A_708, %select_n3A_663 : vector<16xi1>, vector<16xf32>
      %mul3A_710 = arith.constant 16 : i32
      %mul3A_711 = arith.muli %scan3A_344, %mul3A_710 : i32
      %add3A_712 = arith.constant 384 : i32
      %add3A_713 = arith.addi %add3A_712, %mul3A_711 : i32
      %add3A_714 = arith.constant 8 : i32
      %add3A_715 = arith.addi %add3A_713, %add3A_714 : i32
      %get3A_716 = arith.index_cast %add3A_715 : i32 to index
      %get3A_717 = arith.constant 0 : index
      %get3A_718 = tpu.vector_load %arg11[%get3A_716, %get3A_717] {strides = array<i32>} : memref<512x64xf32, #tpu.memory_space<vmem>>, vector<16xf32>,
      %get3A_719 = arith.index_cast %add3A_715 : i32 to index
      %get3A_720 = arith.constant 0 : index
      %get3A_721 = tpu.vector_load %arg12[%get3A_719, %get3A_720] {strides = array<i32>} : memref<512x64xf32, #tpu.memory_space<vmem>>, vector<16xf32>,
      %mul3A_722 = arith.mulf %get3A_718, %get3A_721 : vector<16xf32>
      %get3A_723 = arith.index_cast %add3A_715 : i32 to index
      %get3A_724 = arith.constant 16 : index
      %get3A_725 = tpu.vector_load %arg11[%get3A_723, %get3A_724] {strides = array<i32>} : memref<512x64xf32, #tpu.memory_space<vmem>>, vector<16xf32>,
      %get3A_726 = arith.index_cast %add3A_715 : i32 to index
      %get3A_727 = arith.constant 16 : index
      %get3A_728 = tpu.vector_load %arg12[%get3A_726, %get3A_727] {strides = array<i32>} : memref<512x64xf32, #tpu.memory_space<vmem>>, vector<16xf32>,
      %mul3A_729 = arith.mulf %get3A_725, %get3A_728 : vector<16xf32>
      %add3A_730 = arith.addf %mul3A_722, %mul3A_729 : vector<16xf32>
      %get3A_731 = arith.index_cast %add3A_715 : i32 to index
      %get3A_732 = arith.constant 32 : index
      %get3A_733 = tpu.vector_load %arg11[%get3A_731, %get3A_732] {strides = array<i32>} : memref<512x64xf32, #tpu.memory_space<vmem>>, vector<16xf32>,
      %get3A_734 = arith.index_cast %add3A_715 : i32 to index
      %get3A_735 = arith.constant 32 : index
      %get3A_736 = tpu.vector_load %arg12[%get3A_734, %get3A_735] {strides = array<i32>} : memref<512x64xf32, #tpu.memory_space<vmem>>, vector<16xf32>,
      %mul3A_737 = arith.mulf %get3A_733, %get3A_736 : vector<16xf32>
      %add3A_738 = arith.addf %add3A_730, %mul3A_737 : vector<16xf32>
      %get3A_739 = arith.index_cast %add3A_715 : i32 to index
      %get3A_740 = arith.constant 48 : index
      %get3A_741 = tpu.vector_load %arg11[%get3A_739, %get3A_740] {strides = array<i32>} : memref<512x64xf32, #tpu.memory_space<vmem>>, vector<16xf32>,
      %get3A_742 = arith.index_cast %add3A_715 : i32 to index
      %get3A_743 = arith.constant 48 : index
      %get3A_744 = tpu.vector_load %arg12[%get3A_742, %get3A_743] {strides = array<i32>} : memref<512x64xf32, #tpu.memory_space<vmem>>, vector<16xf32>,
      %mul3A_745 = arith.mulf %get3A_741, %get3A_744 : vector<16xf32>
      %add3A_746 = arith.addf %add3A_738, %mul3A_745 : vector<16xf32>
      %eq3A_747 = arith.constant 8 : i32
      %eq3A_748 = vector.broadcast %eq3A_747 : i32 to vector<16xi32>
      %eq3A_749 = arith.cmpi eq, %iota3A, %eq3A_748 : vector<16xi32>
      %reduce_sum3A_750 = arith.constant true
      %reduce_sum3A_751 = vector.broadcast %reduce_sum3A_750 : i1 to vector<16xi1>
      %reduce_sum3A_752 = tpu.scan <sum>, %add3A_746 masked %reduce_sum3A_751 : vector<16xf32>, vector<16xi1> -> vector<16xf32>
      %reduce_sum3A_753 = vector.extract %reduce_sum3A_752[15] : f32 from vector<16xf32>
      %broadcast_in_dim3A_754 = vector.broadcast %reduce_sum3A_753 : f32 to vector<16xf32>
      %select_n3A_755 = arith.select %eq3A_749, %broadcast_in_dim3A_754, %select_n3A_709 : vector<16xi1>, vector<16xf32>
      %mul3A_756 = arith.constant 16 : i32
      %mul3A_757 = arith.muli %scan3A_344, %mul3A_756 : i32
      %add3A_758 = arith.constant 384 : i32
      %add3A_759 = arith.addi %add3A_758, %mul3A_757 : i32
      %add3A_760 = arith.constant 9 : i32
      %add3A_761 = arith.addi %add3A_759, %add3A_760 : i32
      %get3A_762 = arith.index_cast %add3A_761 : i32 to index
      %get3A_763 = arith.constant 0 : index
      %get3A_764 = tpu.vector_load %arg11[%get3A_762, %get3A_763] {strides = array<i32>} : memref<512x64xf32, #tpu.memory_space<vmem>>, vector<16xf32>,
      %get3A_765 = arith.index_cast %add3A_761 : i32 to index
      %get3A_766 = arith.constant 0 : index
      %get3A_767 = tpu.vector_load %arg12[%get3A_765, %get3A_766] {strides = array<i32>} : memref<512x64xf32, #tpu.memory_space<vmem>>, vector<16xf32>,
      %mul3A_768 = arith.mulf %get3A_764, %get3A_767 : vector<16xf32>
      %get3A_769 = arith.index_cast %add3A_761 : i32 to index
      %get3A_770 = arith.constant 16 : index
      %get3A_771 = tpu.vector_load %arg11[%get3A_769, %get3A_770] {strides = array<i32>} : memref<512x64xf32, #tpu.memory_space<vmem>>, vector<16xf32>,
      %get3A_772 = arith.index_cast %add3A_761 : i32 to index
      %get3A_773 = arith.constant 16 : index
      %get3A_774 = tpu.vector_load %arg12[%get3A_772, %get3A_773] {strides = array<i32>} : memref<512x64xf32, #tpu.memory_space<vmem>>, vector<16xf32>,
      %mul3A_775 = arith.mulf %get3A_771, %get3A_774 : vector<16xf32>
      %add3A_776 = arith.addf %mul3A_768, %mul3A_775 : vector<16xf32>
      %get3A_777 = arith.index_cast %add3A_761 : i32 to index
      %get3A_778 = arith.constant 32 : index
      %get3A_779 = tpu.vector_load %arg11[%get3A_777, %get3A_778] {strides = array<i32>} : memref<512x64xf32, #tpu.memory_space<vmem>>, vector<16xf32>,
      %get3A_780 = arith.index_cast %add3A_761 : i32 to index
      %get3A_781 = arith.constant 32 : index
      %get3A_782 = tpu.vector_load %arg12[%get3A_780, %get3A_781] {strides = array<i32>} : memref<512x64xf32, #tpu.memory_space<vmem>>, vector<16xf32>,
      %mul3A_783 = arith.mulf %get3A_779, %get3A_782 : vector<16xf32>
      %add3A_784 = arith.addf %add3A_776, %mul3A_783 : vector<16xf32>
      %get3A_785 = arith.index_cast %add3A_761 : i32 to index
      %get3A_786 = arith.constant 48 : index
      %get3A_787 = tpu.vector_load %arg11[%get3A_785, %get3A_786] {strides = array<i32>} : memref<512x64xf32, #tpu.memory_space<vmem>>, vector<16xf32>,
      %get3A_788 = arith.index_cast %add3A_761 : i32 to index
      %get3A_789 = arith.constant 48 : index
      %get3A_790 = tpu.vector_load %arg12[%get3A_788, %get3A_789] {strides = array<i32>} : memref<512x64xf32, #tpu.memory_space<vmem>>, vector<16xf32>,
      %mul3A_791 = arith.mulf %get3A_787, %get3A_790 : vector<16xf32>
      %add3A_792 = arith.addf %add3A_784, %mul3A_791 : vector<16xf32>
      %eq3A_793 = arith.constant 9 : i32
      %eq3A_794 = vector.broadcast %eq3A_793 : i32 to vector<16xi32>
      %eq3A_795 = arith.cmpi eq, %iota3A, %eq3A_794 : vector<16xi32>
      %reduce_sum3A_796 = arith.constant true
      %reduce_sum3A_797 = vector.broadcast %reduce_sum3A_796 : i1 to vector<16xi1>
      %reduce_sum3A_798 = tpu.scan <sum>, %add3A_792 masked %reduce_sum3A_797 : vector<16xf32>, vector<16xi1> -> vector<16xf32>
      %reduce_sum3A_799 = vector.extract %reduce_sum3A_798[15] : f32 from vector<16xf32>
      %broadcast_in_dim3A_800 = vector.broadcast %reduce_sum3A_799 : f32 to vector<16xf32>
      %select_n3A_801 = arith.select %eq3A_795, %broadcast_in_dim3A_800, %select_n3A_755 : vector<16xi1>, vector<16xf32>
      %mul3A_802 = arith.constant 16 : i32
      %mul3A_803 = arith.muli %scan3A_344, %mul3A_802 : i32
      %add3A_804 = arith.constant 384 : i32
      %add3A_805 = arith.addi %add3A_804, %mul3A_803 : i32
      %add3A_806 = arith.constant 10 : i32
      %add3A_807 = arith.addi %add3A_805, %add3A_806 : i32
      %get3A_808 = arith.index_cast %add3A_807 : i32 to index
      %get3A_809 = arith.constant 0 : index
      %get3A_810 = tpu.vector_load %arg11[%get3A_808, %get3A_809] {strides = array<i32>} : memref<512x64xf32, #tpu.memory_space<vmem>>, vector<16xf32>,
      %get3A_811 = arith.index_cast %add3A_807 : i32 to index
      %get3A_812 = arith.constant 0 : index
      %get3A_813 = tpu.vector_load %arg12[%get3A_811, %get3A_812] {strides = array<i32>} : memref<512x64xf32, #tpu.memory_space<vmem>>, vector<16xf32>,
      %mul3A_814 = arith.mulf %get3A_810, %get3A_813 : vector<16xf32>
      %get3A_815 = arith.index_cast %add3A_807 : i32 to index
      %get3A_816 = arith.constant 16 : index
      %get3A_817 = tpu.vector_load %arg11[%get3A_815, %get3A_816] {strides = array<i32>} : memref<512x64xf32, #tpu.memory_space<vmem>>, vector<16xf32>,
      %get3A_818 = arith.index_cast %add3A_807 : i32 to index
      %get3A_819 = arith.constant 16 : index
      %get3A_820 = tpu.vector_load %arg12[%get3A_818, %get3A_819] {strides = array<i32>} : memref<512x64xf32, #tpu.memory_space<vmem>>, vector<16xf32>,
      %mul3A_821 = arith.mulf %get3A_817, %get3A_820 : vector<16xf32>
      %add3A_822 = arith.addf %mul3A_814, %mul3A_821 : vector<16xf32>
      %get3A_823 = arith.index_cast %add3A_807 : i32 to index
      %get3A_824 = arith.constant 32 : index
      %get3A_825 = tpu.vector_load %arg11[%get3A_823, %get3A_824] {strides = array<i32>} : memref<512x64xf32, #tpu.memory_space<vmem>>, vector<16xf32>,
      %get3A_826 = arith.index_cast %add3A_807 : i32 to index
      %get3A_827 = arith.constant 32 : index
      %get3A_828 = tpu.vector_load %arg12[%get3A_826, %get3A_827] {strides = array<i32>} : memref<512x64xf32, #tpu.memory_space<vmem>>, vector<16xf32>,
      %mul3A_829 = arith.mulf %get3A_825, %get3A_828 : vector<16xf32>
      %add3A_830 = arith.addf %add3A_822, %mul3A_829 : vector<16xf32>
      %get3A_831 = arith.index_cast %add3A_807 : i32 to index
      %get3A_832 = arith.constant 48 : index
      %get3A_833 = tpu.vector_load %arg11[%get3A_831, %get3A_832] {strides = array<i32>} : memref<512x64xf32, #tpu.memory_space<vmem>>, vector<16xf32>,
      %get3A_834 = arith.index_cast %add3A_807 : i32 to index
      %get3A_835 = arith.constant 48 : index
      %get3A_836 = tpu.vector_load %arg12[%get3A_834, %get3A_835] {strides = array<i32>} : memref<512x64xf32, #tpu.memory_space<vmem>>, vector<16xf32>,
      %mul3A_837 = arith.mulf %get3A_833, %get3A_836 : vector<16xf32>
      %add3A_838 = arith.addf %add3A_830, %mul3A_837 : vector<16xf32>
      %eq3A_839 = arith.constant 10 : i32
      %eq3A_840 = vector.broadcast %eq3A_839 : i32 to vector<16xi32>
      %eq3A_841 = arith.cmpi eq, %iota3A, %eq3A_840 : vector<16xi32>
      %reduce_sum3A_842 = arith.constant true
      %reduce_sum3A_843 = vector.broadcast %reduce_sum3A_842 : i1 to vector<16xi1>
      %reduce_sum3A_844 = tpu.scan <sum>, %add3A_838 masked %reduce_sum3A_843 : vector<16xf32>, vector<16xi1> -> vector<16xf32>
      %reduce_sum3A_845 = vector.extract %reduce_sum3A_844[15] : f32 from vector<16xf32>
      %broadcast_in_dim3A_846 = vector.broadcast %reduce_sum3A_845 : f32 to vector<16xf32>
      %select_n3A_847 = arith.select %eq3A_841, %broadcast_in_dim3A_846, %select_n3A_801 : vector<16xi1>, vector<16xf32>
      %mul3A_848 = arith.constant 16 : i32
      %mul3A_849 = arith.muli %scan3A_344, %mul3A_848 : i32
      %add3A_850 = arith.constant 384 : i32
      %add3A_851 = arith.addi %add3A_850, %mul3A_849 : i32
      %add3A_852 = arith.constant 11 : i32
      %add3A_853 = arith.addi %add3A_851, %add3A_852 : i32
      %get3A_854 = arith.index_cast %add3A_853 : i32 to index
      %get3A_855 = arith.constant 0 : index
      %get3A_856 = tpu.vector_load %arg11[%get3A_854, %get3A_855] {strides = array<i32>} : memref<512x64xf32, #tpu.memory_space<vmem>>, vector<16xf32>,
      %get3A_857 = arith.index_cast %add3A_853 : i32 to index
      %get3A_858 = arith.constant 0 : index
      %get3A_859 = tpu.vector_load %arg12[%get3A_857, %get3A_858] {strides = array<i32>} : memref<512x64xf32, #tpu.memory_space<vmem>>, vector<16xf32>,
      %mul3A_860 = arith.mulf %get3A_856, %get3A_859 : vector<16xf32>
      %get3A_861 = arith.index_cast %add3A_853 : i32 to index
      %get3A_862 = arith.constant 16 : index
      %get3A_863 = tpu.vector_load %arg11[%get3A_861, %get3A_862] {strides = array<i32>} : memref<512x64xf32, #tpu.memory_space<vmem>>, vector<16xf32>,
      %get3A_864 = arith.index_cast %add3A_853 : i32 to index
      %get3A_865 = arith.constant 16 : index
      %get3A_866 = tpu.vector_load %arg12[%get3A_864, %get3A_865] {strides = array<i32>} : memref<512x64xf32, #tpu.memory_space<vmem>>, vector<16xf32>,
      %mul3A_867 = arith.mulf %get3A_863, %get3A_866 : vector<16xf32>
      %add3A_868 = arith.addf %mul3A_860, %mul3A_867 : vector<16xf32>
      %get3A_869 = arith.index_cast %add3A_853 : i32 to index
      %get3A_870 = arith.constant 32 : index
      %get3A_871 = tpu.vector_load %arg11[%get3A_869, %get3A_870] {strides = array<i32>} : memref<512x64xf32, #tpu.memory_space<vmem>>, vector<16xf32>,
      %get3A_872 = arith.index_cast %add3A_853 : i32 to index
      %get3A_873 = arith.constant 32 : index
      %get3A_874 = tpu.vector_load %arg12[%get3A_872, %get3A_873] {strides = array<i32>} : memref<512x64xf32, #tpu.memory_space<vmem>>, vector<16xf32>,
      %mul3A_875 = arith.mulf %get3A_871, %get3A_874 : vector<16xf32>
      %add3A_876 = arith.addf %add3A_868, %mul3A_875 : vector<16xf32>
      %get3A_877 = arith.index_cast %add3A_853 : i32 to index
      %get3A_878 = arith.constant 48 : index
      %get3A_879 = tpu.vector_load %arg11[%get3A_877, %get3A_878] {strides = array<i32>} : memref<512x64xf32, #tpu.memory_space<vmem>>, vector<16xf32>,
      %get3A_880 = arith.index_cast %add3A_853 : i32 to index
      %get3A_881 = arith.constant 48 : index
      %get3A_882 = tpu.vector_load %arg12[%get3A_880, %get3A_881] {strides = array<i32>} : memref<512x64xf32, #tpu.memory_space<vmem>>, vector<16xf32>,
      %mul3A_883 = arith.mulf %get3A_879, %get3A_882 : vector<16xf32>
      %add3A_884 = arith.addf %add3A_876, %mul3A_883 : vector<16xf32>
      %eq3A_885 = arith.constant 11 : i32
      %eq3A_886 = vector.broadcast %eq3A_885 : i32 to vector<16xi32>
      %eq3A_887 = arith.cmpi eq, %iota3A, %eq3A_886 : vector<16xi32>
      %reduce_sum3A_888 = arith.constant true
      %reduce_sum3A_889 = vector.broadcast %reduce_sum3A_888 : i1 to vector<16xi1>
      %reduce_sum3A_890 = tpu.scan <sum>, %add3A_884 masked %reduce_sum3A_889 : vector<16xf32>, vector<16xi1> -> vector<16xf32>
      %reduce_sum3A_891 = vector.extract %reduce_sum3A_890[15] : f32 from vector<16xf32>
      %broadcast_in_dim3A_892 = vector.broadcast %reduce_sum3A_891 : f32 to vector<16xf32>
      %select_n3A_893 = arith.select %eq3A_887, %broadcast_in_dim3A_892, %select_n3A_847 : vector<16xi1>, vector<16xf32>
      %mul3A_894 = arith.constant 16 : i32
      %mul3A_895 = arith.muli %scan3A_344, %mul3A_894 : i32
      %add3A_896 = arith.constant 384 : i32
      %add3A_897 = arith.addi %add3A_896, %mul3A_895 : i32
      %add3A_898 = arith.constant 12 : i32
      %add3A_899 = arith.addi %add3A_897, %add3A_898 : i32
      %get3A_900 = arith.index_cast %add3A_899 : i32 to index
      %get3A_901 = arith.constant 0 : index
      %get3A_902 = tpu.vector_load %arg11[%get3A_900, %get3A_901] {strides = array<i32>} : memref<512x64xf32, #tpu.memory_space<vmem>>, vector<16xf32>,
      %get3A_903 = arith.index_cast %add3A_899 : i32 to index
      %get3A_904 = arith.constant 0 : index
      %get3A_905 = tpu.vector_load %arg12[%get3A_903, %get3A_904] {strides = array<i32>} : memref<512x64xf32, #tpu.memory_space<vmem>>, vector<16xf32>,
      %mul3A_906 = arith.mulf %get3A_902, %get3A_905 : vector<16xf32>
      %get3A_907 = arith.index_cast %add3A_899 : i32 to index
      %get3A_908 = arith.constant 16 : index
      %get3A_909 = tpu.vector_load %arg11[%get3A_907, %get3A_908] {strides = array<i32>} : memref<512x64xf32, #tpu.memory_space<vmem>>, vector<16xf32>,
      %get3A_910 = arith.index_cast %add3A_899 : i32 to index
      %get3A_911 = arith.constant 16 : index
      %get3A_912 = tpu.vector_load %arg12[%get3A_910, %get3A_911] {strides = array<i32>} : memref<512x64xf32, #tpu.memory_space<vmem>>, vector<16xf32>,
      %mul3A_913 = arith.mulf %get3A_909, %get3A_912 : vector<16xf32>
      %add3A_914 = arith.addf %mul3A_906, %mul3A_913 : vector<16xf32>
      %get3A_915 = arith.index_cast %add3A_899 : i32 to index
      %get3A_916 = arith.constant 32 : index
      %get3A_917 = tpu.vector_load %arg11[%get3A_915, %get3A_916] {strides = array<i32>} : memref<512x64xf32, #tpu.memory_space<vmem>>, vector<16xf32>,
      %get3A_918 = arith.index_cast %add3A_899 : i32 to index
      %get3A_919 = arith.constant 32 : index
      %get3A_920 = tpu.vector_load %arg12[%get3A_918, %get3A_919] {strides = array<i32>} : memref<512x64xf32, #tpu.memory_space<vmem>>, vector<16xf32>,
      %mul3A_921 = arith.mulf %get3A_917, %get3A_920 : vector<16xf32>
      %add3A_922 = arith.addf %add3A_914, %mul3A_921 : vector<16xf32>
      %get3A_923 = arith.index_cast %add3A_899 : i32 to index
      %get3A_924 = arith.constant 48 : index
      %get3A_925 = tpu.vector_load %arg11[%get3A_923, %get3A_924] {strides = array<i32>} : memref<512x64xf32, #tpu.memory_space<vmem>>, vector<16xf32>,
      %get3A_926 = arith.index_cast %add3A_899 : i32 to index
      %get3A_927 = arith.constant 48 : index
      %get3A_928 = tpu.vector_load %arg12[%get3A_926, %get3A_927] {strides = array<i32>} : memref<512x64xf32, #tpu.memory_space<vmem>>, vector<16xf32>,
      %mul3A_929 = arith.mulf %get3A_925, %get3A_928 : vector<16xf32>
      %add3A_930 = arith.addf %add3A_922, %mul3A_929 : vector<16xf32>
      %eq3A_931 = arith.constant 12 : i32
      %eq3A_932 = vector.broadcast %eq3A_931 : i32 to vector<16xi32>
      %eq3A_933 = arith.cmpi eq, %iota3A, %eq3A_932 : vector<16xi32>
      %reduce_sum3A_934 = arith.constant true
      %reduce_sum3A_935 = vector.broadcast %reduce_sum3A_934 : i1 to vector<16xi1>
      %reduce_sum3A_936 = tpu.scan <sum>, %add3A_930 masked %reduce_sum3A_935 : vector<16xf32>, vector<16xi1> -> vector<16xf32>
      %reduce_sum3A_937 = vector.extract %reduce_sum3A_936[15] : f32 from vector<16xf32>
      %broadcast_in_dim3A_938 = vector.broadcast %reduce_sum3A_937 : f32 to vector<16xf32>
      %select_n3A_939 = arith.select %eq3A_933, %broadcast_in_dim3A_938, %select_n3A_893 : vector<16xi1>, vector<16xf32>
      %mul3A_940 = arith.constant 16 : i32
      %mul3A_941 = arith.muli %scan3A_344, %mul3A_940 : i32
      %add3A_942 = arith.constant 384 : i32
      %add3A_943 = arith.addi %add3A_942, %mul3A_941 : i32
      %add3A_944 = arith.constant 13 : i32
      %add3A_945 = arith.addi %add3A_943, %add3A_944 : i32
      %get3A_946 = arith.index_cast %add3A_945 : i32 to index
      %get3A_947 = arith.constant 0 : index
      %get3A_948 = tpu.vector_load %arg11[%get3A_946, %get3A_947] {strides = array<i32>} : memref<512x64xf32, #tpu.memory_space<vmem>>, vector<16xf32>,
      %get3A_949 = arith.index_cast %add3A_945 : i32 to index
      %get3A_950 = arith.constant 0 : index
      %get3A_951 = tpu.vector_load %arg12[%get3A_949, %get3A_950] {strides = array<i32>} : memref<512x64xf32, #tpu.memory_space<vmem>>, vector<16xf32>,
      %mul3A_952 = arith.mulf %get3A_948, %get3A_951 : vector<16xf32>
      %get3A_953 = arith.index_cast %add3A_945 : i32 to index
      %get3A_954 = arith.constant 16 : index
      %get3A_955 = tpu.vector_load %arg11[%get3A_953, %get3A_954] {strides = array<i32>} : memref<512x64xf32, #tpu.memory_space<vmem>>, vector<16xf32>,
      %get3A_956 = arith.index_cast %add3A_945 : i32 to index
      %get3A_957 = arith.constant 16 : index
      %get3A_958 = tpu.vector_load %arg12[%get3A_956, %get3A_957] {strides = array<i32>} : memref<512x64xf32, #tpu.memory_space<vmem>>, vector<16xf32>,
      %mul3A_959 = arith.mulf %get3A_955, %get3A_958 : vector<16xf32>
      %add3A_960 = arith.addf %mul3A_952, %mul3A_959 : vector<16xf32>
      %get3A_961 = arith.index_cast %add3A_945 : i32 to index
      %get3A_962 = arith.constant 32 : index
      %get3A_963 = tpu.vector_load %arg11[%get3A_961, %get3A_962] {strides = array<i32>} : memref<512x64xf32, #tpu.memory_space<vmem>>, vector<16xf32>,
      %get3A_964 = arith.index_cast %add3A_945 : i32 to index
      %get3A_965 = arith.constant 32 : index
      %get3A_966 = tpu.vector_load %arg12[%get3A_964, %get3A_965] {strides = array<i32>} : memref<512x64xf32, #tpu.memory_space<vmem>>, vector<16xf32>,
      %mul3A_967 = arith.mulf %get3A_963, %get3A_966 : vector<16xf32>
      %add3A_968 = arith.addf %add3A_960, %mul3A_967 : vector<16xf32>
      %get3A_969 = arith.index_cast %add3A_945 : i32 to index
      %get3A_970 = arith.constant 48 : index
      %get3A_971 = tpu.vector_load %arg11[%get3A_969, %get3A_970] {strides = array<i32>} : memref<512x64xf32, #tpu.memory_space<vmem>>, vector<16xf32>,
      %get3A_972 = arith.index_cast %add3A_945 : i32 to index
      %get3A_973 = arith.constant 48 : index
      %get3A_974 = tpu.vector_load %arg12[%get3A_972, %get3A_973] {strides = array<i32>} : memref<512x64xf32, #tpu.memory_space<vmem>>, vector<16xf32>,
      %mul3A_975 = arith.mulf %get3A_971, %get3A_974 : vector<16xf32>
      %add3A_976 = arith.addf %add3A_968, %mul3A_975 : vector<16xf32>
      %eq3A_977 = arith.constant 13 : i32
      %eq3A_978 = vector.broadcast %eq3A_977 : i32 to vector<16xi32>
      %eq3A_979 = arith.cmpi eq, %iota3A, %eq3A_978 : vector<16xi32>
      %reduce_sum3A_980 = arith.constant true
      %reduce_sum3A_981 = vector.broadcast %reduce_sum3A_980 : i1 to vector<16xi1>
      %reduce_sum3A_982 = tpu.scan <sum>, %add3A_976 masked %reduce_sum3A_981 : vector<16xf32>, vector<16xi1> -> vector<16xf32>
      %reduce_sum3A_983 = vector.extract %reduce_sum3A_982[15] : f32 from vector<16xf32>
      %broadcast_in_dim3A_984 = vector.broadcast %reduce_sum3A_983 : f32 to vector<16xf32>
      %select_n3A_985 = arith.select %eq3A_979, %broadcast_in_dim3A_984, %select_n3A_939 : vector<16xi1>, vector<16xf32>
      %mul3A_986 = arith.constant 16 : i32
      %mul3A_987 = arith.muli %scan3A_344, %mul3A_986 : i32
      %add3A_988 = arith.constant 384 : i32
      %add3A_989 = arith.addi %add3A_988, %mul3A_987 : i32
      %add3A_990 = arith.constant 14 : i32
      %add3A_991 = arith.addi %add3A_989, %add3A_990 : i32
      %get3A_992 = arith.index_cast %add3A_991 : i32 to index
      %get3A_993 = arith.constant 0 : index
      %get3A_994 = tpu.vector_load %arg11[%get3A_992, %get3A_993] {strides = array<i32>} : memref<512x64xf32, #tpu.memory_space<vmem>>, vector<16xf32>,
      %get3A_995 = arith.index_cast %add3A_991 : i32 to index
      %get3A_996 = arith.constant 0 : index
      %get3A_997 = tpu.vector_load %arg12[%get3A_995, %get3A_996] {strides = array<i32>} : memref<512x64xf32, #tpu.memory_space<vmem>>, vector<16xf32>,
      %mul3A_998 = arith.mulf %get3A_994, %get3A_997 : vector<16xf32>
      %get3A_999 = arith.index_cast %add3A_991 : i32 to index
      %get3A_1000 = arith.constant 16 : index
      %get3A_1001 = tpu.vector_load %arg11[%get3A_999, %get3A_1000] {strides = array<i32>} : memref<512x64xf32, #tpu.memory_space<vmem>>, vector<16xf32>,
      %get3A_1002 = arith.index_cast %add3A_991 : i32 to index
      %get3A_1003 = arith.constant 16 : index
      %get3A_1004 = tpu.vector_load %arg12[%get3A_1002, %get3A_1003] {strides = array<i32>} : memref<512x64xf32, #tpu.memory_space<vmem>>, vector<16xf32>,
      %mul3A_1005 = arith.mulf %get3A_1001, %get3A_1004 : vector<16xf32>
      %add3A_1006 = arith.addf %mul3A_998, %mul3A_1005 : vector<16xf32>
      %get3A_1007 = arith.index_cast %add3A_991 : i32 to index
      %get3A_1008 = arith.constant 32 : index
      %get3A_1009 = tpu.vector_load %arg11[%get3A_1007, %get3A_1008] {strides = array<i32>} : memref<512x64xf32, #tpu.memory_space<vmem>>, vector<16xf32>,
      %get3A_1010 = arith.index_cast %add3A_991 : i32 to index
      %get3A_1011 = arith.constant 32 : index
      %get3A_1012 = tpu.vector_load %arg12[%get3A_1010, %get3A_1011] {strides = array<i32>} : memref<512x64xf32, #tpu.memory_space<vmem>>, vector<16xf32>,
      %mul3A_1013 = arith.mulf %get3A_1009, %get3A_1012 : vector<16xf32>
      %add3A_1014 = arith.addf %add3A_1006, %mul3A_1013 : vector<16xf32>
      %get3A_1015 = arith.index_cast %add3A_991 : i32 to index
      %get3A_1016 = arith.constant 48 : index
      %get3A_1017 = tpu.vector_load %arg11[%get3A_1015, %get3A_1016] {strides = array<i32>} : memref<512x64xf32, #tpu.memory_space<vmem>>, vector<16xf32>,
      %get3A_1018 = arith.index_cast %add3A_991 : i32 to index
      %get3A_1019 = arith.constant 48 : index
      %get3A_1020 = tpu.vector_load %arg12[%get3A_1018, %get3A_1019] {strides = array<i32>} : memref<512x64xf32, #tpu.memory_space<vmem>>, vector<16xf32>,
      %mul3A_1021 = arith.mulf %get3A_1017, %get3A_1020 : vector<16xf32>
      %add3A_1022 = arith.addf %add3A_1014, %mul3A_1021 : vector<16xf32>
      %eq3A_1023 = arith.constant 14 : i32
      %eq3A_1024 = vector.broadcast %eq3A_1023 : i32 to vector<16xi32>
      %eq3A_1025 = arith.cmpi eq, %iota3A, %eq3A_1024 : vector<16xi32>
      %reduce_sum3A_1026 = arith.constant true
      %reduce_sum3A_1027 = vector.broadcast %reduce_sum3A_1026 : i1 to vector<16xi1>
      %reduce_sum3A_1028 = tpu.scan <sum>, %add3A_1022 masked %reduce_sum3A_1027 : vector<16xf32>, vector<16xi1> -> vector<16xf32>
      %reduce_sum3A_1029 = vector.extract %reduce_sum3A_1028[15] : f32 from vector<16xf32>
      %broadcast_in_dim3A_1030 = vector.broadcast %reduce_sum3A_1029 : f32 to vector<16xf32>
      %select_n3A_1031 = arith.select %eq3A_1025, %broadcast_in_dim3A_1030, %select_n3A_985 : vector<16xi1>, vector<16xf32>
      %mul3A_1032 = arith.constant 16 : i32
      %mul3A_1033 = arith.muli %scan3A_344, %mul3A_1032 : i32
      %add3A_1034 = arith.constant 384 : i32
      %add3A_1035 = arith.addi %add3A_1034, %mul3A_1033 : i32
      %add3A_1036 = arith.constant 15 : i32
      %add3A_1037 = arith.addi %add3A_1035, %add3A_1036 : i32
      %get3A_1038 = arith.index_cast %add3A_1037 : i32 to index
      %get3A_1039 = arith.constant 0 : index
      %get3A_1040 = tpu.vector_load %arg11[%get3A_1038, %get3A_1039] {strides = array<i32>} : memref<512x64xf32, #tpu.memory_space<vmem>>, vector<16xf32>,
      %get3A_1041 = arith.index_cast %add3A_1037 : i32 to index
      %get3A_1042 = arith.constant 0 : index
      %get3A_1043 = tpu.vector_load %arg12[%get3A_1041, %get3A_1042] {strides = array<i32>} : memref<512x64xf32, #tpu.memory_space<vmem>>, vector<16xf32>,
      %mul3A_1044 = arith.mulf %get3A_1040, %get3A_1043 : vector<16xf32>
      %get3A_1045 = arith.index_cast %add3A_1037 : i32 to index
      %get3A_1046 = arith.constant 16 : index
      %get3A_1047 = tpu.vector_load %arg11[%get3A_1045, %get3A_1046] {strides = array<i32>} : memref<512x64xf32, #tpu.memory_space<vmem>>, vector<16xf32>,
      %get3A_1048 = arith.index_cast %add3A_1037 : i32 to index
      %get3A_1049 = arith.constant 16 : index
      %get3A_1050 = tpu.vector_load %arg12[%get3A_1048, %get3A_1049] {strides = array<i32>} : memref<512x64xf32, #tpu.memory_space<vmem>>, vector<16xf32>,
      %mul3A_1051 = arith.mulf %get3A_1047, %get3A_1050 : vector<16xf32>
      %add3A_1052 = arith.addf %mul3A_1044, %mul3A_1051 : vector<16xf32>
      %get3A_1053 = arith.index_cast %add3A_1037 : i32 to index
      %get3A_1054 = arith.constant 32 : index
      %get3A_1055 = tpu.vector_load %arg11[%get3A_1053, %get3A_1054] {strides = array<i32>} : memref<512x64xf32, #tpu.memory_space<vmem>>, vector<16xf32>,
      %get3A_1056 = arith.index_cast %add3A_1037 : i32 to index
      %get3A_1057 = arith.constant 32 : index
      %get3A_1058 = tpu.vector_load %arg12[%get3A_1056, %get3A_1057] {strides = array<i32>} : memref<512x64xf32, #tpu.memory_space<vmem>>, vector<16xf32>,
      %mul3A_1059 = arith.mulf %get3A_1055, %get3A_1058 : vector<16xf32>
      %add3A_1060 = arith.addf %add3A_1052, %mul3A_1059 : vector<16xf32>
      %get3A_1061 = arith.index_cast %add3A_1037 : i32 to index
      %get3A_1062 = arith.constant 48 : index
      %get3A_1063 = tpu.vector_load %arg11[%get3A_1061, %get3A_1062] {strides = array<i32>} : memref<512x64xf32, #tpu.memory_space<vmem>>, vector<16xf32>,
      %get3A_1064 = arith.index_cast %add3A_1037 : i32 to index
      %get3A_1065 = arith.constant 48 : index
      %get3A_1066 = tpu.vector_load %arg12[%get3A_1064, %get3A_1065] {strides = array<i32>} : memref<512x64xf32, #tpu.memory_space<vmem>>, vector<16xf32>,
      %mul3A_1067 = arith.mulf %get3A_1063, %get3A_1066 : vector<16xf32>
      %add3A_1068 = arith.addf %add3A_1060, %mul3A_1067 : vector<16xf32>
      %eq3A_1069 = arith.constant 15 : i32
      %eq3A_1070 = vector.broadcast %eq3A_1069 : i32 to vector<16xi32>
      %eq3A_1071 = arith.cmpi eq, %iota3A, %eq3A_1070 : vector<16xi32>
      %reduce_sum3A_1072 = arith.constant true
      %reduce_sum3A_1073 = vector.broadcast %reduce_sum3A_1072 : i1 to vector<16xi1>
      %reduce_sum3A_1074 = tpu.scan <sum>, %add3A_1068 masked %reduce_sum3A_1073 : vector<16xf32>, vector<16xi1> -> vector<16xf32>
      %reduce_sum3A_1075 = vector.extract %reduce_sum3A_1074[15] : f32 from vector<16xf32>
      %broadcast_in_dim3A_1076 = vector.broadcast %reduce_sum3A_1075 : f32 to vector<16xf32>
      %select_n3A_1077 = arith.select %eq3A_1071, %broadcast_in_dim3A_1076, %select_n3A_1031 : vector<16xi1>, vector<16xf32>
      %mul3A_1078 = arith.constant 16 : i32
      %mul3A_1079 = arith.muli %scan3A_344, %mul3A_1078 : i32
      %add3A_1080 = arith.constant 384 : i32
      %add3A_1081 = arith.addi %add3A_1080, %mul3A_1079 : i32
      %get3A_1082 = arith.index_cast %add3A_1081 : i32 to index
      %get3A_1083 = tpu.vector_load %arg13[%get3A_1082] {strides = array<i32>} : memref<512xf32, #tpu.memory_space<vmem>>, vector<16xf32>,
      %add3A_1084 = arith.addf %select_n3A_1077, %get3A_1083 : vector<16xf32>
      %get3A_1085 = arith.index_cast %add3A_1081 : i32 to index
      %get3A_1086 = tpu.vector_load %arg14[%get3A_1085] {strides = array<i32>} : memref<512xf32, #tpu.memory_space<vmem>>, vector<16xf32>,
      %add3A_1087 = arith.addf %add3A_1084, %get3A_1086 : vector<16xf32>
      %swap3A = arith.index_cast %add3A_1081 : i32 to index
      %swap3A_1088 = tpu.vector_load %arg15[%swap3A] {strides = array<i32>} : memref<512xf32, #tpu.memory_space<vmem>>, vector<16xf32>,
      tpu.vector_store %arg15[%swap3A], %add3A_1087 {strides = array<i32>} : memref<512xf32, #tpu.memory_space<vmem>>, vector<16xf32>,
    }
    %scan3A_343 = arith.constant 8 : i32
    "tpu.region"() ({
      %run_scoped3A = tpu.sem_alloc : memref<!tpu.dma_semaphore, #tpu.memory_space<semaphore_mem>>
      %dma_start3A_344 = tpu.memref_slice %arg8[%mul3A_2] : memref<16384xf32, #tpu.memory_space<hbm>> -> memref<512xf32, #tpu.memory_space<hbm>>
      %dma_start3A_345 = tpu.memref_slice %arg8[%mul3A_2] : memref<16384xf32, #tpu.memory_space<hbm>> -> memref<512xf32, #tpu.memory_space<hbm>>
      tpu.enqueue_dma source(%arg15 : memref<512xf32, #tpu.memory_space<vmem>>) target(%dma_start3A_345 : memref<512xf32, #tpu.memory_space<hbm>>) target_semaphore(%run_scoped3A : memref<!tpu.dma_semaphore, #tpu.memory_space<semaphore_mem>>)
      %dma_wait3A_346 = tpu.memref_slice %arg8[%mul3A_2] : memref<16384xf32, #tpu.memory_space<hbm>> -> memref<512xf32, #tpu.memory_space<hbm>>
      %dma_wait3A_347 = tpu.memref_slice %arg8[%mul3A_2] : memref<16384xf32, #tpu.memory_space<hbm>> -> memref<512xf32, #tpu.memory_space<hbm>>
      tpu.wait_dma2 semaphore(%run_scoped3A : memref<!tpu.dma_semaphore, #tpu.memory_space<semaphore_mem>>) src(%arg15 : memref<512xf32, #tpu.memory_space<vmem>>) dst(%dma_wait3A_347 : memref<512xf32, #tpu.memory_space<hbm>>)
      tpu.yield
    }) : () -> ()
    return
  }
}

</mosaic_0001>

<sc_bundles>
// kernel: kernel.3.cloned.1.call-start
scs
__scs_entry_jumppad:
0x0: {  	(pc) =	sbr.rel $0x88, $3  }
0x1: {  	(tag) =	ssettag $0x0;
	lr =	simm.s32 $0x1  }
0x2: {  	[smem:$0x3F9B] =	sst lr;
	_ =	strace $0xD0000000  }
0x3: {  	_ = 	snop  }
0x4: {  	_ = 	snop  }
0x5: {  	_ = 	snop  }
0x6: {  	_ = 	snop  }
0x7: {  	_ = 	snop  }
__scs_overlays_trampoline_lowered:
0x8: {  	[smem:$0x3FAA] =	sst s0  }
0x9: {  	[smem:$0x3FAB] =	sst s1  }
0xa: {  	[smem:$0x3FAC] =	sst s2  }
0xb: {  	[smem:$0x3FAD] =	sst s3  }
0xc: {  	[smem:$0x3FAE] =	sst s4  }
0xd: {  	[smem:$0x3FAF] =	sst s5  }
0xe: {  	[smem:$0x3FB0] =	sst s6  }
0xf: {  	[smem:$0x3FB1] =	sst s7  }
0x10: {  	[smem:$0x3FB2] =	sst s8  }
0x11: {  	[smem:$0x3FB3] =	sst s9;
	s0 =	simm.s32 @!p0 $0x0  }
0x12: {  	s1 =	sld [smem:$0x3F99];
	s0 =	simm.s32 @p0 $0x1  }
0x13: {  	[smem:$0x3FB4] =	sst s0;
	s0 =	simm.s32 @!p1 $0x0  }
0x14: {  	s2 =	sld [smem:$0x3F98];
	s0 =	simm.s32 @p1 $0x1  }
0x15: {  	[smem:$0x3FB5] =	sst s0;
	s0 =	simm.s32 @!p2 $0x0  }
0x16: {  	s3 =	sld [smem:$0x3FDB];
	s0 =	simm.s32 @p2 $0x1  }
0x17: {  	s4 =	simm.s32 $0x1BF5;
	[smem:$0x3FB7] =	sst s0  }
0x18: {  	s0 =	sld [smem:$0x3F9A];
	_ =	swait.ge [sflag:s4], $0x0  }
0x19: {  	s7 =	sld [smem:$0x3F9B]  }
0x1a: {  	s8 =	sadd.s32 $0xFFFFE003, lr  }
0x1b: {  	s9 =	sadd.s32 $0xFFFFFEF7, lr;
	s5 =	simm.s32 $0xFFFFFFFF;
	p2 =	slt.u32 s8, $0xFFFFF086  }
0x1c: {  	p1 =	slt.u32 s9, $0xF7A;
	s5 =	simm.s32 @!p2 $0x0  }
0x1d: {  	s5 =	simm.s32 @p1 $0x1;
	p0 =	seq.s32 s7, s2  }
0x1e: {  	s7 =	smul.u32 @!p0 $0xF7A, s2;
	p2 =	seq.s32 @!p0 s5, $0x0  }
0x1f: {  	s9 =	smul.u32 $0xF7A, s1;
	s8 =	simm.s32 @!p0 $0x1BF5;
	p2 =	por !p2, p0  }
0x20: {  	[sflag:s8] =	ssyncset.s32 @!p0 $0xFFFFF086;
	s6 =	sadd.s32 @!p0 s3, s7;
	s7 =	simm.s32 @!p0 $0x108  }
0x21: {  	s3 =	sadd.s32 s3, s9;
	s6 =	sadd.s32 @!p0 $0x88, s6;
	s7 =	simm.s32 @p2 $0x1082  }
0x22: {  	[simem:s7], [sflag:s8] =	dma.local @!p0 [hbm:s6], $0xF7A  }
0x23: {  	s9 =	sor.u32 $0xD0000000, s2;
	s6 =	simm.s32 $0x108;
	_ =	swait.ge @!p0 [sflag:s8], $0x0  }
0x24: {  	s3 =	sadd.s32 $0x88, s3;
	s6 =	simm.s32 @!p1 $0x1082;
	[sflag:s4] =	ssyncset.s32 $0xFFFFF086  }
0x25: {  	[simem:s6], [sflag:s4] =	dma.local [hbm:s3], $0xF7A  }
0x26: {  	[smem:$0x3F9B] =	sst s1;
	(tag) =	ssettag s2;
	_ =	strace s9  }
0x27: {  	s1 =	sld [smem:$0x3FAB]  }
0x28: {  	s2 =	sld [smem:$0x3FAC]  }
0x29: {  	s4 =	sld [smem:$0x3FAE]  }
0x2a: {  	p0 =	seq.s32 s5, $0x0;
	s5 =	sld [smem:$0x3FAF]  }
0x2b: {  	s6 =	sld [smem:$0x3FB0]  }
0x2c: {  	s7 =	sld [smem:$0x3FB1]  }
0x2d: {  	s3 =	simm.s32 $0x108;
	s8 =	sld [smem:$0x3FB2]  }
0x2e: {  	s3 =	simm.s32 @!p0 $0x1082;
	s9 =	sld [smem:$0x3FB3]  }
0x2f: {  	lr =	sadd.s32 s0, s3;
	s0 =	sld [smem:$0x3FAA]  }
0x30: {  	s3 =	sld [smem:$0x3FAD]  }
0x31: {  	[smem:$0x3FB6] =	sst s10  }
0x32: {  	s10 =	sld [smem:$0x3FB4];
	_ =	sdelay $0x3  }
0x33: {  	p0 =	seq.s32 s10, $0x1;
	s10 =	sld [smem:$0x3FB6];
	_ =	sdelay $0x3  }
0x34: {  	[smem:$0x3FB6] =	sst s10  }
0x35: {  	s10 =	sld [smem:$0x3FB5];
	_ =	sdelay $0x3  }
0x36: {  	p1 =	seq.s32 s10, $0x1;
	s10 =	sld [smem:$0x3FB6];
	_ =	sdelay $0x3  }
0x37: {  	[smem:$0x3FB6] =	sst s10  }
0x38: {  	s10 =	sld [smem:$0x3FB7]  }
0x39: {  	_ = 	snop;
	(pc) =	sbr.ind lr, $3  }
0x3a: {  	_ = 	snop  }
0x3b: {  	_ = 	snop  }
0x3c: {  	p2 =	seq.s32 s10, $0x1;
	s10 =	sld [smem:$0x3FB6]  }
0x3d: {  	_ =	shalt  }
0x3e: {  	_ =	shalt  }
0x3f: {  	_ =	shalt  }
0x40: {  	_ =	shalt  }
0x41: {  	_ =	shalt  }
0x42: {  	_ =	shalt  }
0x43: {  	_ =	shalt  }
0x44: {  	_ =	shalt  }
0x45: {  	_ =	shalt  }
0x46: {  	_ =	shalt  }
0x47: {  	_ =	shalt  }
0x48: {  	_ =	shalt  }
0x49: {  	_ =	shalt  }
0x4a: {  	_ =	shalt  }
0x4b: {  	_ =	shalt  }
0x4c: {  	_ =	shalt  }
0x4d: {  	_ =	shalt  }
0x4e: {  	_ =	shalt  }
0x4f: {  	_ =	shalt  }
0x50: {  	_ =	shalt  }
0x51: {  	_ =	shalt  }
0x52: {  	_ =	shalt  }
0x53: {  	_ =	shalt  }
0x54: {  	_ =	shalt  }
0x55: {  	_ =	shalt  }
0x56: {  	_ =	shalt  }
0x57: {  	_ =	shalt  }
0x58: {  	_ =	shalt  }
0x59: {  	_ =	shalt  }
0x5a: {  	_ =	shalt  }
0x5b: {  	_ =	shalt  }
0x5c: {  	_ =	shalt  }
0x5d: {  	_ =	shalt  }
0x5e: {  	_ =	shalt  }
0x5f: {  	_ =	shalt  }
0x60: {  	_ =	shalt  }
0x61: {  	_ =	shalt  }
0x62: {  	_ =	shalt  }
0x63: {  	_ =	shalt  }
0x64: {  	_ =	shalt  }
0x65: {  	_ =	shalt  }
0x66: {  	_ =	shalt  }
0x67: {  	_ =	shalt  }
0x68: {  	_ =	shalt  }
0x69: {  	_ =	shalt  }
0x6a: {  	_ =	shalt  }
0x6b: {  	_ =	shalt  }
0x6c: {  	_ =	shalt  }
0x6d: {  	_ =	shalt  }
0x6e: {  	_ =	shalt  }
0x6f: {  	_ =	shalt  }
0x70: {  	_ =	shalt  }
0x71: {  	_ =	shalt  }
0x72: {  	_ =	shalt  }
0x73: {  	_ =	shalt  }
0x74: {  	_ =	shalt  }
0x75: {  	_ =	shalt  }
0x76: {  	_ =	shalt  }
0x77: {  	_ =	shalt  }
0x78: {  	_ =	shalt  }
0x79: {  	_ =	shalt  }
0x7a: {  	_ =	shalt  }
0x7b: {  	_ =	shalt  }
0x7c: {  	_ =	shalt  }
0x7d: {  	_ =	shalt  }
0x7e: {  	_ =	shalt  }
0x7f: {  	_ =	shalt  }
0x80: {  	_ =	shalt  }
0x81: {  	_ =	shalt  }
0x82: {  	_ =	shalt  }
0x83: {  	_ =	shalt  }
0x84: {  	_ =	shalt  }
0x85: {  	_ =	shalt  }
0x86: {  	_ =	shalt  }
0x87: {  	_ =	shalt  }
.Lfunc_end0:
.L_simem_size_0:
called_computation_lowered:
.L_overlay_start_0:
0x88: {  	s2 =	sld [smem:$0x3FD9]  }
0x89: {  	s3 =	sld [smem:$0x3FFE];
	_ =	sdelay $0x1  }
0x8a: {  	s1 =	srdreg.scid  }
0x8b: {  	s0 =	sand.u32 $0x1, s1  }
0x8c: {  	s17 =	sshll.u32 s0, $0xA;
	s2 =	sadd.s32 s3, s2  }
0x8d: {  	s2 =	sadd.s32 s2, s17  }
0x8e: {  	[smem:$0x3FC2] =	sst s2  }
0x8f: {  	_ = 	snop  }
0x90: {  	s2 =	sld [smem:$0x3FC7]  }
0x91: {  	s18 =	sld [smem:$0x3FC6]  }
0x92: {  	s4 =	sld [smem:$0x3FC5]  }
0x93: {  	s5 =	sld [smem:$0x3FC4]  }
0x94: {  	s6 =	sld [smem:$0x3FD0];
	(tm) =	ssettm $0x1  }
0x95: {  	s7 =	sld [smem:$0x3FFB];
	_ =	sdelay $0x3  }
0x96: {  	_ =	strace s7  }
0x97: {  	s7 =	sld [smem:$0x3FFC];
	_ =	sdelay $0x3  }
0x98: {  	_ =	strace s7  }
0x99: {  	s7 =	sld [smem:$0x3FFD];
	_ =	sdelay $0x3  }
0x9a: {  	_ =	strace s7  }
0x9b: {  	_ =	strace $0x8FFFFFFF  }
0x9c: {  	s19 =	sld [smem:$0x3FDB];
	_ =	sdelay $0x1  }
0x9d: {  	s8 =	simm.s32 $_scs_section_size  }
0x9e: {  	s9 =	simm.s32 $_size__tile_overlayer_lowered;
	s10 =	simm.s32 $_tile_overlayer_lowered  }
0x9f: {  	s22 =	simm.s32 $0x1BFF;
	s21 =	sshll.u32 s10, $0x1;
	s7 =	sadd.s32 s8, s19  }
0xa0: {  	s11 =	simm.s32 $0x0;
	s20 =	sshll.u32 s9, $0x1;
	s9 =	sadd.s32 s21, s7  }
0xa1: {  	[timem:s11], [sflag:s22] =	dma.local [hbm:s9], s20  }
0xa2: {  	_ =	swait.ge [sflag:s22], s20  }
0xa3: {  	s8 =	ssub.s32 $0x0, s20;
	[sflag:s22] =	ssyncset.done $0x0  }
0xa4: {  	[sflag:s22] =	ssyncadd.s32 s8;
	_ =	sdelay $0x1  }
0xa5: {  	s23 =	simm.s32 $0x1B8B  }
0xa6: {  	_ =	swait.ge [sflag:s23], $0x1  }
0xa7: {  	[sflag:s23] =	ssyncset.done $0x0  }
0xa8: {  	s25 =	simm.s32 $0x1B8E;
	s24 =	sld [smem:$0x3FFE];
	[sflag:s23] =	ssyncadd.s32 $0xFFFFFFFF  }
0xa9: {  	s26 =	simm.s32 $execute0_lowered;
	[smem:$0x3FD2] =	sst s25  }
0xaa: {  	s9 =	sshll.u32 s26, $0x1;
	_ =	strace $0x80000046;
	[dreg:$0x1] =	wrdreg $0xFFFFFFFF  }
0xab: {  	s28 =	simm.s32 $_size_execute0_lowered;
	s7 =	sadd.s32 s7, s9;
	[dreg:$0x0] =	wrdreg $0x0  }
0xac: {  	s9 =	sshll.u32 s28, $0x1;
	[dreg:$0x2] =	wrdreg s7  }
0xad: {  	[dreg:$0x3] =	wrdreg s9  }
0xae: {  	[dreg:$0x4] =	wrdreg $0xC0  }
0xaf: {  	_ =	task [dreg:s11], $0x5FFFF  }
0xb0: {  	[dreg:$0x1] =	wrdreg $0xFFFFFFFF  }
0xb1: {  	[dreg:$0x0] =	wrdreg $0x60  }
0xb2: {  	[dreg:$0x2] =	wrdreg s24  }
0xb3: {  	[dreg:$0x3] =	wrdreg s2  }
0xb4: {  	[dreg:$0x4] =	wrdreg s18  }
0xb5: {  	[dreg:$0x5] =	wrdreg s4  }
0xb6: {  	[dreg:$0x6] =	wrdreg s5  }
0xb7: {  	[dreg:$0x7] =	wrdreg s6  }
0xb8: {  	[dreg:$0x8] =	wrdreg $0x9  }
0xb9: {  	_ =	task.clear_ibuf [dreg:s11], $0x9FFFF;
	_ =	strace $0x90000046  }
0xba: {  	s29 =	simm.s32 $0x9;
	_ =	strace $0x80000048  }
0xbb: {  	_ =	swait.ge [sflag:s29], $0x1  }
0xbc: {  	[sflag:s29] =	ssyncadd.s32 $0xFFFFFFFF  }
0xbd: {  	_ =	strace $0x90000048  }
0xbe: {  	_ =	sfence  }
0xbf: {  	s30 =	sld [smem:$0x0];
	_ =	sdelay $0x2  }
0xc0: {  	s31 =	sshll.u32 s1, $0xD;
	s1 =	sshrl.u32 s1, $0x2  }
0xc1: {  	s3 =	sand.u32 $0x4000, s31;
	s1 =	sadd.s32 s1, s30  }
0xc2: {  	s0 =	sor.u32 s3, s0;
	s1 =	sshll.u32 s1, $0x11  }
0xc3: {  	s0 =	sor.u32 s1, s0  }
0xc4: {  	s0 =	sadd.s32 $0x8F2B, s0  }
0xc5: {  	[sflag:s0] =	ssyncadd.remote.s32 $0x1  }
0xc6: {  	_ =	sfence.sel $0xFFFF  }
0xc7: {  	[dreg:$0x0] =	wrdreg $0xFFFFFFFF;
	(pc) =	sbr.abs _section_cstart, $3  }
0xc8: {  	[dreg:$0x1] =	wrdreg $0xFFFFFFFF  }
0xc9: {  	_ =	task.clear_ibuf [dreg:s11], $0x2FFFF;
	_ =	strace $0x9FFFFFFF  }
0xca: {  	(tm) =	ssettm $0x7FFFFFFF  }
0xcb: {  	_ =	shalt  }
tec
execute0_lowered:
.L_overlay_start_1:
0x0: {  	(tag) =	ssettag $0x1  }
0x1: {  	s0 =	rddreg [dreg:$0x0]  }
0x2: {  	s1 =	rddreg [dreg:$0x1]  }
0x3: {  	s2 =	rddreg [dreg:$0x2]  }
0x4: {  	s3 =	rddreg [dreg:$0x3]  }
0x5: {  	s8 =	rddreg [dreg:$0x4]  }
0x6: {  	s9 =	rddreg [dreg:$0x5];
	s4 =	simm.s32 $0x0;
	s5 =	srdreg.scid  }
0x7: {  	s6 =	stileid.u32;
	s12 =	simm.s32 $0x200;
	s13 =	simm.s32 $0x80  }
0x8: {  	s19 =	simm.s32 $0x280;
	s23 =	simm.s32 $0x100;
	s25 =	simm.s32 $0x300  }
0x9: {  	s30 =	simm.s32 $0x180;
	s14 =	simm.s32 $0x10580;
	s15 =	simm.s32 $0x10780  }
0xa: {  	s16 =	simm.s32 $0x1;
	s17 =	simm.s32 $0x2;
	s18 =	simm.s32 $0x3  }
0xb: {  	s20 =	simm.s32 $0x4;
	s21 =	simm.s32 $0x10800;
	s22 =	simm.s32 $0x0  }
0xc: {  	[smem:$0x7FF] =	sst s4;
	s5 =	sand.u32 $0x1, s5;
	s6 =	sshll.u32 s6, $0x7  }
0xd: {  	vm0 =	vmmov $0x1;
	vm1 =	vmmov $0x3;
	vm2 =	vmmov $0x7;
	_ =	strace $0x80000047;
	s7 =	ssub.s32 $0x2, s5;
	s10 =	sshll.u32 s5, $0x6  }
0xe: {  	vm3 =	vmmov $0xf;
	vm4 =	vmmov $0x1f;
	vm5 =	vmmov $0x3f;
	s5 =	sadd.s32 $0xF42800, s0;
	s11 =	sshrl.u32 s7, $0x1;
	s10 =	sor.u32 s10, s6  }
0xf: {  	vm6 =	vmmov $0x7f;
	vm7 =	vmmov $0xff;
	vm8 =	vmmov $0x1ff;
	s6 =	sadd.s32 $0x16E3A00, s0;
	s0 =	simm.s32 $0x380;
	s31 =	ssub.s32 s7, s11  }
0x10: {  	vm9 =	vmmov $0x3ff;
	vm10 =	vmmov $0x7ff;
	vm11 =	vmmov $0xfff;
	s7 =	sadd.s32 s3, s10;
	s8 =	sadd.s32 s8, s10;
	s9 =	sadd.s32 s9, s10  }
0x11: {  	vm12 =	vmmov $0x1fff;
	vm13 =	vmmov $0x3fff;
	vm14 =	vmmov $0x7fff;
	s11 =	simm.s32 $0x5;
	s3 =	simm.s32 $0xE400;
	s10 =	smax.u32 s31, $0x1  }
.LBB2_1:
0x12: {  	[tilespmem:s4], [sflag:$0x5] =	stream.linear.gather [hbm4b:s7+s4], $0x200, $0x38;
	[tilespmem:$0x10A00] =	vst v63  }
0x13: {  	_ =	swait.ge [sflag:s11], $0x200  }
0x14: {  	[sflag:s11] =	ssyncset.done $0x0  }
0x15: {  	[sflag:s11] =	ssyncadd.s32 $0xFFFFFE00  }
0x16: {  	[tilespmem:s12], [sflag:$0x5] =	stream.linear.gather [hbm4b:s8+s4], $0x200, $0x38;
	[tilespmem:$0x10A00] =	vst v63  }
0x17: {  	_ =	swait.ge [sflag:s11], $0x200  }
0x18: {  	[sflag:s11] =	ssyncset.done $0x0  }
0x19: {  	s24 =	simm.s32 $0x400;
	[sflag:s11] =	ssyncadd.s32 $0xFFFFFE00  }
0x1a: {  	[tilespmem:s24], [sflag:$0x1] =	stream.indirect.gather [hbm4b:s5+s13], $0x40, s4, s13, $0xb8;
	[tilespmem:$0x10A00] =	vst v63  }
0x1b: {  	s26 =	simm.s32 $0x8400  }
0x1c: {  	[tilespmem:s26], [sflag:$0x1] =	stream.indirect.gather [hbm4b:s6+s13], $0x40, s12, s13, $0xb8;
	[tilespmem:$0x10A00] =	vst v63  }
0x1d: {  	s31 =	simm.s32 $0x10400  }
0x1e: {  	[tilespmem:s31], [sflag:$0x1] =	stream.indirect.gather [hbm4b:s1+s13], $0x1, s4, s13, $0xb8;
	[tilespmem:$0x10A00] =	vst v63  }
0x1f: {  	s26 =	simm.s32 $0x10600  }
0x20: {  	[tilespmem:s26], [sflag:$0x1] =	stream.indirect.gather [hbm4b:s2+s13], $0x1, s12, s13, $0xb8;
	[tilespmem:$0x10A00] =	vst v63  }
0x21: {  	s31 =	simm.s32 $0x2400  }
0x22: {  	[tilespmem:s31], [sflag:$0x2] =	stream.indirect.gather [hbm4b:s5+s13], $0x40, s13, s13, $0xb8;
	[tilespmem:$0x10A00] =	vst v63  }
0x23: {  	s26 =	simm.s32 $0xA400  }
0x24: {  	[tilespmem:s26], [sflag:$0x2] =	stream.indirect.gather [hbm4b:s6+s13], $0x40, s19, s13, $0xb8;
	[tilespmem:$0x10A00] =	vst v63  }
0x25: {  	s31 =	simm.s32 $0x10480  }
0x26: {  	[tilespmem:s31], [sflag:$0x2] =	stream.indirect.gather [hbm4b:s1+s13], $0x1, s13, s13, $0xb8;
	[tilespmem:$0x10A00] =	vst v63  }
0x27: {  	s26 =	simm.s32 $0x10680  }
0x28: {  	[tilespmem:s26], [sflag:$0x2] =	stream.indirect.gather [hbm4b:s2+s13], $0x1, s19, s13, $0xb8;
	[tilespmem:$0x10A00] =	vst v63  }
0x29: {  	s31 =	simm.s32 $0x4400  }
0x2a: {  	[tilespmem:s31], [sflag:$0x3] =	stream.indirect.gather [hbm4b:s5+s13], $0x40, s23, s13, $0xb8;
	[tilespmem:$0x10A00] =	vst v63  }
0x2b: {  	s26 =	simm.s32 $0xC400  }
0x2c: {  	[tilespmem:s26], [sflag:$0x3] =	stream.indirect.gather [hbm4b:s6+s13], $0x40, s25, s13, $0xb8;
	[tilespmem:$0x10A00] =	vst v63  }
0x2d: {  	s31 =	simm.s32 $0x10500  }
0x2e: {  	[tilespmem:s31], [sflag:$0x3] =	stream.indirect.gather [hbm4b:s1+s13], $0x1, s23, s13, $0xb8;
	[tilespmem:$0x10A00] =	vst v63  }
0x2f: {  	s26 =	simm.s32 $0x10700  }
0x30: {  	[tilespmem:s26], [sflag:$0x3] =	stream.indirect.gather [hbm4b:s2+s13], $0x1, s25, s13, $0xb8;
	[tilespmem:$0x10A00] =	vst v63  }
0x31: {  	s31 =	simm.s32 $0x6400  }
0x32: {  	[tilespmem:s31], [sflag:$0x4] =	stream.indirect.gather [hbm4b:s5+s13], $0x40, s30, s13, $0xb8;
	[tilespmem:$0x10A00] =	vst v63  }
0x33: {  	_ = 	snop  }
0x34: {  	[tilespmem:s3], [sflag:$0x4] =	stream.indirect.gather [hbm4b:s6+s13], $0x40, s0, s13, $0xb8;
	[tilespmem:$0x10A00] =	vst v63  }
0x35: {  	_ = 	snop  }
0x36: {  	[tilespmem:s14], [sflag:$0x4] =	stream.indirect.gather [hbm4b:s1+s13], $0x1, s30, s13, $0xb8;
	[tilespmem:$0x10A00] =	vst v63  }
0x37: {  	_ = 	snop  }
0x38: {  	[tilespmem:s15], [sflag:$0x4] =	stream.indirect.gather [hbm4b:s2+s13], $0x1, s0, s13, $0xb8;
	[tilespmem:$0x10A00] =	vst v63  }
0x39: {  	_ =	swait.ge [sflag:s16], $0x2000  }
0x3a: {  	[sflag:s16] =	ssyncset.done $0x0  }
0x3b: {  	[sflag:s16] =	ssyncadd.s32 $0xFFFFE000  }
0x3c: {  	_ =	swait.ge [sflag:s16], $0x2000  }
0x3d: {  	[sflag:s16] =	ssyncset.done $0x0  }
0x3e: {  	[sflag:s16] =	ssyncadd.s32 $0xFFFFE000  }
0x3f: {  	_ =	swait.ge [sflag:s16], $0x80  }
0x40: {  	[sflag:s16] =	ssyncset.done $0x0  }
0x41: {  	[sflag:s16] =	ssyncadd.s32 $0xFFFFFF80  }
0x42: {  	_ =	swait.ge [sflag:s16], $0x80  }
0x43: {  	[sflag:s16] =	ssyncset.done $0x0  }
0x44: {  	s26 =	simm.s32 $0x600;
	[sflag:s16] =	ssyncadd.s32 $0xFFFFFF80  }
0x45: {  	s24 =	simm.s32 $0x8600;
	v5 =	vld [tilespmem:s26+$0x1B0]  }
0x46: {  	v7 =	vld [tilespmem:s24+$0x1B0]  }
0x47: {  	v0 =	vld [tilespmem:s26+$0x1C0]  }
0x48: {  	v49 =	vld [tilespmem:s24+$0x1C0]  }
0x49: {  	v50 =	vld [tilespmem:s26+$0x1D0]  }
0x4a: {  	v51 =	vld [tilespmem:s24+$0x1D0]  }
0x4b: {  	v52 =	vld [tilespmem:s26+$0x1A0]  }
0x4c: {  	v63 =	vld [tilespmem:s24+$0x1A0]  }
0x4d: {  	v13 =	vld [tilespmem:s26+$0x130]  }
0x4e: {  	v14 =	vld [tilespmem:s24+$0x130]  }
0x4f: {  	v53 =	vld [tilespmem:s26+$0x160]  }
0x50: {  	v30 =	vld [tilespmem:s26+$0x180]  }
0x51: {  	v31 =	vld [tilespmem:s24+$0x180]  }
0x52: {  	v32 =	vld [tilespmem:s26+$0x190]  }
0x53: {  	v29 =	vld [tilespmem:s24+$0x190]  }
0x54: {  	v20 =	vld [tilespmem:s26+$0xF0]  }
0x55: {  	v54 =	vld [tilespmem:s26+$0x120]  }
0x56: {  	v55 =	vld [tilespmem:s24+$0x120]  }
0x57: {  	v56 =	vld [tilespmem:s26+$0x140]  }
0x58: {  	v57 =	vld [tilespmem:s24+$0x140]  }
0x59: {  	v58 =	vld [tilespmem:s26+$0x150]  }
0x5a: {  	v59 =	vld [tilespmem:s24+$0x150]  }
0x5b: {  	v62 =	vld [tilespmem:s26+$0xE0]  }
0x5c: {  	v33 =	vld [tilespmem:s24+$0xE0]  }
0x5d: {  	v42 =	vld [tilespmem:s26+$0x100]  }
0x5e: {  	v43 =	vld [tilespmem:s24+$0x100]  }
0x5f: {  	v44 =	vld [tilespmem:s26+$0x110]  }
0x60: {  	v45 =	vld [tilespmem:s24+$0x110]  }
0x61: {  	v6 =	vld [tilespmem:s26+$0x70]  }
0x62: {  	v8 =	vld [tilespmem:s24+$0x70]  }
0x63: {  	v60 =	vld [tilespmem:s26+$0xA0]  }
0x64: {  	v48 =	vld [tilespmem:s26+$0xC0]  }
0x65: {  	v1 =	vld [tilespmem:s24+$0xC0]  }
0x66: {  	v2 =	vld [tilespmem:s26+$0xD0]  }
0x67: {  	v3 =	vld [tilespmem:s26+$0x30]  }
0x68: {  	v4 =	vld [tilespmem:s24+$0x30]  }
0x69: {  	v34 =	vld [tilespmem:s26+$0x60]  }
0x6a: {  	v61 =	vld [tilespmem:s26+$0x80]  }
0x6b: {  	v9 =	vld [tilespmem:s24+$0x80]  }
0x6c: {  	v10 =	vld [tilespmem:s26+$0x90]  }
0x6d: {  	v11 =	vld [tilespmem:s24+$0x90]  }
0x6e: {  	v35 =	vld [tilespmem:s26+$0x20]  }
0x6f: {  	v36 =	vld [tilespmem:s24+$0x20]  }
0x70: {  	v23 =	vld [tilespmem:s26+$0xFFFFFFB0]  }
0x71: {  	v37 =	vld [tilespmem:s24+$0xFFFFFFB0]  }
0x72: {  	v38 =	vld [tilespmem:s26+$0xFFFFFFE0]  }
0x73: {  	v46 =	vld [tilespmem:s24+$0x0]  }
0x74: {  	v47 =	vld [tilespmem:s26+$0x10]  }
0x75: {  	v41 =	vld [tilespmem:s24+$0x10]  }
0x76: {  	v15 =	vld [tilespmem:s26+$0xFFFFFFC0]  }
0x77: {  	v16 =	vld [tilespmem:s24+$0xFFFFFFC0]  }
0x78: {  	v17 =	vld [tilespmem:s26+$0xFFFFFFD0]  }
0x79: {  	v18 =	vld [tilespmem:s24+$0xFFFFFFD0]  }
0x7a: {  	v39 =	vld [tilespmem:s26+$0xFFFFFF60]  }
0x7b: {  	v40 =	vld [tilespmem:s24+$0xFFFFFF60]  }
0x7c: {  	v22 =	vld [tilespmem:s24+$0xFFFFFF80]  }
0x7d: {  	v21 =	vld [tilespmem:s24+$0xFFFFFF90]  }
0x7e: {  	v12 =	vld [tilespmem:s24+$0xFFFFFEF0]  }
0x7f: {  	v19 =	vld [tilespmem:s26+$0xFFFFFF20]  }
0x80: {  	v27 =	vld [tilespmem:s26+$0xFFFFFEB0]  }
0x81: {  	v28 =	vld [tilespmem:s24+$0xFFFFFEB0]  }
0x82: {  	v24 =	vld [tilespmem:s24+$0xFFFFFF00]  }
0x83: {  	v25 =	vld [tilespmem:s26+$0xFFFFFF10]  }
0x84: {  	v26 =	vld [tilespmem:s24+$0xFFFFFF10]  }
0x85: {  	[tilespmem:$0x1FEA0] =	vst v49;
	v49 =	vld [tilespmem:s24+$0xF0]  }
0x86: {  	[tilespmem:$0x1FEC0] =	vst v51;
	v51 =	vld [tilespmem:s24+$0xD0]  }
0x87: {  	[tilespmem:$0x1FFA0] =	vst v55;
	v55 =	vld [tilespmem:s24+$0x60]  }
0x88: {  	[tilespmem:$0x1FF00] =	vst v58;
	v58 =	vld [tilespmem:s26+$0x40]  }
0x89: {  	[tilespmem:$0x1FF10] =	vst v59;
	v59 =	vld [tilespmem:s24+$0x40]  }
0x8a: {  	[tilespmem:$0x1FF20] =	vst v60;
	v60 =	vld [tilespmem:s26+$0x50]  }
0x8b: {  	[tilespmem:$0x1FF30] =	vst v61;
	v61 =	vld [tilespmem:s24+$0x50]  }
0x8c: {  	[tilespmem:$0x1FF80] =	vst v52;
	v52 =	vld [tilespmem:s26+$0x0]  }
0x8d: {  	[tilespmem:$0x1FF40] =	vst v9;
	v9 =	vld [tilespmem:s26+$0xFFFFFF70]  }
0x8e: {  	[tilespmem:$0x1FF60] =	vst v11;
	v11 =	vld [tilespmem:s24+$0xFFFFFF70]  }
0x8f: {  	[tilespmem:$0x1FF90] =	vst v54;
	v54 =	vld [tilespmem:s26+$0xFFFFFFA0]  }
0x90: {  	[tilespmem:$0x1FED0] =	vst v53;
	v53 =	vld [tilespmem:s24+$0xFFFFFFA0]  }
0x91: {  	[tilespmem:$0x1FFC0] =	vst v36;
	v36 =	vld [tilespmem:s26+$0xFFFFFF80]  }
0x92: {  	[tilespmem:$0x1FFB0] =	vst v35;
	v35 =	vld [tilespmem:s26+$0xFFFFFF90]  }
0x93: {  	[tilespmem:$0x1FF50] =	vst v10;
	v10 =	vld [tilespmem:s26+$0xFFFFFEF0]  }
0x94: {  	[tilespmem:$0x1FFF0] =	vst v40;
	v40 =	vld [tilespmem:s26+$0xFFFFFF40]  }
0x95: {  	[tilespmem:$0x1FF70] =	vst v38;
	v38 =	vld [tilespmem:s24+$0xFFFFFF40]  }
0x96: {  	[tilespmem:$0x1FFE0] =	vst v39;
	v39 =	vld [tilespmem:s26+$0xFFFFFF50]  }
0x97: {  	[tilespmem:$0x1FFD0] =	vst v37;
	v37 =	vld [tilespmem:s24+$0xFFFFFF50]  }
0x98: {  	[tilespmem:$0x1FEF0] =	vst v57;
	v57 =	vld [tilespmem:s26+$0xFFFFFEE0]  }
0x99: {  	[tilespmem:$0x1FEE0] =	vst v56;
	v56 =	vld [tilespmem:s24+$0xFFFFFEE0]  }
0x9a: {  	[tilespmem:$0x1FEB0] =	vst v50;
	v50 =	vld [tilespmem:s26+$0xFFFFFF00]  }
0x9b: {  	v32 =	vmul.f32 v29, v32;
	v29 =	vld [tilespmem:s26+$0xFFFFFE30]  }
0x9c: {  	v31 =	vmul.f32 v31, v30;
	v30 =	vld [tilespmem:s24+$0xFFFFFE30]  }
0x9d: {  	[tilespmem:$0x1FE90] =	vst v0;
	v42 =	vmul.f32 v43, v42;
	v0 =	vld [tilespmem:$0x1FF80]  }
0x9e: {  	v43 =	vmul.f32 v45, v44;
	v44 =	vmul.f32 v1, v48;
	v48 =	vld [tilespmem:$0x1FF90]  }
0x9f: {  	v33 =	vmul.f32 v33, v62;
	v62 =	vld [tilespmem:$0x1FFB0]  }
0xa0: {  	v42 =	vadd.f32 v43, v42;
	v43 =	vld [tilespmem:s24+$0xFFFFFE80]  }
0xa1: {  	v45 =	vmul.f32 v51, v2;
	v51 =	vld [tilespmem:$0x1FFA0]  }
0xa2: {  	v2 =	vld [tilespmem:s26+$0xFFFFFED0]  }
0xa3: {  	v58 =	vmul.f32 v59, v58;
	v59 =	vmul.f32 v46, v52;
	v46 =	vld [tilespmem:s26+$0xFFFFFE80]  }
0xa4: {  	v21 =	vmul.f32 v21, v35;
	v35 =	vld [tilespmem:s24+$0xFFFFFE00]  }
0xa5: {  	v22 =	vmul.f32 v22, v36;
	v36 =	vld [tilespmem:s26+$0xFFFFFE00];
	v63 =	vmul.f32 v63, v0;
	v0 =	vadd.f32 v32, v31  }
0xa6: {  	v37 =	vmul.f32 v37, v39;
	v39 =	vld [tilespmem:s24+$0xFFFFFE10]  }
0xa7: {  	v38 =	vmul.f32 v38, v40;
	v40 =	vld [tilespmem:s24+$0xFFFFFE40];
	v0 =	vadd.f32 v63, v0;
	v63 =	vmul.f32 v51, v48  }
0xa8: {  	v31 =	vld [tilespmem:s26+$0xFFFFFEA0];
	v44 =	vadd.f32 v45, v44;
	v21 =	vadd.f32 v21, v22;
	v51 =	vmul.f32 v7, v5  }
0xa9: {  	v45 =	vld [tilespmem:s24+$0xFFFFFEC0];
	v22 =	vmul.f32 v53, v54;
	v42 =	vadd.f32 v63, v42;
	v63 =	vmul.f32 v14, v13  }
0xaa: {  	v53 =	vld [tilespmem:$0x1FFD0];
	v44 =	vadd.f32 v33, v44;
	v5 =	vmul.f32 v49, v20;
	v0 =	vadd.f32 v51, v0  }
0xab: {  	v42 =	vadd.f32 v63, v42;
	v63 =	vld [tilespmem:$0x1FFC0]  }
0xac: {  	v54 =	vld [tilespmem:$0x1FFE0];
	v49 =	vmul.f32 v55, v34;
	v55 =	vadd.f32 v5, v44;
	(xrf2) =	vadd.scan.msk.f32 $0xffff, v0  }
0xad: {  	v48 =	vld [tilespmem:s26+$0xFFFFFEC0];
	v7 =	vmul.f32 v61, v60;
	(xrf2) =	vadd.scan.msk.f32 $0xffff, v42  }
0xae: {  	v41 =	vmul.f32 v41, v47;
	v51 =	vld [tilespmem:s24+$0xFFFFFED0];
	(xrf2) =	vadd.scan.msk.f32 $0xffff, v55  }
0xaf: {  	v58 =	vadd.f32 v7, v58;
	v55 =	vld [tilespmem:$0x1FFF0]  }
0xb0: {  	v32 =	vld [tilespmem:s24+$0xFFFFFEA0];
	v61 =	vadd.f32 v41, v59;
	v7 =	vmul.f32 v63, v62  }
0xb1: {  	v52 =	vmul.f32 v4, v3;
	v60 =	vmul.f32 v8, v6;
	v41 =	vld [tilespmem:s26+$0xFFFFFE90];
	v0 =	vadd.f32 v49, v58  }
0xb2: {  	v21 =	vadd.f32 v22, v21;
	v8 =	vld [tilespmem:s24+$0xFFFFFE90];
	v22 =	vmul.f32 v53, v23;
	v49 =	vadd.f32 v7, v61  }
0xb3: {  	v38 =	vadd.f32 v37, v38;
	v37 =	vld [tilespmem:s26+$0xFFFFFE10];
	v0 =	vadd.f32 v60, v0;
	v60 =	vmul.f32 v45, v48  }
0xb4: {  	v33 =	vld [tilespmem:s26+$0xFFFFFE20];
	v22 =	vadd.f32 v22, v21;
	v61 =	vmul.f32 v51, v2;
	v58 =	vmul.f32 v55, v54  }
0xb5: {  	v34 =	vld [tilespmem:s24+$0xFFFFFE20];
	v44 =	vmul.f32 v43, v46;
	v62 =	vmul.f32 v11, v9;
	v59 =	vadd.f32 v52, v49  }
0xb6: {  	v43 =	vld [tilespmem:s24+$0xFFFFFE50];
	(xrf2) =	vadd.scan.msk.f32 $0xffff, v0;
	v63 =	vmul.f32 v56, v57;
	v45 =	vadd.f32 v61, v60;
	v42 =	vadd.f32 v58, v38;
	v49, _, _ =	vpop (xrf2)  }
0xb7: {  	v47 =	vmul.f32 v8, v41;
	v41 =	vld [tilespmem:s26+$0xFFFFFE50];
	(xrf2) =	vadd.scan.msk.f32 $0xffff, v59;
	v21, _, _ =	vpop (xrf2)  }
0xb8: {  	s29 =	simm.s32 $0x40;
	s28 =	simm.s32 $0x0;
	v46 =	vmul.f32 v12, v10;
	v38 =	vld [tilespmem:s26+$0xFFFFFE40];
	v45 =	vadd.f32 v63, v45;
	(xrf2) =	vadd.scan.msk.f32 $0xffff, v22;
	v42 =	vadd.f32 v62, v42;
	v22, _, _ =	vpop (xrf2)  }
.LBB2_2:
0xb9: {  	v48 =	vld [tilespmem:s26+$0xFFFFFE60]  }
0xba: {  	v8 =	vld [tilespmem:s24+$0xFFFFFE60]  }
0xbb: {  	v10 =	vld [tilespmem:s26+$0xFFFFFE70]  }
0xbc: {  	v11 =	vld [tilespmem:s24+$0xFFFFFE70]  }
0xbd: {  	v15 =	vmul.f32 v16, v15;
	v16 =	vmul.f32 v18, v17;
	v17 =	vld [tilespmem:s24+$0xA0]  }
0xbe: {  	v0 =	vld [tilespmem:$0x1FF70]  }
0xbf: {  	v1 =	vld [tilespmem:$0x1FF40]  }
0xc0: {  	v51 =	vld [tilespmem:$0x1FF50]  }
0xc1: {  	v52 =	vld [tilespmem:$0x1FF60]  }
0xc2: {  	v12 =	vld [tilespmem:s24+$0x160]  }
0xc3: {  	v53 =	vld [tilespmem:$0x1FF20]  }
0xc4: {  	v54 =	vld [tilespmem:s24+$0x170]  }
0xc5: {  	v55 =	vld [tilespmem:$0x1FEE0]  }
0xc6: {  	v56 =	vld [tilespmem:$0x1FEF0]  }
0xc7: {  	v57 =	vld [tilespmem:$0x1FF00]  }
0xc8: {  	v58 =	vld [tilespmem:$0x1FF10];
	v32 =	vmul.f32 v32, v31  }
0xc9: {  	v59 =	vld [tilespmem:$0x1FED0];
	v35 =	vmul.f32 v35, v36;
	v7 =	vmul.f32 v39, v37  }
0xca: {  	v61 =	vld [tilespmem:$0x1FE90];
	v44 =	vadd.f32 v47, v44;
	(xrf2) =	vadd.scan.msk.f32 $0xffff, v42;
	v27 =	vmul.f32 v28, v27;
	v33 =	vmul.f32 v34, v33  }
0xcb: {  	v9 =	vadd.f32 v46, v45;
	v47 =	vld [tilespmem:s24+$0xFFFFFF30];
	v40 =	vmul.f32 v40, v38;
	v43 =	vmul.f32 v43, v41  }
0xcc: {  	v29 =	vmul.f32 v30, v29;
	v32 =	vadd.f32 v32, v44;
	v28 =	vadd.f32 v7, v35;
	v44 =	vld [tilespmem:s24+$0xFFFFFF20]  }
0xcd: {  	v30 =	vld [tilespmem:s26+$0xFFFFFF30];
	v23 =	vmul.f32 v24, v50;
	v24 =	vmul.f32 v26, v25;
	v31, _, _ =	vpop (xrf2);
	(xrf2) =	vadd.scan.msk.f32 $0xffff, v9;
	v45 =	vadd.f32 v43, v40  }
0xce: {  	v25 =	vld [tilespmem:s24+$0xFFFFFFE0];
	v46 =	vmul.f32 v8, v48;
	v27 =	vadd.f32 v27, v32;
	v28 =	vadd.f32 v33, v28  }
0xcf: {  	v50 =	vld [tilespmem:$0x1FF30]  }
0xd0: {  	v48 =	vld [tilespmem:s26+$0xFFFFFFF0];
	v38, _, _ =	vpop (xrf2);
	(xrf2) =	vadd.scan.msk.f32 $0xffff, v27;
	v27 =	vadd.f32 v29, v28;
	v28 =	vadd.f32 v46, v45;
	v29 =	vmul.f32 v11, v10  }
0xd1: {  	v23 =	vadd.f32 v24, v23;
	v24 =	vld [tilespmem:s24+$0xFFFFFFF0];
	v20 =	vmul.f32 v44, v19  }
0xd2: {  	v62 =	vld [tilespmem:$0x1FEA0];
	v26, _, _ =	vpop (xrf2);
	(xrf2) =	vadd.scan.msk.f32 $0xffff, v27;
	v27 =	vadd.f32 v29, v28  }
0xd3: {  	v15 =	vadd.f32 v16, v15;
	v16 =	vld [tilespmem:s24+$0xB0];
	v20 =	vadd.f32 v20, v23;
	v23 =	vmul.f32 v47, v30  }
0xd4: {  	v14 =	vmul.f32 v25, v0;
	v18, _, _ =	vpop (xrf2);
	v28 =	vld [tilespmem:s26+$0xB0];
	(xrf2) =	vadd.scan.msk.f32 $0xffff, v27  }
0xd5: {  	v34 =	vld [tilespmem:$0x1FEC0];
	v10 =	vmul.f32 v1, v50;
	v11 =	vmul.f32 v52, v51;
	v20 =	vadd.f32 v23, v20  }
0xd6: {  	v33 =	vld [tilespmem:$0x1FEB0];
	v14 =	vadd.f32 v14, v15;
	v15 =	vmul.f32 v24, v48  }
0xd7: {  	v9 =	vmul.f32 v17, v53;
	v10 =	vadd.f32 v11, v10;
	v13, _, _ =	vpop (xrf2);
	v23 =	vld [tilespmem:s26+$0x170];
	(xrf2) =	vadd.scan.msk.f32 $0xffff, v20  }
0xd8: {  	v5 =	vmul.f32 v56, v55;
	v6 =	vmul.f32 v58, v57;
	v7 =	vld [tilespmem:s26+$0x1E0];
	v14 =	vadd.f32 v15, v14  }
0xd9: {  	v15 =	vld [tilespmem:s24+$0x1E0];
	v9 =	vadd.f32 v9, v10;
	v16 =	vmul.f32 v16, v28  }
0xda: {  	v60 =	vld [tilespmem:s26+$0x1F0];
	v4 =	vmul.f32 v12, v59;
	v5 =	vadd.f32 v6, v5;
	v8, _, _ =	vpop (xrf2);
	(xrf2) =	vadd.scan.msk.f32 $0xffff, v14  }
0xdb: {  	v3 =	vld [tilespmem:s24+$0x1F0];
	v2 =	vmul.f32 v62, v61;
	v9 =	vadd.f32 v16, v9  }
0xdc: {  	v12 =	vadd.f32 v4, v5;
	v0 =	vmul.f32 v34, v33;
	v32 =	vmul.f32 v54, v23  }
0xdd: {  	v63, _, _ =	vpop (xrf2);
	(xrf2) =	vadd.scan.msk.f32 $0xffff, v9  }
0xde: {  	v0 =	vadd.f32 v0, v2;
	v36 =	vmul.f32 v15, v7;
	v35 =	vadd.f32 v32, v12;
	v37, _, _ =	vpop (xrf2)  }
0xdf: {  	v39 =	vbroadcast v63, $0xF;
	v40 =	vbroadcast v37, $0xF  }
0xe0: {  	v42 =	vmul.f32 v3, v60;
	v0 =	vadd.f32 v36, v0;
	v41 =	vbroadcast v8, $0xF;
	(xrf2) =	vadd.scan.msk.f32 $0xffff, v35  }
0xe1: {  	v44 =	vbroadcast v13, $0xF;
	v43 =	vsel vm0, v39, v40;
	v45, _, _ =	vpop (xrf2)  }
0xe2: {  	v0 =	vadd.f32 v42, v0;
	v1 =	vsel vm1, v43, v41;
	v46 =	vbroadcast v45, $0xF  }
0xe3: {  	v47 =	vbroadcast v18, $0xF;
	v1 =	vsel vm2, v1, v44  }
0xe4: {  	v48 =	vbroadcast v26, $0xF;
	v1 =	vsel vm3, v1, v46;
	v50, _, _ =	vpop (xrf2);
	(xrf2) =	vadd.scan.msk.f32 $0xffff, v0  }
0xe5: {  	v51 =	vsel vm4, v1, v47;
	v52 =	vbroadcast v50, $0xF  }
0xe6: {  	v53 =	vbroadcast v38, $0xF;
	v0 =	vsel vm5, v51, v48  }
0xe7: {  	v54 =	vbroadcast v31, $0xF;
	v55, _, _ =	vpop (xrf2);
	v0 =	vsel vm6, v0, v52  }
0xe8: {  	v56 =	vbroadcast v55, $0xF;
	v0 =	vsel vm7, v0, v53  }
0xe9: {  	v57 =	vbroadcast v22, $0xF;
	v0 =	vsel vm8, v0, v54  }
0xea: {  	s31 =	sshra.s32 s28, $0x2;
	v58 =	vbroadcast v21, $0xF;
	v59, _, _ =	vpop (xrf2);
	v0 =	vsel vm9, v0, v56  }
0xeb: {  	v61 =	vld [tilespmem:s31+$0x10400];
	v60 =	vbroadcast v59, $0xF;
	v0 =	vsel vm10, v0, v57  }
0xec: {  	v62 =	vbroadcast v49, $0xF;
	v0 =	vsel vm11, v0, v58  }
0xed: {  	v63 =	vld [tilespmem:s31+$0x10600];
	v0 =	vsel vm12, v0, v60  }
0xee: {  	v0 =	vsel vm13, v0, v62;
	v5, _, _ =	vpop (xrf2)  }
0xef: {  	v0 =	vsel vm14, v0, v5  }
0xf0: {  	v0 =	vadd.f32 v0, v61;
	_ =	sdelay $0x1  }
0xf1: {  	v0 =	vadd.f32 v0, v63;
	_ =	sdelay $0x1  }
0xf2: {  	s26 =	sadd.s32 $0x400, s26;
	[tilespmem:s31+$0x10800] =	vst v0  }
0xf3: {  	s24 =	sadd.s32 $0x400, s24;
	v0 =	vld [tilespmem:s26+$0x1B0]  }
0xf4: {  	v21 =	vld [tilespmem:s24+$0x1B0]  }
0xf5: {  	v6 =	vld [tilespmem:s26+$0x1C0]  }
0xf6: {  	v7 =	vld [tilespmem:s24+$0x1C0]  }
0xf7: {  	v8 =	vld [tilespmem:s26+$0x1D0]  }
0xf8: {  	v9 =	vld [tilespmem:s24+$0x1D0]  }
0xf9: {  	v26 =	vld [tilespmem:s26+$0x1A0]  }
0xfa: {  	v29 =	vld [tilespmem:s24+$0x1A0]  }
0xfb: {  	v33 =	vld [tilespmem:s26+$0x130]  }
0xfc: {  	v35 =	vld [tilespmem:s24+$0x130]  }
0xfd: {  	v10 =	vld [tilespmem:s26+$0x160]  }
0xfe: {  	v24 =	vld [tilespmem:s26+$0x180]  }
0xff: {  	v25 =	vld [tilespmem:s24+$0x180]  }
0x100: {  	v30 =	vld [tilespmem:s26+$0x190]  }
0x101: {  	v47 =	vld [tilespmem:s24+$0x190]  }
0x102: {  	v22 =	vld [tilespmem:s26+$0xF0]  }
0x103: {  	v34 =	vld [tilespmem:s24+$0xF0]  }
0x104: {  	v31 =	vld [tilespmem:s26+$0x120]  }
0x105: {  	v32 =	vld [tilespmem:s24+$0x120]  }
0x106: {  	v11 =	vld [tilespmem:s26+$0x140]  }
0x107: {  	v36 =	vld [tilespmem:s24+$0x140]  }
0x108: {  	v37 =	vld [tilespmem:s26+$0x150]  }
0x109: {  	v38 =	vld [tilespmem:s24+$0x150]  }
0x10a: {  	v41 =	vld [tilespmem:s26+$0xE0]  }
0x10b: {  	v44 =	vld [tilespmem:s24+$0xE0]  }
0x10c: {  	v53 =	vld [tilespmem:s26+$0x100]  }
0x10d: {  	v54 =	vld [tilespmem:s24+$0x100]  }
0x10e: {  	v55 =	vld [tilespmem:s26+$0x110]  }
0x10f: {  	v56 =	vld [tilespmem:s24+$0x110]  }
0x110: {  	v39 =	vld [tilespmem:s26+$0x70]  }
0x111: {  	v40 =	vld [tilespmem:s26+$0xA0]  }
0x112: {  	v57 =	vld [tilespmem:s26+$0xC0]  }
0x113: {  	v58 =	vld [tilespmem:s24+$0xC0]  }
0x114: {  	v59 =	vld [tilespmem:s26+$0xD0]  }
0x115: {  	v60 =	vld [tilespmem:s24+$0xD0]  }
0x116: {  	v42 =	vld [tilespmem:s26+$0x30]  }
0x117: {  	v51 =	vld [tilespmem:s26+$0x60]  }
0x118: {  	v52 =	vld [tilespmem:s24+$0x60]  }
0x119: {  	v43 =	vld [tilespmem:s26+$0x80]  }
0x11a: {  	v45 =	vld [tilespmem:s24+$0x80]  }
0x11b: {  	v46 =	vld [tilespmem:s26+$0x90]  }
0x11c: {  	v48 =	vld [tilespmem:s24+$0x90]  }
0x11d: {  	v61 =	vld [tilespmem:s26+$0x40]  }
0x11e: {  	v62 =	vld [tilespmem:s24+$0x40]  }
0x11f: {  	v63 =	vld [tilespmem:s26+$0x50]  }
0x120: {  	v49 =	vld [tilespmem:s26+$0xFFFFFFE0]  }
0x121: {  	v1 =	vld [tilespmem:s26+$0x0]  }
0x122: {  	v2 =	vld [tilespmem:s24+$0x0]  }
0x123: {  	v3 =	vld [tilespmem:s26+$0x10]  }
0x124: {  	v4 =	vld [tilespmem:s24+$0x10]  }
0x125: {  	v50 =	vld [tilespmem:s26+$0xFFFFFF70]  }
0x126: {  	v5 =	vld [tilespmem:s26+$0xFFFFFFA0]  }
0x127: {  	v23 =	vld [tilespmem:s24+$0xFFFFFFC0]  }
0x128: {  	v12 =	vld [tilespmem:s24+$0xFFFFFF90]  }
0x129: {  	v13 =	vld [tilespmem:s26+$0xFFFFFEF0]  }
0x12a: {  	v19 =	vld [tilespmem:s26+$0xFFFFFF20]  }
0x12b: {  	v14 =	vld [tilespmem:s24+$0xFFFFFF40]  }
0x12c: {  	v15 =	vld [tilespmem:s26+$0xFFFFFF50]  }
0x12d: {  	v16 =	vld [tilespmem:s24+$0xFFFFFF50]  }
0x12e: {  	v27 =	vld [tilespmem:s26+$0xFFFFFEB0]  }
0x12f: {  	v28 =	vld [tilespmem:s24+$0xFFFFFEB0]  }
0x130: {  	v17 =	vld [tilespmem:s26+$0xFFFFFEE0]  }
0x131: {  	v18 =	vld [tilespmem:s24+$0xFFFFFEE0]  }
0x132: {  	[tilespmem:$0x1FE50] =	vst v39;
	v39 =	vld [tilespmem:s24+$0x70]  }
0x133: {  	[tilespmem:$0x1FF10] =	vst v38;
	v38 =	vld [tilespmem:s24+$0x30]  }
0x134: {  	[tilespmem:$0x1FF60] =	vst v48;
	v48 =	vld [tilespmem:s26+$0x20]  }
0x135: {  	[tilespmem:$0x1FEF0] =	vst v36;
	v36 =	vld [tilespmem:s24+$0x20]  }
0x136: {  	[tilespmem:$0x1FE40] =	vst v0;
	v0 =	vld [tilespmem:s24+$0x50]  }
0x137: {  	[tilespmem:$0x1FF00] =	vst v37;
	v37 =	vld [tilespmem:s26+$0xFFFFFFB0]  }
0x138: {  	[tilespmem:$0x1FF40] =	vst v45;
	v45 =	vld [tilespmem:s24+$0xFFFFFFB0]  }
0x139: {  	[tilespmem:$0x1FF20] =	vst v40;
	v40 =	vld [tilespmem:s24+$0xFFFFFF70]  }
0x13a: {  	[tilespmem:$0x1FE90] =	vst v6;
	v6 =	vld [tilespmem:s24+$0xFFFFFFA0]  }
0x13b: {  	[tilespmem:$0x1FF70] =	vst v49;
	v49 =	vld [tilespmem:s26+$0xFFFFFFC0]  }
0x13c: {  	[tilespmem:$0x1FF30] =	vst v43;
	v43 =	vld [tilespmem:s26+$0xFFFFFFD0]  }
0x13d: {  	[tilespmem:$0x1FE60] =	vst v42;
	v42 =	vld [tilespmem:s24+$0xFFFFFFD0]  }
0x13e: {  	[tilespmem:$0x1FEA0] =	vst v7;
	v7 =	vld [tilespmem:s26+$0xFFFFFF60]  }
0x13f: {  	[tilespmem:$0x1FEB0] =	vst v8;
	v8 =	vld [tilespmem:s24+$0xFFFFFF60]  }
0x140: {  	[tilespmem:$0x1FEC0] =	vst v9;
	v9 =	vld [tilespmem:s26+$0xFFFFFF80]  }
0x141: {  	[tilespmem:$0x1FED0] =	vst v10;
	v10 =	vld [tilespmem:s24+$0xFFFFFF80]  }
0x142: {  	[tilespmem:$0x1FEE0] =	vst v11;
	v11 =	vld [tilespmem:s26+$0xFFFFFF90]  }
0x143: {  	[tilespmem:$0x1FF50] =	vst v46;
	v46 =	vld [tilespmem:s24+$0xFFFFFEF0]  }
0x144: {  	[tilespmem:$0x1FE80] =	vst v13;
	v13 =	vld [tilespmem:s26+$0xFFFFFF40]  }
0x145: {  	[tilespmem:$0x1FE70] =	vst v50;
	v50 =	vld [tilespmem:s26+$0xFFFFFF00]  }
0x146: {  	v20 =	vmul.f32 v25, v24;
	v24 =	vld [tilespmem:s24+$0xFFFFFF00]  }
0x147: {  	v30 =	vmul.f32 v47, v30;
	v25 =	vld [tilespmem:s26+$0xFFFFFF10]  }
0x148: {  	v47 =	vmul.f32 v54, v53;
	v53 =	vmul.f32 v32, v31;
	v31 =	vld [tilespmem:s26+$0xFFFFFEA0]  }
0x149: {  	v32 =	vld [tilespmem:s24+$0xFFFFFEA0]  }
0x14a: {  	v58 =	vmul.f32 v58, v57;
	v57 =	vmul.f32 v60, v59;
	v60 =	vld [tilespmem:s24+$0xFFFFFED0]  }
0x14b: {  	v22 =	vmul.f32 v34, v22;
	v34 =	vld [tilespmem:s24+$0xFFFFFE20];
	v20 =	vadd.f32 v30, v20;
	v30 =	vmul.f32 v29, v26  }
0x14c: {  	v41 =	vmul.f32 v44, v41;
	v44 =	vld [tilespmem:s24+$0xFFFFFE80]  }
0x14d: {  	v20 =	vadd.f32 v30, v20;
	v30 =	vld [tilespmem:$0x1FE40]  }
0x14e: {  	v59 =	vmul.f32 v62, v61;
	v61 =	vmul.f32 v52, v51;
	v52 =	vld [tilespmem:s24+$0xFFFFFE90]  }
0x14f: {  	v51 =	vld [tilespmem:$0x1FE60];
	v58 =	vadd.f32 v57, v58  }
0x150: {  	v56 =	vmul.f32 v56, v55;
	v26 =	vld [tilespmem:s24+$0xFFFFFF10]  }
0x151: {  	v33 =	vmul.f32 v35, v33;
	v29 =	vld [tilespmem:s26+$0xFFFFFE30];
	v35 =	vadd.f32 v41, v58  }
0x152: {  	v47 =	vadd.f32 v56, v47;
	v41 =	vld [tilespmem:s26+$0xFFFFFE50];
	v21 =	vmul.f32 v21, v30  }
0x153: {  	v0 =	vmul.f32 v0, v63;
	v57 =	vmul.f32 v45, v37;
	v37 =	vld [tilespmem:s26+$0xFFFFFE10];
	v63 =	vadd.f32 v22, v35  }
0x154: {  	v35 =	vld [tilespmem:$0x1FE50];
	v20 =	vadd.f32 v21, v20;
	v21 =	vadd.f32 v53, v47  }
0x155: {  	v1 =	vmul.f32 v2, v1;
	v22 =	vld [tilespmem:s26+$0xFFFFFE80]  }
0x156: {  	v62 =	vmul.f32 v4, v3;
	v2 =	vmul.f32 v38, v51;
	v38 =	vld [tilespmem:s26+$0xFFFFFE40];
	v21 =	vadd.f32 v33, v21  }
0x157: {  	v47 =	vld [tilespmem:s26+$0xFFFFFEC0];
	(xrf2) =	vadd.scan.msk.f32 $0xffff, v20  }
0x158: {  	v1 =	vadd.f32 v62, v1;
	v9 =	vmul.f32 v10, v9;
	v62 =	vmul.f32 v12, v11;
	v20 =	vld [tilespmem:s24+$0xFFFFFEC0];
	(xrf2) =	vadd.scan.msk.f32 $0xffff, v21  }
0x159: {  	v0 =	vadd.f32 v0, v59;
	(xrf2) =	vadd.scan.msk.f32 $0xffff, v63;
	v63 =	vld [tilespmem:s26+$0xFFFFFE90]  }
0x15a: {  	v55 =	vmul.f32 v16, v15;
	v9 =	vadd.f32 v62, v9;
	v62 =	vmul.f32 v18, v17;
	v53 =	vld [tilespmem:s26+$0xFFFFFED0]  }
0x15b: {  	v17 =	vmovc v43;
	v43 =	vld [tilespmem:s24+$0xFFFFFE50];
	v0 =	vadd.f32 v61, v0;
	v4 =	vmul.f32 v39, v35;
	v39 =	vmul.f32 v36, v48  }
0x15c: {  	v5 =	vmul.f32 v6, v5;
	v54 =	vmul.f32 v14, v13;
	v61 =	vld [tilespmem:$0x1FE70]  }
0x15d: {  	v58 =	vmul.f32 v8, v7;
	v30 =	vld [tilespmem:s24+$0xFFFFFE30];
	v0 =	vadd.f32 v4, v0;
	v1 =	vadd.f32 v39, v1  }
0x15e: {  	p0 =	sne.s32 s29, $0x1C0;
	v56 =	vadd.f32 v5, v9;
	v59 =	vmul.f32 v20, v47;
	v47 =	vmul.f32 v52, v63;
	v63 =	vld [tilespmem:$0x1FE80]  }
.Ltmp0:
0x15f: {  	v35 =	vld [tilespmem:s24+$0xFFFFFE00];
	v1 =	vadd.f32 v2, v1;
	v60 =	vmul.f32 v60, v53;
	(xrf2) =	vadd.scan.msk.f32 $0xffff, v0;
	v0 =	vadd.f32 v55, v54;
	(pc) =	sbr.rel @p0 .LBB2_2-.Ltmp0, $4  }
0x160: {  	v15 =	vmov v49;
	v36 =	vld [tilespmem:s26+$0xFFFFFE00];
	v2 =	vadd.f32 v57, v56  }
0x161: {  	v33 =	vld [tilespmem:s26+$0xFFFFFE20];
	v5 =	vmul.f32 v40, v61;
	v0 =	vadd.f32 v58, v0;
	v49, _, _ =	vpop (xrf2);
	(xrf2) =	vadd.scan.msk.f32 $0xffff, v1;
	v1 =	vadd.f32 v60, v59  }
0x162: {  	v16 =	vmov v23;
	v18 =	vmov v42;
	v44 =	vmul.f32 v44, v22;
	v39 =	vld [tilespmem:s24+$0xFFFFFE10];
	v21, _, _ =	vpop (xrf2)  }
0x163: {  	s28 =	smov.u32 s29;
	s29 =	sadd.s32 $0x40, s29;
	v40 =	vld [tilespmem:s24+$0xFFFFFE40];
	v42 =	vadd.f32 v5, v0;
	(xrf2) =	vadd.scan.msk.f32 $0xffff, v2;
	v45 =	vadd.f32 v62, v1;
	v22, _, _ =	vpop (xrf2);
	v46 =	vmul.f32 v46, v63  }
0x164: {  	v0 =	vld [tilespmem:s26+$0xFFFFFE60]  }
0x165: {  	v1 =	vld [tilespmem:s24+$0xFFFFFE60]  }
0x166: {  	v4 =	vld [tilespmem:s26+$0xFFFFFE70]  }
0x167: {  	v8 =	vld [tilespmem:s24+$0xFFFFFE70]  }
0x168: {  	v10 =	vld [tilespmem:s24+$0xFFFFFF20]  }
0x169: {  	v12 =	vld [tilespmem:s26+$0xFFFFFF30]  }
0x16a: {  	v48 =	vld [tilespmem:s24+$0xFFFFFF30]  }
0x16b: {  	v14 =	vld [tilespmem:s24+$0xFFFFFFE0]  }
0x16c: {  	v54 =	vld [tilespmem:s26+$0xFFFFFFF0]  }
0x16d: {  	v56 =	vld [tilespmem:s24+$0xFFFFFFF0]  }
0x16e: {  	v59 =	vld [tilespmem:s24+$0xA0]  }
0x16f: {  	v61 =	vld [tilespmem:s26+$0xB0]  }
0x170: {  	v62 =	vld [tilespmem:$0x1FF70]  }
0x171: {  	v63 =	vld [tilespmem:s24+$0xB0]  }
0x172: {  	v9 =	vmul.f32 v43, v41;
	v41 =	vld [tilespmem:$0x1FF20]  }
0x173: {  	v2 =	vadd.f32 v47, v44;
	v44 =	vld [tilespmem:$0x1FEE0]  }
0x174: {  	v5 =	vmul.f32 v35, v36;
	v35 =	vld [tilespmem:$0x1FF50]  }
0x175: {  	v3 =	vmul.f32 v32, v31;
	v36 =	vld [tilespmem:$0x1FF60]  }
0x176: {  	v11 =	vmul.f32 v28, v27;
	(xrf2) =	vadd.scan.msk.f32 $0xffff, v42;
	v42 =	vld [tilespmem:s24+$0x170];
	v6 =	vmul.f32 v39, v37  }
0x177: {  	v51 =	vmul.f32 v24, v50;
	v7 =	vadd.f32 v46, v45;
	v45 =	vld [tilespmem:$0x1FEF0];
	v46 =	vmul.f32 v40, v38  }
0x178: {  	v2 =	vadd.f32 v3, v2;
	v47 =	vmul.f32 v34, v33;
	v33 =	vld [tilespmem:$0x1FF30];
	v5 =	vadd.f32 v6, v5  }
0x179: {  	v52 =	vmul.f32 v26, v25;
	v34 =	vld [tilespmem:$0x1FF40];
	v0 =	vmul.f32 v1, v0;
	v3 =	vadd.f32 v9, v46  }
0x17a: {  	v13 =	vmul.f32 v30, v29;
	v37 =	vld [tilespmem:s24+$0x160];
	v2 =	vadd.f32 v11, v2;
	v5 =	vadd.f32 v47, v5  }
0x17b: {  	v39 =	vld [tilespmem:s26+$0x170];
	v53 =	vmul.f32 v8, v4;
	v6 =	vadd.f32 v52, v51;
	v0 =	vadd.f32 v0, v3  }
0x17c: {  	(xrf2) =	vadd.scan.msk.f32 $0xffff, v7;
	v55 =	vmul.f32 v10, v19;
	v1 =	vmul.f32 v48, v12;
	v12 =	vld [tilespmem:$0x1FF10];
	v5 =	vadd.f32 v13, v5  }
0x17d: {  	v57 =	vmul.f32 v16, v15;
	v58 =	vmul.f32 v18, v17;
	v51 =	vld [tilespmem:$0x1FED0];
	(xrf2) =	vadd.scan.msk.f32 $0xffff, v2;
	v0 =	vadd.f32 v53, v0  }
0x17e: {  	v46 =	vld [tilespmem:$0x1FF00];
	v60 =	vadd.f32 v55, v6;
	(xrf2) =	vadd.scan.msk.f32 $0xffff, v5  }
0x17f: {  	v38 =	vmul.f32 v56, v54;
	v54 =	vld [tilespmem:$0x1FE90];
	v2 =	vadd.f32 v58, v57;
	v3 =	vmul.f32 v14, v62;
	(xrf2) =	vadd.scan.msk.f32 $0xffff, v0  }
0x180: {  	v56 =	vld [tilespmem:$0x1FEC0];
	v32 =	vadd.f32 v1, v60;
	v1 =	vmul.f32 v34, v33;
	v5 =	vmul.f32 v36, v35  }
0x181: {  	v14 =	vld [tilespmem:$0x1FEA0];
	v2 =	vadd.f32 v3, v2  }
0x182: {  	v40, _, _ =	vpop (xrf2);
	v55 =	vld [tilespmem:$0x1FEB0];
	v1 =	vadd.f32 v5, v1;
	v5 =	vmul.f32 v59, v41;
	(xrf2) =	vadd.scan.msk.f32 $0xffff, v32  }
0x183: {  	v48 =	vld [tilespmem:s24+$0x1E0];
	v43, _, _ =	vpop (xrf2);
	v3 =	vmul.f32 v45, v44;
	v11 =	vmul.f32 v12, v46;
	v2 =	vadd.f32 v38, v2  }
0x184: {  	v47 =	vmul.f32 v63, v61;
	v13, _, _ =	vpop (xrf2);
	v12 =	vld [tilespmem:s26+$0x1E0];
	v1 =	vadd.f32 v5, v1  }
0x185: {  	v52 =	vld [tilespmem:s26+$0x1F0];
	v10 =	vmul.f32 v37, v51;
	v50, _, _ =	vpop (xrf2);
	v3 =	vadd.f32 v11, v3;
	(xrf2) =	vadd.scan.msk.f32 $0xffff, v2  }
0x186: {  	v53, _, _ =	vpop (xrf2);
	v5 =	vmul.f32 v14, v54;
	v14 =	vld [tilespmem:s24+$0x1F0];
	v1 =	vadd.f32 v47, v1  }
0x187: {  	v4 =	vmul.f32 v42, v39;
	v9 =	vmul.f32 v56, v55;
	v3 =	vadd.f32 v10, v3;
	v15, _, _ =	vpop (xrf2)  }
0x188: {  	(xrf2) =	vadd.scan.msk.f32 $0xffff, v1;
	v57, _, _ =	vpop (xrf2)  }
0x189: {  	v60 =	vmul.f32 v48, v12;
	v58 =	vadd.f32 v4, v3;
	v59 =	vadd.f32 v9, v5;
	v61, _, _ =	vpop (xrf2)  }
0x18a: {  	v62 =	vbroadcast v57, $0xF;
	v5 =	vbroadcast v61, $0xF  }
0x18b: {  	v63 =	vbroadcast v15, $0xF;
	v3 =	vadd.f32 v60, v59;
	v10 =	vmul.f32 v14, v52;
	(xrf2) =	vadd.scan.msk.f32 $0xffff, v58  }
0x18c: {  	v2 =	vbroadcast v53, $0xF;
	v32, _, _ =	vpop (xrf2);
	v11 =	vsel vm0, v62, v5  }
0x18d: {  	v3 =	vadd.f32 v10, v3;
	v5 =	vbroadcast v32, $0xF;
	v1 =	vsel vm1, v11, v63  }
0x18e: {  	v33 =	vbroadcast v50, $0xF;
	v1 =	vsel vm2, v1, v2  }
0x18f: {  	v34 =	vbroadcast v13, $0xF;
	v35, _, _ =	vpop (xrf2);
	(xrf2) =	vadd.scan.msk.f32 $0xffff, v3;
	v1 =	vsel vm3, v1, v5  }
0x190: {  	v36 =	vbroadcast v35, $0xF;
	v1 =	vsel vm4, v1, v33  }
0x191: {  	v0 =	vbroadcast v43, $0xF;
	v1 =	vsel vm5, v1, v34  }
0x192: {  	v37 =	vbroadcast v40, $0xF;
	v38, _, _ =	vpop (xrf2);
	v1 =	vsel vm6, v1, v36  }
0x193: {  	v39 =	vbroadcast v38, $0xF;
	v0 =	vsel vm7, v1, v0  }
0x194: {  	v40 =	vbroadcast v22, $0xF;
	v0 =	vsel vm8, v0, v37  }
0x195: {  	s31 =	sshra.s32 s28, $0x2;
	v41 =	vbroadcast v21, $0xF;
	v42, _, _ =	vpop (xrf2);
	v0 =	vsel vm9, v0, v39  }
0x196: {  	v44 =	vld [tilespmem:s31+$0x10400];
	v43 =	vbroadcast v42, $0xF;
	v0 =	vsel vm10, v0, v40  }
0x197: {  	v45 =	vbroadcast v49, $0xF;
	v0 =	vsel vm11, v0, v41  }
0x198: {  	v46 =	vld [tilespmem:s31+$0x10600];
	v0 =	vsel vm12, v0, v43  }
0x199: {  	v47, _, _ =	vpop (xrf2);
	v0 =	vsel vm13, v0, v45  }
0x19a: {  	v0 =	vsel vm14, v0, v47  }
0x19b: {  	v0 =	vadd.f32 v0, v44;
	_ =	sdelay $0x1  }
0x19c: {  	v0 =	vadd.f32 v0, v46;
	_ =	sdelay $0x1  }
0x19d: {  	[tilespmem:s31+$0x10800] =	vst v0  }
0x19e: {  	_ =	swait.ge [sflag:s17], $0x2000  }
0x19f: {  	[sflag:s17] =	ssyncset.done $0x0  }
0x1a0: {  	[sflag:s17] =	ssyncadd.s32 $0xFFFFE000  }
0x1a1: {  	_ =	swait.ge [sflag:s17], $0x2000  }
0x1a2: {  	[sflag:s17] =	ssyncset.done $0x0  }
0x1a3: {  	[sflag:s17] =	ssyncadd.s32 $0xFFFFE000  }
0x1a4: {  	_ =	swait.ge [sflag:s17], $0x80  }
0x1a5: {  	[sflag:s17] =	ssyncset.done $0x0  }
0x1a6: {  	[sflag:s17] =	ssyncadd.s32 $0xFFFFFF80  }
0x1a7: {  	_ =	swait.ge [sflag:s17], $0x80  }
0x1a8: {  	[sflag:s17] =	ssyncset.done $0x0  }
0x1a9: {  	s26 =	simm.s32 $0x27F0;
	[sflag:s17] =	ssyncadd.s32 $0xFFFFFF80  }
0x1aa: {  	s24 =	simm.s32 $0xA7F0;
	v5 =	vld [tilespmem:s26+$0xFFFFFFC0]  }
0x1ab: {  	v8 =	vld [tilespmem:s24+$0xFFFFFFC0]  }
0x1ac: {  	v48 =	vld [tilespmem:s26+$0xFFFFFFD0]  }
0x1ad: {  	v49 =	vld [tilespmem:s24+$0xFFFFFFD0]  }
0x1ae: {  	v50 =	vld [tilespmem:s26+$0xFFFFFFE0]  }
0x1af: {  	v51 =	vld [tilespmem:s24+$0xFFFFFFE0]  }
0x1b0: {  	v52 =	vld [tilespmem:s26+$0xFFFFFFB0]  }
0x1b1: {  	v63 =	vld [tilespmem:s24+$0xFFFFFFB0]  }
0x1b2: {  	v13 =	vld [tilespmem:s26+$0xFFFFFF40]  }
0x1b3: {  	v14 =	vld [tilespmem:s24+$0xFFFFFF40]  }
0x1b4: {  	v53 =	vld [tilespmem:s26+$0xFFFFFF70]  }
0x1b5: {  	v30 =	vld [tilespmem:s26+$0xFFFFFF90]  }
0x1b6: {  	v31 =	vld [tilespmem:s24+$0xFFFFFF90]  }
0x1b7: {  	v32 =	vld [tilespmem:s26+$0xFFFFFFA0]  }
0x1b8: {  	v29 =	vld [tilespmem:s24+$0xFFFFFFA0]  }
0x1b9: {  	v20 =	vld [tilespmem:s26+$0xFFFFFF00]  }
0x1ba: {  	v54 =	vld [tilespmem:s26+$0xFFFFFF30]  }
0x1bb: {  	v55 =	vld [tilespmem:s24+$0xFFFFFF30]  }
0x1bc: {  	v56 =	vld [tilespmem:s26+$0xFFFFFF50]  }
0x1bd: {  	v57 =	vld [tilespmem:s24+$0xFFFFFF50]  }
0x1be: {  	v58 =	vld [tilespmem:s26+$0xFFFFFF60]  }
0x1bf: {  	v59 =	vld [tilespmem:s24+$0xFFFFFF60]  }
0x1c0: {  	v62 =	vld [tilespmem:s26+$0xFFFFFEF0]  }
0x1c1: {  	v33 =	vld [tilespmem:s24+$0xFFFFFEF0]  }
0x1c2: {  	v42 =	vld [tilespmem:s26+$0xFFFFFF10]  }
0x1c3: {  	v43 =	vld [tilespmem:s24+$0xFFFFFF10]  }
0x1c4: {  	v44 =	vld [tilespmem:s26+$0xFFFFFF20]  }
0x1c5: {  	v45 =	vld [tilespmem:s24+$0xFFFFFF20]  }
0x1c6: {  	v6 =	vld [tilespmem:s26+$0xFFFFFE80]  }
0x1c7: {  	v9 =	vld [tilespmem:s24+$0xFFFFFE80]  }
0x1c8: {  	v60 =	vld [tilespmem:s26+$0xFFFFFEB0]  }
0x1c9: {  	v1 =	vld [tilespmem:s24+$0xFFFFFED0]  }
0x1ca: {  	v2 =	vld [tilespmem:s26+$0xFFFFFEE0]  }
0x1cb: {  	v3 =	vld [tilespmem:s26+$0xFFFFFE40]  }
0x1cc: {  	v4 =	vld [tilespmem:s24+$0xFFFFFE40]  }
0x1cd: {  	v34 =	vld [tilespmem:s26+$0xFFFFFE70]  }
0x1ce: {  	v61 =	vld [tilespmem:s26+$0xFFFFFE90]  }
0x1cf: {  	v7 =	vld [tilespmem:s24+$0xFFFFFE90]  }
0x1d0: {  	v10 =	vld [tilespmem:s26+$0xFFFFFEA0]  }
0x1d1: {  	v11 =	vld [tilespmem:s24+$0xFFFFFEA0]  }
0x1d2: {  	v35 =	vld [tilespmem:s26+$0xFFFFFE30]  }
0x1d3: {  	v36 =	vld [tilespmem:s24+$0xFFFFFE30]  }
0x1d4: {  	v23 =	vld [tilespmem:s26+$0xFFFFFDC0]  }
0x1d5: {  	v37 =	vld [tilespmem:s24+$0xFFFFFDC0]  }
0x1d6: {  	v38 =	vld [tilespmem:s26+$0xFFFFFDF0]  }
0x1d7: {  	v46 =	vld [tilespmem:s24+$0xFFFFFE10]  }
0x1d8: {  	v47 =	vld [tilespmem:s26+$0xFFFFFE20]  }
0x1d9: {  	v41 =	vld [tilespmem:s24+$0xFFFFFE20]  }
0x1da: {  	v12 =	vld [tilespmem:s24+$0xFFFFFD80]  }
0x1db: {  	v15 =	vld [tilespmem:s26+$0xFFFFFDD0]  }
0x1dc: {  	v16 =	vld [tilespmem:s24+$0xFFFFFDD0]  }
0x1dd: {  	v17 =	vld [tilespmem:s26+$0xFFFFFDE0]  }
0x1de: {  	v18 =	vld [tilespmem:s24+$0xFFFFFDE0]  }
0x1df: {  	v39 =	vld [tilespmem:s26+$0xFFFFFD70]  }
0x1e0: {  	v40 =	vld [tilespmem:s24+$0xFFFFFD70]  }
0x1e1: {  	v22 =	vld [tilespmem:s24+$0xFFFFFD90]  }
0x1e2: {  	v21 =	vld [tilespmem:s24+$0xFFFFFDA0]  }
0x1e3: {  	v19 =	vld [tilespmem:s26+$0xFFFFFD30]  }
0x1e4: {  	v27 =	vld [tilespmem:s26+$0xFFFFFCC0]  }
0x1e5: {  	v28 =	vld [tilespmem:s24+$0xFFFFFCC0]  }
0x1e6: {  	v24 =	vld [tilespmem:s24+$0xFFFFFD10]  }
0x1e7: {  	v25 =	vld [tilespmem:s26+$0xFFFFFD20]  }
0x1e8: {  	v26 =	vld [tilespmem:s24+$0xFFFFFD20]  }
0x1e9: {  	[tilespmem:$0x1FCE0] =	vst v49;
	v49 =	vld [tilespmem:s24+$0xFFFFFF00]  }
0x1ea: {  	[tilespmem:$0x1FCD0] =	vst v48;
	v48 =	vld [tilespmem:s26+$0xFFFFFED0]  }
0x1eb: {  	[tilespmem:$0x1FD00] =	vst v51;
	v51 =	vld [tilespmem:s24+$0xFFFFFEE0]  }
0x1ec: {  	[tilespmem:$0x1FDE0] =	vst v55;
	v55 =	vld [tilespmem:s24+$0xFFFFFE70]  }
0x1ed: {  	[tilespmem:$0x1FD40] =	vst v58;
	v58 =	vld [tilespmem:s26+$0xFFFFFE50]  }
0x1ee: {  	[tilespmem:$0x1FD50] =	vst v59;
	v59 =	vld [tilespmem:s24+$0xFFFFFE50]  }
0x1ef: {  	[tilespmem:$0x1FD60] =	vst v60;
	v60 =	vld [tilespmem:s26+$0xFFFFFE60]  }
0x1f0: {  	[tilespmem:$0x1FD70] =	vst v61;
	v61 =	vld [tilespmem:s24+$0xFFFFFE60]  }
0x1f1: {  	[tilespmem:$0x1FDC0] =	vst v52;
	v52 =	vld [tilespmem:s26+$0xFFFFFE10]  }
0x1f2: {  	[tilespmem:$0x1FD90] =	vst v10;
	v10 =	vld [tilespmem:s26+$0xFFFFFD80]  }
0x1f3: {  	[tilespmem:$0x1FDD0] =	vst v54;
	v54 =	vld [tilespmem:s26+$0xFFFFFDB0]  }
0x1f4: {  	[tilespmem:$0x1FD10] =	vst v53;
	v53 =	vld [tilespmem:s24+$0xFFFFFDB0]  }
0x1f5: {  	[tilespmem:$0x1FE00] =	vst v36;
	v36 =	vld [tilespmem:s26+$0xFFFFFD90]  }
0x1f6: {  	[tilespmem:$0x1FDF0] =	vst v35;
	v35 =	vld [tilespmem:s26+$0xFFFFFDA0]  }
0x1f7: {  	[tilespmem:$0x1FD80] =	vst v7;
	v7 =	vld [tilespmem:s26+$0xFFFFFD00]  }
0x1f8: {  	[tilespmem:$0x1FDA0] =	vst v11;
	v11 =	vld [tilespmem:s24+$0xFFFFFD00]  }
0x1f9: {  	[tilespmem:$0x1FE30] =	vst v40;
	v40 =	vld [tilespmem:s26+$0xFFFFFD50]  }
0x1fa: {  	[tilespmem:$0x1FDB0] =	vst v38;
	v38 =	vld [tilespmem:s24+$0xFFFFFD50]  }
0x1fb: {  	[tilespmem:$0x1FE20] =	vst v39;
	v39 =	vld [tilespmem:s26+$0xFFFFFD60]  }
0x1fc: {  	[tilespmem:$0x1FE10] =	vst v37;
	v37 =	vld [tilespmem:s24+$0xFFFFFD60]  }
0x1fd: {  	[tilespmem:$0x1FD30] =	vst v57;
	v57 =	vld [tilespmem:s26+$0xFFFFFCF0]  }
0x1fe: {  	[tilespmem:$0x1FD20] =	vst v56;
	v56 =	vld [tilespmem:s24+$0xFFFFFCF0]  }
0x1ff: {  	[tilespmem:$0x1FCF0] =	vst v50;
	v50 =	vld [tilespmem:s26+$0xFFFFFD10]  }
0x200: {  	v32 =	vmul.f32 v29, v32;
	v29 =	vld [tilespmem:s26+$0xFFFFFC40]  }
0x201: {  	v31 =	vmul.f32 v31, v30;
	v30 =	vld [tilespmem:s24+$0xFFFFFC40]  }
0x202: {  	v42 =	vmul.f32 v43, v42;
	v43 =	vmul.f32 v45, v44;
	v0 =	vld [tilespmem:$0x1FDC0]  }
0x203: {  	v33 =	vmul.f32 v33, v62;
	v62 =	vld [tilespmem:$0x1FDF0]  }
0x204: {  	v42 =	vadd.f32 v43, v42;
	v43 =	vld [tilespmem:s24+$0xFFFFFC90]  }
0x205: {  	v44 =	vmul.f32 v1, v48;
	v48 =	vld [tilespmem:$0x1FDD0]  }
0x206: {  	v45 =	vmul.f32 v51, v2;
	v51 =	vld [tilespmem:$0x1FDE0]  }
0x207: {  	v2 =	vld [tilespmem:s26+$0xFFFFFCE0]  }
0x208: {  	v58 =	vmul.f32 v59, v58;
	v59 =	vmul.f32 v46, v52;
	v46 =	vld [tilespmem:s26+$0xFFFFFC90]  }
0x209: {  	v21 =	vmul.f32 v21, v35;
	v35 =	vld [tilespmem:s24+$0xFFFFFC10]  }
0x20a: {  	v22 =	vmul.f32 v22, v36;
	v36 =	vld [tilespmem:s26+$0xFFFFFC10];
	v63 =	vmul.f32 v63, v0;
	v0 =	vadd.f32 v32, v31  }
0x20b: {  	v37 =	vmul.f32 v37, v39;
	v39 =	vld [tilespmem:s24+$0xFFFFFC20]  }
0x20c: {  	v38 =	vmul.f32 v38, v40;
	v40 =	vld [tilespmem:s24+$0xFFFFFC50];
	v0 =	vadd.f32 v63, v0;
	v63 =	vmul.f32 v51, v48  }
0x20d: {  	v31 =	vld [tilespmem:s26+$0xFFFFFCB0];
	v44 =	vadd.f32 v45, v44;
	v21 =	vadd.f32 v21, v22;
	v51 =	vmul.f32 v8, v5  }
0x20e: {  	v45 =	vld [tilespmem:s24+$0xFFFFFCD0];
	v22 =	vmul.f32 v53, v54;
	v42 =	vadd.f32 v63, v42;
	v63 =	vmul.f32 v14, v13  }
0x20f: {  	v53 =	vld [tilespmem:$0x1FE10];
	v44 =	vadd.f32 v33, v44;
	v5 =	vmul.f32 v49, v20;
	v0 =	vadd.f32 v51, v0  }
0x210: {  	v42 =	vadd.f32 v63, v42;
	v63 =	vld [tilespmem:$0x1FE00]  }
0x211: {  	v54 =	vld [tilespmem:$0x1FE20];
	v49 =	vmul.f32 v55, v34;
	v55 =	vadd.f32 v5, v44;
	(xrf2) =	vadd.scan.msk.f32 $0xffff, v0  }
0x212: {  	v48 =	vld [tilespmem:s26+$0xFFFFFCD0];
	v8 =	vmul.f32 v61, v60;
	(xrf2) =	vadd.scan.msk.f32 $0xffff, v42  }
0x213: {  	v41 =	vmul.f32 v41, v47;
	v51 =	vld [tilespmem:s24+$0xFFFFFCE0];
	(xrf2) =	vadd.scan.msk.f32 $0xffff, v55  }
0x214: {  	v58 =	vadd.f32 v8, v58;
	v55 =	vld [tilespmem:$0x1FE30]  }
0x215: {  	v32 =	vld [tilespmem:s24+$0xFFFFFCB0];
	v61 =	vadd.f32 v41, v59;
	v8 =	vmul.f32 v63, v62  }
0x216: {  	v52 =	vmul.f32 v4, v3;
	v60 =	vmul.f32 v9, v6;
	v41 =	vld [tilespmem:s26+$0xFFFFFCA0];
	v0 =	vadd.f32 v49, v58  }
0x217: {  	v21 =	vadd.f32 v22, v21;
	v9 =	vld [tilespmem:s24+$0xFFFFFCA0];
	v22 =	vmul.f32 v53, v23;
	v49 =	vadd.f32 v8, v61  }
0x218: {  	v38 =	vadd.f32 v37, v38;
	v37 =	vld [tilespmem:s26+$0xFFFFFC20];
	v0 =	vadd.f32 v60, v0;
	v60 =	vmul.f32 v45, v48  }
0x219: {  	v33 =	vld [tilespmem:s26+$0xFFFFFC30];
	v22 =	vadd.f32 v22, v21;
	v61 =	vmul.f32 v51, v2;
	v58 =	vmul.f32 v55, v54  }
0x21a: {  	v34 =	vld [tilespmem:s24+$0xFFFFFC30];
	v44 =	vmul.f32 v43, v46;
	v62 =	vmul.f32 v12, v10;
	v59 =	vadd.f32 v52, v49  }
0x21b: {  	v43 =	vld [tilespmem:s24+$0xFFFFFC60];
	(xrf2) =	vadd.scan.msk.f32 $0xffff, v0;
	v63 =	vmul.f32 v56, v57;
	v45 =	vadd.f32 v61, v60;
	v42 =	vadd.f32 v58, v38;
	v49, _, _ =	vpop (xrf2)  }
0x21c: {  	v47 =	vmul.f32 v9, v41;
	v41 =	vld [tilespmem:s26+$0xFFFFFC60];
	(xrf2) =	vadd.scan.msk.f32 $0xffff, v59;
	v21, _, _ =	vpop (xrf2)  }
0x21d: {  	s28 =	simm.s32 $0x0;
	s29 =	simm.s32 $0x40;
	v46 =	vmul.f32 v11, v7;
	v38 =	vld [tilespmem:s26+$0xFFFFFC50];
	v45 =	vadd.f32 v63, v45;
	(xrf2) =	vadd.scan.msk.f32 $0xffff, v22;
	v42 =	vadd.f32 v62, v42;
	v22, _, _ =	vpop (xrf2)  }
.LBB2_4:
0x21e: {  	v48 =	vld [tilespmem:s26+$0xFFFFFC70]  }
0x21f: {  	v8 =	vld [tilespmem:s24+$0xFFFFFC70]  }
0x220: {  	v10 =	vld [tilespmem:s26+$0xFFFFFC80]  }
0x221: {  	v11 =	vld [tilespmem:s24+$0xFFFFFC80]  }
0x222: {  	v15 =	vmul.f32 v16, v15;
	v16 =	vmul.f32 v18, v17;
	v17 =	vld [tilespmem:s24+$0xFFFFFEB0]  }
0x223: {  	v0 =	vld [tilespmem:$0x1FDB0]  }
0x224: {  	v1 =	vld [tilespmem:$0x1FD80]  }
0x225: {  	v51 =	vld [tilespmem:$0x1FD90]  }
0x226: {  	v52 =	vld [tilespmem:$0x1FDA0]  }
0x227: {  	v12 =	vld [tilespmem:s24+$0xFFFFFF70]  }
0x228: {  	v53 =	vld [tilespmem:$0x1FD60]  }
0x229: {  	v54 =	vld [tilespmem:s24+$0xFFFFFF80]  }
0x22a: {  	v55 =	vld [tilespmem:$0x1FD20]  }
0x22b: {  	v56 =	vld [tilespmem:$0x1FD30]  }
0x22c: {  	v57 =	vld [tilespmem:$0x1FD40]  }
0x22d: {  	v58 =	vld [tilespmem:$0x1FD50];
	v32 =	vmul.f32 v32, v31  }
0x22e: {  	v59 =	vld [tilespmem:$0x1FD10];
	v35 =	vmul.f32 v35, v36;
	v7 =	vmul.f32 v39, v37  }
0x22f: {  	v61 =	vld [tilespmem:$0x1FCD0];
	v44 =	vadd.f32 v47, v44;
	(xrf2) =	vadd.scan.msk.f32 $0xffff, v42;
	v27 =	vmul.f32 v28, v27;
	v33 =	vmul.f32 v34, v33  }
0x230: {  	v9 =	vadd.f32 v46, v45;
	v47 =	vld [tilespmem:s24+$0xFFFFFD40];
	v40 =	vmul.f32 v40, v38;
	v43 =	vmul.f32 v43, v41  }
0x231: {  	v29 =	vmul.f32 v30, v29;
	v32 =	vadd.f32 v32, v44;
	v28 =	vadd.f32 v7, v35;
	v44 =	vld [tilespmem:s24+$0xFFFFFD30]  }
0x232: {  	v30 =	vld [tilespmem:s26+$0xFFFFFD40];
	v23 =	vmul.f32 v24, v50;
	v24 =	vmul.f32 v26, v25;
	v31, _, _ =	vpop (xrf2);
	(xrf2) =	vadd.scan.msk.f32 $0xffff, v9;
	v45 =	vadd.f32 v43, v40  }
0x233: {  	v25 =	vld [tilespmem:s24+$0xFFFFFDF0];
	v46 =	vmul.f32 v8, v48;
	v27 =	vadd.f32 v27, v32;
	v28 =	vadd.f32 v33, v28  }
0x234: {  	v50 =	vld [tilespmem:$0x1FD70]  }
0x235: {  	v48 =	vld [tilespmem:s26+$0xFFFFFE00];
	v38, _, _ =	vpop (xrf2);
	(xrf2) =	vadd.scan.msk.f32 $0xffff, v27;
	v27 =	vadd.f32 v29, v28;
	v28 =	vadd.f32 v46, v45;
	v29 =	vmul.f32 v11, v10  }
0x236: {  	v23 =	vadd.f32 v24, v23;
	v24 =	vld [tilespmem:s24+$0xFFFFFE00];
	v20 =	vmul.f32 v44, v19  }
0x237: {  	v62 =	vld [tilespmem:$0x1FCE0];
	v26, _, _ =	vpop (xrf2);
	(xrf2) =	vadd.scan.msk.f32 $0xffff, v27;
	v27 =	vadd.f32 v29, v28  }
0x238: {  	v15 =	vadd.f32 v16, v15;
	v16 =	vld [tilespmem:s24+$0xFFFFFEC0];
	v20 =	vadd.f32 v20, v23;
	v23 =	vmul.f32 v47, v30  }
0x239: {  	v14 =	vmul.f32 v25, v0;
	v18, _, _ =	vpop (xrf2);
	v28 =	vld [tilespmem:s26+$0xFFFFFEC0];
	(xrf2) =	vadd.scan.msk.f32 $0xffff, v27  }
0x23a: {  	v34 =	vld [tilespmem:$0x1FD00];
	v10 =	vmul.f32 v1, v50;
	v11 =	vmul.f32 v52, v51;
	v20 =	vadd.f32 v23, v20  }
0x23b: {  	v33 =	vld [tilespmem:$0x1FCF0];
	v14 =	vadd.f32 v14, v15;
	v15 =	vmul.f32 v24, v48  }
0x23c: {  	v9 =	vmul.f32 v17, v53;
	v10 =	vadd.f32 v11, v10;
	v13, _, _ =	vpop (xrf2);
	v23 =	vld [tilespmem:s26+$0xFFFFFF80];
	(xrf2) =	vadd.scan.msk.f32 $0xffff, v20  }
0x23d: {  	v5 =	vmul.f32 v56, v55;
	v6 =	vmul.f32 v58, v57;
	v7 =	vld [tilespmem:s26+$0xFFFFFFF0];
	v14 =	vadd.f32 v15, v14  }
0x23e: {  	v15 =	vld [tilespmem:s24+$0xFFFFFFF0];
	v9 =	vadd.f32 v9, v10;
	v16 =	vmul.f32 v16, v28  }
0x23f: {  	v60 =	vld [tilespmem:s26+$0x0];
	v4 =	vmul.f32 v12, v59;
	v5 =	vadd.f32 v6, v5;
	v8, _, _ =	vpop (xrf2);
	(xrf2) =	vadd.scan.msk.f32 $0xffff, v14  }
0x240: {  	v3 =	vld [tilespmem:s24+$0x0];
	v2 =	vmul.f32 v62, v61;
	v9 =	vadd.f32 v16, v9  }
0x241: {  	v12 =	vadd.f32 v4, v5;
	v0 =	vmul.f32 v34, v33;
	v32 =	vmul.f32 v54, v23  }
0x242: {  	v63, _, _ =	vpop (xrf2);
	(xrf2) =	vadd.scan.msk.f32 $0xffff, v9  }
0x243: {  	v0 =	vadd.f32 v0, v2;
	v36 =	vmul.f32 v15, v7;
	v35 =	vadd.f32 v32, v12;
	v37, _, _ =	vpop (xrf2)  }
0x244: {  	v39 =	vbroadcast v63, $0xF;
	v40 =	vbroadcast v37, $0xF  }
0x245: {  	v42 =	vmul.f32 v3, v60;
	v0 =	vadd.f32 v36, v0;
	v41 =	vbroadcast v8, $0xF;
	(xrf2) =	vadd.scan.msk.f32 $0xffff, v35  }
0x246: {  	v44 =	vbroadcast v13, $0xF;
	v43 =	vsel vm0, v39, v40;
	v45, _, _ =	vpop (xrf2)  }
0x247: {  	v0 =	vadd.f32 v42, v0;
	v1 =	vsel vm1, v43, v41;
	v46 =	vbroadcast v45, $0xF  }
0x248: {  	v47 =	vbroadcast v18, $0xF;
	v1 =	vsel vm2, v1, v44  }
0x249: {  	v48 =	vbroadcast v26, $0xF;
	v1 =	vsel vm3, v1, v46;
	v50, _, _ =	vpop (xrf2);
	(xrf2) =	vadd.scan.msk.f32 $0xffff, v0  }
0x24a: {  	v51 =	vsel vm4, v1, v47;
	v52 =	vbroadcast v50, $0xF  }
0x24b: {  	v53 =	vbroadcast v38, $0xF;
	v0 =	vsel vm5, v51, v48  }
0x24c: {  	v54 =	vbroadcast v31, $0xF;
	v55, _, _ =	vpop (xrf2);
	v0 =	vsel vm6, v0, v52  }
0x24d: {  	v56 =	vbroadcast v55, $0xF;
	v0 =	vsel vm7, v0, v53  }
0x24e: {  	v57 =	vbroadcast v22, $0xF;
	v0 =	vsel vm8, v0, v54  }
0x24f: {  	s31 =	sshra.s32 s28, $0x2;
	v58 =	vbroadcast v21, $0xF;
	v59, _, _ =	vpop (xrf2);
	v0 =	vsel vm9, v0, v56  }
0x250: {  	v61 =	vld [tilespmem:s31+$0x10480];
	v60 =	vbroadcast v59, $0xF;
	v0 =	vsel vm10, v0, v57  }
0x251: {  	v62 =	vbroadcast v49, $0xF;
	v0 =	vsel vm11, v0, v58  }
0x252: {  	v63 =	vld [tilespmem:s31+$0x10680];
	v0 =	vsel vm12, v0, v60  }
0x253: {  	v0 =	vsel vm13, v0, v62;
	v5, _, _ =	vpop (xrf2)  }
0x254: {  	v0 =	vsel vm14, v0, v5  }
0x255: {  	v0 =	vadd.f32 v0, v61;
	_ =	sdelay $0x1  }
0x256: {  	v0 =	vadd.f32 v0, v63;
	_ =	sdelay $0x1  }
0x257: {  	s26 =	sadd.s32 $0x400, s26;
	[tilespmem:s31+$0x10880] =	vst v0  }
0x258: {  	s24 =	sadd.s32 $0x400, s24;
	v0 =	vld [tilespmem:s26+$0xFFFFFFC0]  }
0x259: {  	v21 =	vld [tilespmem:s24+$0xFFFFFFC0]  }
0x25a: {  	v6 =	vld [tilespmem:s26+$0xFFFFFFD0]  }
0x25b: {  	v7 =	vld [tilespmem:s24+$0xFFFFFFD0]  }
0x25c: {  	v8 =	vld [tilespmem:s26+$0xFFFFFFE0]  }
0x25d: {  	v9 =	vld [tilespmem:s24+$0xFFFFFFE0]  }
0x25e: {  	v26 =	vld [tilespmem:s26+$0xFFFFFFB0]  }
0x25f: {  	v29 =	vld [tilespmem:s24+$0xFFFFFFB0]  }
0x260: {  	v33 =	vld [tilespmem:s26+$0xFFFFFF40]  }
0x261: {  	v35 =	vld [tilespmem:s24+$0xFFFFFF40]  }
0x262: {  	v10 =	vld [tilespmem:s26+$0xFFFFFF70]  }
0x263: {  	v24 =	vld [tilespmem:s26+$0xFFFFFF90]  }
0x264: {  	v25 =	vld [tilespmem:s24+$0xFFFFFF90]  }
0x265: {  	v30 =	vld [tilespmem:s26+$0xFFFFFFA0]  }
0x266: {  	v47 =	vld [tilespmem:s24+$0xFFFFFFA0]  }
0x267: {  	v22 =	vld [tilespmem:s26+$0xFFFFFF00]  }
0x268: {  	v34 =	vld [tilespmem:s24+$0xFFFFFF00]  }
0x269: {  	v31 =	vld [tilespmem:s26+$0xFFFFFF30]  }
0x26a: {  	v32 =	vld [tilespmem:s24+$0xFFFFFF30]  }
0x26b: {  	v11 =	vld [tilespmem:s26+$0xFFFFFF50]  }
0x26c: {  	v36 =	vld [tilespmem:s24+$0xFFFFFF50]  }
0x26d: {  	v37 =	vld [tilespmem:s26+$0xFFFFFF60]  }
0x26e: {  	v38 =	vld [tilespmem:s24+$0xFFFFFF60]  }
0x26f: {  	v41 =	vld [tilespmem:s26+$0xFFFFFEF0]  }
0x270: {  	v44 =	vld [tilespmem:s24+$0xFFFFFEF0]  }
0x271: {  	v53 =	vld [tilespmem:s26+$0xFFFFFF10]  }
0x272: {  	v54 =	vld [tilespmem:s24+$0xFFFFFF10]  }
0x273: {  	v55 =	vld [tilespmem:s26+$0xFFFFFF20]  }
0x274: {  	v56 =	vld [tilespmem:s24+$0xFFFFFF20]  }
0x275: {  	v39 =	vld [tilespmem:s26+$0xFFFFFE80]  }
0x276: {  	v40 =	vld [tilespmem:s26+$0xFFFFFEB0]  }
0x277: {  	v57 =	vld [tilespmem:s26+$0xFFFFFED0]  }
0x278: {  	v58 =	vld [tilespmem:s24+$0xFFFFFED0]  }
0x279: {  	v59 =	vld [tilespmem:s26+$0xFFFFFEE0]  }
0x27a: {  	v60 =	vld [tilespmem:s24+$0xFFFFFEE0]  }
0x27b: {  	v42 =	vld [tilespmem:s26+$0xFFFFFE40]  }
0x27c: {  	v51 =	vld [tilespmem:s26+$0xFFFFFE70]  }
0x27d: {  	v52 =	vld [tilespmem:s24+$0xFFFFFE70]  }
0x27e: {  	v43 =	vld [tilespmem:s26+$0xFFFFFE90]  }
0x27f: {  	v45 =	vld [tilespmem:s24+$0xFFFFFE90]  }
0x280: {  	v46 =	vld [tilespmem:s26+$0xFFFFFEA0]  }
0x281: {  	v48 =	vld [tilespmem:s24+$0xFFFFFEA0]  }
0x282: {  	v61 =	vld [tilespmem:s26+$0xFFFFFE50]  }
0x283: {  	v62 =	vld [tilespmem:s24+$0xFFFFFE50]  }
0x284: {  	v63 =	vld [tilespmem:s26+$0xFFFFFE60]  }
0x285: {  	v49 =	vld [tilespmem:s26+$0xFFFFFDF0]  }
0x286: {  	v1 =	vld [tilespmem:s26+$0xFFFFFE10]  }
0x287: {  	v2 =	vld [tilespmem:s24+$0xFFFFFE10]  }
0x288: {  	v3 =	vld [tilespmem:s26+$0xFFFFFE20]  }
0x289: {  	v4 =	vld [tilespmem:s24+$0xFFFFFE20]  }
0x28a: {  	v50 =	vld [tilespmem:s26+$0xFFFFFD80]  }
0x28b: {  	v5 =	vld [tilespmem:s26+$0xFFFFFDB0]  }
0x28c: {  	v23 =	vld [tilespmem:s24+$0xFFFFFDD0]  }
0x28d: {  	v12 =	vld [tilespmem:s24+$0xFFFFFDA0]  }
0x28e: {  	v13 =	vld [tilespmem:s26+$0xFFFFFD00]  }
0x28f: {  	v19 =	vld [tilespmem:s26+$0xFFFFFD30]  }
0x290: {  	v14 =	vld [tilespmem:s24+$0xFFFFFD50]  }
0x291: {  	v15 =	vld [tilespmem:s26+$0xFFFFFD60]  }
0x292: {  	v16 =	vld [tilespmem:s24+$0xFFFFFD60]  }
0x293: {  	v27 =	vld [tilespmem:s26+$0xFFFFFCC0]  }
0x294: {  	v28 =	vld [tilespmem:s24+$0xFFFFFCC0]  }
0x295: {  	v17 =	vld [tilespmem:s26+$0xFFFFFCF0]  }
0x296: {  	v18 =	vld [tilespmem:s24+$0xFFFFFCF0]  }
0x297: {  	[tilespmem:$0x1FC90] =	vst v39;
	v39 =	vld [tilespmem:s24+$0xFFFFFE80]  }
0x298: {  	[tilespmem:$0x1FD50] =	vst v38;
	v38 =	vld [tilespmem:s24+$0xFFFFFE40]  }
0x299: {  	[tilespmem:$0x1FDA0] =	vst v48;
	v48 =	vld [tilespmem:s26+$0xFFFFFE30]  }
0x29a: {  	[tilespmem:$0x1FD30] =	vst v36;
	v36 =	vld [tilespmem:s24+$0xFFFFFE30]  }
0x29b: {  	[tilespmem:$0x1FC80] =	vst v0;
	v0 =	vld [tilespmem:s24+$0xFFFFFE60]  }
0x29c: {  	[tilespmem:$0x1FD40] =	vst v37;
	v37 =	vld [tilespmem:s26+$0xFFFFFDC0]  }
0x29d: {  	[tilespmem:$0x1FD80] =	vst v45;
	v45 =	vld [tilespmem:s24+$0xFFFFFDC0]  }
0x29e: {  	[tilespmem:$0x1FD60] =	vst v40;
	v40 =	vld [tilespmem:s24+$0xFFFFFD80]  }
0x29f: {  	[tilespmem:$0x1FCD0] =	vst v6;
	v6 =	vld [tilespmem:s24+$0xFFFFFDB0]  }
0x2a0: {  	[tilespmem:$0x1FDB0] =	vst v49;
	v49 =	vld [tilespmem:s26+$0xFFFFFDD0]  }
0x2a1: {  	[tilespmem:$0x1FD70] =	vst v43;
	v43 =	vld [tilespmem:s26+$0xFFFFFDE0]  }
0x2a2: {  	[tilespmem:$0x1FCA0] =	vst v42;
	v42 =	vld [tilespmem:s24+$0xFFFFFDE0]  }
0x2a3: {  	[tilespmem:$0x1FCE0] =	vst v7;
	v7 =	vld [tilespmem:s26+$0xFFFFFD70]  }
0x2a4: {  	[tilespmem:$0x1FCF0] =	vst v8;
	v8 =	vld [tilespmem:s24+$0xFFFFFD70]  }
0x2a5: {  	[tilespmem:$0x1FD00] =	vst v9;
	v9 =	vld [tilespmem:s26+$0xFFFFFD90]  }
0x2a6: {  	[tilespmem:$0x1FD10] =	vst v10;
	v10 =	vld [tilespmem:s24+$0xFFFFFD90]  }
0x2a7: {  	[tilespmem:$0x1FD20] =	vst v11;
	v11 =	vld [tilespmem:s26+$0xFFFFFDA0]  }
0x2a8: {  	[tilespmem:$0x1FD90] =	vst v46;
	v46 =	vld [tilespmem:s24+$0xFFFFFD00]  }
0x2a9: {  	[tilespmem:$0x1FCC0] =	vst v13;
	v13 =	vld [tilespmem:s26+$0xFFFFFD50]  }
0x2aa: {  	[tilespmem:$0x1FCB0] =	vst v50;
	v50 =	vld [tilespmem:s26+$0xFFFFFD10]  }
0x2ab: {  	v20 =	vmul.f32 v25, v24;
	v24 =	vld [tilespmem:s24+$0xFFFFFD10]  }
0x2ac: {  	v30 =	vmul.f32 v47, v30;
	v25 =	vld [tilespmem:s26+$0xFFFFFD20]  }
0x2ad: {  	v47 =	vmul.f32 v54, v53;
	v53 =	vmul.f32 v32, v31;
	v31 =	vld [tilespmem:s26+$0xFFFFFCB0]  }
0x2ae: {  	v32 =	vld [tilespmem:s24+$0xFFFFFCB0]  }
0x2af: {  	v58 =	vmul.f32 v58, v57;
	v57 =	vmul.f32 v60, v59;
	v60 =	vld [tilespmem:s24+$0xFFFFFCE0]  }
0x2b0: {  	v22 =	vmul.f32 v34, v22;
	v34 =	vld [tilespmem:s24+$0xFFFFFC30];
	v20 =	vadd.f32 v30, v20;
	v30 =	vmul.f32 v29, v26  }
0x2b1: {  	v41 =	vmul.f32 v44, v41;
	v44 =	vld [tilespmem:s24+$0xFFFFFC90]  }
0x2b2: {  	v20 =	vadd.f32 v30, v20;
	v30 =	vld [tilespmem:$0x1FC80]  }
0x2b3: {  	v59 =	vmul.f32 v62, v61;
	v61 =	vmul.f32 v52, v51;
	v52 =	vld [tilespmem:s24+$0xFFFFFCA0]  }
0x2b4: {  	v51 =	vld [tilespmem:$0x1FCA0];
	v58 =	vadd.f32 v57, v58  }
0x2b5: {  	v56 =	vmul.f32 v56, v55;
	v26 =	vld [tilespmem:s24+$0xFFFFFD20]  }
0x2b6: {  	v33 =	vmul.f32 v35, v33;
	v29 =	vld [tilespmem:s26+$0xFFFFFC40];
	v35 =	vadd.f32 v41, v58  }
0x2b7: {  	v47 =	vadd.f32 v56, v47;
	v41 =	vld [tilespmem:s26+$0xFFFFFC60];
	v21 =	vmul.f32 v21, v30  }
0x2b8: {  	v0 =	vmul.f32 v0, v63;
	v57 =	vmul.f32 v45, v37;
	v37 =	vld [tilespmem:s26+$0xFFFFFC20];
	v63 =	vadd.f32 v22, v35  }
0x2b9: {  	v35 =	vld [tilespmem:$0x1FC90];
	v20 =	vadd.f32 v21, v20;
	v21 =	vadd.f32 v53, v47  }
0x2ba: {  	v1 =	vmul.f32 v2, v1;
	v22 =	vld [tilespmem:s26+$0xFFFFFC90]  }
0x2bb: {  	v62 =	vmul.f32 v4, v3;
	v2 =	vmul.f32 v38, v51;
	v38 =	vld [tilespmem:s26+$0xFFFFFC50];
	v21 =	vadd.f32 v33, v21  }
0x2bc: {  	v47 =	vld [tilespmem:s26+$0xFFFFFCD0];
	(xrf2) =	vadd.scan.msk.f32 $0xffff, v20  }
0x2bd: {  	v1 =	vadd.f32 v62, v1;
	v9 =	vmul.f32 v10, v9;
	v62 =	vmul.f32 v12, v11;
	v20 =	vld [tilespmem:s24+$0xFFFFFCD0];
	(xrf2) =	vadd.scan.msk.f32 $0xffff, v21  }
0x2be: {  	v0 =	vadd.f32 v0, v59;
	(xrf2) =	vadd.scan.msk.f32 $0xffff, v63;
	v63 =	vld [tilespmem:s26+$0xFFFFFCA0]  }
0x2bf: {  	v55 =	vmul.f32 v16, v15;
	v9 =	vadd.f32 v62, v9;
	v62 =	vmul.f32 v18, v17;
	v53 =	vld [tilespmem:s26+$0xFFFFFCE0]  }
0x2c0: {  	v17 =	vmovc v43;
	v43 =	vld [tilespmem:s24+$0xFFFFFC60];
	v0 =	vadd.f32 v61, v0;
	v4 =	vmul.f32 v39, v35;
	v39 =	vmul.f32 v36, v48  }
0x2c1: {  	v5 =	vmul.f32 v6, v5;
	v54 =	vmul.f32 v14, v13;
	v61 =	vld [tilespmem:$0x1FCB0]  }
0x2c2: {  	v58 =	vmul.f32 v8, v7;
	v30 =	vld [tilespmem:s24+$0xFFFFFC40];
	v0 =	vadd.f32 v4, v0;
	v1 =	vadd.f32 v39, v1  }
0x2c3: {  	p0 =	sne.s32 s29, $0x1C0;
	v56 =	vadd.f32 v5, v9;
	v59 =	vmul.f32 v20, v47;
	v47 =	vmul.f32 v52, v63;
	v63 =	vld [tilespmem:$0x1FCC0]  }
.Ltmp1:
0x2c4: {  	v35 =	vld [tilespmem:s24+$0xFFFFFC10];
	v1 =	vadd.f32 v2, v1;
	v60 =	vmul.f32 v60, v53;
	(xrf2) =	vadd.scan.msk.f32 $0xffff, v0;
	v0 =	vadd.f32 v55, v54;
	(pc) =	sbr.rel @p0 .LBB2_4-.Ltmp1, $4  }
0x2c5: {  	v15 =	vmov v49;
	v36 =	vld [tilespmem:s26+$0xFFFFFC10];
	v2 =	vadd.f32 v57, v56  }
0x2c6: {  	v33 =	vld [tilespmem:s26+$0xFFFFFC30];
	v5 =	vmul.f32 v40, v61;
	v0 =	vadd.f32 v58, v0;
	v49, _, _ =	vpop (xrf2);
	(xrf2) =	vadd.scan.msk.f32 $0xffff, v1;
	v1 =	vadd.f32 v60, v59  }
0x2c7: {  	v16 =	vmov v23;
	v18 =	vmov v42;
	v44 =	vmul.f32 v44, v22;
	v39 =	vld [tilespmem:s24+$0xFFFFFC20];
	v21, _, _ =	vpop (xrf2)  }
0x2c8: {  	s28 =	smov.u32 s29;
	s29 =	sadd.s32 $0x40, s29;
	v40 =	vld [tilespmem:s24+$0xFFFFFC50];
	v42 =	vadd.f32 v5, v0;
	(xrf2) =	vadd.scan.msk.f32 $0xffff, v2;
	v45 =	vadd.f32 v62, v1;
	v22, _, _ =	vpop (xrf2);
	v46 =	vmul.f32 v46, v63  }
0x2c9: {  	v0 =	vld [tilespmem:s26+$0xFFFFFC70]  }
0x2ca: {  	v1 =	vld [tilespmem:s24+$0xFFFFFC70]  }
0x2cb: {  	v4 =	vld [tilespmem:s26+$0xFFFFFC80]  }
0x2cc: {  	v8 =	vld [tilespmem:s24+$0xFFFFFC80]  }
0x2cd: {  	v10 =	vld [tilespmem:s24+$0xFFFFFD30]  }
0x2ce: {  	v12 =	vld [tilespmem:s26+$0xFFFFFD40]  }
0x2cf: {  	v48 =	vld [tilespmem:s24+$0xFFFFFD40]  }
0x2d0: {  	v14 =	vld [tilespmem:s24+$0xFFFFFDF0]  }
0x2d1: {  	v54 =	vld [tilespmem:s26+$0xFFFFFE00]  }
0x2d2: {  	v56 =	vld [tilespmem:s24+$0xFFFFFE00]  }
0x2d3: {  	v59 =	vld [tilespmem:s24+$0xFFFFFEB0]  }
0x2d4: {  	v61 =	vld [tilespmem:s26+$0xFFFFFEC0]  }
0x2d5: {  	v62 =	vld [tilespmem:$0x1FDB0]  }
0x2d6: {  	v63 =	vld [tilespmem:s24+$0xFFFFFEC0]  }
0x2d7: {  	v9 =	vmul.f32 v43, v41;
	v41 =	vld [tilespmem:$0x1FD60]  }
0x2d8: {  	v2 =	vadd.f32 v47, v44;
	v44 =	vld [tilespmem:$0x1FD20]  }
0x2d9: {  	v5 =	vmul.f32 v35, v36;
	v35 =	vld [tilespmem:$0x1FD90]  }
0x2da: {  	v3 =	vmul.f32 v32, v31;
	v36 =	vld [tilespmem:$0x1FDA0]  }
0x2db: {  	v11 =	vmul.f32 v28, v27;
	(xrf2) =	vadd.scan.msk.f32 $0xffff, v42;
	v42 =	vld [tilespmem:s24+$0xFFFFFF80];
	v6 =	vmul.f32 v39, v37  }
0x2dc: {  	v51 =	vmul.f32 v24, v50;
	v7 =	vadd.f32 v46, v45;
	v45 =	vld [tilespmem:$0x1FD30];
	v46 =	vmul.f32 v40, v38  }
0x2dd: {  	v2 =	vadd.f32 v3, v2;
	v47 =	vmul.f32 v34, v33;
	v33 =	vld [tilespmem:$0x1FD70];
	v5 =	vadd.f32 v6, v5  }
0x2de: {  	v52 =	vmul.f32 v26, v25;
	v34 =	vld [tilespmem:$0x1FD80];
	v0 =	vmul.f32 v1, v0;
	v3 =	vadd.f32 v9, v46  }
0x2df: {  	v13 =	vmul.f32 v30, v29;
	v37 =	vld [tilespmem:s24+$0xFFFFFF70];
	v2 =	vadd.f32 v11, v2;
	v5 =	vadd.f32 v47, v5  }
0x2e0: {  	v39 =	vld [tilespmem:s26+$0xFFFFFF80];
	v53 =	vmul.f32 v8, v4;
	v6 =	vadd.f32 v52, v51;
	v0 =	vadd.f32 v0, v3  }
0x2e1: {  	(xrf2) =	vadd.scan.msk.f32 $0xffff, v7;
	v55 =	vmul.f32 v10, v19;
	v1 =	vmul.f32 v48, v12;
	v12 =	vld [tilespmem:$0x1FD50];
	v5 =	vadd.f32 v13, v5  }
0x2e2: {  	v57 =	vmul.f32 v16, v15;
	v58 =	vmul.f32 v18, v17;
	v51 =	vld [tilespmem:$0x1FD10];
	(xrf2) =	vadd.scan.msk.f32 $0xffff, v2;
	v0 =	vadd.f32 v53, v0  }
0x2e3: {  	v46 =	vld [tilespmem:$0x1FD40];
	v60 =	vadd.f32 v55, v6;
	(xrf2) =	vadd.scan.msk.f32 $0xffff, v5  }
0x2e4: {  	v38 =	vmul.f32 v56, v54;
	v54 =	vld [tilespmem:$0x1FCD0];
	v2 =	vadd.f32 v58, v57;
	v3 =	vmul.f32 v14, v62;
	(xrf2) =	vadd.scan.msk.f32 $0xffff, v0  }
0x2e5: {  	v56 =	vld [tilespmem:$0x1FD00];
	v32 =	vadd.f32 v1, v60;
	v1 =	vmul.f32 v34, v33;
	v5 =	vmul.f32 v36, v35  }
0x2e6: {  	v14 =	vld [tilespmem:$0x1FCE0];
	v2 =	vadd.f32 v3, v2  }
0x2e7: {  	v40, _, _ =	vpop (xrf2);
	v55 =	vld [tilespmem:$0x1FCF0];
	v1 =	vadd.f32 v5, v1;
	v5 =	vmul.f32 v59, v41;
	(xrf2) =	vadd.scan.msk.f32 $0xffff, v32  }
0x2e8: {  	v48 =	vld [tilespmem:s24+$0xFFFFFFF0];
	v43, _, _ =	vpop (xrf2);
	v3 =	vmul.f32 v45, v44;
	v11 =	vmul.f32 v12, v46;
	v2 =	vadd.f32 v38, v2  }
0x2e9: {  	v47 =	vmul.f32 v63, v61;
	v13, _, _ =	vpop (xrf2);
	v12 =	vld [tilespmem:s26+$0xFFFFFFF0];
	v1 =	vadd.f32 v5, v1  }
0x2ea: {  	v52 =	vld [tilespmem:s26+$0x0];
	v10 =	vmul.f32 v37, v51;
	v50, _, _ =	vpop (xrf2);
	v3 =	vadd.f32 v11, v3;
	(xrf2) =	vadd.scan.msk.f32 $0xffff, v2  }
0x2eb: {  	v53, _, _ =	vpop (xrf2);
	v5 =	vmul.f32 v14, v54;
	v14 =	vld [tilespmem:s24+$0x0];
	v1 =	vadd.f32 v47, v1  }
0x2ec: {  	v4 =	vmul.f32 v42, v39;
	v9 =	vmul.f32 v56, v55;
	v3 =	vadd.f32 v10, v3;
	v15, _, _ =	vpop (xrf2)  }
0x2ed: {  	(xrf2) =	vadd.scan.msk.f32 $0xffff, v1;
	v57, _, _ =	vpop (xrf2)  }
0x2ee: {  	v60 =	vmul.f32 v48, v12;
	v58 =	vadd.f32 v4, v3;
	v59 =	vadd.f32 v9, v5;
	v61, _, _ =	vpop (xrf2)  }
0x2ef: {  	v62 =	vbroadcast v57, $0xF;
	v5 =	vbroadcast v61, $0xF  }
0x2f0: {  	v63 =	vbroadcast v15, $0xF;
	v3 =	vadd.f32 v60, v59;
	v11 =	vmul.f32 v14, v52;
	(xrf2) =	vadd.scan.msk.f32 $0xffff, v58  }
0x2f1: {  	v2 =	vbroadcast v53, $0xF;
	v33, _, _ =	vpop (xrf2);
	v32 =	vsel vm0, v62, v5  }
0x2f2: {  	v3 =	vadd.f32 v11, v3;
	v5 =	vbroadcast v33, $0xF;
	v1 =	vsel vm1, v32, v63  }
0x2f3: {  	v34 =	vbroadcast v50, $0xF;
	v1 =	vsel vm2, v1, v2  }
0x2f4: {  	v35 =	vbroadcast v13, $0xF;
	v36, _, _ =	vpop (xrf2);
	(xrf2) =	vadd.scan.msk.f32 $0xffff, v3;
	v1 =	vsel vm3, v1, v5  }
0x2f5: {  	v37 =	vbroadcast v36, $0xF;
	v1 =	vsel vm4, v1, v34  }
0x2f6: {  	v0 =	vbroadcast v43, $0xF;
	v1 =	vsel vm5, v1, v35  }
0x2f7: {  	v38 =	vbroadcast v40, $0xF;
	v39, _, _ =	vpop (xrf2);
	v1 =	vsel vm6, v1, v37  }
0x2f8: {  	v40 =	vbroadcast v39, $0xF;
	v0 =	vsel vm7, v1, v0  }
0x2f9: {  	v41 =	vbroadcast v22, $0xF;
	v0 =	vsel vm8, v0, v38  }
0x2fa: {  	v42 =	vbroadcast v21, $0xF;
	s26 =	sshra.s32 s28, $0x2;
	v43, _, _ =	vpop (xrf2);
	v0 =	vsel vm9, v0, v40  }
0x2fb: {  	v45 =	vld [tilespmem:s26+$0x10480];
	v44 =	vbroadcast v43, $0xF;
	v0 =	vsel vm10, v0, v41  }
0x2fc: {  	v46 =	vbroadcast v49, $0xF;
	v0 =	vsel vm11, v0, v42  }
0x2fd: {  	v47 =	vld [tilespmem:s26+$0x10680];
	v0 =	vsel vm12, v0, v44  }
0x2fe: {  	v48, _, _ =	vpop (xrf2);
	v0 =	vsel vm13, v0, v46  }
0x2ff: {  	v0 =	vsel vm14, v0, v48  }
0x300: {  	v0 =	vadd.f32 v0, v45;
	_ =	sdelay $0x1  }
0x301: {  	v0 =	vadd.f32 v0, v47;
	_ =	sdelay $0x1  }
0x302: {  	[tilespmem:s26+$0x10880] =	vst v0  }
0x303: {  	_ =	swait.ge [sflag:s18], $0x2000  }
0x304: {  	[sflag:s18] =	ssyncset.done $0x0  }
0x305: {  	[sflag:s18] =	ssyncadd.s32 $0xFFFFE000  }
0x306: {  	_ =	swait.ge [sflag:s18], $0x2000  }
0x307: {  	[sflag:s18] =	ssyncset.done $0x0  }
0x308: {  	[sflag:s18] =	ssyncadd.s32 $0xFFFFE000  }
0x309: {  	_ =	swait.ge [sflag:s18], $0x80  }
0x30a: {  	[sflag:s18] =	ssyncset.done $0x0  }
0x30b: {  	[sflag:s18] =	ssyncadd.s32 $0xFFFFFF80  }
0x30c: {  	_ =	swait.ge [sflag:s18], $0x80  }
0x30d: {  	[sflag:s18] =	ssyncset.done $0x0  }
0x30e: {  	s26 =	simm.s32 $0x0;
	[sflag:s18] =	ssyncadd.s32 $0xFFFFFF80  }
0x30f: {  	v20 =	vld [tilespmem:s26+$0x47B0]  }
0x310: {  	v21 =	vld [tilespmem:s26+$0xC7B0]  }
0x311: {  	v49 =	vld [tilespmem:s26+$0x47C0]  }
0x312: {  	v50 =	vld [tilespmem:s26+$0xC7C0]  }
0x313: {  	v51 =	vld [tilespmem:s26+$0x47D0]  }
0x314: {  	v52 =	vld [tilespmem:s26+$0xC7D0]  }
0x315: {  	v22 =	vld [tilespmem:s26+$0x47A0]  }
0x316: {  	v23 =	vld [tilespmem:s26+$0xC7A0]  }
0x317: {  	v24 =	vld [tilespmem:s26+$0x4730]  }
0x318: {  	v25 =	vld [tilespmem:s26+$0xC730]  }
0x319: {  	v53 =	vld [tilespmem:s26+$0x4760]  }
0x31a: {  	v26 =	vld [tilespmem:s26+$0x4780]  }
0x31b: {  	v27 =	vld [tilespmem:s26+$0xC780]  }
0x31c: {  	v28 =	vld [tilespmem:s26+$0x4790]  }
0x31d: {  	v29 =	vld [tilespmem:s26+$0xC790]  }
0x31e: {  	v54 =	vld [tilespmem:s26+$0x46F0]  }
0x31f: {  	v55 =	vld [tilespmem:s26+$0xC6F0]  }
0x320: {  	v32 =	vld [tilespmem:s26+$0x4720]  }
0x321: {  	v33 =	vld [tilespmem:s26+$0xC720]  }
0x322: {  	v56 =	vld [tilespmem:s26+$0x4740]  }
0x323: {  	v57 =	vld [tilespmem:s26+$0xC740]  }
0x324: {  	v58 =	vld [tilespmem:s26+$0x4750]  }
0x325: {  	v59 =	vld [tilespmem:s26+$0xC750]  }
0x326: {  	v34 =	vld [tilespmem:s26+$0x46E0]  }
0x327: {  	v35 =	vld [tilespmem:s26+$0xC6E0]  }
0x328: {  	v36 =	vld [tilespmem:s26+$0x4700]  }
0x329: {  	v37 =	vld [tilespmem:s26+$0xC700]  }
0x32a: {  	v38 =	vld [tilespmem:s26+$0x4710]  }
0x32b: {  	v39 =	vld [tilespmem:s26+$0xC710]  }
0x32c: {  	v40 =	vld [tilespmem:s26+$0x4670]  }
0x32d: {  	v41 =	vld [tilespmem:s26+$0xC670]  }
0x32e: {  	v60 =	vld [tilespmem:s26+$0x46A0]  }
0x32f: {  	v42 =	vld [tilespmem:s26+$0x46C0]  }
0x330: {  	v43 =	vld [tilespmem:s26+$0xC6C0]  }
0x331: {  	v44 =	vld [tilespmem:s26+$0x46D0]  }
0x332: {  	v45 =	vld [tilespmem:s26+$0xC6D0]  }
0x333: {  	v46 =	vld [tilespmem:s26+$0x4630]  }
0x334: {  	v47 =	vld [tilespmem:s26+$0xC630]  }
0x335: {  	v48 =	vld [tilespmem:s26+$0x4660]  }
0x336: {  	v61 =	vld [tilespmem:s26+$0x4680]  }
0x337: {  	v62 =	vld [tilespmem:s26+$0xC680]  }
0x338: {  	v63 =	vld [tilespmem:s26+$0x4690]  }
0x339: {  	v4 =	vld [tilespmem:s26+$0xC690]  }
0x33a: {  	v5 =	vld [tilespmem:s26+$0x45E0]  }
0x33b: {  	v13 =	vld [tilespmem:s26+$0x45A0]  }
0x33c: {  	v10 =	vld [tilespmem:s26+$0xC5A0]  }
0x33d: {  	v6 =	vld [tilespmem:s26+$0x45C0]  }
0x33e: {  	v7 =	vld [tilespmem:s26+$0xC5C0]  }
0x33f: {  	v8 =	vld [tilespmem:s26+$0x45D0]  }
0x340: {  	v9 =	vld [tilespmem:s26+$0xC5D0]  }
0x341: {  	v15 =	vld [tilespmem:s26+$0x4560]  }
0x342: {  	v14 =	vld [tilespmem:s26+$0xC560]  }
0x343: {  	v3 =	vld [tilespmem:s26+$0x4580]  }
0x344: {  	v2 =	vld [tilespmem:s26+$0xC580]  }
0x345: {  	v1 =	vld [tilespmem:s26+$0x4590]  }
0x346: {  	v0 =	vld [tilespmem:s26+$0xC590]  }
0x347: {  	v17 =	vld [tilespmem:s26+$0x44F0]  }
0x348: {  	v16 =	vld [tilespmem:s26+$0xC4F0]  }
0x349: {  	v11 =	vld [tilespmem:s26+$0x4520]  }
0x34a: {  	v31 =	vld [tilespmem:s26+$0x44B0]  }
0x34b: {  	v30 =	vld [tilespmem:s26+$0xC4B0]  }
0x34c: {  	v19 =	vld [tilespmem:s26+$0x4430]  }
0x34d: {  	v18 =	vld [tilespmem:s26+$0xC430]  }
0x34e: {  	v12 =	vld [tilespmem:s26+$0x44A0]  }
0x34f: {  	[tilespmem:$0x1FAE0] =	vst v49;
	v49 =	vld [tilespmem:s26+$0xC660]  }
0x350: {  	[tilespmem:$0x1FAF0] =	vst v50;
	v50 =	vld [tilespmem:s26+$0x4620]  }
0x351: {  	[tilespmem:$0x1FB00] =	vst v51;
	v51 =	vld [tilespmem:s26+$0xC620]  }
0x352: {  	[tilespmem:$0x1FB10] =	vst v52;
	v52 =	vld [tilespmem:s26+$0x4640]  }
0x353: {  	[tilespmem:$0x1FAD0] =	vst v53;
	v53 =	vld [tilespmem:s26+$0xC640]  }
0x354: {  	[tilespmem:$0x1F980] =	vst v54;
	v54 =	vld [tilespmem:s26+$0x4650]  }
0x355: {  	[tilespmem:$0x1F990] =	vst v55;
	v55 =	vld [tilespmem:s26+$0xC650]  }
0x356: {  	[tilespmem:$0x1FA90] =	vst v56;
	v56 =	vld [tilespmem:s26+$0x45B0]  }
0x357: {  	[tilespmem:$0x1FAA0] =	vst v57;
	v57 =	vld [tilespmem:s26+$0xC5B0]  }
0x358: {  	[tilespmem:$0x1FAB0] =	vst v58;
	v58 =	vld [tilespmem:s26+$0x4600]  }
0x359: {  	[tilespmem:$0x1FAC0] =	vst v59;
	v59 =	vld [tilespmem:s26+$0xC600]  }
0x35a: {  	[tilespmem:$0x1FA80] =	vst v60;
	v60 =	vld [tilespmem:s26+$0x4610]  }
0x35b: {  	[tilespmem:$0x1FA40] =	vst v61;
	v61 =	vld [tilespmem:s26+$0xC610]  }
0x35c: {  	[tilespmem:$0x1FA50] =	vst v62;
	v62 =	vld [tilespmem:s26+$0x4570]  }
0x35d: {  	[tilespmem:$0x1FA60] =	vst v63;
	v63 =	vld [tilespmem:s26+$0xC570]  }
0x35e: {  	[tilespmem:$0x1FA00] =	vst v7;
	v7 =	vld [tilespmem:s26+$0x4540]  }
0x35f: {  	[tilespmem:$0x1F9F0] =	vst v6;
	v6 =	vld [tilespmem:s26+$0xC540]  }
0x360: {  	[tilespmem:$0x1FA30] =	vst v5;
	v5 =	vld [tilespmem:s26+$0x4550]  }
0x361: {  	[tilespmem:$0x1FA70] =	vst v4;
	v4 =	vld [tilespmem:s26+$0xC550]  }
0x362: {  	[tilespmem:$0x1FA20] =	vst v9;
	v9 =	vld [tilespmem:s26+$0x44E0]  }
0x363: {  	[tilespmem:$0x1FA10] =	vst v8;
	v8 =	vld [tilespmem:s26+$0xC4E0]  }
0x364: {  	[tilespmem:$0x1F9E0] =	vst v11;
	v11 =	vld [tilespmem:s26+$0x4500]  }
0x365: {  	v26 =	vmul.f32 v27, v26;
	v27 =	vmul.f32 v29, v28;
	v28 =	vld [tilespmem:s26+$0x44C0]  }
0x366: {  	v29 =	vmul.f32 v37, v36;
	v37 =	vld [tilespmem:s26+$0xC4C0]  }
0x367: {  	v22 =	vmul.f32 v23, v22;
	v23 =	vld [tilespmem:s26+$0x44D0]  }
0x368: {  	v24 =	vmul.f32 v25, v24;
	v25 =	vld [tilespmem:s26+$0xC420]  }
0x369: {  	v36 =	vmul.f32 v39, v38;
	v40 =	vmul.f32 v41, v40;
	v41 =	vld [tilespmem:s26+$0xC6A0]  }
0x36a: {  	v39 =	vld [tilespmem:$0x1FA10]  }
0x36b: {  	v20 =	vmul.f32 v21, v20;
	v21 =	vadd.f32 v36, v29;
	v29 =	vld [tilespmem:s26+$0xC4D0]  }
0x36c: {  	v26 =	vadd.f32 v27, v26;
	v27 =	vmul.f32 v33, v32;
	v33 =	vld [tilespmem:s26+$0x4420]  }
0x36d: {  	v36 =	vld [tilespmem:s26+$0x4490]  }
0x36e: {  	v21 =	vadd.f32 v27, v21;
	v27 =	vld [tilespmem:s26+$0x4480]  }
0x36f: {  	[tilespmem:$0x1F9A0] =	vst v11;
	v11 =	vld [tilespmem:s26+$0xC500]  }
0x370: {  	v22 =	vadd.f32 v22, v26;
	v26 =	vmul.f32 v43, v42;
	v43 =	vmul.f32 v53, v52;
	v52 =	vld [tilespmem:$0x1F980]  }
0x371: {  	v53 =	vld [tilespmem:$0x1F990]  }
0x372: {  	v42 =	vmul.f32 v45, v44;
	v44 =	vmul.f32 v55, v54;
	v55 =	vld [tilespmem:s26+$0xC490]  }
0x373: {  	v45 =	vmul.f32 v61, v60;
	v60 =	vld [tilespmem:s26+$0x4400]  }
0x374: {  	v54 =	vmul.f32 v49, v48;
	v48 =	vld [tilespmem:s26+$0xC450]  }
0x375: {  	v21 =	vadd.f32 v24, v21;
	v24 =	vld [tilespmem:s26+$0xC480]  }
0x376: {  	v20 =	vadd.f32 v20, v22;
	v22 =	vadd.f32 v42, v26;
	v26 =	vmul.f32 v35, v34;
	v34 =	vld [tilespmem:$0x1F9E0]  }
0x377: {  	v35 =	vld [tilespmem:s26+$0xC5F0]  }
0x378: {  	v42 =	vmul.f32 v10, v13;
	v32 =	vadd.f32 v44, v43;
	v43 =	vld [tilespmem:s26+$0xC410];
	v13 =	vmul.f32 v29, v23  }
0x379: {  	v23 =	vmul.f32 v57, v56;
	v57 =	vmul.f32 v25, v33;
	v33 =	vld [tilespmem:s26+$0x45F0]  }
0x37a: {  	v22 =	vadd.f32 v26, v22;
	v26 =	vmul.f32 v59, v58;
	v59 =	vld [tilespmem:s26+$0xC400]  }
0x37b: {  	v58 =	vmul.f32 v51, v50;
	v50 =	vmul.f32 v16, v17;
	v16 =	vld [tilespmem:s26+$0xC460]  }
0x37c: {  	v51 =	vld [tilespmem:s26+$0xC470]  }
0x37d: {  	[tilespmem:$0x1F9B0] =	vst v11;
	v11 =	vld [tilespmem:s26+$0x4510]  }
0x37e: {  	v32 =	vadd.f32 v54, v32;
	v26 =	vadd.f32 v45, v26;
	v45 =	vld [tilespmem:s26+$0x4440]  }
0x37f: {  	v38 =	vmul.f32 v53, v52;
	v49 =	vmul.f32 v24, v27;
	v24 =	vld [tilespmem:s26+$0x4460]  }
0x380: {  	v32 =	vadd.f32 v40, v32;
	v40 =	vld [tilespmem:$0x1FA20]  }
0x381: {  	v61 =	vadd.f32 v38, v22;
	v38 =	vld [tilespmem:s26+$0x4410]  }
0x382: {  	v6 =	vmul.f32 v6, v7;
	v4 =	vmul.f32 v4, v5;
	[tilespmem:$0x1F9C0] =	vst v11;
	v11 =	vld [tilespmem:s26+$0xC510]  }
0x383: {  	v22 =	vadd.f32 v58, v26;
	v26 =	vmul.f32 v47, v46;
	v47 =	vmul.f32 v14, v15;
	v14 =	vld [tilespmem:s26+$0x4450]  }
0x384: {  	v4 =	vadd.f32 v4, v6;
	v46 =	vmul.f32 v37, v28;
	v37 =	vld [tilespmem:$0x1F9F0]  }
0x385: {  	v2 =	vmul.f32 v2, v3;
	v0 =	vmul.f32 v0, v1;
	v44 =	vadd.f32 v26, v22;
	v22 =	vld [tilespmem:s26+$0xC440]  }
0x386: {  	v15 =	vmul.f32 v63, v62;
	v4 =	vadd.f32 v47, v4;
	v63 =	vld [tilespmem:$0x1F9C0]  }
0x387: {  	v0 =	vadd.f32 v0, v2;
	v2 =	vadd.f32 v13, v46;
	v13 =	vmul.f32 v55, v36;
	[tilespmem:$0x1F9D0] =	vst v11;
	v11 =	vld [tilespmem:s26+$0xC4A0]  }
0x388: {  	v4 =	vadd.f32 v15, v4;
	v15 =	vld [tilespmem:$0x1F9D0]  }
0x389: {  	(xrf2) =	vadd.scan.msk.f32 $0xffff, v20;
	v6 =	vadd.f32 v13, v49;
	v13 =	vld [tilespmem:s26+$0x4530]  }
0x38a: {  	v0 =	vadd.f32 v42, v0;
	(xrf2) =	vadd.scan.msk.f32 $0xffff, v21;
	v10 =	vmul.f32 v43, v38;
	v38 =	vld [tilespmem:$0x1FA00]  }
0x38b: {  	v1 =	vmul.f32 v59, v60;
	(xrf2) =	vadd.scan.msk.f32 $0xffff, v61;
	v54 =	vmul.f32 v48, v14;
	v14 =	vld [tilespmem:s26+$0xC530]  }
0x38c: {  	v0 =	vadd.f32 v23, v0;
	(xrf2) =	vadd.scan.msk.f32 $0xffff, v32;
	v53 =	vmul.f32 v22, v45;
	v45 =	vld [tilespmem:$0x1FA30];
	v11 =	vmul.f32 v11, v12  }
0x38d: {  	v8 =	vmul.f32 v8, v9;
	(xrf2) =	vadd.scan.msk.f32 $0xffff, v44;
	v1 =	vadd.f32 v10, v1;
	v10 =	vmul.f32 v15, v63;
	v15 =	vld [tilespmem:s26+$0xC5E0]  }
0x38e: {  	v17 =	vld [tilespmem:$0x1FAF0];
	v59 =	vmul.f32 v16, v24;
	(xrf2) =	vadd.scan.msk.f32 $0xffff, v0;
	v52 =	vadd.f32 v11, v6;
	v6 =	vadd.f32 v54, v53  }
0x38f: {  	v56 =	vmul.f32 v30, v31;
	v62 =	vld [tilespmem:$0x1F9B0];
	(xrf2) =	vadd.scan.msk.f32 $0xffff, v4;
	v4 =	vmul.f32 v38, v37  }
0x390: {  	v43 =	vmul.f32 v14, v13;
	v14 =	vld [tilespmem:$0x1FAA0];
	v11 =	vadd.f32 v59, v6;
	v6 =	vmul.f32 v40, v39  }
0x391: {  	v3 =	vadd.f32 v56, v52;
	v56 =	vld [tilespmem:$0x1FA90]  }
0x392: {  	v2 =	vadd.f32 v8, v2;
	v12 =	vld [tilespmem:s26+$0x4470];
	v4 =	vadd.f32 v6, v4;
	v6 =	vmul.f32 v15, v45  }
0x393: {  	v61 =	vld [tilespmem:$0x1F9A0]  }
0x394: {  	v5 =	vmul.f32 v35, v33;
	v2 =	vadd.f32 v50, v2;
	v50 =	vld [tilespmem:$0x1FA60];
	v4 =	vadd.f32 v6, v4  }
0x395: {  	v15 =	vld [tilespmem:$0x1FAC0]  }
0x396: {  	v4 =	vadd.f32 v5, v4;
	v5 =	vmul.f32 v14, v56;
	v14 =	vld [tilespmem:$0x1FAB0]  }
0x397: {  	v32 =	vmul.f32 v51, v12;
	v12 =	vld [tilespmem:$0x1FA70]  }
0x398: {  	v55 =	vld [tilespmem:s26+$0xC520]  }
0x399: {  	v46 =	vld [tilespmem:s26+$0xC6B0]  }
0x39a: {  	v49 =	vld [tilespmem:$0x1FA50]  }
0x39b: {  	v58 =	vmul.f32 v18, v19;
	v48 =	vld [tilespmem:$0x1FA40];
	v60 =	vadd.f32 v57, v1;
	v14 =	vmul.f32 v15, v14  }
0x39c: {  	v1 =	vmul.f32 v62, v61;
	v36 =	vadd.f32 v32, v11;
	v11 =	vmul.f32 v12, v50;
	v12 =	vld [tilespmem:s26+$0xC760]  }
0x39d: {  	v5 =	vadd.f32 v14, v5;
	v14 =	vld [tilespmem:$0x1FAD0]  }
0x39e: {  	(xrf2) =	vadd.scan.msk.f32 $0xffff, v2;
	v2 =	vmul.f32 v55, v34;
	v0 =	vadd.f32 v58, v60;
	v53 =	vld [tilespmem:$0x1FA80];
	v1 =	vadd.f32 v10, v1  }
0x39f: {  	v44 =	vld [tilespmem:s26+$0x46B0];
	(xrf2) =	vadd.scan.msk.f32 $0xffff, v3  }
0x3a0: {  	v61 =	vld [tilespmem:$0x1FB00];
	v42 =	vadd.f32 v2, v1;
	(xrf2) =	vadd.scan.msk.f32 $0xffff, v0  }
0x3a1: {  	v9, _, _ =	vpop (xrf2);
	v60 =	vld [tilespmem:$0x1FAE0];
	v1 =	vmul.f32 v49, v48;
	(xrf2) =	vadd.scan.msk.f32 $0xffff, v36  }
0x3a2: {  	v47, _, _ =	vpop (xrf2);
	v54 =	vld [tilespmem:s26+$0xC770];
	v0 =	vadd.f32 v43, v42;
	v12 =	vmul.f32 v12, v14  }
0x3a3: {  	v13, _, _ =	vpop (xrf2);
	v51 =	vld [tilespmem:s26+$0x4770];
	v8 =	vmul.f32 v41, v53;
	v1 =	vadd.f32 v11, v1  }
0x3a4: {  	v52, _, _ =	vpop (xrf2);
	(xrf2) =	vadd.scan.msk.f32 $0xffff, v0;
	v5 =	vadd.f32 v12, v5;
	v12 =	vld [tilespmem:$0x1FB10]  }
0x3a5: {  	v57 =	vld [tilespmem:s26+$0xC7E0];
	v2 =	vmul.f32 v46, v44;
	v55, _, _ =	vpop (xrf2);
	v1 =	vadd.f32 v8, v1  }
0x3a6: {  	v16, _, _ =	vpop (xrf2);
	v15 =	vld [tilespmem:s26+$0x47E0]  }
0x3a7: {  	v58, _, _ =	vpop (xrf2);
	(xrf2) =	vadd.scan.msk.f32 $0xffff, v4;
	v1 =	vadd.f32 v2, v1;
	v2 =	vmul.f32 v17, v60;
	v17 =	vld [tilespmem:s26+$0xC7F0]  }
0x3a8: {  	v59, _, _ =	vpop (xrf2);
	v14 =	vld [tilespmem:s26+$0x47F0]  }
0x3a9: {  	v6 =	vmul.f32 v54, v51;
	v18, _, _ =	vpop (xrf2);
	v11 =	vmul.f32 v12, v61  }
0x3aa: {  	(xrf2) =	vadd.scan.msk.f32 $0xffff, v1;
	v12, _, _ =	vpop (xrf2)  }
0x3ab: {  	v63 =	vmul.f32 v57, v15;
	v62 =	vadd.f32 v6, v5;
	v32, _, _ =	vpop (xrf2);
	v2 =	vadd.f32 v11, v2  }
0x3ac: {  	v33 =	vbroadcast v12, $0xF;
	v6 =	vbroadcast v32, $0xF  }
0x3ad: {  	v34 =	vbroadcast v18, $0xF;
	v35 =	vmul.f32 v17, v14;
	(xrf2) =	vadd.scan.msk.f32 $0xffff, v62;
	v2 =	vadd.f32 v63, v2  }
0x3ae: {  	v4 =	vbroadcast v59, $0xF;
	v37, _, _ =	vpop (xrf2);
	v36 =	vsel vm0, v33, v6  }
0x3af: {  	v6 =	vbroadcast v37, $0xF;
	v1 =	vsel vm1, v36, v34;
	v2 =	vadd.f32 v35, v2  }
0x3b0: {  	v38 =	vbroadcast v58, $0xF;
	v1 =	vsel vm2, v1, v4  }
0x3b1: {  	v39 =	vbroadcast v16, $0xF;
	v40, _, _ =	vpop (xrf2);
	v1 =	vsel vm3, v1, v6;
	(xrf2) =	vadd.scan.msk.f32 $0xffff, v2  }
0x3b2: {  	v41 =	vbroadcast v40, $0xF;
	v1 =	vsel vm4, v1, v38  }
0x3b3: {  	v0 =	vbroadcast v55, $0xF;
	v1 =	vsel vm5, v1, v39  }
0x3b4: {  	v42 =	vbroadcast v52, $0xF;
	v43, _, _ =	vpop (xrf2);
	v1 =	vsel vm6, v1, v41  }
0x3b5: {  	v44 =	vbroadcast v43, $0xF;
	v0 =	vsel vm7, v1, v0  }
0x3b6: {  	v45 =	vbroadcast v13, $0xF;
	v0 =	vsel vm8, v0, v42  }
0x3b7: {  	s24 =	simm.s32 $0x10500;
	v46 =	vbroadcast v47, $0xF;
	v47, _, _ =	vpop (xrf2);
	v0 =	vsel vm9, v0, v44  }
0x3b8: {  	v49 =	vld [tilespmem:s24+$0x0];
	v48 =	vbroadcast v47, $0xF;
	v0 =	vsel vm10, v0, v45  }
0x3b9: {  	v50 =	vbroadcast v9, $0xF;
	s26 =	simm.s32 $0x10700;
	v0 =	vsel vm11, v0, v46  }
0x3ba: {  	v51 =	vld [tilespmem:s26+$0x0];
	v0 =	vsel vm12, v0, v48  }
0x3bb: {  	v0 =	vsel vm13, v0, v50;
	v52, _, _ =	vpop (xrf2)  }
0x3bc: {  	v0 =	vsel vm14, v0, v52  }
0x3bd: {  	v0 =	vadd.f32 v0, v49;
	_ =	sdelay $0x1  }
0x3be: {  	v0 =	vadd.f32 v0, v51  }
0x3bf: {  	s28 =	simm.s32 $0x10900  }
0x3c0: {  	s29 =	simm.s32 $0x400;
	[tilespmem:s28+$0x0] =	vst v0  }
0x3c1: {  	v6 =	vld [tilespmem:s29+$0x47B0]  }
0x3c2: {  	v9 =	vld [tilespmem:s29+$0xC7B0]  }
0x3c3: {  	v0 =	vld [tilespmem:s29+$0x47C0]  }
0x3c4: {  	v53 =	vld [tilespmem:s29+$0xC7C0]  }
0x3c5: {  	v54 =	vld [tilespmem:s29+$0x47D0]  }
0x3c6: {  	v55 =	vld [tilespmem:s29+$0xC7D0]  }
0x3c7: {  	v56 =	vld [tilespmem:s29+$0x47A0]  }
0x3c8: {  	v31 =	vld [tilespmem:s29+$0xC7A0]  }
0x3c9: {  	v11 =	vld [tilespmem:s29+$0x4730]  }
0x3ca: {  	v12 =	vld [tilespmem:s29+$0xC730]  }
0x3cb: {  	v57 =	vld [tilespmem:s29+$0x4760]  }
0x3cc: {  	v26 =	vld [tilespmem:s29+$0x4780]  }
0x3cd: {  	v32 =	vld [tilespmem:s29+$0xC780]  }
0x3ce: {  	v33 =	vld [tilespmem:s29+$0x4790]  }
0x3cf: {  	v35 =	vld [tilespmem:s29+$0xC790]  }
0x3d0: {  	v14 =	vld [tilespmem:s29+$0x46F0]  }
0x3d1: {  	v23 =	vld [tilespmem:s29+$0xC6F0]  }
0x3d2: {  	v58 =	vld [tilespmem:s29+$0x4720]  }
0x3d3: {  	v63 =	vld [tilespmem:s29+$0xC720]  }
0x3d4: {  	v59 =	vld [tilespmem:s29+$0x4740]  }
0x3d5: {  	v60 =	vld [tilespmem:s29+$0xC740]  }
0x3d6: {  	v61 =	vld [tilespmem:s29+$0x4750]  }
0x3d7: {  	v62 =	vld [tilespmem:s29+$0xC750]  }
0x3d8: {  	v36 =	vld [tilespmem:s29+$0x46E0]  }
0x3d9: {  	v34 =	vld [tilespmem:s29+$0xC6E0]  }
0x3da: {  	v43 =	vld [tilespmem:s29+$0x4700]  }
0x3db: {  	v44 =	vld [tilespmem:s29+$0xC700]  }
0x3dc: {  	v45 =	vld [tilespmem:s29+$0x4710]  }
0x3dd: {  	v46 =	vld [tilespmem:s29+$0xC710]  }
0x3de: {  	v5 =	vld [tilespmem:s29+$0x4670]  }
0x3df: {  	v7 =	vld [tilespmem:s29+$0xC670]  }
0x3e0: {  	v4 =	vld [tilespmem:s29+$0x46A0]  }
0x3e1: {  	v49 =	vld [tilespmem:s29+$0x46C0]  }
0x3e2: {  	v1 =	vld [tilespmem:s29+$0xC6C0]  }
0x3e3: {  	v2 =	vld [tilespmem:s29+$0x46D0]  }
0x3e4: {  	v52 =	vld [tilespmem:s29+$0xC6D0]  }
0x3e5: {  	v3 =	vld [tilespmem:s29+$0x4630]  }
0x3e6: {  	v8 =	vld [tilespmem:s29+$0x4680]  }
0x3e7: {  	v10 =	vld [tilespmem:s29+$0xC680]  }
0x3e8: {  	v37 =	vld [tilespmem:s29+$0x4690]  }
0x3e9: {  	v38 =	vld [tilespmem:s29+$0xC690]  }
0x3ea: {  	v50 =	vld [tilespmem:s29+$0x4620]  }
0x3eb: {  	v39 =	vld [tilespmem:s29+$0xC620]  }
0x3ec: {  	v13 =	vld [tilespmem:s29+$0x45B0]  }
0x3ed: {  	v20 =	vld [tilespmem:s29+$0xC5B0]  }
0x3ee: {  	v40 =	vld [tilespmem:s29+$0x45E0]  }
0x3ef: {  	v48 =	vld [tilespmem:s29+$0xC600]  }
0x3f0: {  	v47 =	vld [tilespmem:s29+$0xC610]  }
0x3f1: {  	v15 =	vld [tilespmem:s29+$0x45C0]  }
0x3f2: {  	v16 =	vld [tilespmem:s29+$0xC5C0]  }
0x3f3: {  	v17 =	vld [tilespmem:s29+$0x45D0]  }
0x3f4: {  	v18 =	vld [tilespmem:s29+$0xC5D0]  }
0x3f5: {  	v41 =	vld [tilespmem:s29+$0x4560]  }
0x3f6: {  	v42 =	vld [tilespmem:s29+$0xC560]  }
0x3f7: {  	v22 =	vld [tilespmem:s29+$0xC580]  }
0x3f8: {  	v21 =	vld [tilespmem:s29+$0xC590]  }
0x3f9: {  	v29 =	vld [tilespmem:s29+$0x44F0]  }
0x3fa: {  	v30 =	vld [tilespmem:s29+$0xC4F0]  }
0x3fb: {  	v19 =	vld [tilespmem:s29+$0x4520]  }
0x3fc: {  	v27 =	vld [tilespmem:s29+$0x44B0]  }
0x3fd: {  	v28 =	vld [tilespmem:s29+$0xC4B0]  }
0x3fe: {  	v51 =	vld [tilespmem:s29+$0x44E0]  }
0x3ff: {  	v24 =	vld [tilespmem:s29+$0xC500]  }
0x400: {  	v25 =	vld [tilespmem:s29+$0x4510]  }
0x401: {  	[tilespmem:$0x1FBB0] =	vst v4;
	v4 =	vld [tilespmem:s29+$0xC630]  }
0x402: {  	[tilespmem:$0x1FC20] =	vst v58;
	v58 =	vld [tilespmem:s29+$0x4660]  }
0x403: {  	[tilespmem:$0x1FB60] =	vst v57;
	v57 =	vld [tilespmem:s29+$0xC660]  }
0x404: {  	[tilespmem:$0x1FB70] =	vst v59;
	v59 =	vld [tilespmem:s29+$0x4640]  }
0x405: {  	[tilespmem:$0x1FB80] =	vst v60;
	v60 =	vld [tilespmem:s29+$0xC640]  }
0x406: {  	[tilespmem:$0x1FB90] =	vst v61;
	v61 =	vld [tilespmem:s29+$0x4650]  }
0x407: {  	[tilespmem:$0x1FBA0] =	vst v62;
	v62 =	vld [tilespmem:s29+$0xC650]  }
0x408: {  	[tilespmem:$0x1FB40] =	vst v54;
	v54 =	vld [tilespmem:s29+$0x4600]  }
0x409: {  	[tilespmem:$0x1FB30] =	vst v53;
	v53 =	vld [tilespmem:s29+$0x4610]  }
0x40a: {  	[tilespmem:$0x1FBC0] =	vst v8;
	v8 =	vld [tilespmem:s29+$0x4570]  }
0x40b: {  	[tilespmem:$0x1FBD0] =	vst v10;
	v10 =	vld [tilespmem:s29+$0xC570]  }
0x40c: {  	[tilespmem:$0x1FC10] =	vst v56;
	v56 =	vld [tilespmem:s29+$0x45A0]  }
0x40d: {  	[tilespmem:$0x1FB50] =	vst v55;
	v55 =	vld [tilespmem:s29+$0xC5A0]  }
0x40e: {  	[tilespmem:$0x1FBF0] =	vst v38;
	v38 =	vld [tilespmem:s29+$0x4580]  }
0x40f: {  	[tilespmem:$0x1FBE0] =	vst v37;
	v37 =	vld [tilespmem:s29+$0x4590]  }
0x410: {  	[tilespmem:$0x1FC50] =	vst v42;
	v42 =	vld [tilespmem:s29+$0x4540]  }
0x411: {  	[tilespmem:$0x1FC00] =	vst v40;
	v40 =	vld [tilespmem:s29+$0xC540]  }
0x412: {  	[tilespmem:$0x1FC40] =	vst v41;
	v41 =	vld [tilespmem:s29+$0x4550]  }
0x413: {  	[tilespmem:$0x1FC30] =	vst v39;
	v39 =	vld [tilespmem:s29+$0xC550]  }
0x414: {  	[tilespmem:$0x1FC60] =	vst v51;
	v51 =	vld [tilespmem:s29+$0xC4E0]  }
0x415: {  	v32 =	vmul.f32 v32, v26;
	v26 =	vld [tilespmem:s29+$0xC510];
	v43 =	vmul.f32 v44, v43  }
0x416: {  	v44 =	vmul.f32 v46, v45;
	v45 =	vmul.f32 v1, v49;
	v49 =	vld [tilespmem:s29+$0x44D0]  }
0x417: {  	v1 =	vld [tilespmem:s29+$0x4480]  }
0x418: {  	v33 =	vmul.f32 v35, v33;
	v35 =	vld [tilespmem:$0x1FC10]  }
0x419: {  	v46 =	vmul.f32 v52, v2;
	v52 =	vld [tilespmem:$0x1FC20]  }
0x41a: {  	v5 =	vmul.f32 v7, v5;
	v7 =	vld [tilespmem:$0x1FC30]  }
0x41b: {  	[tilespmem:$0x1FB20] =	vst v0;
	v0 =	vadd.f32 v33, v32;
	v32 =	vld [tilespmem:s29+$0xC430]  }
0x41c: {  	v33 =	vld [tilespmem:s29+$0x44A0]  }
0x41d: {  	v45 =	vadd.f32 v46, v45;
	v46 =	vld [tilespmem:s29+$0x44C0]  }
0x41e: {  	v43 =	vadd.f32 v44, v43;
	v44 =	vld [tilespmem:s29+$0xC4C0]  }
0x41f: {  	v6 =	vmul.f32 v9, v6;
	v34 =	vmul.f32 v34, v36;
	[tilespmem:$0x1FC70] =	vst v51;
	v51 =	vld [tilespmem:s29+$0x4500]  }
0x420: {  	v21 =	vmul.f32 v21, v37;
	v37 =	vld [tilespmem:s29+$0xC400];
	v35 =	vmul.f32 v31, v35  }
0x421: {  	v22 =	vmul.f32 v22, v38;
	v38 =	vld [tilespmem:s29+$0x4400];
	v2 =	vmul.f32 v63, v52  }
0x422: {  	v11 =	vmul.f32 v12, v11;
	v39 =	vmul.f32 v39, v41;
	v41 =	vld [tilespmem:s29+$0xC410];
	v0 =	vadd.f32 v35, v0  }
0x423: {  	v34 =	vadd.f32 v34, v45;
	v40 =	vmul.f32 v40, v42;
	v31 =	vld [tilespmem:s29+$0x4430];
	v9 =	vadd.f32 v2, v43  }
0x424: {  	v52 =	vmul.f32 v23, v14;
	v63 =	vmul.f32 v57, v58;
	v57 =	vld [tilespmem:$0x1FC40];
	v0 =	vadd.f32 v6, v0  }
0x425: {  	v58 =	vld [tilespmem:$0x1FC50];
	v36 =	vadd.f32 v11, v9  }
0x426: {  	v40 =	vadd.f32 v39, v40;
	v39 =	vld [tilespmem:s29+$0x4410];
	v45 =	vadd.f32 v52, v34;
	(xrf2) =	vadd.scan.msk.f32 $0xffff, v0  }
0x427: {  	v60 =	vmul.f32 v60, v59;
	v62 =	vmul.f32 v62, v61;
	v35 =	vld [tilespmem:s29+$0xC4A0];
	(xrf2) =	vadd.scan.msk.f32 $0xffff, v36  }
0x428: {  	v48 =	vmul.f32 v48, v54;
	v47 =	vmul.f32 v47, v53;
	v43 =	vld [tilespmem:s29+$0xC4D0];
	(xrf2) =	vadd.scan.msk.f32 $0xffff, v45  }
0x429: {  	v21 =	vadd.f32 v21, v22;
	v52 =	vld [tilespmem:s29+$0xC480]  }
0x42a: {  	v22 =	vmul.f32 v55, v56;
	v6 =	vadd.f32 v47, v48;
	v48 =	vld [tilespmem:s29+$0x4490];
	v0 =	vadd.f32 v62, v60  }
0x42b: {  	v9 =	vmul.f32 v7, v50;
	v11 =	vld [tilespmem:s29+$0xC490]  }
0x42c: {  	v21 =	vadd.f32 v22, v21;
	v22 =	vmul.f32 v20, v13;
	v62 =	vld [tilespmem:$0x1FC60];
	v0 =	vadd.f32 v63, v0  }
0x42d: {  	v56 =	vmul.f32 v4, v3;
	v55 =	vadd.f32 v9, v6;
	v63 =	vld [tilespmem:$0x1FC70]  }
0x42e: {  	v34 =	vld [tilespmem:s29+$0x4420];
	v59 =	vmul.f32 v58, v57;
	v22 =	vadd.f32 v22, v21;
	v0 =	vadd.f32 v5, v0  }
0x42f: {  	v44 =	vmul.f32 v44, v46;
	v36 =	vld [tilespmem:s29+$0xC420];
	v43 =	vmul.f32 v43, v49;
	v42 =	vadd.f32 v56, v55  }
0x430: {  	v61 =	vmul.f32 v10, v8;
	v60 =	vadd.f32 v59, v40;
	v40 =	vld [tilespmem:s29+$0x4440];
	(xrf2) =	vadd.scan.msk.f32 $0xffff, v0;
	v54, _, _ =	vpop (xrf2)  }
0x431: {  	v47 =	vmul.f32 v52, v1;
	v45 =	vadd.f32 v43, v44;
	v43 =	vld [tilespmem:s29+$0x4450];
	(xrf2) =	vadd.scan.msk.f32 $0xffff, v42;
	v21, _, _ =	vpop (xrf2)  }
0x432: {  	s31 =	simm.s32 $0x2000;
	v48 =	vmul.f32 v11, v48;
	v44 =	vadd.f32 v61, v60;
	v46 =	vmul.f32 v63, v62;
	v42 =	vld [tilespmem:s29+$0xC440];
	(xrf2) =	vadd.scan.msk.f32 $0xffff, v22;
	v22, _, _ =	vpop (xrf2)  }
.LBB2_6:
0x433: {  	v49 =	vld [tilespmem:s29+$0xC450]  }
0x434: {  	v9 =	vld [tilespmem:s29+$0xC460]  }
0x435: {  	v10 =	vld [tilespmem:s29+$0x4470]  }
0x436: {  	v11 =	vld [tilespmem:s29+$0xC470]  }
0x437: {  	v15 =	vmul.f32 v16, v15;
	v16 =	vmul.f32 v18, v17;
	v17 =	vld [tilespmem:s29+$0xC6A0]  }
0x438: {  	v1 =	vld [tilespmem:$0x1FBD0]  }
0x439: {  	v50 =	vld [tilespmem:$0x1FBE0]  }
0x43a: {  	v12 =	vld [tilespmem:s29+$0xC760]  }
0x43b: {  	v52 =	vld [tilespmem:$0x1FBB0]  }
0x43c: {  	v53 =	vld [tilespmem:s29+$0xC770]  }
0x43d: {  	v55 =	vld [tilespmem:$0x1FB70]  }
0x43e: {  	v56 =	vld [tilespmem:$0x1FB80]  }
0x43f: {  	v57 =	vld [tilespmem:$0x1FB90]  }
0x440: {  	v58 =	vld [tilespmem:$0x1FBA0]  }
0x441: {  	v59 =	vld [tilespmem:$0x1FB60]  }
0x442: {  	v61 =	vld [tilespmem:$0x1FB20];
	v0 =	vmul.f32 v30, v29  }
0x443: {  	(xrf2) =	vadd.scan.msk.f32 $0xffff, v44;
	v44 =	vld [tilespmem:s29+$0xC520];
	v33 =	vmul.f32 v35, v33;
	v7 =	vmul.f32 v37, v38  }
0x444: {  	v45 =	vadd.f32 v46, v45;
	v30 =	vld [tilespmem:s29+$0x4460];
	v8 =	vmul.f32 v41, v39;
	v27 =	vmul.f32 v28, v27  }
0x445: {  	v6 =	vadd.f32 v48, v47;
	v47 =	vld [tilespmem:s29+$0xC530];
	v34 =	vmul.f32 v36, v34;
	v42 =	vmul.f32 v42, v40  }
0x446: {  	v48 =	vld [tilespmem:$0x1FC00];
	v23 =	vmul.f32 v24, v51;
	v43 =	vmul.f32 v49, v43;
	v0 =	vadd.f32 v0, v45  }
0x447: {  	v24 =	vmul.f32 v26, v25;
	v25 =	vld [tilespmem:s29+$0xC5E0];
	v33 =	vadd.f32 v33, v6;
	v28 =	vadd.f32 v8, v7  }
0x448: {  	v31 =	vmul.f32 v32, v31;
	v51 =	vld [tilespmem:$0x1FBF0];
	v29, _, _ =	vpop (xrf2);
	v46 =	vadd.f32 v43, v42;
	(xrf2) =	vadd.scan.msk.f32 $0xffff, v0  }
0x449: {  	v45 =	vld [tilespmem:s29+$0x4530];
	v27 =	vadd.f32 v27, v33;
	v28 =	vadd.f32 v34, v28;
	v30 =	vmul.f32 v9, v30  }
0x44a: {  	v49 =	vld [tilespmem:$0x1FBC0];
	v23 =	vadd.f32 v24, v23  }
0x44b: {  	v24 =	vld [tilespmem:s29+$0xC5F0];
	v39, _, _ =	vpop (xrf2);
	(xrf2) =	vadd.scan.msk.f32 $0xffff, v27;
	v27 =	vadd.f32 v31, v28;
	v28 =	vadd.f32 v30, v46;
	v30 =	vmul.f32 v11, v10  }
0x44c: {  	v20 =	vmul.f32 v44, v19;
	v31 =	vld [tilespmem:s29+$0x45F0]  }
0x44d: {  	v62 =	vld [tilespmem:$0x1FB30];
	v26, _, _ =	vpop (xrf2);
	(xrf2) =	vadd.scan.msk.f32 $0xffff, v27;
	v27 =	vadd.f32 v30, v28  }
0x44e: {  	v15 =	vadd.f32 v16, v15;
	v16 =	vld [tilespmem:s29+$0xC6B0];
	v20 =	vadd.f32 v20, v23;
	v23 =	vmul.f32 v47, v45  }
0x44f: {  	v14 =	vmul.f32 v25, v48;
	v18, _, _ =	vpop (xrf2);
	v28 =	vld [tilespmem:s29+$0x46B0];
	(xrf2) =	vadd.scan.msk.f32 $0xffff, v27  }
0x450: {  	v32 =	vld [tilespmem:$0x1FB40];
	v10 =	vmul.f32 v1, v49;
	v11 =	vmul.f32 v51, v50;
	v20 =	vadd.f32 v23, v20  }
0x451: {  	v33 =	vld [tilespmem:$0x1FB50];
	v14 =	vadd.f32 v14, v15;
	v15 =	vmul.f32 v24, v31  }
0x452: {  	v9 =	vmul.f32 v17, v52;
	v23 =	vld [tilespmem:s29+$0x4770];
	v10 =	vadd.f32 v11, v10;
	v13, _, _ =	vpop (xrf2);
	(xrf2) =	vadd.scan.msk.f32 $0xffff, v20  }
0x453: {  	v5 =	vmul.f32 v56, v55;
	v6 =	vmul.f32 v58, v57;
	v7 =	vld [tilespmem:s29+$0x47E0];
	v14 =	vadd.f32 v15, v14  }
0x454: {  	v9 =	vadd.f32 v9, v10;
	v15 =	vld [tilespmem:s29+$0xC7E0];
	v16 =	vmul.f32 v16, v28  }
0x455: {  	v60 =	vld [tilespmem:s29+$0x47F0];
	v4 =	vmul.f32 v12, v59;
	v5 =	vadd.f32 v6, v5;
	v8, _, _ =	vpop (xrf2);
	(xrf2) =	vadd.scan.msk.f32 $0xffff, v14  }
0x456: {  	v3 =	vld [tilespmem:s29+$0xC7F0];
	v2 =	vmul.f32 v62, v61;
	v9 =	vadd.f32 v16, v9  }
0x457: {  	v12 =	vadd.f32 v4, v5;
	v0 =	vmul.f32 v33, v32;
	v11 =	vmul.f32 v53, v23  }
0x458: {  	v63, _, _ =	vpop (xrf2);
	(xrf2) =	vadd.scan.msk.f32 $0xffff, v9  }
0x459: {  	v0 =	vadd.f32 v0, v2;
	v34 =	vadd.f32 v11, v12;
	v35 =	vmul.f32 v15, v7;
	v36, _, _ =	vpop (xrf2)  }
0x45a: {  	v37 =	vbroadcast v63, $0xF;
	v38 =	vbroadcast v36, $0xF  }
0x45b: {  	v41 =	vmul.f32 v3, v60;
	v40 =	vbroadcast v8, $0xF;
	v0 =	vadd.f32 v35, v0;
	(xrf2) =	vadd.scan.msk.f32 $0xffff, v34  }
0x45c: {  	v43 =	vbroadcast v13, $0xF;
	v42 =	vsel vm0, v37, v38;
	v44, _, _ =	vpop (xrf2)  }
0x45d: {  	v0 =	vadd.f32 v41, v0;
	v1 =	vsel vm1, v42, v40;
	v45 =	vbroadcast v44, $0xF  }
0x45e: {  	v46 =	vbroadcast v18, $0xF;
	v1 =	vsel vm2, v1, v43  }
0x45f: {  	v47 =	vbroadcast v26, $0xF;
	v48, _, _ =	vpop (xrf2);
	(xrf2) =	vadd.scan.msk.f32 $0xffff, v0;
	v1 =	vsel vm3, v1, v45  }
0x460: {  	v50 =	vbroadcast v48, $0xF;
	v49 =	vsel vm4, v1, v46  }
0x461: {  	v51 =	vbroadcast v39, $0xF;
	v0 =	vsel vm5, v49, v47  }
0x462: {  	v52 =	vbroadcast v29, $0xF;
	v53, _, _ =	vpop (xrf2);
	v0 =	vsel vm6, v0, v50  }
0x463: {  	v55 =	vbroadcast v53, $0xF;
	v0 =	vsel vm7, v0, v51  }
0x464: {  	v56 =	vbroadcast v22, $0xF;
	v0 =	vsel vm8, v0, v52  }
0x465: {  	s24 =	sadd.s32 $0x10, s24;
	v57 =	vbroadcast v21, $0xF;
	v58, _, _ =	vpop (xrf2);
	v0 =	vsel vm9, v0, v55  }
0x466: {  	v60 =	vld [tilespmem:s24+$0x0];
	v59 =	vbroadcast v58, $0xF;
	v0 =	vsel vm10, v0, v56  }
0x467: {  	s26 =	sadd.s32 $0x10, s26;
	v61 =	vbroadcast v54, $0xF;
	v0 =	vsel vm11, v0, v57  }
0x468: {  	v62 =	vld [tilespmem:s26+$0x0];
	v0 =	vsel vm12, v0, v59  }
0x469: {  	v63, _, _ =	vpop (xrf2);
	v0 =	vsel vm13, v0, v61  }
0x46a: {  	v0 =	vsel vm14, v0, v63  }
0x46b: {  	v0 =	vadd.f32 v0, v60;
	_ =	sdelay $0x1  }
0x46c: {  	v0 =	vadd.f32 v0, v62  }
0x46d: {  	s28 =	sadd.s32 $0x10, s28  }
0x46e: {  	s29 =	sshra.s32 s31, $0x2;
	[tilespmem:s28+$0x0] =	vst v0  }
0x46f: {  	v0 =	vld [tilespmem:s29+$0x47B0]  }
0x470: {  	v21 =	vld [tilespmem:s29+$0xC7B0]  }
0x471: {  	v4 =	vld [tilespmem:s29+$0x47C0]  }
0x472: {  	v5 =	vld [tilespmem:s29+$0xC7C0]  }
0x473: {  	v6 =	vld [tilespmem:s29+$0x47D0]  }
0x474: {  	v7 =	vld [tilespmem:s29+$0xC7D0]  }
0x475: {  	v26 =	vld [tilespmem:s29+$0x47A0]  }
0x476: {  	v31 =	vld [tilespmem:s29+$0xC7A0]  }
0x477: {  	v34 =	vld [tilespmem:s29+$0x4730]  }
0x478: {  	v37 =	vld [tilespmem:s29+$0xC730]  }
0x479: {  	v8 =	vld [tilespmem:s29+$0x4760]  }
0x47a: {  	v24 =	vld [tilespmem:s29+$0x4780]  }
0x47b: {  	v25 =	vld [tilespmem:s29+$0xC780]  }
0x47c: {  	v32 =	vld [tilespmem:s29+$0x4790]  }
0x47d: {  	v48 =	vld [tilespmem:s29+$0xC790]  }
0x47e: {  	v9 =	vld [tilespmem:s29+$0x46F0]  }
0x47f: {  	v22 =	vld [tilespmem:s29+$0xC6F0]  }
0x480: {  	v33 =	vld [tilespmem:s29+$0x4720]  }
0x481: {  	v35 =	vld [tilespmem:s29+$0xC720]  }
0x482: {  	v10 =	vld [tilespmem:s29+$0x4740]  }
0x483: {  	v11 =	vld [tilespmem:s29+$0xC740]  }
0x484: {  	v36 =	vld [tilespmem:s29+$0x4750]  }
0x485: {  	v38 =	vld [tilespmem:s29+$0xC750]  }
0x486: {  	v43 =	vld [tilespmem:s29+$0x46E0]  }
0x487: {  	v46 =	vld [tilespmem:s29+$0xC6E0]  }
0x488: {  	v53 =	vld [tilespmem:s29+$0x4700]  }
0x489: {  	v54 =	vld [tilespmem:s29+$0xC700]  }
0x48a: {  	v55 =	vld [tilespmem:s29+$0x4710]  }
0x48b: {  	v56 =	vld [tilespmem:s29+$0xC710]  }
0x48c: {  	v39 =	vld [tilespmem:s29+$0x4670]  }
0x48d: {  	v41 =	vld [tilespmem:s29+$0xC670]  }
0x48e: {  	v40 =	vld [tilespmem:s29+$0x46A0]  }
0x48f: {  	v57 =	vld [tilespmem:s29+$0x46C0]  }
0x490: {  	v58 =	vld [tilespmem:s29+$0xC6C0]  }
0x491: {  	v59 =	vld [tilespmem:s29+$0x46D0]  }
0x492: {  	v60 =	vld [tilespmem:s29+$0xC6D0]  }
0x493: {  	v42 =	vld [tilespmem:s29+$0x4630]  }
0x494: {  	v44 =	vld [tilespmem:s29+$0xC630]  }
0x495: {  	v52 =	vld [tilespmem:s29+$0xC660]  }
0x496: {  	v45 =	vld [tilespmem:s29+$0x4680]  }
0x497: {  	v47 =	vld [tilespmem:s29+$0xC680]  }
0x498: {  	v49 =	vld [tilespmem:s29+$0x4690]  }
0x499: {  	v50 =	vld [tilespmem:s29+$0xC690]  }
0x49a: {  	v61 =	vld [tilespmem:s29+$0x4640]  }
0x49b: {  	v62 =	vld [tilespmem:s29+$0xC640]  }
0x49c: {  	v63 =	vld [tilespmem:s29+$0x4650]  }
0x49d: {  	v51 =	vld [tilespmem:s29+$0x45E0]  }
0x49e: {  	v1 =	vld [tilespmem:s29+$0x4600]  }
0x49f: {  	v2 =	vld [tilespmem:s29+$0xC600]  }
0x4a0: {  	v3 =	vld [tilespmem:s29+$0x4610]  }
0x4a1: {  	v23 =	vld [tilespmem:s29+$0xC5C0]  }
0x4a2: {  	v12 =	vld [tilespmem:s29+$0xC590]  }
0x4a3: {  	v29 =	vld [tilespmem:s29+$0x44F0]  }
0x4a4: {  	v30 =	vld [tilespmem:s29+$0xC4F0]  }
0x4a5: {  	v19 =	vld [tilespmem:s29+$0x4520]  }
0x4a6: {  	v13 =	vld [tilespmem:s29+$0x4540]  }
0x4a7: {  	v14 =	vld [tilespmem:s29+$0xC540]  }
0x4a8: {  	v15 =	vld [tilespmem:s29+$0x4550]  }
0x4a9: {  	v16 =	vld [tilespmem:s29+$0xC550]  }
0x4aa: {  	v27 =	vld [tilespmem:s29+$0x44B0]  }
0x4ab: {  	v28 =	vld [tilespmem:s29+$0xC4B0]  }
0x4ac: {  	v17 =	vld [tilespmem:s29+$0x44E0]  }
0x4ad: {  	v18 =	vld [tilespmem:s29+$0xC4E0]  }
0x4ae: {  	[tilespmem:$0x1FB90] =	vst v36;
	v36 =	vld [tilespmem:s29+$0x4660]  }
0x4af: {  	[tilespmem:$0x1FBE0] =	vst v49;
	v49 =	vld [tilespmem:s29+$0x4620]  }
0x4b0: {  	[tilespmem:$0x1FBA0] =	vst v38;
	v38 =	vld [tilespmem:s29+$0xC620]  }
0x4b1: {  	[tilespmem:$0x1F930] =	vst v0;
	v0 =	vld [tilespmem:s29+$0xC650]  }
0x4b2: {  	[tilespmem:$0x1FBB0] =	vst v40;
	v40 =	vld [tilespmem:s29+$0x45B0]  }
0x4b3: {  	[tilespmem:$0x1F950] =	vst v39;
	v39 =	vld [tilespmem:s29+$0xC5B0]  }
0x4b4: {  	[tilespmem:$0x1FB20] =	vst v4;
	v4 =	vld [tilespmem:s29+$0xC610]  }
0x4b5: {  	[tilespmem:$0x1F960] =	vst v42;
	v42 =	vld [tilespmem:s29+$0x4570]  }
0x4b6: {  	[tilespmem:$0x1FBC0] =	vst v45;
	v45 =	vld [tilespmem:s29+$0xC570]  }
0x4b7: {  	[tilespmem:$0x1FB30] =	vst v5;
	v5 =	vld [tilespmem:s29+$0x45A0]  }
0x4b8: {  	[tilespmem:$0x1FB40] =	vst v6;
	v6 =	vld [tilespmem:s29+$0xC5A0]  }
0x4b9: {  	[tilespmem:$0x1FBF0] =	vst v50;
	v50 =	vld [tilespmem:s29+$0x45C0]  }
0x4ba: {  	[tilespmem:$0x1FBD0] =	vst v47;
	v47 =	vld [tilespmem:s29+$0x45D0]  }
0x4bb: {  	[tilespmem:$0x1F970] =	vst v44;
	v44 =	vld [tilespmem:s29+$0xC5D0]  }
0x4bc: {  	[tilespmem:$0x1FB50] =	vst v7;
	v7 =	vld [tilespmem:s29+$0x4560]  }
0x4bd: {  	[tilespmem:$0x1FB60] =	vst v8;
	v8 =	vld [tilespmem:s29+$0xC560]  }
0x4be: {  	[tilespmem:$0x1F940] =	vst v9;
	v9 =	vld [tilespmem:s29+$0x4580]  }
0x4bf: {  	[tilespmem:$0x1FB70] =	vst v10;
	v10 =	vld [tilespmem:s29+$0xC580]  }
0x4c0: {  	[tilespmem:$0x1FB80] =	vst v11;
	v11 =	vld [tilespmem:s29+$0x4590]  }
0x4c1: {  	[tilespmem:$0x1FC00] =	vst v51;
	v51 =	vld [tilespmem:s29+$0x4500]  }
0x4c2: {  	v20 =	vmul.f32 v25, v24;
	v24 =	vld [tilespmem:s29+$0xC500]  }
0x4c3: {  	v32 =	vmul.f32 v48, v32;
	v25 =	vld [tilespmem:s29+$0x4510]  }
0x4c4: {  	v48 =	vmul.f32 v54, v53;
	v53 =	vmul.f32 v56, v55;
	v56 =	vld [tilespmem:$0x1F930]  }
0x4c5: {  	v60 =	vmul.f32 v60, v59;
	v59 =	vld [tilespmem:$0x1F940]  }
0x4c6: {  	v43 =	vmul.f32 v46, v43;
	v46 =	vld [tilespmem:$0x1F970]  }
0x4c7: {  	v20 =	vadd.f32 v32, v20;
	v32 =	vmul.f32 v31, v26;
	v26 =	vld [tilespmem:s29+$0xC510]  }
0x4c8: {  	v58 =	vmul.f32 v58, v57;
	v31 =	vld [tilespmem:s29+$0x4430]  }
0x4c9: {  	v48 =	vadd.f32 v53, v48;
	v53 =	vmul.f32 v35, v33;
	v33 =	vld [tilespmem:s29+$0x44A0]  }
0x4ca: {  	v35 =	vld [tilespmem:s29+$0xC4A0];
	v57 =	vadd.f32 v60, v58  }
0x4cb: {  	v20 =	vadd.f32 v32, v20;
	v32 =	vld [tilespmem:s29+$0xC430]  }
0x4cc: {  	v34 =	vmul.f32 v37, v34;
	v37 =	vadd.f32 v43, v57;
	v43 =	vld [tilespmem:s29+$0xC4D0]  }
0x4cd: {  	v60 =	vmul.f32 v52, v36;
	v36 =	vld [tilespmem:s29+$0xC420];
	v21 =	vmul.f32 v21, v56  }
0x4ce: {  	v58 =	vmul.f32 v62, v61;
	v0 =	vmul.f32 v0, v63;
	v63 =	vld [tilespmem:$0x1F950]  }
0x4cf: {  	v61 =	vmul.f32 v4, v3;
	v3 =	vld [tilespmem:s29+$0xC480];
	v20 =	vadd.f32 v21, v20;
	v21 =	vadd.f32 v53, v48  }
0x4d0: {  	v22 =	vmul.f32 v22, v59;
	v59 =	vmul.f32 v39, v40;
	v39 =	vld [tilespmem:s29+$0x4410]  }
0x4d1: {  	v40 =	vld [tilespmem:s29+$0x4440];
	v21 =	vadd.f32 v34, v21  }
0x4d2: {  	v48 =	vld [tilespmem:s29+$0x44C0];
	v62 =	vadd.f32 v22, v37;
	(xrf2) =	vadd.scan.msk.f32 $0xffff, v20  }
0x4d3: {  	v53 =	vld [tilespmem:s29+$0x44D0];
	(xrf2) =	vadd.scan.msk.f32 $0xffff, v21  }
0x4d4: {  	v0 =	vadd.f32 v0, v58;
	v4 =	vmul.f32 v41, v63;
	v41 =	vld [tilespmem:$0x1F960];
	(xrf2) =	vadd.scan.msk.f32 $0xffff, v62  }
0x4d5: {  	v1 =	vmul.f32 v2, v1;
	v9 =	vmul.f32 v10, v9;
	v22 =	vld [tilespmem:s29+$0x4480]  }
0x4d6: {  	v37 =	vmul.f32 v38, v49;
	v38 =	vmul.f32 v12, v11;
	v0 =	vadd.f32 v60, v0;
	v20 =	vld [tilespmem:s29+$0xC4C0]  }
0x4d7: {  	v57 =	vmul.f32 v16, v15;
	v5 =	vmul.f32 v6, v5;
	v1 =	vadd.f32 v61, v1;
	v11 =	vld [tilespmem:s29+$0xC490]  }
0x4d8: {  	v49 =	vmul.f32 v14, v13;
	v34 =	vld [tilespmem:s29+$0x4420];
	v9 =	vadd.f32 v38, v9;
	v0 =	vadd.f32 v4, v0  }
0x4d9: {  	p0 =	sne.s32 s31, $0x7000;
	v16 =	vmovc v23;
	v60 =	vmul.f32 v8, v7;
	v1 =	vadd.f32 v37, v1;
	v4 =	vld [tilespmem:s29+$0x4490];
	v2 =	vmul.f32 v46, v41  }
.Ltmp2:
0x4da: {  	v37 =	vld [tilespmem:s29+$0xC400];
	v63 =	vmul.f32 v45, v42;
	v58 =	vadd.f32 v5, v9;
	(xrf2) =	vadd.scan.msk.f32 $0xffff, v0;
	v0 =	vadd.f32 v57, v49;
	(pc) =	sbr.rel @p0 .LBB2_6-.Ltmp2, $4  }
0x4db: {  	v15 =	vmovc v50;
	v38 =	vld [tilespmem:s29+$0x4400];
	v62 =	vmul.f32 v43, v53;
	v61 =	vmul.f32 v20, v48;
	v1 =	vadd.f32 v2, v1  }
0x4dc: {  	v42 =	vld [tilespmem:s29+$0xC440];
	v46 =	vmul.f32 v18, v17;
	v0 =	vadd.f32 v60, v0;
	v2 =	vadd.f32 v59, v58;
	v54, _, _ =	vpop (xrf2)  }
0x4dd: {  	v43 =	vld [tilespmem:s29+$0x4450];
	v18 =	vmov v44;
	v17 =	vmov v47;
	v47 =	vmul.f32 v3, v22;
	(xrf2) =	vadd.scan.msk.f32 $0xffff, v1;
	v21, _, _ =	vpop (xrf2)  }
0x4de: {  	s31 =	sadd.s32 $0x1000, s31;
	v41 =	vld [tilespmem:s29+$0xC410];
	v45 =	vadd.f32 v62, v61;
	v48 =	vmul.f32 v11, v4;
	v44 =	vadd.f32 v63, v0;
	(xrf2) =	vadd.scan.msk.f32 $0xffff, v2;
	v22, _, _ =	vpop (xrf2)  }
0x4df: {  	v0 =	vld [tilespmem:s29+$0xC450]  }
0x4e0: {  	v1 =	vld [tilespmem:s29+$0x4460]  }
0x4e1: {  	v4 =	vld [tilespmem:s29+$0xC460]  }
0x4e2: {  	v7 =	vld [tilespmem:s29+$0x4470]  }
0x4e3: {  	v10 =	vld [tilespmem:s29+$0xC520]  }
0x4e4: {  	v12 =	vld [tilespmem:s29+$0x4530]  }
0x4e5: {  	v14 =	vld [tilespmem:s29+$0xC5E0]  }
0x4e6: {  	v53 =	vld [tilespmem:s29+$0x45F0]  }
0x4e7: {  	v58 =	vld [tilespmem:s29+$0xC5F0]  }
0x4e8: {  	v61 =	vld [tilespmem:s29+$0xC6A0]  }
0x4e9: {  	v63 =	vld [tilespmem:s29+$0x46B0]  }
0x4ea: {  	v13 =	vmul.f32 v32, v31;
	v32 =	vld [tilespmem:s29+$0xC6B0]  }
0x4eb: {  	v6 =	vmul.f32 v35, v33;
	v35 =	vld [tilespmem:$0x1FBD0]  }
0x4ec: {  	v2 =	vadd.f32 v46, v45;
	v45 =	vld [tilespmem:s29+$0xC470]  }
0x4ed: {  	v5 =	vadd.f32 v48, v47;
	v48 =	vld [tilespmem:s29+$0xC530]  }
0x4ee: {  	v47 =	vmul.f32 v36, v34;
	v34 =	vld [tilespmem:$0x1FBC0]  }
0x4ef: {  	v36 =	vld [tilespmem:$0x1FBE0]  }
0x4f0: {  	v8 =	vmul.f32 v37, v38;
	v37 =	vld [tilespmem:$0x1FBF0]  }
0x4f1: {  	v50 =	vmul.f32 v24, v51;
	v51 =	vmul.f32 v26, v25;
	v38 =	vld [tilespmem:s29+$0xC760]  }
0x4f2: {  	v3 =	vmul.f32 v30, v29;
	(xrf2) =	vadd.scan.msk.f32 $0xffff, v44;
	v44 =	vld [tilespmem:$0x1FB70];
	v9 =	vmul.f32 v41, v39  }
0x4f3: {  	v46 =	vmul.f32 v42, v40;
	v56 =	vadd.f32 v51, v50;
	v42 =	vld [tilespmem:s29+$0xC770];
	v0 =	vmul.f32 v0, v43  }
0x4f4: {  	v11 =	vmul.f32 v28, v27;
	v50 =	vld [tilespmem:$0x1FB60];
	v5 =	vadd.f32 v6, v5;
	v8 =	vadd.f32 v9, v8  }
0x4f5: {  	v2 =	vadd.f32 v3, v2;
	v39 =	vld [tilespmem:s29+$0x4770];
	v1 =	vmul.f32 v4, v1;
	v0 =	vadd.f32 v0, v46  }
0x4f6: {  	v5 =	vadd.f32 v11, v5;
	v11 =	vld [tilespmem:$0x1FC00];
	v49 =	vadd.f32 v47, v8  }
0x4f7: {  	v41 =	vld [tilespmem:$0x1FBB0];
	v52 =	vmul.f32 v45, v7;
	v0 =	vadd.f32 v1, v0  }
0x4f8: {  	v59 =	vmul.f32 v16, v15;
	(xrf2) =	vadd.scan.msk.f32 $0xffff, v2;
	v57 =	vmul.f32 v10, v19;
	v45 =	vld [tilespmem:$0x1FB80];
	v55 =	vadd.f32 v13, v49  }
0x4f9: {  	v60 =	vmul.f32 v18, v17;
	v4 =	vmul.f32 v48, v12;
	v12 =	vld [tilespmem:$0x1FBA0];
	(xrf2) =	vadd.scan.msk.f32 $0xffff, v5;
	v0 =	vadd.f32 v52, v0  }
0x4fa: {  	v62 =	vadd.f32 v57, v56;
	v46 =	vld [tilespmem:$0x1FB90];
	(xrf2) =	vadd.scan.msk.f32 $0xffff, v55  }
0x4fb: {  	v3 =	vmul.f32 v58, v53;
	v53 =	vld [tilespmem:$0x1FB20];
	v1 =	vadd.f32 v60, v59;
	v5 =	vmul.f32 v14, v11;
	(xrf2) =	vadd.scan.msk.f32 $0xffff, v0  }
0x4fc: {  	v2 =	vmul.f32 v35, v34;
	v56 =	vld [tilespmem:$0x1FB50];
	v33 =	vadd.f32 v4, v62;
	v4 =	vmul.f32 v37, v36  }
0x4fd: {  	v14 =	vld [tilespmem:$0x1FB30];
	v1 =	vadd.f32 v5, v1  }
0x4fe: {  	v40, _, _ =	vpop (xrf2);
	v2 =	vadd.f32 v4, v2;
	v4 =	vmul.f32 v61, v41;
	v55 =	vld [tilespmem:$0x1FB40];
	(xrf2) =	vadd.scan.msk.f32 $0xffff, v33  }
0x4ff: {  	v48 =	vld [tilespmem:s29+$0xC7E0];
	v43, _, _ =	vpop (xrf2);
	v11 =	vmul.f32 v12, v46;
	v1 =	vadd.f32 v3, v1;
	v3 =	vmul.f32 v45, v44  }
0x500: {  	v47 =	vmul.f32 v32, v63;
	v13, _, _ =	vpop (xrf2);
	v12 =	vld [tilespmem:s29+$0x47E0];
	v2 =	vadd.f32 v4, v2  }
0x501: {  	v51 =	vld [tilespmem:s29+$0x47F0];
	v10 =	vmul.f32 v38, v50;
	v49, _, _ =	vpop (xrf2);
	v3 =	vadd.f32 v11, v3;
	(xrf2) =	vadd.scan.msk.f32 $0xffff, v1  }
0x502: {  	v52, _, _ =	vpop (xrf2);
	v2 =	vadd.f32 v47, v2;
	v4 =	vmul.f32 v14, v53;
	v14 =	vld [tilespmem:s29+$0xC7F0]  }
0x503: {  	v5 =	vmul.f32 v42, v39;
	v15, _, _ =	vpop (xrf2);
	v9 =	vmul.f32 v56, v55;
	v3 =	vadd.f32 v10, v3  }
0x504: {  	(xrf2) =	vadd.scan.msk.f32 $0xffff, v2;
	v57, _, _ =	vpop (xrf2)  }
0x505: {  	v60 =	vmul.f32 v48, v12;
	v59 =	vadd.f32 v9, v4;
	v58 =	vadd.f32 v5, v3;
	v61, _, _ =	vpop (xrf2)  }
0x506: {  	v62 =	vbroadcast v57, $0xF;
	v5 =	vbroadcast v61, $0xF  }
0x507: {  	v63 =	vbroadcast v15, $0xF;
	v11 =	vmul.f32 v14, v51;
	v3 =	vadd.f32 v60, v59;
	(xrf2) =	vadd.scan.msk.f32 $0xffff, v58  }
0x508: {  	v1 =	vbroadcast v52, $0xF;
	v33, _, _ =	vpop (xrf2);
	v32 =	vsel vm0, v62, v5  }
0x509: {  	v3 =	vadd.f32 v11, v3;
	v5 =	vbroadcast v33, $0xF;
	v2 =	vsel vm1, v32, v63  }
0x50a: {  	v34 =	vbroadcast v49, $0xF;
	v1 =	vsel vm2, v2, v1  }
0x50b: {  	v35 =	vbroadcast v13, $0xF;
	(xrf2) =	vadd.scan.msk.f32 $0xffff, v3;
	v36, _, _ =	vpop (xrf2);
	v1 =	vsel vm3, v1, v5  }
0x50c: {  	v37 =	vbroadcast v36, $0xF;
	v1 =	vsel vm4, v1, v34  }
0x50d: {  	v0 =	vbroadcast v43, $0xF;
	v1 =	vsel vm5, v1, v35  }
0x50e: {  	v38 =	vbroadcast v40, $0xF;
	v39, _, _ =	vpop (xrf2);
	v1 =	vsel vm6, v1, v37  }
0x50f: {  	v40 =	vbroadcast v39, $0xF;
	v0 =	vsel vm7, v1, v0  }
0x510: {  	v41 =	vbroadcast v22, $0xF;
	v0 =	vsel vm8, v0, v38  }
0x511: {  	s24 =	sadd.s32 $0x10, s24;
	v42 =	vbroadcast v21, $0xF;
	v43, _, _ =	vpop (xrf2);
	v0 =	vsel vm9, v0, v40  }
0x512: {  	v45 =	vld [tilespmem:s24+$0x0];
	v44 =	vbroadcast v43, $0xF;
	v0 =	vsel vm10, v0, v41  }
0x513: {  	s26 =	sadd.s32 $0x10, s26;
	v46 =	vbroadcast v54, $0xF;
	v0 =	vsel vm11, v0, v42  }
0x514: {  	v47 =	vld [tilespmem:s26+$0x0];
	v0 =	vsel vm12, v0, v44  }
0x515: {  	v48, _, _ =	vpop (xrf2);
	v0 =	vsel vm13, v0, v46  }
0x516: {  	v0 =	vsel vm14, v0, v48  }
0x517: {  	v0 =	vadd.f32 v0, v45;
	_ =	sdelay $0x1  }
0x518: {  	v0 =	vadd.f32 v0, v47  }
0x519: {  	s26 =	sadd.s32 $0x10, s28  }
0x51a: {  	[tilespmem:s26+$0x0] =	vst v0  }
0x51b: {  	_ =	swait.ge [sflag:s20], $0x2000  }
0x51c: {  	[sflag:s20] =	ssyncset.done $0x0  }
0x51d: {  	[sflag:s20] =	ssyncadd.s32 $0xFFFFE000  }
0x51e: {  	_ =	swait.ge [sflag:s20], $0x2000  }
0x51f: {  	[sflag:s20] =	ssyncset.done $0x0  }
0x520: {  	[sflag:s20] =	ssyncadd.s32 $0xFFFFE000  }
0x521: {  	_ =	swait.ge [sflag:s20], $0x80  }
0x522: {  	[sflag:s20] =	ssyncset.done $0x0  }
0x523: {  	[sflag:s20] =	ssyncadd.s32 $0xFFFFFF80  }
0x524: {  	_ =	swait.ge [sflag:s20], $0x80  }
0x525: {  	[sflag:s20] =	ssyncset.done $0x0  }
0x526: {  	s26 =	simm.s32 $0x0;
	[sflag:s20] =	ssyncadd.s32 $0xFFFFFF80  }
0x527: {  	v20 =	vld [tilespmem:s26+$0x67B0]  }
0x528: {  	v21 =	vld [tilespmem:s26+$0xE7B0]  }
0x529: {  	v49 =	vld [tilespmem:s26+$0x67C0]  }
0x52a: {  	v50 =	vld [tilespmem:s26+$0xE7C0]  }
0x52b: {  	v51 =	vld [tilespmem:s26+$0x67D0]  }
0x52c: {  	v52 =	vld [tilespmem:s26+$0xE7D0]  }
0x52d: {  	v22 =	vld [tilespmem:s26+$0x67A0]  }
0x52e: {  	v23 =	vld [tilespmem:s26+$0xE7A0]  }
0x52f: {  	v24 =	vld [tilespmem:s26+$0x6730]  }
0x530: {  	v25 =	vld [tilespmem:s26+$0xE730]  }
0x531: {  	v53 =	vld [tilespmem:s26+$0x6760]  }
0x532: {  	v26 =	vld [tilespmem:s26+$0x6780]  }
0x533: {  	v27 =	vld [tilespmem:s26+$0xE780]  }
0x534: {  	v28 =	vld [tilespmem:s26+$0x6790]  }
0x535: {  	v29 =	vld [tilespmem:s26+$0xE790]  }
0x536: {  	v54 =	vld [tilespmem:s26+$0x66F0]  }
0x537: {  	v55 =	vld [tilespmem:s26+$0xE6F0]  }
0x538: {  	v32 =	vld [tilespmem:s26+$0x6720]  }
0x539: {  	v33 =	vld [tilespmem:s26+$0xE720]  }
0x53a: {  	v56 =	vld [tilespmem:s26+$0x6740]  }
0x53b: {  	v57 =	vld [tilespmem:s26+$0xE740]  }
0x53c: {  	v58 =	vld [tilespmem:s26+$0x6750]  }
0x53d: {  	v59 =	vld [tilespmem:s26+$0xE750]  }
0x53e: {  	v34 =	vld [tilespmem:s26+$0x66E0]  }
0x53f: {  	v35 =	vld [tilespmem:s26+$0xE6E0]  }
0x540: {  	v36 =	vld [tilespmem:s26+$0x6700]  }
0x541: {  	v37 =	vld [tilespmem:s26+$0xE700]  }
0x542: {  	v38 =	vld [tilespmem:s26+$0x6710]  }
0x543: {  	v39 =	vld [tilespmem:s26+$0xE710]  }
0x544: {  	v40 =	vld [tilespmem:s26+$0x6670]  }
0x545: {  	v41 =	vld [tilespmem:s26+$0xE670]  }
0x546: {  	v60 =	vld [tilespmem:s26+$0x66A0]  }
0x547: {  	v42 =	vld [tilespmem:s26+$0x66C0]  }
0x548: {  	v43 =	vld [tilespmem:s26+$0xE6C0]  }
0x549: {  	v44 =	vld [tilespmem:s26+$0x66D0]  }
0x54a: {  	v45 =	vld [tilespmem:s26+$0xE6D0]  }
0x54b: {  	v46 =	vld [tilespmem:s26+$0x6630]  }
0x54c: {  	v47 =	vld [tilespmem:s26+$0xE630]  }
0x54d: {  	v48 =	vld [tilespmem:s26+$0x6660]  }
0x54e: {  	v61 =	vld [tilespmem:s26+$0x6680]  }
0x54f: {  	v62 =	vld [tilespmem:s26+$0xE680]  }
0x550: {  	v63 =	vld [tilespmem:s26+$0x6690]  }
0x551: {  	v4 =	vld [tilespmem:s26+$0xE690]  }
0x552: {  	v5 =	vld [tilespmem:s26+$0x65E0]  }
0x553: {  	v13 =	vld [tilespmem:s26+$0x65A0]  }
0x554: {  	v10 =	vld [tilespmem:s26+$0xE5A0]  }
0x555: {  	v6 =	vld [tilespmem:s26+$0x65C0]  }
0x556: {  	v7 =	vld [tilespmem:s26+$0xE5C0]  }
0x557: {  	v8 =	vld [tilespmem:s26+$0x65D0]  }
0x558: {  	v9 =	vld [tilespmem:s26+$0xE5D0]  }
0x559: {  	v15 =	vld [tilespmem:s26+$0x6560]  }
0x55a: {  	v14 =	vld [tilespmem:s26+$0xE560]  }
0x55b: {  	v3 =	vld [tilespmem:s26+$0x6580]  }
0x55c: {  	v2 =	vld [tilespmem:s26+$0xE580]  }
0x55d: {  	v1 =	vld [tilespmem:s26+$0x6590]  }
0x55e: {  	v0 =	vld [tilespmem:s26+$0xE590]  }
0x55f: {  	v17 =	vld [tilespmem:s26+$0x64F0]  }
0x560: {  	v16 =	vld [tilespmem:s26+$0xE4F0]  }
0x561: {  	v11 =	vld [tilespmem:s26+$0x6520]  }
0x562: {  	v31 =	vld [tilespmem:s26+$0x64B0]  }
0x563: {  	v30 =	vld [tilespmem:s26+$0xE4B0]  }
0x564: {  	v19 =	vld [tilespmem:s26+$0x6430]  }
0x565: {  	v18 =	vld [tilespmem:s26+$0xE430]  }
0x566: {  	v12 =	vld [tilespmem:s26+$0x64A0]  }
0x567: {  	[tilespmem:$0x1F790] =	vst v49;
	v49 =	vld [tilespmem:s26+$0xE660]  }
0x568: {  	[tilespmem:$0x1F7A0] =	vst v50;
	v50 =	vld [tilespmem:s26+$0x6620]  }
0x569: {  	[tilespmem:$0x1F7B0] =	vst v51;
	v51 =	vld [tilespmem:s26+$0xE620]  }
0x56a: {  	[tilespmem:$0x1F7C0] =	vst v52;
	v52 =	vld [tilespmem:s26+$0x6640]  }
0x56b: {  	[tilespmem:$0x1F780] =	vst v53;
	v53 =	vld [tilespmem:s26+$0xE640]  }
0x56c: {  	[tilespmem:$0x1F630] =	vst v54;
	v54 =	vld [tilespmem:s26+$0x6650]  }
0x56d: {  	[tilespmem:$0x1F640] =	vst v55;
	v55 =	vld [tilespmem:s26+$0xE650]  }
0x56e: {  	[tilespmem:$0x1F740] =	vst v56;
	v56 =	vld [tilespmem:s26+$0x65B0]  }
0x56f: {  	[tilespmem:$0x1F750] =	vst v57;
	v57 =	vld [tilespmem:s26+$0xE5B0]  }
0x570: {  	[tilespmem:$0x1F760] =	vst v58;
	v58 =	vld [tilespmem:s26+$0x6600]  }
0x571: {  	[tilespmem:$0x1F770] =	vst v59;
	v59 =	vld [tilespmem:s26+$0xE600]  }
0x572: {  	[tilespmem:$0x1F730] =	vst v60;
	v60 =	vld [tilespmem:s26+$0x6610]  }
0x573: {  	[tilespmem:$0x1F6F0] =	vst v61;
	v61 =	vld [tilespmem:s26+$0xE610]  }
0x574: {  	[tilespmem:$0x1F700] =	vst v62;
	v62 =	vld [tilespmem:s26+$0x6570]  }
0x575: {  	[tilespmem:$0x1F710] =	vst v63;
	v63 =	vld [tilespmem:s26+$0xE570]  }
0x576: {  	[tilespmem:$0x1F6B0] =	vst v7;
	v7 =	vld [tilespmem:s26+$0x6540]  }
0x577: {  	[tilespmem:$0x1F6A0] =	vst v6;
	v6 =	vld [tilespmem:s26+$0xE540]  }
0x578: {  	[tilespmem:$0x1F6E0] =	vst v5;
	v5 =	vld [tilespmem:s26+$0x6550]  }
0x579: {  	[tilespmem:$0x1F720] =	vst v4;
	v4 =	vld [tilespmem:s26+$0xE550]  }
0x57a: {  	[tilespmem:$0x1F6D0] =	vst v9;
	v9 =	vld [tilespmem:s26+$0x64E0]  }
0x57b: {  	[tilespmem:$0x1F6C0] =	vst v8;
	v8 =	vld [tilespmem:s26+$0xE4E0]  }
0x57c: {  	[tilespmem:$0x1F690] =	vst v11;
	v11 =	vld [tilespmem:s26+$0x6500]  }
0x57d: {  	v26 =	vmul.f32 v27, v26;
	v27 =	vmul.f32 v29, v28;
	v28 =	vld [tilespmem:s26+$0x64C0]  }
0x57e: {  	v29 =	vmul.f32 v37, v36;
	v37 =	vld [tilespmem:s26+$0xE4C0]  }
0x57f: {  	v22 =	vmul.f32 v23, v22;
	v23 =	vld [tilespmem:s26+$0x64D0]  }
0x580: {  	v24 =	vmul.f32 v25, v24;
	v25 =	vld [tilespmem:s26+$0xE420]  }
0x581: {  	v36 =	vmul.f32 v39, v38;
	v40 =	vmul.f32 v41, v40;
	v41 =	vld [tilespmem:s26+$0xE6A0]  }
0x582: {  	v39 =	vld [tilespmem:$0x1F6C0]  }
0x583: {  	v20 =	vmul.f32 v21, v20;
	v21 =	vadd.f32 v36, v29;
	v29 =	vld [tilespmem:s26+$0xE4D0]  }
0x584: {  	v26 =	vadd.f32 v27, v26;
	v27 =	vmul.f32 v33, v32;
	v33 =	vld [tilespmem:s26+$0x6420]  }
0x585: {  	v36 =	vld [tilespmem:s26+$0x6490]  }
0x586: {  	v21 =	vadd.f32 v27, v21;
	v27 =	vld [tilespmem:s26+$0x6480]  }
0x587: {  	[tilespmem:$0x1F650] =	vst v11;
	v11 =	vld [tilespmem:s26+$0xE500]  }
0x588: {  	v22 =	vadd.f32 v22, v26;
	v26 =	vmul.f32 v43, v42;
	v43 =	vmul.f32 v53, v52;
	v52 =	vld [tilespmem:$0x1F630]  }
0x589: {  	v53 =	vld [tilespmem:$0x1F640]  }
0x58a: {  	v42 =	vmul.f32 v45, v44;
	v44 =	vmul.f32 v55, v54;
	v55 =	vld [tilespmem:s26+$0xE490]  }
0x58b: {  	v45 =	vmul.f32 v61, v60;
	v60 =	vld [tilespmem:s26+$0x6400]  }
0x58c: {  	v54 =	vmul.f32 v49, v48;
	v48 =	vld [tilespmem:s26+$0xE450]  }
0x58d: {  	v21 =	vadd.f32 v24, v21;
	v24 =	vld [tilespmem:s26+$0xE480]  }
0x58e: {  	v20 =	vadd.f32 v20, v22;
	v22 =	vadd.f32 v42, v26;
	v26 =	vmul.f32 v35, v34;
	v34 =	vld [tilespmem:$0x1F690]  }
0x58f: {  	v35 =	vld [tilespmem:s26+$0xE5F0]  }
0x590: {  	v42 =	vmul.f32 v10, v13;
	v32 =	vadd.f32 v44, v43;
	v43 =	vld [tilespmem:s26+$0xE410];
	v13 =	vmul.f32 v29, v23  }
0x591: {  	v23 =	vmul.f32 v57, v56;
	v57 =	vmul.f32 v25, v33;
	v33 =	vld [tilespmem:s26+$0x65F0]  }
0x592: {  	v22 =	vadd.f32 v26, v22;
	v26 =	vmul.f32 v59, v58;
	v59 =	vld [tilespmem:s26+$0xE400]  }
0x593: {  	v58 =	vmul.f32 v51, v50;
	v50 =	vmul.f32 v16, v17;
	v16 =	vld [tilespmem:s26+$0xE460]  }
0x594: {  	v51 =	vld [tilespmem:s26+$0xE470]  }
0x595: {  	[tilespmem:$0x1F660] =	vst v11;
	v11 =	vld [tilespmem:s26+$0x6510]  }
0x596: {  	v32 =	vadd.f32 v54, v32;
	v26 =	vadd.f32 v45, v26;
	v45 =	vld [tilespmem:s26+$0x6440]  }
0x597: {  	v38 =	vmul.f32 v53, v52;
	v49 =	vmul.f32 v24, v27;
	v24 =	vld [tilespmem:s26+$0x6460]  }
0x598: {  	v32 =	vadd.f32 v40, v32;
	v40 =	vld [tilespmem:$0x1F6D0]  }
0x599: {  	v61 =	vadd.f32 v38, v22;
	v38 =	vld [tilespmem:s26+$0x6410]  }
0x59a: {  	v6 =	vmul.f32 v6, v7;
	v4 =	vmul.f32 v4, v5;
	[tilespmem:$0x1F670] =	vst v11;
	v11 =	vld [tilespmem:s26+$0xE510]  }
0x59b: {  	v22 =	vadd.f32 v58, v26;
	v26 =	vmul.f32 v47, v46;
	v47 =	vmul.f32 v14, v15;
	v14 =	vld [tilespmem:s26+$0x6450]  }
0x59c: {  	v4 =	vadd.f32 v4, v6;
	v46 =	vmul.f32 v37, v28;
	v37 =	vld [tilespmem:$0x1F6A0]  }
0x59d: {  	v2 =	vmul.f32 v2, v3;
	v0 =	vmul.f32 v0, v1;
	v44 =	vadd.f32 v26, v22;
	v22 =	vld [tilespmem:s26+$0xE440]  }
0x59e: {  	v15 =	vmul.f32 v63, v62;
	v4 =	vadd.f32 v47, v4;
	v63 =	vld [tilespmem:$0x1F670]  }
0x59f: {  	v0 =	vadd.f32 v0, v2;
	v2 =	vadd.f32 v13, v46;
	v13 =	vmul.f32 v55, v36;
	[tilespmem:$0x1F680] =	vst v11;
	v11 =	vld [tilespmem:s26+$0xE4A0]  }
0x5a0: {  	v4 =	vadd.f32 v15, v4;
	v15 =	vld [tilespmem:$0x1F680]  }
0x5a1: {  	(xrf2) =	vadd.scan.msk.f32 $0xffff, v20;
	v6 =	vadd.f32 v13, v49;
	v13 =	vld [tilespmem:s26+$0x6530]  }
0x5a2: {  	v0 =	vadd.f32 v42, v0;
	(xrf2) =	vadd.scan.msk.f32 $0xffff, v21;
	v10 =	vmul.f32 v43, v38;
	v38 =	vld [tilespmem:$0x1F6B0]  }
0x5a3: {  	v1 =	vmul.f32 v59, v60;
	(xrf2) =	vadd.scan.msk.f32 $0xffff, v61;
	v54 =	vmul.f32 v48, v14;
	v14 =	vld [tilespmem:s26+$0xE530]  }
0x5a4: {  	v0 =	vadd.f32 v23, v0;
	(xrf2) =	vadd.scan.msk.f32 $0xffff, v32;
	v53 =	vmul.f32 v22, v45;
	v45 =	vld [tilespmem:$0x1F6E0];
	v11 =	vmul.f32 v11, v12  }
0x5a5: {  	v8 =	vmul.f32 v8, v9;
	(xrf2) =	vadd.scan.msk.f32 $0xffff, v44;
	v1 =	vadd.f32 v10, v1;
	v10 =	vmul.f32 v15, v63;
	v15 =	vld [tilespmem:s26+$0xE5E0]  }
0x5a6: {  	v17 =	vld [tilespmem:$0x1F7A0];
	v59 =	vmul.f32 v16, v24;
	(xrf2) =	vadd.scan.msk.f32 $0xffff, v0;
	v52 =	vadd.f32 v11, v6;
	v6 =	vadd.f32 v54, v53  }
0x5a7: {  	v56 =	vmul.f32 v30, v31;
	v62 =	vld [tilespmem:$0x1F660];
	(xrf2) =	vadd.scan.msk.f32 $0xffff, v4;
	v4 =	vmul.f32 v38, v37  }
0x5a8: {  	v43 =	vmul.f32 v14, v13;
	v14 =	vld [tilespmem:$0x1F750];
	v11 =	vadd.f32 v59, v6;
	v6 =	vmul.f32 v40, v39  }
0x5a9: {  	v3 =	vadd.f32 v56, v52;
	v56 =	vld [tilespmem:$0x1F740]  }
0x5aa: {  	v2 =	vadd.f32 v8, v2;
	v12 =	vld [tilespmem:s26+$0x6470];
	v4 =	vadd.f32 v6, v4;
	v6 =	vmul.f32 v15, v45  }
0x5ab: {  	v61 =	vld [tilespmem:$0x1F650]  }
0x5ac: {  	v5 =	vmul.f32 v35, v33;
	v2 =	vadd.f32 v50, v2;
	v50 =	vld [tilespmem:$0x1F710];
	v4 =	vadd.f32 v6, v4  }
0x5ad: {  	v15 =	vld [tilespmem:$0x1F770]  }
0x5ae: {  	v4 =	vadd.f32 v5, v4;
	v5 =	vmul.f32 v14, v56;
	v14 =	vld [tilespmem:$0x1F760]  }
0x5af: {  	v32 =	vmul.f32 v51, v12;
	v12 =	vld [tilespmem:$0x1F720]  }
0x5b0: {  	v55 =	vld [tilespmem:s26+$0xE520]  }
0x5b1: {  	v46 =	vld [tilespmem:s26+$0xE6B0]  }
0x5b2: {  	v49 =	vld [tilespmem:$0x1F700]  }
0x5b3: {  	v58 =	vmul.f32 v18, v19;
	v48 =	vld [tilespmem:$0x1F6F0];
	v60 =	vadd.f32 v57, v1;
	v14 =	vmul.f32 v15, v14  }
0x5b4: {  	v1 =	vmul.f32 v62, v61;
	v36 =	vadd.f32 v32, v11;
	v11 =	vmul.f32 v12, v50;
	v12 =	vld [tilespmem:s26+$0xE760]  }
0x5b5: {  	v5 =	vadd.f32 v14, v5;
	v14 =	vld [tilespmem:$0x1F780]  }
0x5b6: {  	(xrf2) =	vadd.scan.msk.f32 $0xffff, v2;
	v2 =	vmul.f32 v55, v34;
	v0 =	vadd.f32 v58, v60;
	v53 =	vld [tilespmem:$0x1F730];
	v1 =	vadd.f32 v10, v1  }
0x5b7: {  	v44 =	vld [tilespmem:s26+$0x66B0];
	(xrf2) =	vadd.scan.msk.f32 $0xffff, v3  }
0x5b8: {  	v61 =	vld [tilespmem:$0x1F7B0];
	v42 =	vadd.f32 v2, v1;
	(xrf2) =	vadd.scan.msk.f32 $0xffff, v0  }
0x5b9: {  	v9, _, _ =	vpop (xrf2);
	v60 =	vld [tilespmem:$0x1F790];
	v1 =	vmul.f32 v49, v48;
	(xrf2) =	vadd.scan.msk.f32 $0xffff, v36  }
0x5ba: {  	v47, _, _ =	vpop (xrf2);
	v54 =	vld [tilespmem:s26+$0xE770];
	v0 =	vadd.f32 v43, v42;
	v12 =	vmul.f32 v12, v14  }
0x5bb: {  	v13, _, _ =	vpop (xrf2);
	v51 =	vld [tilespmem:s26+$0x6770];
	v8 =	vmul.f32 v41, v53;
	v1 =	vadd.f32 v11, v1  }
0x5bc: {  	v52, _, _ =	vpop (xrf2);
	(xrf2) =	vadd.scan.msk.f32 $0xffff, v0;
	v5 =	vadd.f32 v12, v5;
	v12 =	vld [tilespmem:$0x1F7C0]  }
0x5bd: {  	v57 =	vld [tilespmem:s26+$0xE7E0];
	v2 =	vmul.f32 v46, v44;
	v55, _, _ =	vpop (xrf2);
	v1 =	vadd.f32 v8, v1  }
0x5be: {  	v16, _, _ =	vpop (xrf2);
	v15 =	vld [tilespmem:s26+$0x67E0]  }
0x5bf: {  	v58, _, _ =	vpop (xrf2);
	(xrf2) =	vadd.scan.msk.f32 $0xffff, v4;
	v1 =	vadd.f32 v2, v1;
	v2 =	vmul.f32 v17, v60;
	v17 =	vld [tilespmem:s26+$0xE7F0]  }
0x5c0: {  	v59, _, _ =	vpop (xrf2);
	v14 =	vld [tilespmem:s26+$0x67F0]  }
0x5c1: {  	v6 =	vmul.f32 v54, v51;
	v18, _, _ =	vpop (xrf2);
	v11 =	vmul.f32 v12, v61  }
0x5c2: {  	(xrf2) =	vadd.scan.msk.f32 $0xffff, v1;
	v12, _, _ =	vpop (xrf2)  }
0x5c3: {  	v63 =	vmul.f32 v57, v15;
	v62 =	vadd.f32 v6, v5;
	v32, _, _ =	vpop (xrf2);
	v2 =	vadd.f32 v11, v2  }
0x5c4: {  	v33 =	vbroadcast v12, $0xF;
	v6 =	vbroadcast v32, $0xF  }
0x5c5: {  	v34 =	vbroadcast v18, $0xF;
	v35 =	vmul.f32 v17, v14;
	(xrf2) =	vadd.scan.msk.f32 $0xffff, v62;
	v2 =	vadd.f32 v63, v2  }
0x5c6: {  	v4 =	vbroadcast v59, $0xF;
	v37, _, _ =	vpop (xrf2);
	v36 =	vsel vm0, v33, v6  }
0x5c7: {  	v6 =	vbroadcast v37, $0xF;
	v1 =	vsel vm1, v36, v34;
	v2 =	vadd.f32 v35, v2  }
0x5c8: {  	v38 =	vbroadcast v58, $0xF;
	v1 =	vsel vm2, v1, v4  }
0x5c9: {  	v39 =	vbroadcast v16, $0xF;
	v40, _, _ =	vpop (xrf2);
	v1 =	vsel vm3, v1, v6;
	(xrf2) =	vadd.scan.msk.f32 $0xffff, v2  }
0x5ca: {  	v41 =	vbroadcast v40, $0xF;
	v1 =	vsel vm4, v1, v38  }
0x5cb: {  	v0 =	vbroadcast v55, $0xF;
	v1 =	vsel vm5, v1, v39  }
0x5cc: {  	v42 =	vbroadcast v52, $0xF;
	v43, _, _ =	vpop (xrf2);
	v1 =	vsel vm6, v1, v41  }
0x5cd: {  	v44 =	vbroadcast v43, $0xF;
	v0 =	vsel vm7, v1, v0  }
0x5ce: {  	v45 =	vbroadcast v13, $0xF;
	v0 =	vsel vm8, v0, v42  }
0x5cf: {  	s24 =	simm.s32 $0x10580;
	v46 =	vbroadcast v47, $0xF;
	v47, _, _ =	vpop (xrf2);
	v0 =	vsel vm9, v0, v44  }
0x5d0: {  	v49 =	vld [tilespmem:s24+$0x0];
	v48 =	vbroadcast v47, $0xF;
	v0 =	vsel vm10, v0, v45  }
0x5d1: {  	v50 =	vbroadcast v9, $0xF;
	s26 =	simm.s32 $0x10780;
	v0 =	vsel vm11, v0, v46  }
0x5d2: {  	v51 =	vld [tilespmem:s26+$0x0];
	v0 =	vsel vm12, v0, v48  }
0x5d3: {  	v0 =	vsel vm13, v0, v50;
	v52, _, _ =	vpop (xrf2)  }
0x5d4: {  	v0 =	vsel vm14, v0, v52  }
0x5d5: {  	v0 =	vadd.f32 v0, v49;
	_ =	sdelay $0x1  }
0x5d6: {  	v0 =	vadd.f32 v0, v51  }
0x5d7: {  	s28 =	simm.s32 $0x10980  }
0x5d8: {  	s29 =	simm.s32 $0x400;
	[tilespmem:s28+$0x0] =	vst v0  }
0x5d9: {  	v6 =	vld [tilespmem:s29+$0x67B0]  }
0x5da: {  	v9 =	vld [tilespmem:s29+$0xE7B0]  }
0x5db: {  	v0 =	vld [tilespmem:s29+$0x67C0]  }
0x5dc: {  	v53 =	vld [tilespmem:s29+$0xE7C0]  }
0x5dd: {  	v54 =	vld [tilespmem:s29+$0x67D0]  }
0x5de: {  	v55 =	vld [tilespmem:s29+$0xE7D0]  }
0x5df: {  	v56 =	vld [tilespmem:s29+$0x67A0]  }
0x5e0: {  	v31 =	vld [tilespmem:s29+$0xE7A0]  }
0x5e1: {  	v11 =	vld [tilespmem:s29+$0x6730]  }
0x5e2: {  	v12 =	vld [tilespmem:s29+$0xE730]  }
0x5e3: {  	v57 =	vld [tilespmem:s29+$0x6760]  }
0x5e4: {  	v26 =	vld [tilespmem:s29+$0x6780]  }
0x5e5: {  	v32 =	vld [tilespmem:s29+$0xE780]  }
0x5e6: {  	v33 =	vld [tilespmem:s29+$0x6790]  }
0x5e7: {  	v35 =	vld [tilespmem:s29+$0xE790]  }
0x5e8: {  	v14 =	vld [tilespmem:s29+$0x66F0]  }
0x5e9: {  	v23 =	vld [tilespmem:s29+$0xE6F0]  }
0x5ea: {  	v58 =	vld [tilespmem:s29+$0x6720]  }
0x5eb: {  	v63 =	vld [tilespmem:s29+$0xE720]  }
0x5ec: {  	v59 =	vld [tilespmem:s29+$0x6740]  }
0x5ed: {  	v60 =	vld [tilespmem:s29+$0xE740]  }
0x5ee: {  	v61 =	vld [tilespmem:s29+$0x6750]  }
0x5ef: {  	v62 =	vld [tilespmem:s29+$0xE750]  }
0x5f0: {  	v36 =	vld [tilespmem:s29+$0x66E0]  }
0x5f1: {  	v34 =	vld [tilespmem:s29+$0xE6E0]  }
0x5f2: {  	v43 =	vld [tilespmem:s29+$0x6700]  }
0x5f3: {  	v44 =	vld [tilespmem:s29+$0xE700]  }
0x5f4: {  	v45 =	vld [tilespmem:s29+$0x6710]  }
0x5f5: {  	v46 =	vld [tilespmem:s29+$0xE710]  }
0x5f6: {  	v5 =	vld [tilespmem:s29+$0x6670]  }
0x5f7: {  	v7 =	vld [tilespmem:s29+$0xE670]  }
0x5f8: {  	v4 =	vld [tilespmem:s29+$0x66A0]  }
0x5f9: {  	v49 =	vld [tilespmem:s29+$0x66C0]  }
0x5fa: {  	v1 =	vld [tilespmem:s29+$0xE6C0]  }
0x5fb: {  	v2 =	vld [tilespmem:s29+$0x66D0]  }
0x5fc: {  	v52 =	vld [tilespmem:s29+$0xE6D0]  }
0x5fd: {  	v3 =	vld [tilespmem:s29+$0x6630]  }
0x5fe: {  	v8 =	vld [tilespmem:s29+$0x6680]  }
0x5ff: {  	v10 =	vld [tilespmem:s29+$0xE680]  }
0x600: {  	v37 =	vld [tilespmem:s29+$0x6690]  }
0x601: {  	v38 =	vld [tilespmem:s29+$0xE690]  }
0x602: {  	v50 =	vld [tilespmem:s29+$0x6620]  }
0x603: {  	v39 =	vld [tilespmem:s29+$0xE620]  }
0x604: {  	v13 =	vld [tilespmem:s29+$0x65B0]  }
0x605: {  	v20 =	vld [tilespmem:s29+$0xE5B0]  }
0x606: {  	v40 =	vld [tilespmem:s29+$0x65E0]  }
0x607: {  	v48 =	vld [tilespmem:s29+$0xE600]  }
0x608: {  	v47 =	vld [tilespmem:s29+$0xE610]  }
0x609: {  	v15 =	vld [tilespmem:s29+$0x65C0]  }
0x60a: {  	v16 =	vld [tilespmem:s29+$0xE5C0]  }
0x60b: {  	v17 =	vld [tilespmem:s29+$0x65D0]  }
0x60c: {  	v18 =	vld [tilespmem:s29+$0xE5D0]  }
0x60d: {  	v41 =	vld [tilespmem:s29+$0x6560]  }
0x60e: {  	v42 =	vld [tilespmem:s29+$0xE560]  }
0x60f: {  	v22 =	vld [tilespmem:s29+$0xE580]  }
0x610: {  	v21 =	vld [tilespmem:s29+$0xE590]  }
0x611: {  	v29 =	vld [tilespmem:s29+$0x64F0]  }
0x612: {  	v30 =	vld [tilespmem:s29+$0xE4F0]  }
0x613: {  	v19 =	vld [tilespmem:s29+$0x6520]  }
0x614: {  	v27 =	vld [tilespmem:s29+$0x64B0]  }
0x615: {  	v28 =	vld [tilespmem:s29+$0xE4B0]  }
0x616: {  	v51 =	vld [tilespmem:s29+$0x64E0]  }
0x617: {  	v24 =	vld [tilespmem:s29+$0xE500]  }
0x618: {  	v25 =	vld [tilespmem:s29+$0x6510]  }
0x619: {  	[tilespmem:$0x1F860] =	vst v4;
	v4 =	vld [tilespmem:s29+$0xE630]  }
0x61a: {  	[tilespmem:$0x1F8D0] =	vst v58;
	v58 =	vld [tilespmem:s29+$0x6660]  }
0x61b: {  	[tilespmem:$0x1F810] =	vst v57;
	v57 =	vld [tilespmem:s29+$0xE660]  }
0x61c: {  	[tilespmem:$0x1F820] =	vst v59;
	v59 =	vld [tilespmem:s29+$0x6640]  }
0x61d: {  	[tilespmem:$0x1F830] =	vst v60;
	v60 =	vld [tilespmem:s29+$0xE640]  }
0x61e: {  	[tilespmem:$0x1F840] =	vst v61;
	v61 =	vld [tilespmem:s29+$0x6650]  }
0x61f: {  	[tilespmem:$0x1F850] =	vst v62;
	v62 =	vld [tilespmem:s29+$0xE650]  }
0x620: {  	[tilespmem:$0x1F7F0] =	vst v54;
	v54 =	vld [tilespmem:s29+$0x6600]  }
0x621: {  	[tilespmem:$0x1F7E0] =	vst v53;
	v53 =	vld [tilespmem:s29+$0x6610]  }
0x622: {  	[tilespmem:$0x1F870] =	vst v8;
	v8 =	vld [tilespmem:s29+$0x6570]  }
0x623: {  	[tilespmem:$0x1F880] =	vst v10;
	v10 =	vld [tilespmem:s29+$0xE570]  }
0x624: {  	[tilespmem:$0x1F8C0] =	vst v56;
	v56 =	vld [tilespmem:s29+$0x65A0]  }
0x625: {  	[tilespmem:$0x1F800] =	vst v55;
	v55 =	vld [tilespmem:s29+$0xE5A0]  }
0x626: {  	[tilespmem:$0x1F8A0] =	vst v38;
	v38 =	vld [tilespmem:s29+$0x6580]  }
0x627: {  	[tilespmem:$0x1F890] =	vst v37;
	v37 =	vld [tilespmem:s29+$0x6590]  }
0x628: {  	[tilespmem:$0x1F900] =	vst v42;
	v42 =	vld [tilespmem:s29+$0x6540]  }
0x629: {  	[tilespmem:$0x1F8B0] =	vst v40;
	v40 =	vld [tilespmem:s29+$0xE540]  }
0x62a: {  	[tilespmem:$0x1F8F0] =	vst v41;
	v41 =	vld [tilespmem:s29+$0x6550]  }
0x62b: {  	[tilespmem:$0x1F8E0] =	vst v39;
	v39 =	vld [tilespmem:s29+$0xE550]  }
0x62c: {  	[tilespmem:$0x1F910] =	vst v51;
	v51 =	vld [tilespmem:s29+$0xE4E0]  }
0x62d: {  	v32 =	vmul.f32 v32, v26;
	v26 =	vld [tilespmem:s29+$0xE510];
	v43 =	vmul.f32 v44, v43  }
0x62e: {  	v44 =	vmul.f32 v46, v45;
	v45 =	vmul.f32 v1, v49;
	v49 =	vld [tilespmem:s29+$0x64D0]  }
0x62f: {  	v1 =	vld [tilespmem:s29+$0x6480]  }
0x630: {  	v33 =	vmul.f32 v35, v33;
	v35 =	vld [tilespmem:$0x1F8C0]  }
0x631: {  	v46 =	vmul.f32 v52, v2;
	v52 =	vld [tilespmem:$0x1F8D0]  }
0x632: {  	v5 =	vmul.f32 v7, v5;
	v7 =	vld [tilespmem:$0x1F8E0]  }
0x633: {  	[tilespmem:$0x1F7D0] =	vst v0;
	v0 =	vadd.f32 v33, v32;
	v32 =	vld [tilespmem:s29+$0xE430]  }
0x634: {  	v33 =	vld [tilespmem:s29+$0x64A0]  }
0x635: {  	v45 =	vadd.f32 v46, v45;
	v46 =	vld [tilespmem:s29+$0x64C0]  }
0x636: {  	v43 =	vadd.f32 v44, v43;
	v44 =	vld [tilespmem:s29+$0xE4C0]  }
0x637: {  	v6 =	vmul.f32 v9, v6;
	v34 =	vmul.f32 v34, v36;
	[tilespmem:$0x1F920] =	vst v51;
	v51 =	vld [tilespmem:s29+$0x6500]  }
0x638: {  	v21 =	vmul.f32 v21, v37;
	v37 =	vld [tilespmem:s29+$0xE400];
	v35 =	vmul.f32 v31, v35  }
0x639: {  	v22 =	vmul.f32 v22, v38;
	v38 =	vld [tilespmem:s29+$0x6400];
	v2 =	vmul.f32 v63, v52  }
0x63a: {  	v11 =	vmul.f32 v12, v11;
	v39 =	vmul.f32 v39, v41;
	v41 =	vld [tilespmem:s29+$0xE410];
	v0 =	vadd.f32 v35, v0  }
0x63b: {  	v34 =	vadd.f32 v34, v45;
	v40 =	vmul.f32 v40, v42;
	v31 =	vld [tilespmem:s29+$0x6430];
	v9 =	vadd.f32 v2, v43  }
0x63c: {  	v52 =	vmul.f32 v23, v14;
	v63 =	vmul.f32 v57, v58;
	v57 =	vld [tilespmem:$0x1F8F0];
	v0 =	vadd.f32 v6, v0  }
0x63d: {  	v58 =	vld [tilespmem:$0x1F900];
	v36 =	vadd.f32 v11, v9  }
0x63e: {  	v40 =	vadd.f32 v39, v40;
	v39 =	vld [tilespmem:s29+$0x6410];
	v45 =	vadd.f32 v52, v34;
	(xrf2) =	vadd.scan.msk.f32 $0xffff, v0  }
0x63f: {  	v60 =	vmul.f32 v60, v59;
	v62 =	vmul.f32 v62, v61;
	v35 =	vld [tilespmem:s29+$0xE4A0];
	(xrf2) =	vadd.scan.msk.f32 $0xffff, v36  }
0x640: {  	v48 =	vmul.f32 v48, v54;
	v47 =	vmul.f32 v47, v53;
	v43 =	vld [tilespmem:s29+$0xE4D0];
	(xrf2) =	vadd.scan.msk.f32 $0xffff, v45  }
0x641: {  	v21 =	vadd.f32 v21, v22;
	v52 =	vld [tilespmem:s29+$0xE480]  }
0x642: {  	v22 =	vmul.f32 v55, v56;
	v6 =	vadd.f32 v47, v48;
	v48 =	vld [tilespmem:s29+$0x6490];
	v0 =	vadd.f32 v62, v60  }
0x643: {  	v9 =	vmul.f32 v7, v50;
	v11 =	vld [tilespmem:s29+$0xE490]  }
0x644: {  	v21 =	vadd.f32 v22, v21;
	v22 =	vmul.f32 v20, v13;
	v62 =	vld [tilespmem:$0x1F910];
	v0 =	vadd.f32 v63, v0  }
0x645: {  	v56 =	vmul.f32 v4, v3;
	v55 =	vadd.f32 v9, v6;
	v63 =	vld [tilespmem:$0x1F920]  }
0x646: {  	v34 =	vld [tilespmem:s29+$0x6420];
	v59 =	vmul.f32 v58, v57;
	v22 =	vadd.f32 v22, v21;
	v0 =	vadd.f32 v5, v0  }
0x647: {  	v44 =	vmul.f32 v44, v46;
	v36 =	vld [tilespmem:s29+$0xE420];
	v43 =	vmul.f32 v43, v49;
	v42 =	vadd.f32 v56, v55  }
0x648: {  	v61 =	vmul.f32 v10, v8;
	v60 =	vadd.f32 v59, v40;
	v40 =	vld [tilespmem:s29+$0x6440];
	(xrf2) =	vadd.scan.msk.f32 $0xffff, v0;
	v54, _, _ =	vpop (xrf2)  }
0x649: {  	v47 =	vmul.f32 v52, v1;
	v45 =	vadd.f32 v43, v44;
	v43 =	vld [tilespmem:s29+$0x6450];
	(xrf2) =	vadd.scan.msk.f32 $0xffff, v42;
	v21, _, _ =	vpop (xrf2)  }
0x64a: {  	s31 =	simm.s32 $0x2000;
	v48 =	vmul.f32 v11, v48;
	v44 =	vadd.f32 v61, v60;
	v46 =	vmul.f32 v63, v62;
	v42 =	vld [tilespmem:s29+$0xE440];
	(xrf2) =	vadd.scan.msk.f32 $0xffff, v22;
	v22, _, _ =	vpop (xrf2)  }
.LBB2_8:
0x64b: {  	v49 =	vld [tilespmem:s29+$0xE450]  }
0x64c: {  	v9 =	vld [tilespmem:s29+$0xE460]  }
0x64d: {  	v10 =	vld [tilespmem:s29+$0x6470]  }
0x64e: {  	v11 =	vld [tilespmem:s29+$0xE470]  }
0x64f: {  	v15 =	vmul.f32 v16, v15;
	v16 =	vmul.f32 v18, v17;
	v17 =	vld [tilespmem:s29+$0xE6A0]  }
0x650: {  	v1 =	vld [tilespmem:$0x1F880]  }
0x651: {  	v50 =	vld [tilespmem:$0x1F890]  }
0x652: {  	v12 =	vld [tilespmem:s29+$0xE760]  }
0x653: {  	v52 =	vld [tilespmem:$0x1F860]  }
0x654: {  	v53 =	vld [tilespmem:s29+$0xE770]  }
0x655: {  	v55 =	vld [tilespmem:$0x1F820]  }
0x656: {  	v56 =	vld [tilespmem:$0x1F830]  }
0x657: {  	v57 =	vld [tilespmem:$0x1F840]  }
0x658: {  	v58 =	vld [tilespmem:$0x1F850]  }
0x659: {  	v59 =	vld [tilespmem:$0x1F810]  }
0x65a: {  	v61 =	vld [tilespmem:$0x1F7D0];
	v0 =	vmul.f32 v30, v29  }
0x65b: {  	(xrf2) =	vadd.scan.msk.f32 $0xffff, v44;
	v44 =	vld [tilespmem:s29+$0xE520];
	v33 =	vmul.f32 v35, v33;
	v7 =	vmul.f32 v37, v38  }
0x65c: {  	v45 =	vadd.f32 v46, v45;
	v30 =	vld [tilespmem:s29+$0x6460];
	v8 =	vmul.f32 v41, v39;
	v27 =	vmul.f32 v28, v27  }
0x65d: {  	v6 =	vadd.f32 v48, v47;
	v47 =	vld [tilespmem:s29+$0xE530];
	v34 =	vmul.f32 v36, v34;
	v42 =	vmul.f32 v42, v40  }
0x65e: {  	v48 =	vld [tilespmem:$0x1F8B0];
	v23 =	vmul.f32 v24, v51;
	v43 =	vmul.f32 v49, v43;
	v0 =	vadd.f32 v0, v45  }
0x65f: {  	v24 =	vmul.f32 v26, v25;
	v25 =	vld [tilespmem:s29+$0xE5E0];
	v33 =	vadd.f32 v33, v6;
	v28 =	vadd.f32 v8, v7  }
0x660: {  	v31 =	vmul.f32 v32, v31;
	v51 =	vld [tilespmem:$0x1F8A0];
	v29, _, _ =	vpop (xrf2);
	v46 =	vadd.f32 v43, v42;
	(xrf2) =	vadd.scan.msk.f32 $0xffff, v0  }
0x661: {  	v45 =	vld [tilespmem:s29+$0x6530];
	v27 =	vadd.f32 v27, v33;
	v28 =	vadd.f32 v34, v28;
	v30 =	vmul.f32 v9, v30  }
0x662: {  	v49 =	vld [tilespmem:$0x1F870];
	v23 =	vadd.f32 v24, v23  }
0x663: {  	v24 =	vld [tilespmem:s29+$0xE5F0];
	v39, _, _ =	vpop (xrf2);
	(xrf2) =	vadd.scan.msk.f32 $0xffff, v27;
	v27 =	vadd.f32 v31, v28;
	v28 =	vadd.f32 v30, v46;
	v30 =	vmul.f32 v11, v10  }
0x664: {  	v20 =	vmul.f32 v44, v19;
	v31 =	vld [tilespmem:s29+$0x65F0]  }
0x665: {  	v62 =	vld [tilespmem:$0x1F7E0];
	v26, _, _ =	vpop (xrf2);
	(xrf2) =	vadd.scan.msk.f32 $0xffff, v27;
	v27 =	vadd.f32 v30, v28  }
0x666: {  	v15 =	vadd.f32 v16, v15;
	v16 =	vld [tilespmem:s29+$0xE6B0];
	v20 =	vadd.f32 v20, v23;
	v23 =	vmul.f32 v47, v45  }
0x667: {  	v14 =	vmul.f32 v25, v48;
	v18, _, _ =	vpop (xrf2);
	v28 =	vld [tilespmem:s29+$0x66B0];
	(xrf2) =	vadd.scan.msk.f32 $0xffff, v27  }
0x668: {  	v32 =	vld [tilespmem:$0x1F7F0];
	v10 =	vmul.f32 v1, v49;
	v11 =	vmul.f32 v51, v50;
	v20 =	vadd.f32 v23, v20  }
0x669: {  	v33 =	vld [tilespmem:$0x1F800];
	v14 =	vadd.f32 v14, v15;
	v15 =	vmul.f32 v24, v31  }
0x66a: {  	v9 =	vmul.f32 v17, v52;
	v23 =	vld [tilespmem:s29+$0x6770];
	v10 =	vadd.f32 v11, v10;
	v13, _, _ =	vpop (xrf2);
	(xrf2) =	vadd.scan.msk.f32 $0xffff, v20  }
0x66b: {  	v5 =	vmul.f32 v56, v55;
	v6 =	vmul.f32 v58, v57;
	v7 =	vld [tilespmem:s29+$0x67E0];
	v14 =	vadd.f32 v15, v14  }
0x66c: {  	v9 =	vadd.f32 v9, v10;
	v15 =	vld [tilespmem:s29+$0xE7E0];
	v16 =	vmul.f32 v16, v28  }
0x66d: {  	v60 =	vld [tilespmem:s29+$0x67F0];
	v4 =	vmul.f32 v12, v59;
	v5 =	vadd.f32 v6, v5;
	v8, _, _ =	vpop (xrf2);
	(xrf2) =	vadd.scan.msk.f32 $0xffff, v14  }
0x66e: {  	v3 =	vld [tilespmem:s29+$0xE7F0];
	v2 =	vmul.f32 v62, v61;
	v9 =	vadd.f32 v16, v9  }
0x66f: {  	v12 =	vadd.f32 v4, v5;
	v0 =	vmul.f32 v33, v32;
	v11 =	vmul.f32 v53, v23  }
0x670: {  	v63, _, _ =	vpop (xrf2);
	(xrf2) =	vadd.scan.msk.f32 $0xffff, v9  }
0x671: {  	v0 =	vadd.f32 v0, v2;
	v34 =	vadd.f32 v11, v12;
	v35 =	vmul.f32 v15, v7;
	v36, _, _ =	vpop (xrf2)  }
0x672: {  	v37 =	vbroadcast v63, $0xF;
	v38 =	vbroadcast v36, $0xF  }
0x673: {  	v41 =	vmul.f32 v3, v60;
	v40 =	vbroadcast v8, $0xF;
	v0 =	vadd.f32 v35, v0;
	(xrf2) =	vadd.scan.msk.f32 $0xffff, v34  }
0x674: {  	v43 =	vbroadcast v13, $0xF;
	v42 =	vsel vm0, v37, v38;
	v44, _, _ =	vpop (xrf2)  }
0x675: {  	v0 =	vadd.f32 v41, v0;
	v1 =	vsel vm1, v42, v40;
	v45 =	vbroadcast v44, $0xF  }
0x676: {  	v46 =	vbroadcast v18, $0xF;
	v1 =	vsel vm2, v1, v43  }
0x677: {  	v47 =	vbroadcast v26, $0xF;
	v48, _, _ =	vpop (xrf2);
	(xrf2) =	vadd.scan.msk.f32 $0xffff, v0;
	v1 =	vsel vm3, v1, v45  }
0x678: {  	v50 =	vbroadcast v48, $0xF;
	v49 =	vsel vm4, v1, v46  }
0x679: {  	v51 =	vbroadcast v39, $0xF;
	v0 =	vsel vm5, v49, v47  }
0x67a: {  	v52 =	vbroadcast v29, $0xF;
	v53, _, _ =	vpop (xrf2);
	v0 =	vsel vm6, v0, v50  }
0x67b: {  	v55 =	vbroadcast v53, $0xF;
	v0 =	vsel vm7, v0, v51  }
0x67c: {  	v56 =	vbroadcast v22, $0xF;
	v0 =	vsel vm8, v0, v52  }
0x67d: {  	s24 =	sadd.s32 $0x10, s24;
	v57 =	vbroadcast v21, $0xF;
	v58, _, _ =	vpop (xrf2);
	v0 =	vsel vm9, v0, v55  }
0x67e: {  	v60 =	vld [tilespmem:s24+$0x0];
	v59 =	vbroadcast v58, $0xF;
	v0 =	vsel vm10, v0, v56  }
0x67f: {  	s26 =	sadd.s32 $0x10, s26;
	v61 =	vbroadcast v54, $0xF;
	v0 =	vsel vm11, v0, v57  }
0x680: {  	v62 =	vld [tilespmem:s26+$0x0];
	v0 =	vsel vm12, v0, v59  }
0x681: {  	v63, _, _ =	vpop (xrf2);
	v0 =	vsel vm13, v0, v61  }
0x682: {  	v0 =	vsel vm14, v0, v63  }
0x683: {  	v0 =	vadd.f32 v0, v60;
	_ =	sdelay $0x1  }
0x684: {  	v0 =	vadd.f32 v0, v62  }
0x685: {  	s28 =	sadd.s32 $0x10, s28  }
0x686: {  	s29 =	sshra.s32 s31, $0x2;
	[tilespmem:s28+$0x0] =	vst v0  }
0x687: {  	v0 =	vld [tilespmem:s29+$0x67B0]  }
0x688: {  	v21 =	vld [tilespmem:s29+$0xE7B0]  }
0x689: {  	v4 =	vld [tilespmem:s29+$0x67C0]  }
0x68a: {  	v5 =	vld [tilespmem:s29+$0xE7C0]  }
0x68b: {  	v6 =	vld [tilespmem:s29+$0x67D0]  }
0x68c: {  	v7 =	vld [tilespmem:s29+$0xE7D0]  }
0x68d: {  	v26 =	vld [tilespmem:s29+$0x67A0]  }
0x68e: {  	v31 =	vld [tilespmem:s29+$0xE7A0]  }
0x68f: {  	v34 =	vld [tilespmem:s29+$0x6730]  }
0x690: {  	v37 =	vld [tilespmem:s29+$0xE730]  }
0x691: {  	v8 =	vld [tilespmem:s29+$0x6760]  }
0x692: {  	v24 =	vld [tilespmem:s29+$0x6780]  }
0x693: {  	v25 =	vld [tilespmem:s29+$0xE780]  }
0x694: {  	v32 =	vld [tilespmem:s29+$0x6790]  }
0x695: {  	v48 =	vld [tilespmem:s29+$0xE790]  }
0x696: {  	v9 =	vld [tilespmem:s29+$0x66F0]  }
0x697: {  	v22 =	vld [tilespmem:s29+$0xE6F0]  }
0x698: {  	v33 =	vld [tilespmem:s29+$0x6720]  }
0x699: {  	v35 =	vld [tilespmem:s29+$0xE720]  }
0x69a: {  	v10 =	vld [tilespmem:s29+$0x6740]  }
0x69b: {  	v11 =	vld [tilespmem:s29+$0xE740]  }
0x69c: {  	v36 =	vld [tilespmem:s29+$0x6750]  }
0x69d: {  	v38 =	vld [tilespmem:s29+$0xE750]  }
0x69e: {  	v43 =	vld [tilespmem:s29+$0x66E0]  }
0x69f: {  	v46 =	vld [tilespmem:s29+$0xE6E0]  }
0x6a0: {  	v53 =	vld [tilespmem:s29+$0x6700]  }
0x6a1: {  	v54 =	vld [tilespmem:s29+$0xE700]  }
0x6a2: {  	v55 =	vld [tilespmem:s29+$0x6710]  }
0x6a3: {  	v56 =	vld [tilespmem:s29+$0xE710]  }
0x6a4: {  	v39 =	vld [tilespmem:s29+$0x6670]  }
0x6a5: {  	v41 =	vld [tilespmem:s29+$0xE670]  }
0x6a6: {  	v40 =	vld [tilespmem:s29+$0x66A0]  }
0x6a7: {  	v57 =	vld [tilespmem:s29+$0x66C0]  }
0x6a8: {  	v58 =	vld [tilespmem:s29+$0xE6C0]  }
0x6a9: {  	v59 =	vld [tilespmem:s29+$0x66D0]  }
0x6aa: {  	v60 =	vld [tilespmem:s29+$0xE6D0]  }
0x6ab: {  	v42 =	vld [tilespmem:s29+$0x6630]  }
0x6ac: {  	v44 =	vld [tilespmem:s29+$0xE630]  }
0x6ad: {  	v52 =	vld [tilespmem:s29+$0xE660]  }
0x6ae: {  	v45 =	vld [tilespmem:s29+$0x6680]  }
0x6af: {  	v47 =	vld [tilespmem:s29+$0xE680]  }
0x6b0: {  	v49 =	vld [tilespmem:s29+$0x6690]  }
0x6b1: {  	v50 =	vld [tilespmem:s29+$0xE690]  }
0x6b2: {  	v61 =	vld [tilespmem:s29+$0x6640]  }
0x6b3: {  	v62 =	vld [tilespmem:s29+$0xE640]  }
0x6b4: {  	v63 =	vld [tilespmem:s29+$0x6650]  }
0x6b5: {  	v51 =	vld [tilespmem:s29+$0x65E0]  }
0x6b6: {  	v1 =	vld [tilespmem:s29+$0x6600]  }
0x6b7: {  	v2 =	vld [tilespmem:s29+$0xE600]  }
0x6b8: {  	v3 =	vld [tilespmem:s29+$0x6610]  }
0x6b9: {  	v23 =	vld [tilespmem:s29+$0xE5C0]  }
0x6ba: {  	v12 =	vld [tilespmem:s29+$0xE590]  }
0x6bb: {  	v29 =	vld [tilespmem:s29+$0x64F0]  }
0x6bc: {  	v30 =	vld [tilespmem:s29+$0xE4F0]  }
0x6bd: {  	v19 =	vld [tilespmem:s29+$0x6520]  }
0x6be: {  	v13 =	vld [tilespmem:s29+$0x6540]  }
0x6bf: {  	v14 =	vld [tilespmem:s29+$0xE540]  }
0x6c0: {  	v15 =	vld [tilespmem:s29+$0x6550]  }
0x6c1: {  	v16 =	vld [tilespmem:s29+$0xE550]  }
0x6c2: {  	v27 =	vld [tilespmem:s29+$0x64B0]  }
0x6c3: {  	v28 =	vld [tilespmem:s29+$0xE4B0]  }
0x6c4: {  	v17 =	vld [tilespmem:s29+$0x64E0]  }
0x6c5: {  	v18 =	vld [tilespmem:s29+$0xE4E0]  }
0x6c6: {  	[tilespmem:$0x1F840] =	vst v36;
	v36 =	vld [tilespmem:s29+$0x6660]  }
0x6c7: {  	[tilespmem:$0x1F890] =	vst v49;
	v49 =	vld [tilespmem:s29+$0x6620]  }
0x6c8: {  	[tilespmem:$0x1F850] =	vst v38;
	v38 =	vld [tilespmem:s29+$0xE620]  }
0x6c9: {  	[tilespmem:$0x1F5E0] =	vst v0;
	v0 =	vld [tilespmem:s29+$0xE650]  }
0x6ca: {  	[tilespmem:$0x1F860] =	vst v40;
	v40 =	vld [tilespmem:s29+$0x65B0]  }
0x6cb: {  	[tilespmem:$0x1F600] =	vst v39;
	v39 =	vld [tilespmem:s29+$0xE5B0]  }
0x6cc: {  	[tilespmem:$0x1F7D0] =	vst v4;
	v4 =	vld [tilespmem:s29+$0xE610]  }
0x6cd: {  	[tilespmem:$0x1F610] =	vst v42;
	v42 =	vld [tilespmem:s29+$0x6570]  }
0x6ce: {  	[tilespmem:$0x1F870] =	vst v45;
	v45 =	vld [tilespmem:s29+$0xE570]  }
0x6cf: {  	[tilespmem:$0x1F7E0] =	vst v5;
	v5 =	vld [tilespmem:s29+$0x65A0]  }
0x6d0: {  	[tilespmem:$0x1F7F0] =	vst v6;
	v6 =	vld [tilespmem:s29+$0xE5A0]  }
0x6d1: {  	[tilespmem:$0x1F8A0] =	vst v50;
	v50 =	vld [tilespmem:s29+$0x65C0]  }
0x6d2: {  	[tilespmem:$0x1F880] =	vst v47;
	v47 =	vld [tilespmem:s29+$0x65D0]  }
0x6d3: {  	[tilespmem:$0x1F620] =	vst v44;
	v44 =	vld [tilespmem:s29+$0xE5D0]  }
0x6d4: {  	[tilespmem:$0x1F800] =	vst v7;
	v7 =	vld [tilespmem:s29+$0x6560]  }
0x6d5: {  	[tilespmem:$0x1F810] =	vst v8;
	v8 =	vld [tilespmem:s29+$0xE560]  }
0x6d6: {  	[tilespmem:$0x1F5F0] =	vst v9;
	v9 =	vld [tilespmem:s29+$0x6580]  }
0x6d7: {  	[tilespmem:$0x1F820] =	vst v10;
	v10 =	vld [tilespmem:s29+$0xE580]  }
0x6d8: {  	[tilespmem:$0x1F830] =	vst v11;
	v11 =	vld [tilespmem:s29+$0x6590]  }
0x6d9: {  	[tilespmem:$0x1F8B0] =	vst v51;
	v51 =	vld [tilespmem:s29+$0x6500]  }
0x6da: {  	v20 =	vmul.f32 v25, v24;
	v24 =	vld [tilespmem:s29+$0xE500]  }
0x6db: {  	v32 =	vmul.f32 v48, v32;
	v25 =	vld [tilespmem:s29+$0x6510]  }
0x6dc: {  	v48 =	vmul.f32 v54, v53;
	v53 =	vmul.f32 v56, v55;
	v56 =	vld [tilespmem:$0x1F5E0]  }
0x6dd: {  	v60 =	vmul.f32 v60, v59;
	v59 =	vld [tilespmem:$0x1F5F0]  }
0x6de: {  	v43 =	vmul.f32 v46, v43;
	v46 =	vld [tilespmem:$0x1F620]  }
0x6df: {  	v20 =	vadd.f32 v32, v20;
	v32 =	vmul.f32 v31, v26;
	v26 =	vld [tilespmem:s29+$0xE510]  }
0x6e0: {  	v58 =	vmul.f32 v58, v57;
	v31 =	vld [tilespmem:s29+$0x6430]  }
0x6e1: {  	v48 =	vadd.f32 v53, v48;
	v53 =	vmul.f32 v35, v33;
	v33 =	vld [tilespmem:s29+$0x64A0]  }
0x6e2: {  	v35 =	vld [tilespmem:s29+$0xE4A0];
	v57 =	vadd.f32 v60, v58  }
0x6e3: {  	v20 =	vadd.f32 v32, v20;
	v32 =	vld [tilespmem:s29+$0xE430]  }
0x6e4: {  	v34 =	vmul.f32 v37, v34;
	v37 =	vadd.f32 v43, v57;
	v43 =	vld [tilespmem:s29+$0xE4D0]  }
0x6e5: {  	v60 =	vmul.f32 v52, v36;
	v36 =	vld [tilespmem:s29+$0xE420];
	v21 =	vmul.f32 v21, v56  }
0x6e6: {  	v58 =	vmul.f32 v62, v61;
	v0 =	vmul.f32 v0, v63;
	v63 =	vld [tilespmem:$0x1F600]  }
0x6e7: {  	v61 =	vmul.f32 v4, v3;
	v3 =	vld [tilespmem:s29+$0xE480];
	v20 =	vadd.f32 v21, v20;
	v21 =	vadd.f32 v53, v48  }
0x6e8: {  	v22 =	vmul.f32 v22, v59;
	v59 =	vmul.f32 v39, v40;
	v39 =	vld [tilespmem:s29+$0x6410]  }
0x6e9: {  	v40 =	vld [tilespmem:s29+$0x6440];
	v21 =	vadd.f32 v34, v21  }
0x6ea: {  	v48 =	vld [tilespmem:s29+$0x64C0];
	v62 =	vadd.f32 v22, v37;
	(xrf2) =	vadd.scan.msk.f32 $0xffff, v20  }
0x6eb: {  	v53 =	vld [tilespmem:s29+$0x64D0];
	(xrf2) =	vadd.scan.msk.f32 $0xffff, v21  }
0x6ec: {  	v0 =	vadd.f32 v0, v58;
	v4 =	vmul.f32 v41, v63;
	v41 =	vld [tilespmem:$0x1F610];
	(xrf2) =	vadd.scan.msk.f32 $0xffff, v62  }
0x6ed: {  	v1 =	vmul.f32 v2, v1;
	v9 =	vmul.f32 v10, v9;
	v22 =	vld [tilespmem:s29+$0x6480]  }
0x6ee: {  	v37 =	vmul.f32 v38, v49;
	v38 =	vmul.f32 v12, v11;
	v0 =	vadd.f32 v60, v0;
	v20 =	vld [tilespmem:s29+$0xE4C0]  }
0x6ef: {  	v57 =	vmul.f32 v16, v15;
	v5 =	vmul.f32 v6, v5;
	v1 =	vadd.f32 v61, v1;
	v11 =	vld [tilespmem:s29+$0xE490]  }
0x6f0: {  	v49 =	vmul.f32 v14, v13;
	v34 =	vld [tilespmem:s29+$0x6420];
	v9 =	vadd.f32 v38, v9;
	v0 =	vadd.f32 v4, v0  }
0x6f1: {  	p0 =	sne.s32 s31, $0x7000;
	v16 =	vmovc v23;
	v60 =	vmul.f32 v8, v7;
	v1 =	vadd.f32 v37, v1;
	v4 =	vld [tilespmem:s29+$0x6490];
	v2 =	vmul.f32 v46, v41  }
.Ltmp3:
0x6f2: {  	v37 =	vld [tilespmem:s29+$0xE400];
	v63 =	vmul.f32 v45, v42;
	v58 =	vadd.f32 v5, v9;
	(xrf2) =	vadd.scan.msk.f32 $0xffff, v0;
	v0 =	vadd.f32 v57, v49;
	(pc) =	sbr.rel @p0 .LBB2_8-.Ltmp3, $4  }
0x6f3: {  	v15 =	vmovc v50;
	v38 =	vld [tilespmem:s29+$0x6400];
	v62 =	vmul.f32 v43, v53;
	v61 =	vmul.f32 v20, v48;
	v1 =	vadd.f32 v2, v1  }
0x6f4: {  	v42 =	vld [tilespmem:s29+$0xE440];
	v46 =	vmul.f32 v18, v17;
	v0 =	vadd.f32 v60, v0;
	v2 =	vadd.f32 v59, v58;
	v54, _, _ =	vpop (xrf2)  }
0x6f5: {  	v43 =	vld [tilespmem:s29+$0x6450];
	v18 =	vmov v44;
	v17 =	vmov v47;
	v47 =	vmul.f32 v3, v22;
	(xrf2) =	vadd.scan.msk.f32 $0xffff, v1;
	v21, _, _ =	vpop (xrf2)  }
0x6f6: {  	s31 =	sadd.s32 $0x1000, s31;
	v41 =	vld [tilespmem:s29+$0xE410];
	v45 =	vadd.f32 v62, v61;
	v48 =	vmul.f32 v11, v4;
	v44 =	vadd.f32 v63, v0;
	(xrf2) =	vadd.scan.msk.f32 $0xffff, v2;
	v22, _, _ =	vpop (xrf2)  }
0x6f7: {  	v0 =	vld [tilespmem:s29+$0xE450]  }
0x6f8: {  	v1 =	vld [tilespmem:s29+$0x6460]  }
0x6f9: {  	v4 =	vld [tilespmem:s29+$0xE460]  }
0x6fa: {  	v7 =	vld [tilespmem:s29+$0x6470]  }
0x6fb: {  	v3 =	vmul.f32 v30, v29;
	v30 =	vld [tilespmem:s29+$0xE470]  }
0x6fc: {  	v10 =	vld [tilespmem:s29+$0xE520]  }
0x6fd: {  	v12 =	vld [tilespmem:s29+$0x6530]  }
0x6fe: {  	v6 =	vmul.f32 v35, v33;
	v35 =	vld [tilespmem:s29+$0xE530]  }
0x6ff: {  	v14 =	vld [tilespmem:s29+$0xE5E0]  }
0x700: {  	v49 =	vld [tilespmem:s29+$0x66B0]  }
0x701: {  	v50 =	vld [tilespmem:$0x1F8B0]  }
0x702: {  	v53 =	vld [tilespmem:$0x1F870]  }
0x703: {  	v55 =	vld [tilespmem:$0x1F880]  }
0x704: {  	v56 =	vld [tilespmem:$0x1F890]  }
0x705: {  	v57 =	vld [tilespmem:$0x1F8A0]  }
0x706: {  	v58 =	vld [tilespmem:s29+$0xE760]  }
0x707: {  	v59 =	vld [tilespmem:s29+$0x6770]  }
0x708: {  	v11 =	vmul.f32 v28, v27;
	v61 =	vld [tilespmem:$0x1F860]  }
0x709: {  	v34 =	vmul.f32 v36, v34;
	v13 =	vmul.f32 v32, v31;
	v62 =	vld [tilespmem:s29+$0xE770]  }
0x70a: {  	v20 =	vld [tilespmem:$0x1F840];
	v8 =	vmul.f32 v37, v38;
	v9 =	vmul.f32 v41, v39  }
0x70b: {  	v23 =	vld [tilespmem:$0x1F850];
	v5 =	vadd.f32 v48, v47;
	v33 =	vmul.f32 v42, v40;
	v0 =	vmul.f32 v0, v43  }
0x70c: {  	v29 =	vld [tilespmem:$0x1F810];
	v2 =	vadd.f32 v46, v45;
	v37 =	vmul.f32 v24, v51;
	v8 =	vadd.f32 v9, v8  }
0x70d: {  	v32 =	vld [tilespmem:$0x1F7D0];
	v5 =	vadd.f32 v6, v5;
	v1 =	vmul.f32 v4, v1;
	v0 =	vadd.f32 v0, v33  }
0x70e: {  	v38 =	vmul.f32 v26, v25;
	(xrf2) =	vadd.scan.msk.f32 $0xffff, v44;
	v44 =	vld [tilespmem:s29+$0xE5F0];
	v2 =	vadd.f32 v3, v2;
	v36 =	vadd.f32 v34, v8  }
0x70f: {  	v47 =	vld [tilespmem:s29+$0xE6A0];
	v5 =	vadd.f32 v11, v5;
	v39 =	vmul.f32 v30, v7;
	v0 =	vadd.f32 v1, v0  }
0x710: {  	v40 =	vld [tilespmem:s29+$0x65F0];
	v42 =	vadd.f32 v38, v37;
	(xrf2) =	vadd.scan.msk.f32 $0xffff, v2;
	v43 =	vmul.f32 v10, v19;
	v41 =	vadd.f32 v13, v36  }
0x711: {  	v45 =	vmul.f32 v16, v15;
	v46 =	vmul.f32 v18, v17;
	v18 =	vld [tilespmem:$0x1F820];
	(xrf2) =	vadd.scan.msk.f32 $0xffff, v5;
	v0 =	vadd.f32 v39, v0  }
0x712: {  	v4 =	vmul.f32 v35, v12;
	v19 =	vld [tilespmem:$0x1F830];
	v48 =	vadd.f32 v43, v42;
	(xrf2) =	vadd.scan.msk.f32 $0xffff, v41  }
0x713: {  	v51 =	vld [tilespmem:s29+$0xE6B0];
	v5 =	vmul.f32 v14, v50;
	v1 =	vadd.f32 v46, v45;
	(xrf2) =	vadd.scan.msk.f32 $0xffff, v0  }
0x714: {  	v37 =	vld [tilespmem:$0x1F800];
	v2 =	vmul.f32 v55, v53;
	v52 =	vadd.f32 v4, v48;
	v4 =	vmul.f32 v57, v56  }
0x715: {  	v3 =	vmul.f32 v44, v40;
	v33 =	vld [tilespmem:$0x1F7E0];
	v1 =	vadd.f32 v5, v1  }
0x716: {  	v60, _, _ =	vpop (xrf2);
	v36 =	vld [tilespmem:$0x1F7F0];
	v2 =	vadd.f32 v4, v2;
	v4 =	vmul.f32 v47, v61;
	(xrf2) =	vadd.scan.msk.f32 $0xffff, v52  }
0x717: {  	v27 =	vld [tilespmem:s29+$0xE7E0];
	v11 =	vmul.f32 v23, v20;
	v63, _, _ =	vpop (xrf2);
	v1 =	vadd.f32 v3, v1;
	v3 =	vmul.f32 v19, v18  }
0x718: {  	v24 =	vld [tilespmem:s29+$0x67E0];
	v26 =	vmul.f32 v51, v49;
	v25, _, _ =	vpop (xrf2);
	v2 =	vadd.f32 v4, v2  }
0x719: {  	v10 =	vmul.f32 v58, v29;
	v30 =	vld [tilespmem:s29+$0x67F0];
	v28, _, _ =	vpop (xrf2);
	v3 =	vadd.f32 v11, v3;
	(xrf2) =	vadd.scan.msk.f32 $0xffff, v1  }
0x71a: {  	v34 =	vld [tilespmem:s29+$0xE7F0];
	v5 =	vmul.f32 v62, v59;
	v31, _, _ =	vpop (xrf2);
	v2 =	vadd.f32 v26, v2  }
0x71b: {  	v4 =	vmul.f32 v33, v32;
	v9 =	vmul.f32 v37, v36;
	v35, _, _ =	vpop (xrf2);
	v3 =	vadd.f32 v10, v3  }
0x71c: {  	(xrf2) =	vadd.scan.msk.f32 $0xffff, v2;
	v38, _, _ =	vpop (xrf2)  }
0x71d: {  	v41 =	vmul.f32 v27, v24;
	v40 =	vadd.f32 v9, v4;
	v39 =	vadd.f32 v5, v3;
	v42, _, _ =	vpop (xrf2)  }
0x71e: {  	v43 =	vbroadcast v38, $0xF;
	v5 =	vbroadcast v42, $0xF  }
0x71f: {  	v45 =	vmul.f32 v34, v30;
	v44 =	vbroadcast v35, $0xF;
	v3 =	vadd.f32 v41, v40;
	(xrf2) =	vadd.scan.msk.f32 $0xffff, v39  }
0x720: {  	v1 =	vbroadcast v31, $0xF;
	v47, _, _ =	vpop (xrf2);
	v46 =	vsel vm0, v43, v5  }
0x721: {  	v3 =	vadd.f32 v45, v3;
	v5 =	vbroadcast v47, $0xF;
	v2 =	vsel vm1, v46, v44  }
0x722: {  	v48 =	vbroadcast v28, $0xF;
	v1 =	vsel vm2, v2, v1  }
0x723: {  	v49 =	vbroadcast v25, $0xF;
	(xrf2) =	vadd.scan.msk.f32 $0xffff, v3;
	v50, _, _ =	vpop (xrf2);
	v1 =	vsel vm3, v1, v5  }
0x724: {  	v51 =	vbroadcast v50, $0xF;
	v1 =	vsel vm4, v1, v48  }
0x725: {  	v0 =	vbroadcast v63, $0xF;
	v1 =	vsel vm5, v1, v49  }
0x726: {  	v52 =	vbroadcast v60, $0xF;
	v53, _, _ =	vpop (xrf2);
	v1 =	vsel vm6, v1, v51  }
0x727: {  	v55 =	vbroadcast v53, $0xF;
	v0 =	vsel vm7, v1, v0  }
0x728: {  	v56 =	vbroadcast v22, $0xF;
	v0 =	vsel vm8, v0, v52  }
0x729: {  	s24 =	sadd.s32 $0x10, s24;
	v57 =	vbroadcast v21, $0xF;
	v58, _, _ =	vpop (xrf2);
	v0 =	vsel vm9, v0, v55  }
0x72a: {  	v60 =	vld [tilespmem:s24+$0x0];
	v59 =	vbroadcast v58, $0xF;
	v0 =	vsel vm10, v0, v56  }
0x72b: {  	s29 =	sadd.s32 $0x10, s26;
	v61 =	vbroadcast v54, $0xF;
	v0 =	vsel vm11, v0, v57  }
0x72c: {  	v62 =	vld [tilespmem:s29+$0x0];
	v0 =	vsel vm12, v0, v59  }
0x72d: {  	v63, _, _ =	vpop (xrf2);
	v0 =	vsel vm13, v0, v61  }
0x72e: {  	v0 =	vsel vm14, v0, v63  }
0x72f: {  	v0 =	vadd.f32 v0, v60;
	_ =	sdelay $0x1  }
0x730: {  	s22 =	sadd.s32 $0x1, s22;
	v0 =	vadd.f32 v0, v62  }
0x731: {  	s31 =	sadd.s32 $0x10, s28;
	p0 =	sne.s32 s22, s10  }
.Ltmp4:
0x732: {  	[tilespmem:s31+$0x0] =	vst v0;
	(pc) =	sbr.rel @p0 .LBB2_1-.Ltmp4, $4  }
0x733: {  	[hbm4b:s9+s4] =	stream.linear.scatter [tilespmem:s21], [sflag:$0x5], $0x200, $0x38;
	[tilespmem:$0x10A00] =	vst v63  }
0x734: {  	_ =	swait.ge [sflag:s11], $0x200  }
0x735: {  	[sflag:s11] =	ssyncset.done $0x0  }
0x736: {  	[sflag:s11] =	ssyncadd.s32 $0xFFFFFE00  }
0x737: {  	_ =	sfence.sel $0x180000  }
0x738: {  	[bflag:$0x0] =	sbarrier.arrive $0xFFFF  }
0x739: {  	_ =	strace $0x90000047  }
0x73a: {  	s0 =	stileid.u32;
	[bflag:$0x2] =	sbarrier.arrive $0xFFFF  }
0x73b: {  	p0 =	sne.s32 s0, $0x0;
	s0 =	rddreg [dreg:$0x6]  }
0x73c: {  	s0 =	sadd.s32 @!p0 $0x100000, s0  }
0x73d: {  	[sflag:s0] =	ssyncadd.tile.s32 @!p0 $0x1;
	_ =	shalt  }
.Lfunc_end2:
_tile_overlayer_lowered:
.L_overlay_start_2:
0x73e: {  	(tag) =	ssettag $0x2  }
0x73f: {  	s0 =	rddreg [dreg:$0x0];
	s2 =	stileid.u32  }
0x740: {  	s1 =	rddreg [dreg:$0x1];
	p0 =	sne.s32 s2, $0x0  }
0x741: {  	s3 =	rddreg [dreg:$0x2];
	[bflag:$0x3] =	sbarrier.arrive $0xFFFF;
	s2 =	simm.s32 @!p0 $0x1C05  }
0x742: {  	[timem:s3], [sflag:s2] =	dma.local @!p0 [hbm:s0], s1  }
0x743: {  	s0 =	simm.s32 @!p0 $0x5  }
0x744: {  	_ =	swait.ge @!p0 [sflag:s0], s1  }
0x745: {  	s1 =	ssub.s32 @!p0 $0x0, s1;
	[sflag:s0] =	ssyncset.done @!p0 $0x0  }
0x746: {  	[sflag:s0] =	ssyncadd.s32 @!p0 s1  }
0x747: {  	[bflag:$0x3] =	sbarrier.arrive $0xFFFF  }
0x748: {  	_ =	shalt  }

</sc_bundles>
